<compile_context>
chip_gen: v7x
topology: tpu7x:2x2x1
jax: 0.10.2.dev20260603
libtpu: 0.0.44.dev20260713+nightly
codegen_flags: <defaults>
</compile_context>

<pallas_src>
import functools
import math

import jax
import jax.numpy as jnp
from jax import lax
from jax.experimental import pallas as pl
from jax.experimental.pallas import tpu as pltpu
from jax.experimental.pallas import tpu_sc as plsc

_VOCAB = 100000
_D = 128
_SCALE = math.sqrt(128.0)

_NC = 2
_NS = 16
_NW = _NC * _NS

_B = 4096 * 200
_C = 128
_CHUNKS_PER_W = _B // (_NW * _C)
_NBUF = 6
_LOOK = 3


def _gather_body(table_hbm, idx_hbm, out_hbm, idx_v,
                 r0, r1, r2, r3, r4, r5,
                 g0, g1, g2, g3, g4, g5, s0, s1, s2, s3, s4, s5):
    wid = lax.axis_index("s") * _NC + lax.axis_index("c")
    row0 = wid * _CHUNKS_PER_W
    pltpu.sync_copy(idx_hbm.at[pl.ds(row0, _CHUNKS_PER_W)], idx_v)

    rows = (r0, r1, r2, r3, r4, r5)
    gsem = (g0, g1, g2, g3, g4, g5)
    ssem = (s0, s1, s2, s3, s4, s5)

    def start_gather(b, c):
        pltpu.make_async_copy(table_hbm.at[idx_v.at[c]], rows[b],
                              gsem[b]).start()

    def wait_gather(b):
        pltpu.make_async_copy(table_hbm.at[pl.ds(0, _C)], rows[b],
                              gsem[b]).wait()

    def start_store(b, c):
        pltpu.make_async_copy(rows[b], out_hbm.at[pl.ds((row0 + c) * _C, _C)],
                              ssem[b]).start()

    def wait_store(b):
        pltpu.make_async_copy(rows[b], out_hbm.at[pl.ds(0, _C)],
                              ssem[b]).wait()

    def scale(b):
        r = rows[b]

        @plsc.parallel_loop(0, _C, step=1, unroll=4)
        def _(i):
            for j in range(_D // 16):
                sl = (i, pl.ds(j * 16, 16))
                r[sl] = r[sl] * _SCALE

    def slot(b, c, wait_prev_store, next_c):
        wait_gather(b)
        if next_c is not None:
            b3 = (b + _LOOK) % _NBUF
            if wait_prev_store:
                wait_store(b3)
            start_gather(b3, next_c)
        scale(b)
        start_store(b, c)

    for c in range(_LOOK):
        start_gather(c, c)
    for s in range(_NBUF):
        slot(s, s, wait_prev_store=(s >= _LOOK), next_c=s + _LOOK)

    def body(g, carry):
        for b in range(_NBUF):
            c = g * _NBUF + b
            slot(b, c, wait_prev_store=True, next_c=c + _LOOK)
        return carry

    lax.fori_loop(1, 32, body, 0)

    n = _CHUNKS_PER_W
    for s in range(192, n):
        nc = s + _LOOK
        slot(s % _NBUF, s, wait_prev_store=True,
             next_c=nc if nc < n else None)

    for s in range(n - _NBUF, n):
        wait_store(s % _NBUF)


def _gather(table, idx2d):
    f = functools.partial(
        pl.kernel,
        mesh=plsc.VectorSubcoreMesh(core_axis_name="c", subcore_axis_name="s"),
        out_type=jax.ShapeDtypeStruct((_B, _D), jnp.float32),
        scratch_types=(
            [pltpu.VMEM((_CHUNKS_PER_W, _C), jnp.int32)]
            + [pltpu.VMEM((_C, _D), jnp.float32)] * _NBUF
            + [pltpu.SemaphoreType.DMA] * (2 * _NBUF)
        ),
    )(_gather_body)
    return f(table, idx2d)


def kernel(x, table):
    idx2d = x.reshape(_B // _C, _C).astype(jnp.int32)
    out = _gather(table, idx2d)
    return out.reshape(4096, 200, _D)

# --- scband reference (transcript-rebuilt; emitter-appended) ---
"""Pipeline reference for scband-token-embedding-13134009991303 (READ-ONLY COPY).

The authoritative reference and input builder live on the scoring server;
editing this copy changes nothing except your own understanding.
"""

import jax, jax.numpy as jnp
import numpy as np
import math

VOCAB = 100000
EMBED_DIM = 128
PADDING_IDX = 0

def setup_inputs(seed: int = 0) -> dict:
    key = jax.random.key(seed)
    k1, k2 = jax.random.split(key)
    x = jax.random.randint(k1, (4096, 200), 0, VOCAB, dtype=jnp.int64 if jax.config.jax_enable_x64 else jnp.int32)
    table = jax.random.normal(k2, (VOCAB, EMBED_DIM), dtype=jnp.float32)
    # padding_idx row is zero-initialized in torch nn.Embedding
    table = table.at[PADDING_IDX].set(0.0)
    return {"x": x, "table": table}

def reference(x, table):
    # enforce padding_idx row = 0 (faithful to nn.Embedding padding semantics)
    tbl = table.at[PADDING_IDX].set(0.0)
    out = jnp.take(tbl, x, axis=0)
    return out * math.sqrt(EMBED_DIM)

if __name__ == "__main__":
    import jax
    _d = setup_inputs()
    print(jax.jit(kernel)(*tuple(_d.values())))

</pallas_src>

<mosaic_0001>
#map = affine_map<(d0, d1) -> (0, 0)>
module attributes {stable_mosaic.version = 14 : i64} {
  func.func @_gather_body(%arg0: i32, %arg1: i32, %arg2: memref<100000x128xf32, #tpu.memory_space<hbm>>, %arg3: memref<6400x128xi32, #tpu.memory_space<hbm>>, %arg4: memref<819200x128xf32, #tpu.memory_space<hbm>>, %arg5: memref<200x128xi32, #tpu.memory_space<vmem>>, %arg6: memref<128x128xf32, #tpu.memory_space<vmem>>, %arg7: memref<128x128xf32, #tpu.memory_space<vmem>>, %arg8: memref<128x128xf32, #tpu.memory_space<vmem>>, %arg9: memref<128x128xf32, #tpu.memory_space<vmem>>, %arg10: memref<128x128xf32, #tpu.memory_space<vmem>>, %arg11: memref<128x128xf32, #tpu.memory_space<vmem>>, %arg12: memref<!tpu.dma_semaphore, #tpu.memory_space<semaphore_mem>>, %arg13: memref<!tpu.dma_semaphore, #tpu.memory_space<semaphore_mem>>, %arg14: memref<!tpu.dma_semaphore, #tpu.memory_space<semaphore_mem>>, %arg15: memref<!tpu.dma_semaphore, #tpu.memory_space<semaphore_mem>>, %arg16: memref<!tpu.dma_semaphore, #tpu.memory_space<semaphore_mem>>, %arg17: memref<!tpu.dma_semaphore, #tpu.memory_space<semaphore_mem>>, %arg18: memref<!tpu.dma_semaphore, #tpu.memory_space<semaphore_mem>>, %arg19: memref<!tpu.dma_semaphore, #tpu.memory_space<semaphore_mem>>, %arg20: memref<!tpu.dma_semaphore, #tpu.memory_space<semaphore_mem>>, %arg21: memref<!tpu.dma_semaphore, #tpu.memory_space<semaphore_mem>>, %arg22: memref<!tpu.dma_semaphore, #tpu.memory_space<semaphore_mem>>, %arg23: memref<!tpu.dma_semaphore, #tpu.memory_space<semaphore_mem>>) attributes {dimension_semantics = [#tpu.dimension_semantics<core_parallel>, #tpu.dimension_semantics<subcore_parallel>], iteration_bounds = array<i64: 2, 16>, scalar_prefetch = 0 : i64, scratch_operands = 19 : i64, tpu.core_type = #tpu.core_type<sc_vector_subcore>, window_params = [{transform_indices = #map}, {transform_indices = #map}, {transform_indices = #map}]} {
    %mul3A = arith.constant 2 : i32
    %mul3A_0 = arith.muli %arg1, %mul3A : i32
    %add3A = arith.addi %mul3A_0, %arg0 : i32
    %mul3A_1 = arith.constant 200 : i32
    %mul3A_2 = arith.muli %add3A, %mul3A_1 : i32
    "tpu.region"() ({
      %run_scoped3A = tpu.sem_alloc : memref<!tpu.dma_semaphore, #tpu.memory_space<semaphore_mem>>
      %dma_start3A_425 = arith.constant 0 : i32
      %dma_start3A_426 = tpu.memref_slice %arg3[%mul3A_2, %dma_start3A_425] : memref<6400x128xi32, #tpu.memory_space<hbm>> -> memref<200x128xi32, #tpu.memory_space<hbm>>
      %dma_start3A_427 = arith.constant 0 : i32
      %dma_start3A_428 = tpu.memref_slice %arg3[%mul3A_2, %dma_start3A_427] : memref<6400x128xi32, #tpu.memory_space<hbm>> -> memref<200x128xi32, #tpu.memory_space<hbm>>
      tpu.enqueue_dma source(%dma_start3A_428 : memref<200x128xi32, #tpu.memory_space<hbm>>) target(%arg5 : memref<200x128xi32, #tpu.memory_space<vmem>>) target_semaphore(%run_scoped3A : memref<!tpu.dma_semaphore, #tpu.memory_space<semaphore_mem>>)
      %dma_wait3A_429 = arith.constant 0 : i32
      %dma_wait3A_430 = tpu.memref_slice %arg3[%mul3A_2, %dma_wait3A_429] : memref<6400x128xi32, #tpu.memory_space<hbm>> -> memref<200x128xi32, #tpu.memory_space<hbm>>
      %dma_wait3A_431 = arith.constant 0 : i32
      %dma_wait3A_432 = tpu.memref_slice %arg3[%mul3A_2, %dma_wait3A_431] : memref<6400x128xi32, #tpu.memory_space<hbm>> -> memref<200x128xi32, #tpu.memory_space<hbm>>
      tpu.wait_dma2 semaphore(%run_scoped3A : memref<!tpu.dma_semaphore, #tpu.memory_space<semaphore_mem>>) src(%dma_wait3A_432 : memref<200x128xi32, #tpu.memory_space<hbm>>) dst(%arg5 : memref<200x128xi32, #tpu.memory_space<vmem>>)
      tpu.yield
    }) : () -> ()
    %dma_start3A = arith.constant 0 : i32
    %dma_start3A_3 = arith.constant 0 : i32
    %dma_start3A_4 = tpu.memref_slice %arg5[%dma_start3A, %dma_start3A_3] : memref<200x128xi32, #tpu.memory_space<vmem>> -> memref<1x128xi32, #tpu.memory_space<vmem>>
    %dma_start3A_5 = tpu.memref_squeeze %dma_start3A_4 : memref<1x128xi32, #tpu.memory_space<vmem>> -> memref<128xi32, #tpu.memory_space<vmem>>
    %dma_start3A_6 = arith.constant 0 : i32
    %dma_start3A_7 = arith.constant 0 : i32
    %dma_start3A_8 = tpu.memref_slice %arg2[%dma_start3A_6, %dma_start3A_7] : memref<100000x128xf32, #tpu.memory_space<hbm>> -> memref<100000x128xf32, #tpu.memory_space<hbm>>
    tpu.enqueue_indirect_dma source(%dma_start3A_8 : memref<100000x128xf32, #tpu.memory_space<hbm>>) target(%arg6 : memref<128x128xf32, #tpu.memory_space<vmem>>) offsets(%dma_start3A_5 : memref<128xi32, #tpu.memory_space<vmem>>) semaphore(%arg12 : memref<!tpu.dma_semaphore, #tpu.memory_space<semaphore_mem>>)
    %dma_start3A_9 = arith.constant 1 : i32
    %dma_start3A_10 = arith.constant 0 : i32
    %dma_start3A_11 = tpu.memref_slice %arg5[%dma_start3A_9, %dma_start3A_10] : memref<200x128xi32, #tpu.memory_space<vmem>> -> memref<1x128xi32, #tpu.memory_space<vmem>>
    %dma_start3A_12 = tpu.memref_squeeze %dma_start3A_11 : memref<1x128xi32, #tpu.memory_space<vmem>> -> memref<128xi32, #tpu.memory_space<vmem>>
    %dma_start3A_13 = arith.constant 0 : i32
    %dma_start3A_14 = arith.constant 0 : i32
    %dma_start3A_15 = tpu.memref_slice %arg2[%dma_start3A_13, %dma_start3A_14] : memref<100000x128xf32, #tpu.memory_space<hbm>> -> memref<100000x128xf32, #tpu.memory_space<hbm>>
    tpu.enqueue_indirect_dma source(%dma_start3A_15 : memref<100000x128xf32, #tpu.memory_space<hbm>>) target(%arg7 : memref<128x128xf32, #tpu.memory_space<vmem>>) offsets(%dma_start3A_12 : memref<128xi32, #tpu.memory_space<vmem>>) semaphore(%arg13 : memref<!tpu.dma_semaphore, #tpu.memory_space<semaphore_mem>>)
    %dma_start3A_16 = arith.constant 2 : i32
    %dma_start3A_17 = arith.constant 0 : i32
    %dma_start3A_18 = tpu.memref_slice %arg5[%dma_start3A_16, %dma_start3A_17] : memref<200x128xi32, #tpu.memory_space<vmem>> -> memref<1x128xi32, #tpu.memory_space<vmem>>
    %dma_start3A_19 = tpu.memref_squeeze %dma_start3A_18 : memref<1x128xi32, #tpu.memory_space<vmem>> -> memref<128xi32, #tpu.memory_space<vmem>>
    %dma_start3A_20 = arith.constant 0 : i32
    %dma_start3A_21 = arith.constant 0 : i32
    %dma_start3A_22 = tpu.memref_slice %arg2[%dma_start3A_20, %dma_start3A_21] : memref<100000x128xf32, #tpu.memory_space<hbm>> -> memref<100000x128xf32, #tpu.memory_space<hbm>>
    tpu.enqueue_indirect_dma source(%dma_start3A_22 : memref<100000x128xf32, #tpu.memory_space<hbm>>) target(%arg8 : memref<128x128xf32, #tpu.memory_space<vmem>>) offsets(%dma_start3A_19 : memref<128xi32, #tpu.memory_space<vmem>>) semaphore(%arg14 : memref<!tpu.dma_semaphore, #tpu.memory_space<semaphore_mem>>)
    %dma_wait3A = arith.constant 0 : i32
    %dma_wait3A_23 = arith.constant 0 : i32
    %dma_wait3A_24 = tpu.memref_slice %arg2[%dma_wait3A, %dma_wait3A_23] : memref<100000x128xf32, #tpu.memory_space<hbm>> -> memref<128x128xf32, #tpu.memory_space<hbm>>
    %dma_wait3A_25 = arith.constant 0 : i32
    %dma_wait3A_26 = arith.constant 0 : i32
    %dma_wait3A_27 = tpu.memref_slice %arg2[%dma_wait3A_25, %dma_wait3A_26] : memref<100000x128xf32, #tpu.memory_space<hbm>> -> memref<128x128xf32, #tpu.memory_space<hbm>>
    tpu.wait_dma2 semaphore(%arg12 : memref<!tpu.dma_semaphore, #tpu.memory_space<semaphore_mem>>) src(%dma_wait3A_27 : memref<128x128xf32, #tpu.memory_space<hbm>>) dst(%arg6 : memref<128x128xf32, #tpu.memory_space<vmem>>)
    %dma_start3A_28 = arith.constant 3 : i32
    %dma_start3A_29 = arith.constant 0 : i32
    %dma_start3A_30 = tpu.memref_slice %arg5[%dma_start3A_28, %dma_start3A_29] : memref<200x128xi32, #tpu.memory_space<vmem>> -> memref<1x128xi32, #tpu.memory_space<vmem>>
    %dma_start3A_31 = tpu.memref_squeeze %dma_start3A_30 : memref<1x128xi32, #tpu.memory_space<vmem>> -> memref<128xi32, #tpu.memory_space<vmem>>
    %dma_start3A_32 = arith.constant 0 : i32
    %dma_start3A_33 = arith.constant 0 : i32
    %dma_start3A_34 = tpu.memref_slice %arg2[%dma_start3A_32, %dma_start3A_33] : memref<100000x128xf32, #tpu.memory_space<hbm>> -> memref<100000x128xf32, #tpu.memory_space<hbm>>
    tpu.enqueue_indirect_dma source(%dma_start3A_34 : memref<100000x128xf32, #tpu.memory_space<hbm>>) target(%arg9 : memref<128x128xf32, #tpu.memory_space<vmem>>) offsets(%dma_start3A_31 : memref<128xi32, #tpu.memory_space<vmem>>) semaphore(%arg15 : memref<!tpu.dma_semaphore, #tpu.memory_space<semaphore_mem>>)
    %parallel_loop3A = arith.constant 0 : i32
    %parallel_loop3A_35 = arith.constant 128 : i32
    %parallel_loop3A_36 = arith.constant 1 : i32
    scf.for %parallel_loop3A_425 = %parallel_loop3A to %parallel_loop3A_35 step %parallel_loop3A_36  : i32 {
      %parallel_loop3A_426 = arith.index_cast %parallel_loop3A_425 : i32 to index
      %parallel_loop3A_427 = arith.constant 0 : index
      %parallel_loop3A_428 = tpu.vector_load %arg6[%parallel_loop3A_426, %parallel_loop3A_427] {strides = array<i32>} : memref<128x128xf32, #tpu.memory_space<vmem>>, vector<1x16xf32>,
      %parallel_loop3A_429 = vector.shape_cast %parallel_loop3A_428 : vector<1x16xf32> to vector<16xf32>
      %parallel_loop3A_430 = arith.constant 11.3137083 : f32
      %parallel_loop3A_431 = vector.broadcast %parallel_loop3A_430 : f32 to vector<16xf32>
      %parallel_loop3A_432 = arith.mulf %parallel_loop3A_429, %parallel_loop3A_431 : vector<16xf32>
      %parallel_loop3A_433 = arith.index_cast %parallel_loop3A_425 : i32 to index
      %parallel_loop3A_434 = arith.constant 0 : index
      %parallel_loop3A_435 = tpu.vector_load %arg6[%parallel_loop3A_433, %parallel_loop3A_434] {strides = array<i32>} : memref<128x128xf32, #tpu.memory_space<vmem>>, vector<1x16xf32>,
      %parallel_loop3A_436 = vector.shape_cast %parallel_loop3A_435 : vector<1x16xf32> to vector<16xf32>
      %parallel_loop3A_437 = vector.shape_cast %parallel_loop3A_432 : vector<16xf32> to vector<1x16xf32>
      tpu.vector_store %arg6[%parallel_loop3A_433, %parallel_loop3A_434], %parallel_loop3A_437 {strides = array<i32>} : memref<128x128xf32, #tpu.memory_space<vmem>>, vector<1x16xf32>,
      %parallel_loop3A_438 = arith.index_cast %parallel_loop3A_425 : i32 to index
      %parallel_loop3A_439 = arith.constant 16 : index
      %parallel_loop3A_440 = tpu.vector_load %arg6[%parallel_loop3A_438, %parallel_loop3A_439] {strides = array<i32>} : memref<128x128xf32, #tpu.memory_space<vmem>>, vector<1x16xf32>,
      %parallel_loop3A_441 = vector.shape_cast %parallel_loop3A_440 : vector<1x16xf32> to vector<16xf32>
      %parallel_loop3A_442 = arith.constant 11.3137083 : f32
      %parallel_loop3A_443 = vector.broadcast %parallel_loop3A_442 : f32 to vector<16xf32>
      %parallel_loop3A_444 = arith.mulf %parallel_loop3A_441, %parallel_loop3A_443 : vector<16xf32>
      %parallel_loop3A_445 = arith.index_cast %parallel_loop3A_425 : i32 to index
      %parallel_loop3A_446 = arith.constant 16 : index
      %parallel_loop3A_447 = tpu.vector_load %arg6[%parallel_loop3A_445, %parallel_loop3A_446] {strides = array<i32>} : memref<128x128xf32, #tpu.memory_space<vmem>>, vector<1x16xf32>,
      %parallel_loop3A_448 = vector.shape_cast %parallel_loop3A_447 : vector<1x16xf32> to vector<16xf32>
      %parallel_loop3A_449 = vector.shape_cast %parallel_loop3A_444 : vector<16xf32> to vector<1x16xf32>
      tpu.vector_store %arg6[%parallel_loop3A_445, %parallel_loop3A_446], %parallel_loop3A_449 {strides = array<i32>} : memref<128x128xf32, #tpu.memory_space<vmem>>, vector<1x16xf32>,
      %parallel_loop3A_450 = arith.index_cast %parallel_loop3A_425 : i32 to index
      %parallel_loop3A_451 = arith.constant 32 : index
      %parallel_loop3A_452 = tpu.vector_load %arg6[%parallel_loop3A_450, %parallel_loop3A_451] {strides = array<i32>} : memref<128x128xf32, #tpu.memory_space<vmem>>, vector<1x16xf32>,
      %parallel_loop3A_453 = vector.shape_cast %parallel_loop3A_452 : vector<1x16xf32> to vector<16xf32>
      %parallel_loop3A_454 = arith.constant 11.3137083 : f32
      %parallel_loop3A_455 = vector.broadcast %parallel_loop3A_454 : f32 to vector<16xf32>
      %parallel_loop3A_456 = arith.mulf %parallel_loop3A_453, %parallel_loop3A_455 : vector<16xf32>
      %parallel_loop3A_457 = arith.index_cast %parallel_loop3A_425 : i32 to index
      %parallel_loop3A_458 = arith.constant 32 : index
      %parallel_loop3A_459 = tpu.vector_load %arg6[%parallel_loop3A_457, %parallel_loop3A_458] {strides = array<i32>} : memref<128x128xf32, #tpu.memory_space<vmem>>, vector<1x16xf32>,
      %parallel_loop3A_460 = vector.shape_cast %parallel_loop3A_459 : vector<1x16xf32> to vector<16xf32>
      %parallel_loop3A_461 = vector.shape_cast %parallel_loop3A_456 : vector<16xf32> to vector<1x16xf32>
      tpu.vector_store %arg6[%parallel_loop3A_457, %parallel_loop3A_458], %parallel_loop3A_461 {strides = array<i32>} : memref<128x128xf32, #tpu.memory_space<vmem>>, vector<1x16xf32>,
      %parallel_loop3A_462 = arith.index_cast %parallel_loop3A_425 : i32 to index
      %parallel_loop3A_463 = arith.constant 48 : index
      %parallel_loop3A_464 = tpu.vector_load %arg6[%parallel_loop3A_462, %parallel_loop3A_463] {strides = array<i32>} : memref<128x128xf32, #tpu.memory_space<vmem>>, vector<1x16xf32>,
      %parallel_loop3A_465 = vector.shape_cast %parallel_loop3A_464 : vector<1x16xf32> to vector<16xf32>
      %parallel_loop3A_466 = arith.constant 11.3137083 : f32
      %parallel_loop3A_467 = vector.broadcast %parallel_loop3A_466 : f32 to vector<16xf32>
      %parallel_loop3A_468 = arith.mulf %parallel_loop3A_465, %parallel_loop3A_467 : vector<16xf32>
      %parallel_loop3A_469 = arith.index_cast %parallel_loop3A_425 : i32 to index
      %parallel_loop3A_470 = arith.constant 48 : index
      %parallel_loop3A_471 = tpu.vector_load %arg6[%parallel_loop3A_469, %parallel_loop3A_470] {strides = array<i32>} : memref<128x128xf32, #tpu.memory_space<vmem>>, vector<1x16xf32>,
      %parallel_loop3A_472 = vector.shape_cast %parallel_loop3A_471 : vector<1x16xf32> to vector<16xf32>
      %parallel_loop3A_473 = vector.shape_cast %parallel_loop3A_468 : vector<16xf32> to vector<1x16xf32>
      tpu.vector_store %arg6[%parallel_loop3A_469, %parallel_loop3A_470], %parallel_loop3A_473 {strides = array<i32>} : memref<128x128xf32, #tpu.memory_space<vmem>>, vector<1x16xf32>,
      %parallel_loop3A_474 = arith.index_cast %parallel_loop3A_425 : i32 to index
      %parallel_loop3A_475 = arith.constant 64 : index
      %parallel_loop3A_476 = tpu.vector_load %arg6[%parallel_loop3A_474, %parallel_loop3A_475] {strides = array<i32>} : memref<128x128xf32, #tpu.memory_space<vmem>>, vector<1x16xf32>,
      %parallel_loop3A_477 = vector.shape_cast %parallel_loop3A_476 : vector<1x16xf32> to vector<16xf32>
      %parallel_loop3A_478 = arith.constant 11.3137083 : f32
      %parallel_loop3A_479 = vector.broadcast %parallel_loop3A_478 : f32 to vector<16xf32>
      %parallel_loop3A_480 = arith.mulf %parallel_loop3A_477, %parallel_loop3A_479 : vector<16xf32>
      %parallel_loop3A_481 = arith.index_cast %parallel_loop3A_425 : i32 to index
      %parallel_loop3A_482 = arith.constant 64 : index
      %parallel_loop3A_483 = tpu.vector_load %arg6[%parallel_loop3A_481, %parallel_loop3A_482] {strides = array<i32>} : memref<128x128xf32, #tpu.memory_space<vmem>>, vector<1x16xf32>,
      %parallel_loop3A_484 = vector.shape_cast %parallel_loop3A_483 : vector<1x16xf32> to vector<16xf32>
      %parallel_loop3A_485 = vector.shape_cast %parallel_loop3A_480 : vector<16xf32> to vector<1x16xf32>
      tpu.vector_store %arg6[%parallel_loop3A_481, %parallel_loop3A_482], %parallel_loop3A_485 {strides = array<i32>} : memref<128x128xf32, #tpu.memory_space<vmem>>, vector<1x16xf32>,
      %parallel_loop3A_486 = arith.index_cast %parallel_loop3A_425 : i32 to index
      %parallel_loop3A_487 = arith.constant 80 : index
      %parallel_loop3A_488 = tpu.vector_load %arg6[%parallel_loop3A_486, %parallel_loop3A_487] {strides = array<i32>} : memref<128x128xf32, #tpu.memory_space<vmem>>, vector<1x16xf32>,
      %parallel_loop3A_489 = vector.shape_cast %parallel_loop3A_488 : vector<1x16xf32> to vector<16xf32>
      %parallel_loop3A_490 = arith.constant 11.3137083 : f32
      %parallel_loop3A_491 = vector.broadcast %parallel_loop3A_490 : f32 to vector<16xf32>
      %parallel_loop3A_492 = arith.mulf %parallel_loop3A_489, %parallel_loop3A_491 : vector<16xf32>
      %parallel_loop3A_493 = arith.index_cast %parallel_loop3A_425 : i32 to index
      %parallel_loop3A_494 = arith.constant 80 : index
      %parallel_loop3A_495 = tpu.vector_load %arg6[%parallel_loop3A_493, %parallel_loop3A_494] {strides = array<i32>} : memref<128x128xf32, #tpu.memory_space<vmem>>, vector<1x16xf32>,
      %parallel_loop3A_496 = vector.shape_cast %parallel_loop3A_495 : vector<1x16xf32> to vector<16xf32>
      %parallel_loop3A_497 = vector.shape_cast %parallel_loop3A_492 : vector<16xf32> to vector<1x16xf32>
      tpu.vector_store %arg6[%parallel_loop3A_493, %parallel_loop3A_494], %parallel_loop3A_497 {strides = array<i32>} : memref<128x128xf32, #tpu.memory_space<vmem>>, vector<1x16xf32>,
      %parallel_loop3A_498 = arith.index_cast %parallel_loop3A_425 : i32 to index
      %parallel_loop3A_499 = arith.constant 96 : index
      %parallel_loop3A_500 = tpu.vector_load %arg6[%parallel_loop3A_498, %parallel_loop3A_499] {strides = array<i32>} : memref<128x128xf32, #tpu.memory_space<vmem>>, vector<1x16xf32>,
      %parallel_loop3A_501 = vector.shape_cast %parallel_loop3A_500 : vector<1x16xf32> to vector<16xf32>
      %parallel_loop3A_502 = arith.constant 11.3137083 : f32
      %parallel_loop3A_503 = vector.broadcast %parallel_loop3A_502 : f32 to vector<16xf32>
      %parallel_loop3A_504 = arith.mulf %parallel_loop3A_501, %parallel_loop3A_503 : vector<16xf32>
      %parallel_loop3A_505 = arith.index_cast %parallel_loop3A_425 : i32 to index
      %parallel_loop3A_506 = arith.constant 96 : index
      %parallel_loop3A_507 = tpu.vector_load %arg6[%parallel_loop3A_505, %parallel_loop3A_506] {strides = array<i32>} : memref<128x128xf32, #tpu.memory_space<vmem>>, vector<1x16xf32>,
      %parallel_loop3A_508 = vector.shape_cast %parallel_loop3A_507 : vector<1x16xf32> to vector<16xf32>
      %parallel_loop3A_509 = vector.shape_cast %parallel_loop3A_504 : vector<16xf32> to vector<1x16xf32>
      tpu.vector_store %arg6[%parallel_loop3A_505, %parallel_loop3A_506], %parallel_loop3A_509 {strides = array<i32>} : memref<128x128xf32, #tpu.memory_space<vmem>>, vector<1x16xf32>,
      %parallel_loop3A_510 = arith.index_cast %parallel_loop3A_425 : i32 to index
      %parallel_loop3A_511 = arith.constant 112 : index
      %parallel_loop3A_512 = tpu.vector_load %arg6[%parallel_loop3A_510, %parallel_loop3A_511] {strides = array<i32>} : memref<128x128xf32, #tpu.memory_space<vmem>>, vector<1x16xf32>,
      %parallel_loop3A_513 = vector.shape_cast %parallel_loop3A_512 : vector<1x16xf32> to vector<16xf32>
      %parallel_loop3A_514 = arith.constant 11.3137083 : f32
      %parallel_loop3A_515 = vector.broadcast %parallel_loop3A_514 : f32 to vector<16xf32>
      %parallel_loop3A_516 = arith.mulf %parallel_loop3A_513, %parallel_loop3A_515 : vector<16xf32>
      %parallel_loop3A_517 = arith.index_cast %parallel_loop3A_425 : i32 to index
      %parallel_loop3A_518 = arith.constant 112 : index
      %parallel_loop3A_519 = tpu.vector_load %arg6[%parallel_loop3A_517, %parallel_loop3A_518] {strides = array<i32>} : memref<128x128xf32, #tpu.memory_space<vmem>>, vector<1x16xf32>,
      %parallel_loop3A_520 = vector.shape_cast %parallel_loop3A_519 : vector<1x16xf32> to vector<16xf32>
      %parallel_loop3A_521 = vector.shape_cast %parallel_loop3A_516 : vector<16xf32> to vector<1x16xf32>
      tpu.vector_store %arg6[%parallel_loop3A_517, %parallel_loop3A_518], %parallel_loop3A_521 {strides = array<i32>} : memref<128x128xf32, #tpu.memory_space<vmem>>, vector<1x16xf32>,
    } {sc.loop_unroll_factor = 4 : i64, sc.parallel_access}
    %add3A_37 = arith.constant 0 : i32
    %add3A_38 = arith.addi %mul3A_2, %add3A_37 : i32
    %mul3A_39 = arith.constant 128 : i32
    %mul3A_40 = arith.muli %add3A_38, %mul3A_39 : i32
    %dma_start3A_41 = arith.constant 0 : i32
    %dma_start3A_42 = tpu.memref_slice %arg4[%mul3A_40, %dma_start3A_41] : memref<819200x128xf32, #tpu.memory_space<hbm>> -> memref<128x128xf32, #tpu.memory_space<hbm>>
    %dma_start3A_43 = arith.constant 0 : i32
    %dma_start3A_44 = tpu.memref_slice %arg4[%mul3A_40, %dma_start3A_43] : memref<819200x128xf32, #tpu.memory_space<hbm>> -> memref<128x128xf32, #tpu.memory_space<hbm>>
    tpu.enqueue_dma source(%arg6 : memref<128x128xf32, #tpu.memory_space<vmem>>) target(%dma_start3A_44 : memref<128x128xf32, #tpu.memory_space<hbm>>) target_semaphore(%arg18 : memref<!tpu.dma_semaphore, #tpu.memory_space<semaphore_mem>>)
    %dma_wait3A_45 = arith.constant 0 : i32
    %dma_wait3A_46 = arith.constant 0 : i32
    %dma_wait3A_47 = tpu.memref_slice %arg2[%dma_wait3A_45, %dma_wait3A_46] : memref<100000x128xf32, #tpu.memory_space<hbm>> -> memref<128x128xf32, #tpu.memory_space<hbm>>
    %dma_wait3A_48 = arith.constant 0 : i32
    %dma_wait3A_49 = arith.constant 0 : i32
    %dma_wait3A_50 = tpu.memref_slice %arg2[%dma_wait3A_48, %dma_wait3A_49] : memref<100000x128xf32, #tpu.memory_space<hbm>> -> memref<128x128xf32, #tpu.memory_space<hbm>>
    tpu.wait_dma2 semaphore(%arg13 : memref<!tpu.dma_semaphore, #tpu.memory_space<semaphore_mem>>) src(%dma_wait3A_50 : memref<128x128xf32, #tpu.memory_space<hbm>>) dst(%arg7 : memref<128x128xf32, #tpu.memory_space<vmem>>)
    %dma_start3A_51 = arith.constant 4 : i32
    %dma_start3A_52 = arith.constant 0 : i32
    %dma_start3A_53 = tpu.memref_slice %arg5[%dma_start3A_51, %dma_start3A_52] : memref<200x128xi32, #tpu.memory_space<vmem>> -> memref<1x128xi32, #tpu.memory_space<vmem>>
    %dma_start3A_54 = tpu.memref_squeeze %dma_start3A_53 : memref<1x128xi32, #tpu.memory_space<vmem>> -> memref<128xi32, #tpu.memory_space<vmem>>
    %dma_start3A_55 = arith.constant 0 : i32
    %dma_start3A_56 = arith.constant 0 : i32
    %dma_start3A_57 = tpu.memref_slice %arg2[%dma_start3A_55, %dma_start3A_56] : memref<100000x128xf32, #tpu.memory_space<hbm>> -> memref<100000x128xf32, #tpu.memory_space<hbm>>
    tpu.enqueue_indirect_dma source(%dma_start3A_57 : memref<100000x128xf32, #tpu.memory_space<hbm>>) target(%arg10 : memref<128x128xf32, #tpu.memory_space<vmem>>) offsets(%dma_start3A_54 : memref<128xi32, #tpu.memory_space<vmem>>) semaphore(%arg16 : memref<!tpu.dma_semaphore, #tpu.memory_space<semaphore_mem>>)
    %parallel_loop3A_58 = arith.constant 0 : i32
    %parallel_loop3A_59 = arith.constant 128 : i32
    %parallel_loop3A_60 = arith.constant 1 : i32
    scf.for %parallel_loop3A_425 = %parallel_loop3A_58 to %parallel_loop3A_59 step %parallel_loop3A_60  : i32 {
      %parallel_loop3A_426 = arith.index_cast %parallel_loop3A_425 : i32 to index
      %parallel_loop3A_427 = arith.constant 0 : index
      %parallel_loop3A_428 = tpu.vector_load %arg7[%parallel_loop3A_426, %parallel_loop3A_427] {strides = array<i32>} : memref<128x128xf32, #tpu.memory_space<vmem>>, vector<1x16xf32>,
      %parallel_loop3A_429 = vector.shape_cast %parallel_loop3A_428 : vector<1x16xf32> to vector<16xf32>
      %parallel_loop3A_430 = arith.constant 11.3137083 : f32
      %parallel_loop3A_431 = vector.broadcast %parallel_loop3A_430 : f32 to vector<16xf32>
      %parallel_loop3A_432 = arith.mulf %parallel_loop3A_429, %parallel_loop3A_431 : vector<16xf32>
      %parallel_loop3A_433 = arith.index_cast %parallel_loop3A_425 : i32 to index
      %parallel_loop3A_434 = arith.constant 0 : index
      %parallel_loop3A_435 = tpu.vector_load %arg7[%parallel_loop3A_433, %parallel_loop3A_434] {strides = array<i32>} : memref<128x128xf32, #tpu.memory_space<vmem>>, vector<1x16xf32>,
      %parallel_loop3A_436 = vector.shape_cast %parallel_loop3A_435 : vector<1x16xf32> to vector<16xf32>
      %parallel_loop3A_437 = vector.shape_cast %parallel_loop3A_432 : vector<16xf32> to vector<1x16xf32>
      tpu.vector_store %arg7[%parallel_loop3A_433, %parallel_loop3A_434], %parallel_loop3A_437 {strides = array<i32>} : memref<128x128xf32, #tpu.memory_space<vmem>>, vector<1x16xf32>,
      %parallel_loop3A_438 = arith.index_cast %parallel_loop3A_425 : i32 to index
      %parallel_loop3A_439 = arith.constant 16 : index
      %parallel_loop3A_440 = tpu.vector_load %arg7[%parallel_loop3A_438, %parallel_loop3A_439] {strides = array<i32>} : memref<128x128xf32, #tpu.memory_space<vmem>>, vector<1x16xf32>,
      %parallel_loop3A_441 = vector.shape_cast %parallel_loop3A_440 : vector<1x16xf32> to vector<16xf32>
      %parallel_loop3A_442 = arith.constant 11.3137083 : f32
      %parallel_loop3A_443 = vector.broadcast %parallel_loop3A_442 : f32 to vector<16xf32>
      %parallel_loop3A_444 = arith.mulf %parallel_loop3A_441, %parallel_loop3A_443 : vector<16xf32>
      %parallel_loop3A_445 = arith.index_cast %parallel_loop3A_425 : i32 to index
      %parallel_loop3A_446 = arith.constant 16 : index
      %parallel_loop3A_447 = tpu.vector_load %arg7[%parallel_loop3A_445, %parallel_loop3A_446] {strides = array<i32>} : memref<128x128xf32, #tpu.memory_space<vmem>>, vector<1x16xf32>,
      %parallel_loop3A_448 = vector.shape_cast %parallel_loop3A_447 : vector<1x16xf32> to vector<16xf32>
      %parallel_loop3A_449 = vector.shape_cast %parallel_loop3A_444 : vector<16xf32> to vector<1x16xf32>
      tpu.vector_store %arg7[%parallel_loop3A_445, %parallel_loop3A_446], %parallel_loop3A_449 {strides = array<i32>} : memref<128x128xf32, #tpu.memory_space<vmem>>, vector<1x16xf32>,
      %parallel_loop3A_450 = arith.index_cast %parallel_loop3A_425 : i32 to index
      %parallel_loop3A_451 = arith.constant 32 : index
      %parallel_loop3A_452 = tpu.vector_load %arg7[%parallel_loop3A_450, %parallel_loop3A_451] {strides = array<i32>} : memref<128x128xf32, #tpu.memory_space<vmem>>, vector<1x16xf32>,
      %parallel_loop3A_453 = vector.shape_cast %parallel_loop3A_452 : vector<1x16xf32> to vector<16xf32>
      %parallel_loop3A_454 = arith.constant 11.3137083 : f32
      %parallel_loop3A_455 = vector.broadcast %parallel_loop3A_454 : f32 to vector<16xf32>
      %parallel_loop3A_456 = arith.mulf %parallel_loop3A_453, %parallel_loop3A_455 : vector<16xf32>
      %parallel_loop3A_457 = arith.index_cast %parallel_loop3A_425 : i32 to index
      %parallel_loop3A_458 = arith.constant 32 : index
      %parallel_loop3A_459 = tpu.vector_load %arg7[%parallel_loop3A_457, %parallel_loop3A_458] {strides = array<i32>} : memref<128x128xf32, #tpu.memory_space<vmem>>, vector<1x16xf32>,
      %parallel_loop3A_460 = vector.shape_cast %parallel_loop3A_459 : vector<1x16xf32> to vector<16xf32>
      %parallel_loop3A_461 = vector.shape_cast %parallel_loop3A_456 : vector<16xf32> to vector<1x16xf32>
      tpu.vector_store %arg7[%parallel_loop3A_457, %parallel_loop3A_458], %parallel_loop3A_461 {strides = array<i32>} : memref<128x128xf32, #tpu.memory_space<vmem>>, vector<1x16xf32>,
      %parallel_loop3A_462 = arith.index_cast %parallel_loop3A_425 : i32 to index
      %parallel_loop3A_463 = arith.constant 48 : index
      %parallel_loop3A_464 = tpu.vector_load %arg7[%parallel_loop3A_462, %parallel_loop3A_463] {strides = array<i32>} : memref<128x128xf32, #tpu.memory_space<vmem>>, vector<1x16xf32>,
      %parallel_loop3A_465 = vector.shape_cast %parallel_loop3A_464 : vector<1x16xf32> to vector<16xf32>
      %parallel_loop3A_466 = arith.constant 11.3137083 : f32
      %parallel_loop3A_467 = vector.broadcast %parallel_loop3A_466 : f32 to vector<16xf32>
      %parallel_loop3A_468 = arith.mulf %parallel_loop3A_465, %parallel_loop3A_467 : vector<16xf32>
      %parallel_loop3A_469 = arith.index_cast %parallel_loop3A_425 : i32 to index
      %parallel_loop3A_470 = arith.constant 48 : index
      %parallel_loop3A_471 = tpu.vector_load %arg7[%parallel_loop3A_469, %parallel_loop3A_470] {strides = array<i32>} : memref<128x128xf32, #tpu.memory_space<vmem>>, vector<1x16xf32>,
      %parallel_loop3A_472 = vector.shape_cast %parallel_loop3A_471 : vector<1x16xf32> to vector<16xf32>
      %parallel_loop3A_473 = vector.shape_cast %parallel_loop3A_468 : vector<16xf32> to vector<1x16xf32>
      tpu.vector_store %arg7[%parallel_loop3A_469, %parallel_loop3A_470], %parallel_loop3A_473 {strides = array<i32>} : memref<128x128xf32, #tpu.memory_space<vmem>>, vector<1x16xf32>,
      %parallel_loop3A_474 = arith.index_cast %parallel_loop3A_425 : i32 to index
      %parallel_loop3A_475 = arith.constant 64 : index
      %parallel_loop3A_476 = tpu.vector_load %arg7[%parallel_loop3A_474, %parallel_loop3A_475] {strides = array<i32>} : memref<128x128xf32, #tpu.memory_space<vmem>>, vector<1x16xf32>,
      %parallel_loop3A_477 = vector.shape_cast %parallel_loop3A_476 : vector<1x16xf32> to vector<16xf32>
      %parallel_loop3A_478 = arith.constant 11.3137083 : f32
      %parallel_loop3A_479 = vector.broadcast %parallel_loop3A_478 : f32 to vector<16xf32>
      %parallel_loop3A_480 = arith.mulf %parallel_loop3A_477, %parallel_loop3A_479 : vector<16xf32>
      %parallel_loop3A_481 = arith.index_cast %parallel_loop3A_425 : i32 to index
      %parallel_loop3A_482 = arith.constant 64 : index
      %parallel_loop3A_483 = tpu.vector_load %arg7[%parallel_loop3A_481, %parallel_loop3A_482] {strides = array<i32>} : memref<128x128xf32, #tpu.memory_space<vmem>>, vector<1x16xf32>,
      %parallel_loop3A_484 = vector.shape_cast %parallel_loop3A_483 : vector<1x16xf32> to vector<16xf32>
      %parallel_loop3A_485 = vector.shape_cast %parallel_loop3A_480 : vector<16xf32> to vector<1x16xf32>
      tpu.vector_store %arg7[%parallel_loop3A_481, %parallel_loop3A_482], %parallel_loop3A_485 {strides = array<i32>} : memref<128x128xf32, #tpu.memory_space<vmem>>, vector<1x16xf32>,
      %parallel_loop3A_486 = arith.index_cast %parallel_loop3A_425 : i32 to index
      %parallel_loop3A_487 = arith.constant 80 : index
      %parallel_loop3A_488 = tpu.vector_load %arg7[%parallel_loop3A_486, %parallel_loop3A_487] {strides = array<i32>} : memref<128x128xf32, #tpu.memory_space<vmem>>, vector<1x16xf32>,
      %parallel_loop3A_489 = vector.shape_cast %parallel_loop3A_488 : vector<1x16xf32> to vector<16xf32>
      %parallel_loop3A_490 = arith.constant 11.3137083 : f32
      %parallel_loop3A_491 = vector.broadcast %parallel_loop3A_490 : f32 to vector<16xf32>
      %parallel_loop3A_492 = arith.mulf %parallel_loop3A_489, %parallel_loop3A_491 : vector<16xf32>
      %parallel_loop3A_493 = arith.index_cast %parallel_loop3A_425 : i32 to index
      %parallel_loop3A_494 = arith.constant 80 : index
      %parallel_loop3A_495 = tpu.vector_load %arg7[%parallel_loop3A_493, %parallel_loop3A_494] {strides = array<i32>} : memref<128x128xf32, #tpu.memory_space<vmem>>, vector<1x16xf32>,
      %parallel_loop3A_496 = vector.shape_cast %parallel_loop3A_495 : vector<1x16xf32> to vector<16xf32>
      %parallel_loop3A_497 = vector.shape_cast %parallel_loop3A_492 : vector<16xf32> to vector<1x16xf32>
      tpu.vector_store %arg7[%parallel_loop3A_493, %parallel_loop3A_494], %parallel_loop3A_497 {strides = array<i32>} : memref<128x128xf32, #tpu.memory_space<vmem>>, vector<1x16xf32>,
      %parallel_loop3A_498 = arith.index_cast %parallel_loop3A_425 : i32 to index
      %parallel_loop3A_499 = arith.constant 96 : index
      %parallel_loop3A_500 = tpu.vector_load %arg7[%parallel_loop3A_498, %parallel_loop3A_499] {strides = array<i32>} : memref<128x128xf32, #tpu.memory_space<vmem>>, vector<1x16xf32>,
      %parallel_loop3A_501 = vector.shape_cast %parallel_loop3A_500 : vector<1x16xf32> to vector<16xf32>
      %parallel_loop3A_502 = arith.constant 11.3137083 : f32
      %parallel_loop3A_503 = vector.broadcast %parallel_loop3A_502 : f32 to vector<16xf32>
      %parallel_loop3A_504 = arith.mulf %parallel_loop3A_501, %parallel_loop3A_503 : vector<16xf32>
      %parallel_loop3A_505 = arith.index_cast %parallel_loop3A_425 : i32 to index
      %parallel_loop3A_506 = arith.constant 96 : index
      %parallel_loop3A_507 = tpu.vector_load %arg7[%parallel_loop3A_505, %parallel_loop3A_506] {strides = array<i32>} : memref<128x128xf32, #tpu.memory_space<vmem>>, vector<1x16xf32>,
      %parallel_loop3A_508 = vector.shape_cast %parallel_loop3A_507 : vector<1x16xf32> to vector<16xf32>
      %parallel_loop3A_509 = vector.shape_cast %parallel_loop3A_504 : vector<16xf32> to vector<1x16xf32>
      tpu.vector_store %arg7[%parallel_loop3A_505, %parallel_loop3A_506], %parallel_loop3A_509 {strides = array<i32>} : memref<128x128xf32, #tpu.memory_space<vmem>>, vector<1x16xf32>,
      %parallel_loop3A_510 = arith.index_cast %parallel_loop3A_425 : i32 to index
      %parallel_loop3A_511 = arith.constant 112 : index
      %parallel_loop3A_512 = tpu.vector_load %arg7[%parallel_loop3A_510, %parallel_loop3A_511] {strides = array<i32>} : memref<128x128xf32, #tpu.memory_space<vmem>>, vector<1x16xf32>,
      %parallel_loop3A_513 = vector.shape_cast %parallel_loop3A_512 : vector<1x16xf32> to vector<16xf32>
      %parallel_loop3A_514 = arith.constant 11.3137083 : f32
      %parallel_loop3A_515 = vector.broadcast %parallel_loop3A_514 : f32 to vector<16xf32>
      %parallel_loop3A_516 = arith.mulf %parallel_loop3A_513, %parallel_loop3A_515 : vector<16xf32>
      %parallel_loop3A_517 = arith.index_cast %parallel_loop3A_425 : i32 to index
      %parallel_loop3A_518 = arith.constant 112 : index
      %parallel_loop3A_519 = tpu.vector_load %arg7[%parallel_loop3A_517, %parallel_loop3A_518] {strides = array<i32>} : memref<128x128xf32, #tpu.memory_space<vmem>>, vector<1x16xf32>,
      %parallel_loop3A_520 = vector.shape_cast %parallel_loop3A_519 : vector<1x16xf32> to vector<16xf32>
      %parallel_loop3A_521 = vector.shape_cast %parallel_loop3A_516 : vector<16xf32> to vector<1x16xf32>
      tpu.vector_store %arg7[%parallel_loop3A_517, %parallel_loop3A_518], %parallel_loop3A_521 {strides = array<i32>} : memref<128x128xf32, #tpu.memory_space<vmem>>, vector<1x16xf32>,
    } {sc.loop_unroll_factor = 4 : i64, sc.parallel_access}
    %add3A_61 = arith.constant 1 : i32
    %add3A_62 = arith.addi %mul3A_2, %add3A_61 : i32
    %mul3A_63 = arith.constant 128 : i32
    %mul3A_64 = arith.muli %add3A_62, %mul3A_63 : i32
    %dma_start3A_65 = arith.constant 0 : i32
    %dma_start3A_66 = tpu.memref_slice %arg4[%mul3A_64, %dma_start3A_65] : memref<819200x128xf32, #tpu.memory_space<hbm>> -> memref<128x128xf32, #tpu.memory_space<hbm>>
    %dma_start3A_67 = arith.constant 0 : i32
    %dma_start3A_68 = tpu.memref_slice %arg4[%mul3A_64, %dma_start3A_67] : memref<819200x128xf32, #tpu.memory_space<hbm>> -> memref<128x128xf32, #tpu.memory_space<hbm>>
    tpu.enqueue_dma source(%arg7 : memref<128x128xf32, #tpu.memory_space<vmem>>) target(%dma_start3A_68 : memref<128x128xf32, #tpu.memory_space<hbm>>) target_semaphore(%arg19 : memref<!tpu.dma_semaphore, #tpu.memory_space<semaphore_mem>>)
    %dma_wait3A_69 = arith.constant 0 : i32
    %dma_wait3A_70 = arith.constant 0 : i32
    %dma_wait3A_71 = tpu.memref_slice %arg2[%dma_wait3A_69, %dma_wait3A_70] : memref<100000x128xf32, #tpu.memory_space<hbm>> -> memref<128x128xf32, #tpu.memory_space<hbm>>
    %dma_wait3A_72 = arith.constant 0 : i32
    %dma_wait3A_73 = arith.constant 0 : i32
    %dma_wait3A_74 = tpu.memref_slice %arg2[%dma_wait3A_72, %dma_wait3A_73] : memref<100000x128xf32, #tpu.memory_space<hbm>> -> memref<128x128xf32, #tpu.memory_space<hbm>>
    tpu.wait_dma2 semaphore(%arg14 : memref<!tpu.dma_semaphore, #tpu.memory_space<semaphore_mem>>) src(%dma_wait3A_74 : memref<128x128xf32, #tpu.memory_space<hbm>>) dst(%arg8 : memref<128x128xf32, #tpu.memory_space<vmem>>)
    %dma_start3A_75 = arith.constant 5 : i32
    %dma_start3A_76 = arith.constant 0 : i32
    %dma_start3A_77 = tpu.memref_slice %arg5[%dma_start3A_75, %dma_start3A_76] : memref<200x128xi32, #tpu.memory_space<vmem>> -> memref<1x128xi32, #tpu.memory_space<vmem>>
    %dma_start3A_78 = tpu.memref_squeeze %dma_start3A_77 : memref<1x128xi32, #tpu.memory_space<vmem>> -> memref<128xi32, #tpu.memory_space<vmem>>
    %dma_start3A_79 = arith.constant 0 : i32
    %dma_start3A_80 = arith.constant 0 : i32
    %dma_start3A_81 = tpu.memref_slice %arg2[%dma_start3A_79, %dma_start3A_80] : memref<100000x128xf32, #tpu.memory_space<hbm>> -> memref<100000x128xf32, #tpu.memory_space<hbm>>
    tpu.enqueue_indirect_dma source(%dma_start3A_81 : memref<100000x128xf32, #tpu.memory_space<hbm>>) target(%arg11 : memref<128x128xf32, #tpu.memory_space<vmem>>) offsets(%dma_start3A_78 : memref<128xi32, #tpu.memory_space<vmem>>) semaphore(%arg17 : memref<!tpu.dma_semaphore, #tpu.memory_space<semaphore_mem>>)
    %parallel_loop3A_82 = arith.constant 0 : i32
    %parallel_loop3A_83 = arith.constant 128 : i32
    %parallel_loop3A_84 = arith.constant 1 : i32
    scf.for %parallel_loop3A_425 = %parallel_loop3A_82 to %parallel_loop3A_83 step %parallel_loop3A_84  : i32 {
      %parallel_loop3A_426 = arith.index_cast %parallel_loop3A_425 : i32 to index
      %parallel_loop3A_427 = arith.constant 0 : index
      %parallel_loop3A_428 = tpu.vector_load %arg8[%parallel_loop3A_426, %parallel_loop3A_427] {strides = array<i32>} : memref<128x128xf32, #tpu.memory_space<vmem>>, vector<1x16xf32>,
      %parallel_loop3A_429 = vector.shape_cast %parallel_loop3A_428 : vector<1x16xf32> to vector<16xf32>
      %parallel_loop3A_430 = arith.constant 11.3137083 : f32
      %parallel_loop3A_431 = vector.broadcast %parallel_loop3A_430 : f32 to vector<16xf32>
      %parallel_loop3A_432 = arith.mulf %parallel_loop3A_429, %parallel_loop3A_431 : vector<16xf32>
      %parallel_loop3A_433 = arith.index_cast %parallel_loop3A_425 : i32 to index
      %parallel_loop3A_434 = arith.constant 0 : index
      %parallel_loop3A_435 = tpu.vector_load %arg8[%parallel_loop3A_433, %parallel_loop3A_434] {strides = array<i32>} : memref<128x128xf32, #tpu.memory_space<vmem>>, vector<1x16xf32>,
      %parallel_loop3A_436 = vector.shape_cast %parallel_loop3A_435 : vector<1x16xf32> to vector<16xf32>
      %parallel_loop3A_437 = vector.shape_cast %parallel_loop3A_432 : vector<16xf32> to vector<1x16xf32>
      tpu.vector_store %arg8[%parallel_loop3A_433, %parallel_loop3A_434], %parallel_loop3A_437 {strides = array<i32>} : memref<128x128xf32, #tpu.memory_space<vmem>>, vector<1x16xf32>,
      %parallel_loop3A_438 = arith.index_cast %parallel_loop3A_425 : i32 to index
      %parallel_loop3A_439 = arith.constant 16 : index
      %parallel_loop3A_440 = tpu.vector_load %arg8[%parallel_loop3A_438, %parallel_loop3A_439] {strides = array<i32>} : memref<128x128xf32, #tpu.memory_space<vmem>>, vector<1x16xf32>,
      %parallel_loop3A_441 = vector.shape_cast %parallel_loop3A_440 : vector<1x16xf32> to vector<16xf32>
      %parallel_loop3A_442 = arith.constant 11.3137083 : f32
      %parallel_loop3A_443 = vector.broadcast %parallel_loop3A_442 : f32 to vector<16xf32>
      %parallel_loop3A_444 = arith.mulf %parallel_loop3A_441, %parallel_loop3A_443 : vector<16xf32>
      %parallel_loop3A_445 = arith.index_cast %parallel_loop3A_425 : i32 to index
      %parallel_loop3A_446 = arith.constant 16 : index
      %parallel_loop3A_447 = tpu.vector_load %arg8[%parallel_loop3A_445, %parallel_loop3A_446] {strides = array<i32>} : memref<128x128xf32, #tpu.memory_space<vmem>>, vector<1x16xf32>,
      %parallel_loop3A_448 = vector.shape_cast %parallel_loop3A_447 : vector<1x16xf32> to vector<16xf32>
      %parallel_loop3A_449 = vector.shape_cast %parallel_loop3A_444 : vector<16xf32> to vector<1x16xf32>
      tpu.vector_store %arg8[%parallel_loop3A_445, %parallel_loop3A_446], %parallel_loop3A_449 {strides = array<i32>} : memref<128x128xf32, #tpu.memory_space<vmem>>, vector<1x16xf32>,
      %parallel_loop3A_450 = arith.index_cast %parallel_loop3A_425 : i32 to index
      %parallel_loop3A_451 = arith.constant 32 : index
      %parallel_loop3A_452 = tpu.vector_load %arg8[%parallel_loop3A_450, %parallel_loop3A_451] {strides = array<i32>} : memref<128x128xf32, #tpu.memory_space<vmem>>, vector<1x16xf32>,
      %parallel_loop3A_453 = vector.shape_cast %parallel_loop3A_452 : vector<1x16xf32> to vector<16xf32>
      %parallel_loop3A_454 = arith.constant 11.3137083 : f32
      %parallel_loop3A_455 = vector.broadcast %parallel_loop3A_454 : f32 to vector<16xf32>
      %parallel_loop3A_456 = arith.mulf %parallel_loop3A_453, %parallel_loop3A_455 : vector<16xf32>
      %parallel_loop3A_457 = arith.index_cast %parallel_loop3A_425 : i32 to index
      %parallel_loop3A_458 = arith.constant 32 : index
      %parallel_loop3A_459 = tpu.vector_load %arg8[%parallel_loop3A_457, %parallel_loop3A_458] {strides = array<i32>} : memref<128x128xf32, #tpu.memory_space<vmem>>, vector<1x16xf32>,
      %parallel_loop3A_460 = vector.shape_cast %parallel_loop3A_459 : vector<1x16xf32> to vector<16xf32>
      %parallel_loop3A_461 = vector.shape_cast %parallel_loop3A_456 : vector<16xf32> to vector<1x16xf32>
      tpu.vector_store %arg8[%parallel_loop3A_457, %parallel_loop3A_458], %parallel_loop3A_461 {strides = array<i32>} : memref<128x128xf32, #tpu.memory_space<vmem>>, vector<1x16xf32>,
      %parallel_loop3A_462 = arith.index_cast %parallel_loop3A_425 : i32 to index
      %parallel_loop3A_463 = arith.constant 48 : index
      %parallel_loop3A_464 = tpu.vector_load %arg8[%parallel_loop3A_462, %parallel_loop3A_463] {strides = array<i32>} : memref<128x128xf32, #tpu.memory_space<vmem>>, vector<1x16xf32>,
      %parallel_loop3A_465 = vector.shape_cast %parallel_loop3A_464 : vector<1x16xf32> to vector<16xf32>
      %parallel_loop3A_466 = arith.constant 11.3137083 : f32
      %parallel_loop3A_467 = vector.broadcast %parallel_loop3A_466 : f32 to vector<16xf32>
      %parallel_loop3A_468 = arith.mulf %parallel_loop3A_465, %parallel_loop3A_467 : vector<16xf32>
      %parallel_loop3A_469 = arith.index_cast %parallel_loop3A_425 : i32 to index
      %parallel_loop3A_470 = arith.constant 48 : index
      %parallel_loop3A_471 = tpu.vector_load %arg8[%parallel_loop3A_469, %parallel_loop3A_470] {strides = array<i32>} : memref<128x128xf32, #tpu.memory_space<vmem>>, vector<1x16xf32>,
      %parallel_loop3A_472 = vector.shape_cast %parallel_loop3A_471 : vector<1x16xf32> to vector<16xf32>
      %parallel_loop3A_473 = vector.shape_cast %parallel_loop3A_468 : vector<16xf32> to vector<1x16xf32>
      tpu.vector_store %arg8[%parallel_loop3A_469, %parallel_loop3A_470], %parallel_loop3A_473 {strides = array<i32>} : memref<128x128xf32, #tpu.memory_space<vmem>>, vector<1x16xf32>,
      %parallel_loop3A_474 = arith.index_cast %parallel_loop3A_425 : i32 to index
      %parallel_loop3A_475 = arith.constant 64 : index
      %parallel_loop3A_476 = tpu.vector_load %arg8[%parallel_loop3A_474, %parallel_loop3A_475] {strides = array<i32>} : memref<128x128xf32, #tpu.memory_space<vmem>>, vector<1x16xf32>,
      %parallel_loop3A_477 = vector.shape_cast %parallel_loop3A_476 : vector<1x16xf32> to vector<16xf32>
      %parallel_loop3A_478 = arith.constant 11.3137083 : f32
      %parallel_loop3A_479 = vector.broadcast %parallel_loop3A_478 : f32 to vector<16xf32>
      %parallel_loop3A_480 = arith.mulf %parallel_loop3A_477, %parallel_loop3A_479 : vector<16xf32>
      %parallel_loop3A_481 = arith.index_cast %parallel_loop3A_425 : i32 to index
      %parallel_loop3A_482 = arith.constant 64 : index
      %parallel_loop3A_483 = tpu.vector_load %arg8[%parallel_loop3A_481, %parallel_loop3A_482] {strides = array<i32>} : memref<128x128xf32, #tpu.memory_space<vmem>>, vector<1x16xf32>,
      %parallel_loop3A_484 = vector.shape_cast %parallel_loop3A_483 : vector<1x16xf32> to vector<16xf32>
      %parallel_loop3A_485 = vector.shape_cast %parallel_loop3A_480 : vector<16xf32> to vector<1x16xf32>
      tpu.vector_store %arg8[%parallel_loop3A_481, %parallel_loop3A_482], %parallel_loop3A_485 {strides = array<i32>} : memref<128x128xf32, #tpu.memory_space<vmem>>, vector<1x16xf32>,
      %parallel_loop3A_486 = arith.index_cast %parallel_loop3A_425 : i32 to index
      %parallel_loop3A_487 = arith.constant 80 : index
      %parallel_loop3A_488 = tpu.vector_load %arg8[%parallel_loop3A_486, %parallel_loop3A_487] {strides = array<i32>} : memref<128x128xf32, #tpu.memory_space<vmem>>, vector<1x16xf32>,
      %parallel_loop3A_489 = vector.shape_cast %parallel_loop3A_488 : vector<1x16xf32> to vector<16xf32>
      %parallel_loop3A_490 = arith.constant 11.3137083 : f32
      %parallel_loop3A_491 = vector.broadcast %parallel_loop3A_490 : f32 to vector<16xf32>
      %parallel_loop3A_492 = arith.mulf %parallel_loop3A_489, %parallel_loop3A_491 : vector<16xf32>
      %parallel_loop3A_493 = arith.index_cast %parallel_loop3A_425 : i32 to index
      %parallel_loop3A_494 = arith.constant 80 : index
      %parallel_loop3A_495 = tpu.vector_load %arg8[%parallel_loop3A_493, %parallel_loop3A_494] {strides = array<i32>} : memref<128x128xf32, #tpu.memory_space<vmem>>, vector<1x16xf32>,
      %parallel_loop3A_496 = vector.shape_cast %parallel_loop3A_495 : vector<1x16xf32> to vector<16xf32>
      %parallel_loop3A_497 = vector.shape_cast %parallel_loop3A_492 : vector<16xf32> to vector<1x16xf32>
      tpu.vector_store %arg8[%parallel_loop3A_493, %parallel_loop3A_494], %parallel_loop3A_497 {strides = array<i32>} : memref<128x128xf32, #tpu.memory_space<vmem>>, vector<1x16xf32>,
      %parallel_loop3A_498 = arith.index_cast %parallel_loop3A_425 : i32 to index
      %parallel_loop3A_499 = arith.constant 96 : index
      %parallel_loop3A_500 = tpu.vector_load %arg8[%parallel_loop3A_498, %parallel_loop3A_499] {strides = array<i32>} : memref<128x128xf32, #tpu.memory_space<vmem>>, vector<1x16xf32>,
      %parallel_loop3A_501 = vector.shape_cast %parallel_loop3A_500 : vector<1x16xf32> to vector<16xf32>
      %parallel_loop3A_502 = arith.constant 11.3137083 : f32
      %parallel_loop3A_503 = vector.broadcast %parallel_loop3A_502 : f32 to vector<16xf32>
      %parallel_loop3A_504 = arith.mulf %parallel_loop3A_501, %parallel_loop3A_503 : vector<16xf32>
      %parallel_loop3A_505 = arith.index_cast %parallel_loop3A_425 : i32 to index
      %parallel_loop3A_506 = arith.constant 96 : index
      %parallel_loop3A_507 = tpu.vector_load %arg8[%parallel_loop3A_505, %parallel_loop3A_506] {strides = array<i32>} : memref<128x128xf32, #tpu.memory_space<vmem>>, vector<1x16xf32>,
      %parallel_loop3A_508 = vector.shape_cast %parallel_loop3A_507 : vector<1x16xf32> to vector<16xf32>
      %parallel_loop3A_509 = vector.shape_cast %parallel_loop3A_504 : vector<16xf32> to vector<1x16xf32>
      tpu.vector_store %arg8[%parallel_loop3A_505, %parallel_loop3A_506], %parallel_loop3A_509 {strides = array<i32>} : memref<128x128xf32, #tpu.memory_space<vmem>>, vector<1x16xf32>,
      %parallel_loop3A_510 = arith.index_cast %parallel_loop3A_425 : i32 to index
      %parallel_loop3A_511 = arith.constant 112 : index
      %parallel_loop3A_512 = tpu.vector_load %arg8[%parallel_loop3A_510, %parallel_loop3A_511] {strides = array<i32>} : memref<128x128xf32, #tpu.memory_space<vmem>>, vector<1x16xf32>,
      %parallel_loop3A_513 = vector.shape_cast %parallel_loop3A_512 : vector<1x16xf32> to vector<16xf32>
      %parallel_loop3A_514 = arith.constant 11.3137083 : f32
      %parallel_loop3A_515 = vector.broadcast %parallel_loop3A_514 : f32 to vector<16xf32>
      %parallel_loop3A_516 = arith.mulf %parallel_loop3A_513, %parallel_loop3A_515 : vector<16xf32>
      %parallel_loop3A_517 = arith.index_cast %parallel_loop3A_425 : i32 to index
      %parallel_loop3A_518 = arith.constant 112 : index
      %parallel_loop3A_519 = tpu.vector_load %arg8[%parallel_loop3A_517, %parallel_loop3A_518] {strides = array<i32>} : memref<128x128xf32, #tpu.memory_space<vmem>>, vector<1x16xf32>,
      %parallel_loop3A_520 = vector.shape_cast %parallel_loop3A_519 : vector<1x16xf32> to vector<16xf32>
      %parallel_loop3A_521 = vector.shape_cast %parallel_loop3A_516 : vector<16xf32> to vector<1x16xf32>
      tpu.vector_store %arg8[%parallel_loop3A_517, %parallel_loop3A_518], %parallel_loop3A_521 {strides = array<i32>} : memref<128x128xf32, #tpu.memory_space<vmem>>, vector<1x16xf32>,
    } {sc.loop_unroll_factor = 4 : i64, sc.parallel_access}
    %add3A_85 = arith.constant 2 : i32
    %add3A_86 = arith.addi %mul3A_2, %add3A_85 : i32
    %mul3A_87 = arith.constant 128 : i32
    %mul3A_88 = arith.muli %add3A_86, %mul3A_87 : i32
    %dma_start3A_89 = arith.constant 0 : i32
    %dma_start3A_90 = tpu.memref_slice %arg4[%mul3A_88, %dma_start3A_89] : memref<819200x128xf32, #tpu.memory_space<hbm>> -> memref<128x128xf32, #tpu.memory_space<hbm>>
    %dma_start3A_91 = arith.constant 0 : i32
    %dma_start3A_92 = tpu.memref_slice %arg4[%mul3A_88, %dma_start3A_91] : memref<819200x128xf32, #tpu.memory_space<hbm>> -> memref<128x128xf32, #tpu.memory_space<hbm>>
    tpu.enqueue_dma source(%arg8 : memref<128x128xf32, #tpu.memory_space<vmem>>) target(%dma_start3A_92 : memref<128x128xf32, #tpu.memory_space<hbm>>) target_semaphore(%arg20 : memref<!tpu.dma_semaphore, #tpu.memory_space<semaphore_mem>>)
    %dma_wait3A_93 = arith.constant 0 : i32
    %dma_wait3A_94 = arith.constant 0 : i32
    %dma_wait3A_95 = tpu.memref_slice %arg2[%dma_wait3A_93, %dma_wait3A_94] : memref<100000x128xf32, #tpu.memory_space<hbm>> -> memref<128x128xf32, #tpu.memory_space<hbm>>
    %dma_wait3A_96 = arith.constant 0 : i32
    %dma_wait3A_97 = arith.constant 0 : i32
    %dma_wait3A_98 = tpu.memref_slice %arg2[%dma_wait3A_96, %dma_wait3A_97] : memref<100000x128xf32, #tpu.memory_space<hbm>> -> memref<128x128xf32, #tpu.memory_space<hbm>>
    tpu.wait_dma2 semaphore(%arg15 : memref<!tpu.dma_semaphore, #tpu.memory_space<semaphore_mem>>) src(%dma_wait3A_98 : memref<128x128xf32, #tpu.memory_space<hbm>>) dst(%arg9 : memref<128x128xf32, #tpu.memory_space<vmem>>)
    %dma_wait3A_99 = arith.constant 0 : i32
    %dma_wait3A_100 = arith.constant 0 : i32
    %dma_wait3A_101 = tpu.memref_slice %arg4[%dma_wait3A_99, %dma_wait3A_100] : memref<819200x128xf32, #tpu.memory_space<hbm>> -> memref<128x128xf32, #tpu.memory_space<hbm>>
    %dma_wait3A_102 = arith.constant 0 : i32
    %dma_wait3A_103 = arith.constant 0 : i32
    %dma_wait3A_104 = tpu.memref_slice %arg4[%dma_wait3A_102, %dma_wait3A_103] : memref<819200x128xf32, #tpu.memory_space<hbm>> -> memref<128x128xf32, #tpu.memory_space<hbm>>
    tpu.wait_dma2 semaphore(%arg18 : memref<!tpu.dma_semaphore, #tpu.memory_space<semaphore_mem>>) src(%arg6 : memref<128x128xf32, #tpu.memory_space<vmem>>) dst(%dma_wait3A_104 : memref<128x128xf32, #tpu.memory_space<hbm>>)
    %dma_start3A_105 = arith.constant 6 : i32
    %dma_start3A_106 = arith.constant 0 : i32
    %dma_start3A_107 = tpu.memref_slice %arg5[%dma_start3A_105, %dma_start3A_106] : memref<200x128xi32, #tpu.memory_space<vmem>> -> memref<1x128xi32, #tpu.memory_space<vmem>>
    %dma_start3A_108 = tpu.memref_squeeze %dma_start3A_107 : memref<1x128xi32, #tpu.memory_space<vmem>> -> memref<128xi32, #tpu.memory_space<vmem>>
    %dma_start3A_109 = arith.constant 0 : i32
    %dma_start3A_110 = arith.constant 0 : i32
    %dma_start3A_111 = tpu.memref_slice %arg2[%dma_start3A_109, %dma_start3A_110] : memref<100000x128xf32, #tpu.memory_space<hbm>> -> memref<100000x128xf32, #tpu.memory_space<hbm>>
    tpu.enqueue_indirect_dma source(%dma_start3A_111 : memref<100000x128xf32, #tpu.memory_space<hbm>>) target(%arg6 : memref<128x128xf32, #tpu.memory_space<vmem>>) offsets(%dma_start3A_108 : memref<128xi32, #tpu.memory_space<vmem>>) semaphore(%arg12 : memref<!tpu.dma_semaphore, #tpu.memory_space<semaphore_mem>>)
    %parallel_loop3A_112 = arith.constant 0 : i32
    %parallel_loop3A_113 = arith.constant 128 : i32
    %parallel_loop3A_114 = arith.constant 1 : i32
    scf.for %parallel_loop3A_425 = %parallel_loop3A_112 to %parallel_loop3A_113 step %parallel_loop3A_114  : i32 {
      %parallel_loop3A_426 = arith.index_cast %parallel_loop3A_425 : i32 to index
      %parallel_loop3A_427 = arith.constant 0 : index
      %parallel_loop3A_428 = tpu.vector_load %arg9[%parallel_loop3A_426, %parallel_loop3A_427] {strides = array<i32>} : memref<128x128xf32, #tpu.memory_space<vmem>>, vector<1x16xf32>,
      %parallel_loop3A_429 = vector.shape_cast %parallel_loop3A_428 : vector<1x16xf32> to vector<16xf32>
      %parallel_loop3A_430 = arith.constant 11.3137083 : f32
      %parallel_loop3A_431 = vector.broadcast %parallel_loop3A_430 : f32 to vector<16xf32>
      %parallel_loop3A_432 = arith.mulf %parallel_loop3A_429, %parallel_loop3A_431 : vector<16xf32>
      %parallel_loop3A_433 = arith.index_cast %parallel_loop3A_425 : i32 to index
      %parallel_loop3A_434 = arith.constant 0 : index
      %parallel_loop3A_435 = tpu.vector_load %arg9[%parallel_loop3A_433, %parallel_loop3A_434] {strides = array<i32>} : memref<128x128xf32, #tpu.memory_space<vmem>>, vector<1x16xf32>,
      %parallel_loop3A_436 = vector.shape_cast %parallel_loop3A_435 : vector<1x16xf32> to vector<16xf32>
      %parallel_loop3A_437 = vector.shape_cast %parallel_loop3A_432 : vector<16xf32> to vector<1x16xf32>
      tpu.vector_store %arg9[%parallel_loop3A_433, %parallel_loop3A_434], %parallel_loop3A_437 {strides = array<i32>} : memref<128x128xf32, #tpu.memory_space<vmem>>, vector<1x16xf32>,
      %parallel_loop3A_438 = arith.index_cast %parallel_loop3A_425 : i32 to index
      %parallel_loop3A_439 = arith.constant 16 : index
      %parallel_loop3A_440 = tpu.vector_load %arg9[%parallel_loop3A_438, %parallel_loop3A_439] {strides = array<i32>} : memref<128x128xf32, #tpu.memory_space<vmem>>, vector<1x16xf32>,
      %parallel_loop3A_441 = vector.shape_cast %parallel_loop3A_440 : vector<1x16xf32> to vector<16xf32>
      %parallel_loop3A_442 = arith.constant 11.3137083 : f32
      %parallel_loop3A_443 = vector.broadcast %parallel_loop3A_442 : f32 to vector<16xf32>
      %parallel_loop3A_444 = arith.mulf %parallel_loop3A_441, %parallel_loop3A_443 : vector<16xf32>
      %parallel_loop3A_445 = arith.index_cast %parallel_loop3A_425 : i32 to index
      %parallel_loop3A_446 = arith.constant 16 : index
      %parallel_loop3A_447 = tpu.vector_load %arg9[%parallel_loop3A_445, %parallel_loop3A_446] {strides = array<i32>} : memref<128x128xf32, #tpu.memory_space<vmem>>, vector<1x16xf32>,
      %parallel_loop3A_448 = vector.shape_cast %parallel_loop3A_447 : vector<1x16xf32> to vector<16xf32>
      %parallel_loop3A_449 = vector.shape_cast %parallel_loop3A_444 : vector<16xf32> to vector<1x16xf32>
      tpu.vector_store %arg9[%parallel_loop3A_445, %parallel_loop3A_446], %parallel_loop3A_449 {strides = array<i32>} : memref<128x128xf32, #tpu.memory_space<vmem>>, vector<1x16xf32>,
      %parallel_loop3A_450 = arith.index_cast %parallel_loop3A_425 : i32 to index
      %parallel_loop3A_451 = arith.constant 32 : index
      %parallel_loop3A_452 = tpu.vector_load %arg9[%parallel_loop3A_450, %parallel_loop3A_451] {strides = array<i32>} : memref<128x128xf32, #tpu.memory_space<vmem>>, vector<1x16xf32>,
      %parallel_loop3A_453 = vector.shape_cast %parallel_loop3A_452 : vector<1x16xf32> to vector<16xf32>
      %parallel_loop3A_454 = arith.constant 11.3137083 : f32
      %parallel_loop3A_455 = vector.broadcast %parallel_loop3A_454 : f32 to vector<16xf32>
      %parallel_loop3A_456 = arith.mulf %parallel_loop3A_453, %parallel_loop3A_455 : vector<16xf32>
      %parallel_loop3A_457 = arith.index_cast %parallel_loop3A_425 : i32 to index
      %parallel_loop3A_458 = arith.constant 32 : index
      %parallel_loop3A_459 = tpu.vector_load %arg9[%parallel_loop3A_457, %parallel_loop3A_458] {strides = array<i32>} : memref<128x128xf32, #tpu.memory_space<vmem>>, vector<1x16xf32>,
      %parallel_loop3A_460 = vector.shape_cast %parallel_loop3A_459 : vector<1x16xf32> to vector<16xf32>
      %parallel_loop3A_461 = vector.shape_cast %parallel_loop3A_456 : vector<16xf32> to vector<1x16xf32>
      tpu.vector_store %arg9[%parallel_loop3A_457, %parallel_loop3A_458], %parallel_loop3A_461 {strides = array<i32>} : memref<128x128xf32, #tpu.memory_space<vmem>>, vector<1x16xf32>,
      %parallel_loop3A_462 = arith.index_cast %parallel_loop3A_425 : i32 to index
      %parallel_loop3A_463 = arith.constant 48 : index
      %parallel_loop3A_464 = tpu.vector_load %arg9[%parallel_loop3A_462, %parallel_loop3A_463] {strides = array<i32>} : memref<128x128xf32, #tpu.memory_space<vmem>>, vector<1x16xf32>,
      %parallel_loop3A_465 = vector.shape_cast %parallel_loop3A_464 : vector<1x16xf32> to vector<16xf32>
      %parallel_loop3A_466 = arith.constant 11.3137083 : f32
      %parallel_loop3A_467 = vector.broadcast %parallel_loop3A_466 : f32 to vector<16xf32>
      %parallel_loop3A_468 = arith.mulf %parallel_loop3A_465, %parallel_loop3A_467 : vector<16xf32>
      %parallel_loop3A_469 = arith.index_cast %parallel_loop3A_425 : i32 to index
      %parallel_loop3A_470 = arith.constant 48 : index
      %parallel_loop3A_471 = tpu.vector_load %arg9[%parallel_loop3A_469, %parallel_loop3A_470] {strides = array<i32>} : memref<128x128xf32, #tpu.memory_space<vmem>>, vector<1x16xf32>,
      %parallel_loop3A_472 = vector.shape_cast %parallel_loop3A_471 : vector<1x16xf32> to vector<16xf32>
      %parallel_loop3A_473 = vector.shape_cast %parallel_loop3A_468 : vector<16xf32> to vector<1x16xf32>
      tpu.vector_store %arg9[%parallel_loop3A_469, %parallel_loop3A_470], %parallel_loop3A_473 {strides = array<i32>} : memref<128x128xf32, #tpu.memory_space<vmem>>, vector<1x16xf32>,
      %parallel_loop3A_474 = arith.index_cast %parallel_loop3A_425 : i32 to index
      %parallel_loop3A_475 = arith.constant 64 : index
      %parallel_loop3A_476 = tpu.vector_load %arg9[%parallel_loop3A_474, %parallel_loop3A_475] {strides = array<i32>} : memref<128x128xf32, #tpu.memory_space<vmem>>, vector<1x16xf32>,
      %parallel_loop3A_477 = vector.shape_cast %parallel_loop3A_476 : vector<1x16xf32> to vector<16xf32>
      %parallel_loop3A_478 = arith.constant 11.3137083 : f32
      %parallel_loop3A_479 = vector.broadcast %parallel_loop3A_478 : f32 to vector<16xf32>
      %parallel_loop3A_480 = arith.mulf %parallel_loop3A_477, %parallel_loop3A_479 : vector<16xf32>
      %parallel_loop3A_481 = arith.index_cast %parallel_loop3A_425 : i32 to index
      %parallel_loop3A_482 = arith.constant 64 : index
      %parallel_loop3A_483 = tpu.vector_load %arg9[%parallel_loop3A_481, %parallel_loop3A_482] {strides = array<i32>} : memref<128x128xf32, #tpu.memory_space<vmem>>, vector<1x16xf32>,
      %parallel_loop3A_484 = vector.shape_cast %parallel_loop3A_483 : vector<1x16xf32> to vector<16xf32>
      %parallel_loop3A_485 = vector.shape_cast %parallel_loop3A_480 : vector<16xf32> to vector<1x16xf32>
      tpu.vector_store %arg9[%parallel_loop3A_481, %parallel_loop3A_482], %parallel_loop3A_485 {strides = array<i32>} : memref<128x128xf32, #tpu.memory_space<vmem>>, vector<1x16xf32>,
      %parallel_loop3A_486 = arith.index_cast %parallel_loop3A_425 : i32 to index
      %parallel_loop3A_487 = arith.constant 80 : index
      %parallel_loop3A_488 = tpu.vector_load %arg9[%parallel_loop3A_486, %parallel_loop3A_487] {strides = array<i32>} : memref<128x128xf32, #tpu.memory_space<vmem>>, vector<1x16xf32>,
      %parallel_loop3A_489 = vector.shape_cast %parallel_loop3A_488 : vector<1x16xf32> to vector<16xf32>
      %parallel_loop3A_490 = arith.constant 11.3137083 : f32
      %parallel_loop3A_491 = vector.broadcast %parallel_loop3A_490 : f32 to vector<16xf32>
      %parallel_loop3A_492 = arith.mulf %parallel_loop3A_489, %parallel_loop3A_491 : vector<16xf32>
      %parallel_loop3A_493 = arith.index_cast %parallel_loop3A_425 : i32 to index
      %parallel_loop3A_494 = arith.constant 80 : index
      %parallel_loop3A_495 = tpu.vector_load %arg9[%parallel_loop3A_493, %parallel_loop3A_494] {strides = array<i32>} : memref<128x128xf32, #tpu.memory_space<vmem>>, vector<1x16xf32>,
      %parallel_loop3A_496 = vector.shape_cast %parallel_loop3A_495 : vector<1x16xf32> to vector<16xf32>
      %parallel_loop3A_497 = vector.shape_cast %parallel_loop3A_492 : vector<16xf32> to vector<1x16xf32>
      tpu.vector_store %arg9[%parallel_loop3A_493, %parallel_loop3A_494], %parallel_loop3A_497 {strides = array<i32>} : memref<128x128xf32, #tpu.memory_space<vmem>>, vector<1x16xf32>,
      %parallel_loop3A_498 = arith.index_cast %parallel_loop3A_425 : i32 to index
      %parallel_loop3A_499 = arith.constant 96 : index
      %parallel_loop3A_500 = tpu.vector_load %arg9[%parallel_loop3A_498, %parallel_loop3A_499] {strides = array<i32>} : memref<128x128xf32, #tpu.memory_space<vmem>>, vector<1x16xf32>,
      %parallel_loop3A_501 = vector.shape_cast %parallel_loop3A_500 : vector<1x16xf32> to vector<16xf32>
      %parallel_loop3A_502 = arith.constant 11.3137083 : f32
      %parallel_loop3A_503 = vector.broadcast %parallel_loop3A_502 : f32 to vector<16xf32>
      %parallel_loop3A_504 = arith.mulf %parallel_loop3A_501, %parallel_loop3A_503 : vector<16xf32>
      %parallel_loop3A_505 = arith.index_cast %parallel_loop3A_425 : i32 to index
      %parallel_loop3A_506 = arith.constant 96 : index
      %parallel_loop3A_507 = tpu.vector_load %arg9[%parallel_loop3A_505, %parallel_loop3A_506] {strides = array<i32>} : memref<128x128xf32, #tpu.memory_space<vmem>>, vector<1x16xf32>,
      %parallel_loop3A_508 = vector.shape_cast %parallel_loop3A_507 : vector<1x16xf32> to vector<16xf32>
      %parallel_loop3A_509 = vector.shape_cast %parallel_loop3A_504 : vector<16xf32> to vector<1x16xf32>
      tpu.vector_store %arg9[%parallel_loop3A_505, %parallel_loop3A_506], %parallel_loop3A_509 {strides = array<i32>} : memref<128x128xf32, #tpu.memory_space<vmem>>, vector<1x16xf32>,
      %parallel_loop3A_510 = arith.index_cast %parallel_loop3A_425 : i32 to index
      %parallel_loop3A_511 = arith.constant 112 : index
      %parallel_loop3A_512 = tpu.vector_load %arg9[%parallel_loop3A_510, %parallel_loop3A_511] {strides = array<i32>} : memref<128x128xf32, #tpu.memory_space<vmem>>, vector<1x16xf32>,
      %parallel_loop3A_513 = vector.shape_cast %parallel_loop3A_512 : vector<1x16xf32> to vector<16xf32>
      %parallel_loop3A_514 = arith.constant 11.3137083 : f32
      %parallel_loop3A_515 = vector.broadcast %parallel_loop3A_514 : f32 to vector<16xf32>
      %parallel_loop3A_516 = arith.mulf %parallel_loop3A_513, %parallel_loop3A_515 : vector<16xf32>
      %parallel_loop3A_517 = arith.index_cast %parallel_loop3A_425 : i32 to index
      %parallel_loop3A_518 = arith.constant 112 : index
      %parallel_loop3A_519 = tpu.vector_load %arg9[%parallel_loop3A_517, %parallel_loop3A_518] {strides = array<i32>} : memref<128x128xf32, #tpu.memory_space<vmem>>, vector<1x16xf32>,
      %parallel_loop3A_520 = vector.shape_cast %parallel_loop3A_519 : vector<1x16xf32> to vector<16xf32>
      %parallel_loop3A_521 = vector.shape_cast %parallel_loop3A_516 : vector<16xf32> to vector<1x16xf32>
      tpu.vector_store %arg9[%parallel_loop3A_517, %parallel_loop3A_518], %parallel_loop3A_521 {strides = array<i32>} : memref<128x128xf32, #tpu.memory_space<vmem>>, vector<1x16xf32>,
    } {sc.loop_unroll_factor = 4 : i64, sc.parallel_access}
    %add3A_115 = arith.constant 3 : i32
    %add3A_116 = arith.addi %mul3A_2, %add3A_115 : i32
    %mul3A_117 = arith.constant 128 : i32
    %mul3A_118 = arith.muli %add3A_116, %mul3A_117 : i32
    %dma_start3A_119 = arith.constant 0 : i32
    %dma_start3A_120 = tpu.memref_slice %arg4[%mul3A_118, %dma_start3A_119] : memref<819200x128xf32, #tpu.memory_space<hbm>> -> memref<128x128xf32, #tpu.memory_space<hbm>>
    %dma_start3A_121 = arith.constant 0 : i32
    %dma_start3A_122 = tpu.memref_slice %arg4[%mul3A_118, %dma_start3A_121] : memref<819200x128xf32, #tpu.memory_space<hbm>> -> memref<128x128xf32, #tpu.memory_space<hbm>>
    tpu.enqueue_dma source(%arg9 : memref<128x128xf32, #tpu.memory_space<vmem>>) target(%dma_start3A_122 : memref<128x128xf32, #tpu.memory_space<hbm>>) target_semaphore(%arg21 : memref<!tpu.dma_semaphore, #tpu.memory_space<semaphore_mem>>)
    %dma_wait3A_123 = arith.constant 0 : i32
    %dma_wait3A_124 = arith.constant 0 : i32
    %dma_wait3A_125 = tpu.memref_slice %arg2[%dma_wait3A_123, %dma_wait3A_124] : memref<100000x128xf32, #tpu.memory_space<hbm>> -> memref<128x128xf32, #tpu.memory_space<hbm>>
    %dma_wait3A_126 = arith.constant 0 : i32
    %dma_wait3A_127 = arith.constant 0 : i32
    %dma_wait3A_128 = tpu.memref_slice %arg2[%dma_wait3A_126, %dma_wait3A_127] : memref<100000x128xf32, #tpu.memory_space<hbm>> -> memref<128x128xf32, #tpu.memory_space<hbm>>
    tpu.wait_dma2 semaphore(%arg16 : memref<!tpu.dma_semaphore, #tpu.memory_space<semaphore_mem>>) src(%dma_wait3A_128 : memref<128x128xf32, #tpu.memory_space<hbm>>) dst(%arg10 : memref<128x128xf32, #tpu.memory_space<vmem>>)
    %dma_wait3A_129 = arith.constant 0 : i32
    %dma_wait3A_130 = arith.constant 0 : i32
    %dma_wait3A_131 = tpu.memref_slice %arg4[%dma_wait3A_129, %dma_wait3A_130] : memref<819200x128xf32, #tpu.memory_space<hbm>> -> memref<128x128xf32, #tpu.memory_space<hbm>>
    %dma_wait3A_132 = arith.constant 0 : i32
    %dma_wait3A_133 = arith.constant 0 : i32
    %dma_wait3A_134 = tpu.memref_slice %arg4[%dma_wait3A_132, %dma_wait3A_133] : memref<819200x128xf32, #tpu.memory_space<hbm>> -> memref<128x128xf32, #tpu.memory_space<hbm>>
    tpu.wait_dma2 semaphore(%arg19 : memref<!tpu.dma_semaphore, #tpu.memory_space<semaphore_mem>>) src(%arg7 : memref<128x128xf32, #tpu.memory_space<vmem>>) dst(%dma_wait3A_134 : memref<128x128xf32, #tpu.memory_space<hbm>>)
    %dma_start3A_135 = arith.constant 7 : i32
    %dma_start3A_136 = arith.constant 0 : i32
    %dma_start3A_137 = tpu.memref_slice %arg5[%dma_start3A_135, %dma_start3A_136] : memref<200x128xi32, #tpu.memory_space<vmem>> -> memref<1x128xi32, #tpu.memory_space<vmem>>
    %dma_start3A_138 = tpu.memref_squeeze %dma_start3A_137 : memref<1x128xi32, #tpu.memory_space<vmem>> -> memref<128xi32, #tpu.memory_space<vmem>>
    %dma_start3A_139 = arith.constant 0 : i32
    %dma_start3A_140 = arith.constant 0 : i32
    %dma_start3A_141 = tpu.memref_slice %arg2[%dma_start3A_139, %dma_start3A_140] : memref<100000x128xf32, #tpu.memory_space<hbm>> -> memref<100000x128xf32, #tpu.memory_space<hbm>>
    tpu.enqueue_indirect_dma source(%dma_start3A_141 : memref<100000x128xf32, #tpu.memory_space<hbm>>) target(%arg7 : memref<128x128xf32, #tpu.memory_space<vmem>>) offsets(%dma_start3A_138 : memref<128xi32, #tpu.memory_space<vmem>>) semaphore(%arg13 : memref<!tpu.dma_semaphore, #tpu.memory_space<semaphore_mem>>)
    %parallel_loop3A_142 = arith.constant 0 : i32
    %parallel_loop3A_143 = arith.constant 128 : i32
    %parallel_loop3A_144 = arith.constant 1 : i32
    scf.for %parallel_loop3A_425 = %parallel_loop3A_142 to %parallel_loop3A_143 step %parallel_loop3A_144  : i32 {
      %parallel_loop3A_426 = arith.index_cast %parallel_loop3A_425 : i32 to index
      %parallel_loop3A_427 = arith.constant 0 : index
      %parallel_loop3A_428 = tpu.vector_load %arg10[%parallel_loop3A_426, %parallel_loop3A_427] {strides = array<i32>} : memref<128x128xf32, #tpu.memory_space<vmem>>, vector<1x16xf32>,
      %parallel_loop3A_429 = vector.shape_cast %parallel_loop3A_428 : vector<1x16xf32> to vector<16xf32>
      %parallel_loop3A_430 = arith.constant 11.3137083 : f32
      %parallel_loop3A_431 = vector.broadcast %parallel_loop3A_430 : f32 to vector<16xf32>
      %parallel_loop3A_432 = arith.mulf %parallel_loop3A_429, %parallel_loop3A_431 : vector<16xf32>
      %parallel_loop3A_433 = arith.index_cast %parallel_loop3A_425 : i32 to index
      %parallel_loop3A_434 = arith.constant 0 : index
      %parallel_loop3A_435 = tpu.vector_load %arg10[%parallel_loop3A_433, %parallel_loop3A_434] {strides = array<i32>} : memref<128x128xf32, #tpu.memory_space<vmem>>, vector<1x16xf32>,
      %parallel_loop3A_436 = vector.shape_cast %parallel_loop3A_435 : vector<1x16xf32> to vector<16xf32>
      %parallel_loop3A_437 = vector.shape_cast %parallel_loop3A_432 : vector<16xf32> to vector<1x16xf32>
      tpu.vector_store %arg10[%parallel_loop3A_433, %parallel_loop3A_434], %parallel_loop3A_437 {strides = array<i32>} : memref<128x128xf32, #tpu.memory_space<vmem>>, vector<1x16xf32>,
      %parallel_loop3A_438 = arith.index_cast %parallel_loop3A_425 : i32 to index
      %parallel_loop3A_439 = arith.constant 16 : index
      %parallel_loop3A_440 = tpu.vector_load %arg10[%parallel_loop3A_438, %parallel_loop3A_439] {strides = array<i32>} : memref<128x128xf32, #tpu.memory_space<vmem>>, vector<1x16xf32>,
      %parallel_loop3A_441 = vector.shape_cast %parallel_loop3A_440 : vector<1x16xf32> to vector<16xf32>
      %parallel_loop3A_442 = arith.constant 11.3137083 : f32
      %parallel_loop3A_443 = vector.broadcast %parallel_loop3A_442 : f32 to vector<16xf32>
      %parallel_loop3A_444 = arith.mulf %parallel_loop3A_441, %parallel_loop3A_443 : vector<16xf32>
      %parallel_loop3A_445 = arith.index_cast %parallel_loop3A_425 : i32 to index
      %parallel_loop3A_446 = arith.constant 16 : index
      %parallel_loop3A_447 = tpu.vector_load %arg10[%parallel_loop3A_445, %parallel_loop3A_446] {strides = array<i32>} : memref<128x128xf32, #tpu.memory_space<vmem>>, vector<1x16xf32>,
      %parallel_loop3A_448 = vector.shape_cast %parallel_loop3A_447 : vector<1x16xf32> to vector<16xf32>
      %parallel_loop3A_449 = vector.shape_cast %parallel_loop3A_444 : vector<16xf32> to vector<1x16xf32>
      tpu.vector_store %arg10[%parallel_loop3A_445, %parallel_loop3A_446], %parallel_loop3A_449 {strides = array<i32>} : memref<128x128xf32, #tpu.memory_space<vmem>>, vector<1x16xf32>,
      %parallel_loop3A_450 = arith.index_cast %parallel_loop3A_425 : i32 to index
      %parallel_loop3A_451 = arith.constant 32 : index
      %parallel_loop3A_452 = tpu.vector_load %arg10[%parallel_loop3A_450, %parallel_loop3A_451] {strides = array<i32>} : memref<128x128xf32, #tpu.memory_space<vmem>>, vector<1x16xf32>,
      %parallel_loop3A_453 = vector.shape_cast %parallel_loop3A_452 : vector<1x16xf32> to vector<16xf32>
      %parallel_loop3A_454 = arith.constant 11.3137083 : f32
      %parallel_loop3A_455 = vector.broadcast %parallel_loop3A_454 : f32 to vector<16xf32>
      %parallel_loop3A_456 = arith.mulf %parallel_loop3A_453, %parallel_loop3A_455 : vector<16xf32>
      %parallel_loop3A_457 = arith.index_cast %parallel_loop3A_425 : i32 to index
      %parallel_loop3A_458 = arith.constant 32 : index
      %parallel_loop3A_459 = tpu.vector_load %arg10[%parallel_loop3A_457, %parallel_loop3A_458] {strides = array<i32>} : memref<128x128xf32, #tpu.memory_space<vmem>>, vector<1x16xf32>,
      %parallel_loop3A_460 = vector.shape_cast %parallel_loop3A_459 : vector<1x16xf32> to vector<16xf32>
      %parallel_loop3A_461 = vector.shape_cast %parallel_loop3A_456 : vector<16xf32> to vector<1x16xf32>
      tpu.vector_store %arg10[%parallel_loop3A_457, %parallel_loop3A_458], %parallel_loop3A_461 {strides = array<i32>} : memref<128x128xf32, #tpu.memory_space<vmem>>, vector<1x16xf32>,
      %parallel_loop3A_462 = arith.index_cast %parallel_loop3A_425 : i32 to index
      %parallel_loop3A_463 = arith.constant 48 : index
      %parallel_loop3A_464 = tpu.vector_load %arg10[%parallel_loop3A_462, %parallel_loop3A_463] {strides = array<i32>} : memref<128x128xf32, #tpu.memory_space<vmem>>, vector<1x16xf32>,
      %parallel_loop3A_465 = vector.shape_cast %parallel_loop3A_464 : vector<1x16xf32> to vector<16xf32>
      %parallel_loop3A_466 = arith.constant 11.3137083 : f32
      %parallel_loop3A_467 = vector.broadcast %parallel_loop3A_466 : f32 to vector<16xf32>
      %parallel_loop3A_468 = arith.mulf %parallel_loop3A_465, %parallel_loop3A_467 : vector<16xf32>
      %parallel_loop3A_469 = arith.index_cast %parallel_loop3A_425 : i32 to index
      %parallel_loop3A_470 = arith.constant 48 : index
      %parallel_loop3A_471 = tpu.vector_load %arg10[%parallel_loop3A_469, %parallel_loop3A_470] {strides = array<i32>} : memref<128x128xf32, #tpu.memory_space<vmem>>, vector<1x16xf32>,
      %parallel_loop3A_472 = vector.shape_cast %parallel_loop3A_471 : vector<1x16xf32> to vector<16xf32>
      %parallel_loop3A_473 = vector.shape_cast %parallel_loop3A_468 : vector<16xf32> to vector<1x16xf32>
      tpu.vector_store %arg10[%parallel_loop3A_469, %parallel_loop3A_470], %parallel_loop3A_473 {strides = array<i32>} : memref<128x128xf32, #tpu.memory_space<vmem>>, vector<1x16xf32>,
      %parallel_loop3A_474 = arith.index_cast %parallel_loop3A_425 : i32 to index
      %parallel_loop3A_475 = arith.constant 64 : index
      %parallel_loop3A_476 = tpu.vector_load %arg10[%parallel_loop3A_474, %parallel_loop3A_475] {strides = array<i32>} : memref<128x128xf32, #tpu.memory_space<vmem>>, vector<1x16xf32>,
      %parallel_loop3A_477 = vector.shape_cast %parallel_loop3A_476 : vector<1x16xf32> to vector<16xf32>
      %parallel_loop3A_478 = arith.constant 11.3137083 : f32
      %parallel_loop3A_479 = vector.broadcast %parallel_loop3A_478 : f32 to vector<16xf32>
      %parallel_loop3A_480 = arith.mulf %parallel_loop3A_477, %parallel_loop3A_479 : vector<16xf32>
      %parallel_loop3A_481 = arith.index_cast %parallel_loop3A_425 : i32 to index
      %parallel_loop3A_482 = arith.constant 64 : index
      %parallel_loop3A_483 = tpu.vector_load %arg10[%parallel_loop3A_481, %parallel_loop3A_482] {strides = array<i32>} : memref<128x128xf32, #tpu.memory_space<vmem>>, vector<1x16xf32>,
      %parallel_loop3A_484 = vector.shape_cast %parallel_loop3A_483 : vector<1x16xf32> to vector<16xf32>
      %parallel_loop3A_485 = vector.shape_cast %parallel_loop3A_480 : vector<16xf32> to vector<1x16xf32>
      tpu.vector_store %arg10[%parallel_loop3A_481, %parallel_loop3A_482], %parallel_loop3A_485 {strides = array<i32>} : memref<128x128xf32, #tpu.memory_space<vmem>>, vector<1x16xf32>,
      %parallel_loop3A_486 = arith.index_cast %parallel_loop3A_425 : i32 to index
      %parallel_loop3A_487 = arith.constant 80 : index
      %parallel_loop3A_488 = tpu.vector_load %arg10[%parallel_loop3A_486, %parallel_loop3A_487] {strides = array<i32>} : memref<128x128xf32, #tpu.memory_space<vmem>>, vector<1x16xf32>,
      %parallel_loop3A_489 = vector.shape_cast %parallel_loop3A_488 : vector<1x16xf32> to vector<16xf32>
      %parallel_loop3A_490 = arith.constant 11.3137083 : f32
      %parallel_loop3A_491 = vector.broadcast %parallel_loop3A_490 : f32 to vector<16xf32>
      %parallel_loop3A_492 = arith.mulf %parallel_loop3A_489, %parallel_loop3A_491 : vector<16xf32>
      %parallel_loop3A_493 = arith.index_cast %parallel_loop3A_425 : i32 to index
      %parallel_loop3A_494 = arith.constant 80 : index
      %parallel_loop3A_495 = tpu.vector_load %arg10[%parallel_loop3A_493, %parallel_loop3A_494] {strides = array<i32>} : memref<128x128xf32, #tpu.memory_space<vmem>>, vector<1x16xf32>,
      %parallel_loop3A_496 = vector.shape_cast %parallel_loop3A_495 : vector<1x16xf32> to vector<16xf32>
      %parallel_loop3A_497 = vector.shape_cast %parallel_loop3A_492 : vector<16xf32> to vector<1x16xf32>
      tpu.vector_store %arg10[%parallel_loop3A_493, %parallel_loop3A_494], %parallel_loop3A_497 {strides = array<i32>} : memref<128x128xf32, #tpu.memory_space<vmem>>, vector<1x16xf32>,
      %parallel_loop3A_498 = arith.index_cast %parallel_loop3A_425 : i32 to index
      %parallel_loop3A_499 = arith.constant 96 : index
      %parallel_loop3A_500 = tpu.vector_load %arg10[%parallel_loop3A_498, %parallel_loop3A_499] {strides = array<i32>} : memref<128x128xf32, #tpu.memory_space<vmem>>, vector<1x16xf32>,
      %parallel_loop3A_501 = vector.shape_cast %parallel_loop3A_500 : vector<1x16xf32> to vector<16xf32>
      %parallel_loop3A_502 = arith.constant 11.3137083 : f32
      %parallel_loop3A_503 = vector.broadcast %parallel_loop3A_502 : f32 to vector<16xf32>
      %parallel_loop3A_504 = arith.mulf %parallel_loop3A_501, %parallel_loop3A_503 : vector<16xf32>
      %parallel_loop3A_505 = arith.index_cast %parallel_loop3A_425 : i32 to index
      %parallel_loop3A_506 = arith.constant 96 : index
      %parallel_loop3A_507 = tpu.vector_load %arg10[%parallel_loop3A_505, %parallel_loop3A_506] {strides = array<i32>} : memref<128x128xf32, #tpu.memory_space<vmem>>, vector<1x16xf32>,
      %parallel_loop3A_508 = vector.shape_cast %parallel_loop3A_507 : vector<1x16xf32> to vector<16xf32>
      %parallel_loop3A_509 = vector.shape_cast %parallel_loop3A_504 : vector<16xf32> to vector<1x16xf32>
      tpu.vector_store %arg10[%parallel_loop3A_505, %parallel_loop3A_506], %parallel_loop3A_509 {strides = array<i32>} : memref<128x128xf32, #tpu.memory_space<vmem>>, vector<1x16xf32>,
      %parallel_loop3A_510 = arith.index_cast %parallel_loop3A_425 : i32 to index
      %parallel_loop3A_511 = arith.constant 112 : index
      %parallel_loop3A_512 = tpu.vector_load %arg10[%parallel_loop3A_510, %parallel_loop3A_511] {strides = array<i32>} : memref<128x128xf32, #tpu.memory_space<vmem>>, vector<1x16xf32>,
      %parallel_loop3A_513 = vector.shape_cast %parallel_loop3A_512 : vector<1x16xf32> to vector<16xf32>
      %parallel_loop3A_514 = arith.constant 11.3137083 : f32
      %parallel_loop3A_515 = vector.broadcast %parallel_loop3A_514 : f32 to vector<16xf32>
      %parallel_loop3A_516 = arith.mulf %parallel_loop3A_513, %parallel_loop3A_515 : vector<16xf32>
      %parallel_loop3A_517 = arith.index_cast %parallel_loop3A_425 : i32 to index
      %parallel_loop3A_518 = arith.constant 112 : index
      %parallel_loop3A_519 = tpu.vector_load %arg10[%parallel_loop3A_517, %parallel_loop3A_518] {strides = array<i32>} : memref<128x128xf32, #tpu.memory_space<vmem>>, vector<1x16xf32>,
      %parallel_loop3A_520 = vector.shape_cast %parallel_loop3A_519 : vector<1x16xf32> to vector<16xf32>
      %parallel_loop3A_521 = vector.shape_cast %parallel_loop3A_516 : vector<16xf32> to vector<1x16xf32>
      tpu.vector_store %arg10[%parallel_loop3A_517, %parallel_loop3A_518], %parallel_loop3A_521 {strides = array<i32>} : memref<128x128xf32, #tpu.memory_space<vmem>>, vector<1x16xf32>,
    } {sc.loop_unroll_factor = 4 : i64, sc.parallel_access}
    %add3A_145 = arith.constant 4 : i32
    %add3A_146 = arith.addi %mul3A_2, %add3A_145 : i32
    %mul3A_147 = arith.constant 128 : i32
    %mul3A_148 = arith.muli %add3A_146, %mul3A_147 : i32
    %dma_start3A_149 = arith.constant 0 : i32
    %dma_start3A_150 = tpu.memref_slice %arg4[%mul3A_148, %dma_start3A_149] : memref<819200x128xf32, #tpu.memory_space<hbm>> -> memref<128x128xf32, #tpu.memory_space<hbm>>
    %dma_start3A_151 = arith.constant 0 : i32
    %dma_start3A_152 = tpu.memref_slice %arg4[%mul3A_148, %dma_start3A_151] : memref<819200x128xf32, #tpu.memory_space<hbm>> -> memref<128x128xf32, #tpu.memory_space<hbm>>
    tpu.enqueue_dma source(%arg10 : memref<128x128xf32, #tpu.memory_space<vmem>>) target(%dma_start3A_152 : memref<128x128xf32, #tpu.memory_space<hbm>>) target_semaphore(%arg22 : memref<!tpu.dma_semaphore, #tpu.memory_space<semaphore_mem>>)
    %dma_wait3A_153 = arith.constant 0 : i32
    %dma_wait3A_154 = arith.constant 0 : i32
    %dma_wait3A_155 = tpu.memref_slice %arg2[%dma_wait3A_153, %dma_wait3A_154] : memref<100000x128xf32, #tpu.memory_space<hbm>> -> memref<128x128xf32, #tpu.memory_space<hbm>>
    %dma_wait3A_156 = arith.constant 0 : i32
    %dma_wait3A_157 = arith.constant 0 : i32
    %dma_wait3A_158 = tpu.memref_slice %arg2[%dma_wait3A_156, %dma_wait3A_157] : memref<100000x128xf32, #tpu.memory_space<hbm>> -> memref<128x128xf32, #tpu.memory_space<hbm>>
    tpu.wait_dma2 semaphore(%arg17 : memref<!tpu.dma_semaphore, #tpu.memory_space<semaphore_mem>>) src(%dma_wait3A_158 : memref<128x128xf32, #tpu.memory_space<hbm>>) dst(%arg11 : memref<128x128xf32, #tpu.memory_space<vmem>>)
    %dma_wait3A_159 = arith.constant 0 : i32
    %dma_wait3A_160 = arith.constant 0 : i32
    %dma_wait3A_161 = tpu.memref_slice %arg4[%dma_wait3A_159, %dma_wait3A_160] : memref<819200x128xf32, #tpu.memory_space<hbm>> -> memref<128x128xf32, #tpu.memory_space<hbm>>
    %dma_wait3A_162 = arith.constant 0 : i32
    %dma_wait3A_163 = arith.constant 0 : i32
    %dma_wait3A_164 = tpu.memref_slice %arg4[%dma_wait3A_162, %dma_wait3A_163] : memref<819200x128xf32, #tpu.memory_space<hbm>> -> memref<128x128xf32, #tpu.memory_space<hbm>>
    tpu.wait_dma2 semaphore(%arg20 : memref<!tpu.dma_semaphore, #tpu.memory_space<semaphore_mem>>) src(%arg8 : memref<128x128xf32, #tpu.memory_space<vmem>>) dst(%dma_wait3A_164 : memref<128x128xf32, #tpu.memory_space<hbm>>)
    %dma_start3A_165 = arith.constant 8 : i32
    %dma_start3A_166 = arith.constant 0 : i32
    %dma_start3A_167 = tpu.memref_slice %arg5[%dma_start3A_165, %dma_start3A_166] : memref<200x128xi32, #tpu.memory_space<vmem>> -> memref<1x128xi32, #tpu.memory_space<vmem>>
    %dma_start3A_168 = tpu.memref_squeeze %dma_start3A_167 : memref<1x128xi32, #tpu.memory_space<vmem>> -> memref<128xi32, #tpu.memory_space<vmem>>
    %dma_start3A_169 = arith.constant 0 : i32
    %dma_start3A_170 = arith.constant 0 : i32
    %dma_start3A_171 = tpu.memref_slice %arg2[%dma_start3A_169, %dma_start3A_170] : memref<100000x128xf32, #tpu.memory_space<hbm>> -> memref<100000x128xf32, #tpu.memory_space<hbm>>
    tpu.enqueue_indirect_dma source(%dma_start3A_171 : memref<100000x128xf32, #tpu.memory_space<hbm>>) target(%arg8 : memref<128x128xf32, #tpu.memory_space<vmem>>) offsets(%dma_start3A_168 : memref<128xi32, #tpu.memory_space<vmem>>) semaphore(%arg14 : memref<!tpu.dma_semaphore, #tpu.memory_space<semaphore_mem>>)
    %parallel_loop3A_172 = arith.constant 0 : i32
    %parallel_loop3A_173 = arith.constant 128 : i32
    %parallel_loop3A_174 = arith.constant 1 : i32
    scf.for %parallel_loop3A_425 = %parallel_loop3A_172 to %parallel_loop3A_173 step %parallel_loop3A_174  : i32 {
      %parallel_loop3A_426 = arith.index_cast %parallel_loop3A_425 : i32 to index
      %parallel_loop3A_427 = arith.constant 0 : index
      %parallel_loop3A_428 = tpu.vector_load %arg11[%parallel_loop3A_426, %parallel_loop3A_427] {strides = array<i32>} : memref<128x128xf32, #tpu.memory_space<vmem>>, vector<1x16xf32>,
      %parallel_loop3A_429 = vector.shape_cast %parallel_loop3A_428 : vector<1x16xf32> to vector<16xf32>
      %parallel_loop3A_430 = arith.constant 11.3137083 : f32
      %parallel_loop3A_431 = vector.broadcast %parallel_loop3A_430 : f32 to vector<16xf32>
      %parallel_loop3A_432 = arith.mulf %parallel_loop3A_429, %parallel_loop3A_431 : vector<16xf32>
      %parallel_loop3A_433 = arith.index_cast %parallel_loop3A_425 : i32 to index
      %parallel_loop3A_434 = arith.constant 0 : index
      %parallel_loop3A_435 = tpu.vector_load %arg11[%parallel_loop3A_433, %parallel_loop3A_434] {strides = array<i32>} : memref<128x128xf32, #tpu.memory_space<vmem>>, vector<1x16xf32>,
      %parallel_loop3A_436 = vector.shape_cast %parallel_loop3A_435 : vector<1x16xf32> to vector<16xf32>
      %parallel_loop3A_437 = vector.shape_cast %parallel_loop3A_432 : vector<16xf32> to vector<1x16xf32>
      tpu.vector_store %arg11[%parallel_loop3A_433, %parallel_loop3A_434], %parallel_loop3A_437 {strides = array<i32>} : memref<128x128xf32, #tpu.memory_space<vmem>>, vector<1x16xf32>,
      %parallel_loop3A_438 = arith.index_cast %parallel_loop3A_425 : i32 to index
      %parallel_loop3A_439 = arith.constant 16 : index
      %parallel_loop3A_440 = tpu.vector_load %arg11[%parallel_loop3A_438, %parallel_loop3A_439] {strides = array<i32>} : memref<128x128xf32, #tpu.memory_space<vmem>>, vector<1x16xf32>,
      %parallel_loop3A_441 = vector.shape_cast %parallel_loop3A_440 : vector<1x16xf32> to vector<16xf32>
      %parallel_loop3A_442 = arith.constant 11.3137083 : f32
      %parallel_loop3A_443 = vector.broadcast %parallel_loop3A_442 : f32 to vector<16xf32>
      %parallel_loop3A_444 = arith.mulf %parallel_loop3A_441, %parallel_loop3A_443 : vector<16xf32>
      %parallel_loop3A_445 = arith.index_cast %parallel_loop3A_425 : i32 to index
      %parallel_loop3A_446 = arith.constant 16 : index
      %parallel_loop3A_447 = tpu.vector_load %arg11[%parallel_loop3A_445, %parallel_loop3A_446] {strides = array<i32>} : memref<128x128xf32, #tpu.memory_space<vmem>>, vector<1x16xf32>,
      %parallel_loop3A_448 = vector.shape_cast %parallel_loop3A_447 : vector<1x16xf32> to vector<16xf32>
      %parallel_loop3A_449 = vector.shape_cast %parallel_loop3A_444 : vector<16xf32> to vector<1x16xf32>
      tpu.vector_store %arg11[%parallel_loop3A_445, %parallel_loop3A_446], %parallel_loop3A_449 {strides = array<i32>} : memref<128x128xf32, #tpu.memory_space<vmem>>, vector<1x16xf32>,
      %parallel_loop3A_450 = arith.index_cast %parallel_loop3A_425 : i32 to index
      %parallel_loop3A_451 = arith.constant 32 : index
      %parallel_loop3A_452 = tpu.vector_load %arg11[%parallel_loop3A_450, %parallel_loop3A_451] {strides = array<i32>} : memref<128x128xf32, #tpu.memory_space<vmem>>, vector<1x16xf32>,
      %parallel_loop3A_453 = vector.shape_cast %parallel_loop3A_452 : vector<1x16xf32> to vector<16xf32>
      %parallel_loop3A_454 = arith.constant 11.3137083 : f32
      %parallel_loop3A_455 = vector.broadcast %parallel_loop3A_454 : f32 to vector<16xf32>
      %parallel_loop3A_456 = arith.mulf %parallel_loop3A_453, %parallel_loop3A_455 : vector<16xf32>
      %parallel_loop3A_457 = arith.index_cast %parallel_loop3A_425 : i32 to index
      %parallel_loop3A_458 = arith.constant 32 : index
      %parallel_loop3A_459 = tpu.vector_load %arg11[%parallel_loop3A_457, %parallel_loop3A_458] {strides = array<i32>} : memref<128x128xf32, #tpu.memory_space<vmem>>, vector<1x16xf32>,
      %parallel_loop3A_460 = vector.shape_cast %parallel_loop3A_459 : vector<1x16xf32> to vector<16xf32>
      %parallel_loop3A_461 = vector.shape_cast %parallel_loop3A_456 : vector<16xf32> to vector<1x16xf32>
      tpu.vector_store %arg11[%parallel_loop3A_457, %parallel_loop3A_458], %parallel_loop3A_461 {strides = array<i32>} : memref<128x128xf32, #tpu.memory_space<vmem>>, vector<1x16xf32>,
      %parallel_loop3A_462 = arith.index_cast %parallel_loop3A_425 : i32 to index
      %parallel_loop3A_463 = arith.constant 48 : index
      %parallel_loop3A_464 = tpu.vector_load %arg11[%parallel_loop3A_462, %parallel_loop3A_463] {strides = array<i32>} : memref<128x128xf32, #tpu.memory_space<vmem>>, vector<1x16xf32>,
      %parallel_loop3A_465 = vector.shape_cast %parallel_loop3A_464 : vector<1x16xf32> to vector<16xf32>
      %parallel_loop3A_466 = arith.constant 11.3137083 : f32
      %parallel_loop3A_467 = vector.broadcast %parallel_loop3A_466 : f32 to vector<16xf32>
      %parallel_loop3A_468 = arith.mulf %parallel_loop3A_465, %parallel_loop3A_467 : vector<16xf32>
      %parallel_loop3A_469 = arith.index_cast %parallel_loop3A_425 : i32 to index
      %parallel_loop3A_470 = arith.constant 48 : index
      %parallel_loop3A_471 = tpu.vector_load %arg11[%parallel_loop3A_469, %parallel_loop3A_470] {strides = array<i32>} : memref<128x128xf32, #tpu.memory_space<vmem>>, vector<1x16xf32>,
      %parallel_loop3A_472 = vector.shape_cast %parallel_loop3A_471 : vector<1x16xf32> to vector<16xf32>
      %parallel_loop3A_473 = vector.shape_cast %parallel_loop3A_468 : vector<16xf32> to vector<1x16xf32>
      tpu.vector_store %arg11[%parallel_loop3A_469, %parallel_loop3A_470], %parallel_loop3A_473 {strides = array<i32>} : memref<128x128xf32, #tpu.memory_space<vmem>>, vector<1x16xf32>,
      %parallel_loop3A_474 = arith.index_cast %parallel_loop3A_425 : i32 to index
      %parallel_loop3A_475 = arith.constant 64 : index
      %parallel_loop3A_476 = tpu.vector_load %arg11[%parallel_loop3A_474, %parallel_loop3A_475] {strides = array<i32>} : memref<128x128xf32, #tpu.memory_space<vmem>>, vector<1x16xf32>,
      %parallel_loop3A_477 = vector.shape_cast %parallel_loop3A_476 : vector<1x16xf32> to vector<16xf32>
      %parallel_loop3A_478 = arith.constant 11.3137083 : f32
      %parallel_loop3A_479 = vector.broadcast %parallel_loop3A_478 : f32 to vector<16xf32>
      %parallel_loop3A_480 = arith.mulf %parallel_loop3A_477, %parallel_loop3A_479 : vector<16xf32>
      %parallel_loop3A_481 = arith.index_cast %parallel_loop3A_425 : i32 to index
      %parallel_loop3A_482 = arith.constant 64 : index
      %parallel_loop3A_483 = tpu.vector_load %arg11[%parallel_loop3A_481, %parallel_loop3A_482] {strides = array<i32>} : memref<128x128xf32, #tpu.memory_space<vmem>>, vector<1x16xf32>,
      %parallel_loop3A_484 = vector.shape_cast %parallel_loop3A_483 : vector<1x16xf32> to vector<16xf32>
      %parallel_loop3A_485 = vector.shape_cast %parallel_loop3A_480 : vector<16xf32> to vector<1x16xf32>
      tpu.vector_store %arg11[%parallel_loop3A_481, %parallel_loop3A_482], %parallel_loop3A_485 {strides = array<i32>} : memref<128x128xf32, #tpu.memory_space<vmem>>, vector<1x16xf32>,
      %parallel_loop3A_486 = arith.index_cast %parallel_loop3A_425 : i32 to index
      %parallel_loop3A_487 = arith.constant 80 : index
      %parallel_loop3A_488 = tpu.vector_load %arg11[%parallel_loop3A_486, %parallel_loop3A_487] {strides = array<i32>} : memref<128x128xf32, #tpu.memory_space<vmem>>, vector<1x16xf32>,
      %parallel_loop3A_489 = vector.shape_cast %parallel_loop3A_488 : vector<1x16xf32> to vector<16xf32>
      %parallel_loop3A_490 = arith.constant 11.3137083 : f32
      %parallel_loop3A_491 = vector.broadcast %parallel_loop3A_490 : f32 to vector<16xf32>
      %parallel_loop3A_492 = arith.mulf %parallel_loop3A_489, %parallel_loop3A_491 : vector<16xf32>
      %parallel_loop3A_493 = arith.index_cast %parallel_loop3A_425 : i32 to index
      %parallel_loop3A_494 = arith.constant 80 : index
      %parallel_loop3A_495 = tpu.vector_load %arg11[%parallel_loop3A_493, %parallel_loop3A_494] {strides = array<i32>} : memref<128x128xf32, #tpu.memory_space<vmem>>, vector<1x16xf32>,
      %parallel_loop3A_496 = vector.shape_cast %parallel_loop3A_495 : vector<1x16xf32> to vector<16xf32>
      %parallel_loop3A_497 = vector.shape_cast %parallel_loop3A_492 : vector<16xf32> to vector<1x16xf32>
      tpu.vector_store %arg11[%parallel_loop3A_493, %parallel_loop3A_494], %parallel_loop3A_497 {strides = array<i32>} : memref<128x128xf32, #tpu.memory_space<vmem>>, vector<1x16xf32>,
      %parallel_loop3A_498 = arith.index_cast %parallel_loop3A_425 : i32 to index
      %parallel_loop3A_499 = arith.constant 96 : index
      %parallel_loop3A_500 = tpu.vector_load %arg11[%parallel_loop3A_498, %parallel_loop3A_499] {strides = array<i32>} : memref<128x128xf32, #tpu.memory_space<vmem>>, vector<1x16xf32>,
      %parallel_loop3A_501 = vector.shape_cast %parallel_loop3A_500 : vector<1x16xf32> to vector<16xf32>
      %parallel_loop3A_502 = arith.constant 11.3137083 : f32
      %parallel_loop3A_503 = vector.broadcast %parallel_loop3A_502 : f32 to vector<16xf32>
      %parallel_loop3A_504 = arith.mulf %parallel_loop3A_501, %parallel_loop3A_503 : vector<16xf32>
      %parallel_loop3A_505 = arith.index_cast %parallel_loop3A_425 : i32 to index
      %parallel_loop3A_506 = arith.constant 96 : index
      %parallel_loop3A_507 = tpu.vector_load %arg11[%parallel_loop3A_505, %parallel_loop3A_506] {strides = array<i32>} : memref<128x128xf32, #tpu.memory_space<vmem>>, vector<1x16xf32>,
      %parallel_loop3A_508 = vector.shape_cast %parallel_loop3A_507 : vector<1x16xf32> to vector<16xf32>
      %parallel_loop3A_509 = vector.shape_cast %parallel_loop3A_504 : vector<16xf32> to vector<1x16xf32>
      tpu.vector_store %arg11[%parallel_loop3A_505, %parallel_loop3A_506], %parallel_loop3A_509 {strides = array<i32>} : memref<128x128xf32, #tpu.memory_space<vmem>>, vector<1x16xf32>,
      %parallel_loop3A_510 = arith.index_cast %parallel_loop3A_425 : i32 to index
      %parallel_loop3A_511 = arith.constant 112 : index
      %parallel_loop3A_512 = tpu.vector_load %arg11[%parallel_loop3A_510, %parallel_loop3A_511] {strides = array<i32>} : memref<128x128xf32, #tpu.memory_space<vmem>>, vector<1x16xf32>,
      %parallel_loop3A_513 = vector.shape_cast %parallel_loop3A_512 : vector<1x16xf32> to vector<16xf32>
      %parallel_loop3A_514 = arith.constant 11.3137083 : f32
      %parallel_loop3A_515 = vector.broadcast %parallel_loop3A_514 : f32 to vector<16xf32>
      %parallel_loop3A_516 = arith.mulf %parallel_loop3A_513, %parallel_loop3A_515 : vector<16xf32>
      %parallel_loop3A_517 = arith.index_cast %parallel_loop3A_425 : i32 to index
      %parallel_loop3A_518 = arith.constant 112 : index
      %parallel_loop3A_519 = tpu.vector_load %arg11[%parallel_loop3A_517, %parallel_loop3A_518] {strides = array<i32>} : memref<128x128xf32, #tpu.memory_space<vmem>>, vector<1x16xf32>,
      %parallel_loop3A_520 = vector.shape_cast %parallel_loop3A_519 : vector<1x16xf32> to vector<16xf32>
      %parallel_loop3A_521 = vector.shape_cast %parallel_loop3A_516 : vector<16xf32> to vector<1x16xf32>
      tpu.vector_store %arg11[%parallel_loop3A_517, %parallel_loop3A_518], %parallel_loop3A_521 {strides = array<i32>} : memref<128x128xf32, #tpu.memory_space<vmem>>, vector<1x16xf32>,
    } {sc.loop_unroll_factor = 4 : i64, sc.parallel_access}
    %add3A_175 = arith.constant 5 : i32
    %add3A_176 = arith.addi %mul3A_2, %add3A_175 : i32
    %mul3A_177 = arith.constant 128 : i32
    %mul3A_178 = arith.muli %add3A_176, %mul3A_177 : i32
    %dma_start3A_179 = arith.constant 0 : i32
    %dma_start3A_180 = tpu.memref_slice %arg4[%mul3A_178, %dma_start3A_179] : memref<819200x128xf32, #tpu.memory_space<hbm>> -> memref<128x128xf32, #tpu.memory_space<hbm>>
    %dma_start3A_181 = arith.constant 0 : i32
    %dma_start3A_182 = tpu.memref_slice %arg4[%mul3A_178, %dma_start3A_181] : memref<819200x128xf32, #tpu.memory_space<hbm>> -> memref<128x128xf32, #tpu.memory_space<hbm>>
    tpu.enqueue_dma source(%arg11 : memref<128x128xf32, #tpu.memory_space<vmem>>) target(%dma_start3A_182 : memref<128x128xf32, #tpu.memory_space<hbm>>) target_semaphore(%arg23 : memref<!tpu.dma_semaphore, #tpu.memory_space<semaphore_mem>>)
    %scan3A = arith.constant 0 : i32
    %scan3A_183 = arith.constant 1 : i32
    %scan3A_184 = arith.constant 31 : i32
    %scan3A_185 = arith.addi %scan3A_183, %scan3A_184 : i32
    %scan3A_186 = arith.constant 1 : i32
    scf.for %scan3A_425 = %scan3A_183 to %scan3A_185 step %scan3A_186  : i32 {
      %mul3A_426 = arith.constant 6 : i32
      %mul3A_427 = arith.muli %scan3A_425, %mul3A_426 : i32
      %add3A_428 = arith.constant 0 : i32
      %add3A_429 = arith.addi %mul3A_427, %add3A_428 : i32
      %add3A_430 = arith.constant 3 : i32
      %add3A_431 = arith.addi %add3A_429, %add3A_430 : i32
      %dma_wait3A_432 = arith.constant 0 : i32
      %dma_wait3A_433 = arith.constant 0 : i32
      %dma_wait3A_434 = tpu.memref_slice %arg2[%dma_wait3A_432, %dma_wait3A_433] : memref<100000x128xf32, #tpu.memory_space<hbm>> -> memref<128x128xf32, #tpu.memory_space<hbm>>
      %dma_wait3A_435 = arith.constant 0 : i32
      %dma_wait3A_436 = arith.constant 0 : i32
      %dma_wait3A_437 = tpu.memref_slice %arg2[%dma_wait3A_435, %dma_wait3A_436] : memref<100000x128xf32, #tpu.memory_space<hbm>> -> memref<128x128xf32, #tpu.memory_space<hbm>>
      tpu.wait_dma2 semaphore(%arg12 : memref<!tpu.dma_semaphore, #tpu.memory_space<semaphore_mem>>) src(%dma_wait3A_437 : memref<128x128xf32, #tpu.memory_space<hbm>>) dst(%arg6 : memref<128x128xf32, #tpu.memory_space<vmem>>)
      %dma_wait3A_438 = arith.constant 0 : i32
      %dma_wait3A_439 = arith.constant 0 : i32
      %dma_wait3A_440 = tpu.memref_slice %arg4[%dma_wait3A_438, %dma_wait3A_439] : memref<819200x128xf32, #tpu.memory_space<hbm>> -> memref<128x128xf32, #tpu.memory_space<hbm>>
      %dma_wait3A_441 = arith.constant 0 : i32
      %dma_wait3A_442 = arith.constant 0 : i32
      %dma_wait3A_443 = tpu.memref_slice %arg4[%dma_wait3A_441, %dma_wait3A_442] : memref<819200x128xf32, #tpu.memory_space<hbm>> -> memref<128x128xf32, #tpu.memory_space<hbm>>
      tpu.wait_dma2 semaphore(%arg21 : memref<!tpu.dma_semaphore, #tpu.memory_space<semaphore_mem>>) src(%arg9 : memref<128x128xf32, #tpu.memory_space<vmem>>) dst(%dma_wait3A_443 : memref<128x128xf32, #tpu.memory_space<hbm>>)
      %dma_start3A_444 = arith.constant 0 : i32
      %dma_start3A_445 = tpu.memref_slice %arg5[%add3A_431, %dma_start3A_444] : memref<200x128xi32, #tpu.memory_space<vmem>> -> memref<1x128xi32, #tpu.memory_space<vmem>>
      %dma_start3A_446 = tpu.memref_squeeze %dma_start3A_445 : memref<1x128xi32, #tpu.memory_space<vmem>> -> memref<128xi32, #tpu.memory_space<vmem>>
      %dma_start3A_447 = arith.constant 0 : i32
      %dma_start3A_448 = arith.constant 0 : i32
      %dma_start3A_449 = tpu.memref_slice %arg2[%dma_start3A_447, %dma_start3A_448] : memref<100000x128xf32, #tpu.memory_space<hbm>> -> memref<100000x128xf32, #tpu.memory_space<hbm>>
      tpu.enqueue_indirect_dma source(%dma_start3A_449 : memref<100000x128xf32, #tpu.memory_space<hbm>>) target(%arg9 : memref<128x128xf32, #tpu.memory_space<vmem>>) offsets(%dma_start3A_446 : memref<128xi32, #tpu.memory_space<vmem>>) semaphore(%arg15 : memref<!tpu.dma_semaphore, #tpu.memory_space<semaphore_mem>>)
      %parallel_loop3A_450 = arith.constant 0 : i32
      %parallel_loop3A_451 = arith.constant 128 : i32
      %parallel_loop3A_452 = arith.constant 1 : i32
      scf.for %parallel_loop3A_630 = %parallel_loop3A_450 to %parallel_loop3A_451 step %parallel_loop3A_452  : i32 {
        %parallel_loop3A_631 = arith.index_cast %parallel_loop3A_630 : i32 to index
        %parallel_loop3A_632 = arith.constant 0 : index
        %parallel_loop3A_633 = tpu.vector_load %arg6[%parallel_loop3A_631, %parallel_loop3A_632] {strides = array<i32>} : memref<128x128xf32, #tpu.memory_space<vmem>>, vector<1x16xf32>,
        %parallel_loop3A_634 = vector.shape_cast %parallel_loop3A_633 : vector<1x16xf32> to vector<16xf32>
        %parallel_loop3A_635 = arith.constant 11.3137083 : f32
        %parallel_loop3A_636 = vector.broadcast %parallel_loop3A_635 : f32 to vector<16xf32>
        %parallel_loop3A_637 = arith.mulf %parallel_loop3A_634, %parallel_loop3A_636 : vector<16xf32>
        %parallel_loop3A_638 = arith.index_cast %parallel_loop3A_630 : i32 to index
        %parallel_loop3A_639 = arith.constant 0 : index
        %parallel_loop3A_640 = tpu.vector_load %arg6[%parallel_loop3A_638, %parallel_loop3A_639] {strides = array<i32>} : memref<128x128xf32, #tpu.memory_space<vmem>>, vector<1x16xf32>,
        %parallel_loop3A_641 = vector.shape_cast %parallel_loop3A_640 : vector<1x16xf32> to vector<16xf32>
        %parallel_loop3A_642 = vector.shape_cast %parallel_loop3A_637 : vector<16xf32> to vector<1x16xf32>
        tpu.vector_store %arg6[%parallel_loop3A_638, %parallel_loop3A_639], %parallel_loop3A_642 {strides = array<i32>} : memref<128x128xf32, #tpu.memory_space<vmem>>, vector<1x16xf32>,
        %parallel_loop3A_643 = arith.index_cast %parallel_loop3A_630 : i32 to index
        %parallel_loop3A_644 = arith.constant 16 : index
        %parallel_loop3A_645 = tpu.vector_load %arg6[%parallel_loop3A_643, %parallel_loop3A_644] {strides = array<i32>} : memref<128x128xf32, #tpu.memory_space<vmem>>, vector<1x16xf32>,
        %parallel_loop3A_646 = vector.shape_cast %parallel_loop3A_645 : vector<1x16xf32> to vector<16xf32>
        %parallel_loop3A_647 = arith.constant 11.3137083 : f32
        %parallel_loop3A_648 = vector.broadcast %parallel_loop3A_647 : f32 to vector<16xf32>
        %parallel_loop3A_649 = arith.mulf %parallel_loop3A_646, %parallel_loop3A_648 : vector<16xf32>
        %parallel_loop3A_650 = arith.index_cast %parallel_loop3A_630 : i32 to index
        %parallel_loop3A_651 = arith.constant 16 : index
        %parallel_loop3A_652 = tpu.vector_load %arg6[%parallel_loop3A_650, %parallel_loop3A_651] {strides = array<i32>} : memref<128x128xf32, #tpu.memory_space<vmem>>, vector<1x16xf32>,
        %parallel_loop3A_653 = vector.shape_cast %parallel_loop3A_652 : vector<1x16xf32> to vector<16xf32>
        %parallel_loop3A_654 = vector.shape_cast %parallel_loop3A_649 : vector<16xf32> to vector<1x16xf32>
        tpu.vector_store %arg6[%parallel_loop3A_650, %parallel_loop3A_651], %parallel_loop3A_654 {strides = array<i32>} : memref<128x128xf32, #tpu.memory_space<vmem>>, vector<1x16xf32>,
        %parallel_loop3A_655 = arith.index_cast %parallel_loop3A_630 : i32 to index
        %parallel_loop3A_656 = arith.constant 32 : index
        %parallel_loop3A_657 = tpu.vector_load %arg6[%parallel_loop3A_655, %parallel_loop3A_656] {strides = array<i32>} : memref<128x128xf32, #tpu.memory_space<vmem>>, vector<1x16xf32>,
        %parallel_loop3A_658 = vector.shape_cast %parallel_loop3A_657 : vector<1x16xf32> to vector<16xf32>
        %parallel_loop3A_659 = arith.constant 11.3137083 : f32
        %parallel_loop3A_660 = vector.broadcast %parallel_loop3A_659 : f32 to vector<16xf32>
        %parallel_loop3A_661 = arith.mulf %parallel_loop3A_658, %parallel_loop3A_660 : vector<16xf32>
        %parallel_loop3A_662 = arith.index_cast %parallel_loop3A_630 : i32 to index
        %parallel_loop3A_663 = arith.constant 32 : index
        %parallel_loop3A_664 = tpu.vector_load %arg6[%parallel_loop3A_662, %parallel_loop3A_663] {strides = array<i32>} : memref<128x128xf32, #tpu.memory_space<vmem>>, vector<1x16xf32>,
        %parallel_loop3A_665 = vector.shape_cast %parallel_loop3A_664 : vector<1x16xf32> to vector<16xf32>
        %parallel_loop3A_666 = vector.shape_cast %parallel_loop3A_661 : vector<16xf32> to vector<1x16xf32>
        tpu.vector_store %arg6[%parallel_loop3A_662, %parallel_loop3A_663], %parallel_loop3A_666 {strides = array<i32>} : memref<128x128xf32, #tpu.memory_space<vmem>>, vector<1x16xf32>,
        %parallel_loop3A_667 = arith.index_cast %parallel_loop3A_630 : i32 to index
        %parallel_loop3A_668 = arith.constant 48 : index
        %parallel_loop3A_669 = tpu.vector_load %arg6[%parallel_loop3A_667, %parallel_loop3A_668] {strides = array<i32>} : memref<128x128xf32, #tpu.memory_space<vmem>>, vector<1x16xf32>,
        %parallel_loop3A_670 = vector.shape_cast %parallel_loop3A_669 : vector<1x16xf32> to vector<16xf32>
        %parallel_loop3A_671 = arith.constant 11.3137083 : f32
        %parallel_loop3A_672 = vector.broadcast %parallel_loop3A_671 : f32 to vector<16xf32>
        %parallel_loop3A_673 = arith.mulf %parallel_loop3A_670, %parallel_loop3A_672 : vector<16xf32>
        %parallel_loop3A_674 = arith.index_cast %parallel_loop3A_630 : i32 to index
        %parallel_loop3A_675 = arith.constant 48 : index
        %parallel_loop3A_676 = tpu.vector_load %arg6[%parallel_loop3A_674, %parallel_loop3A_675] {strides = array<i32>} : memref<128x128xf32, #tpu.memory_space<vmem>>, vector<1x16xf32>,
        %parallel_loop3A_677 = vector.shape_cast %parallel_loop3A_676 : vector<1x16xf32> to vector<16xf32>
        %parallel_loop3A_678 = vector.shape_cast %parallel_loop3A_673 : vector<16xf32> to vector<1x16xf32>
        tpu.vector_store %arg6[%parallel_loop3A_674, %parallel_loop3A_675], %parallel_loop3A_678 {strides = array<i32>} : memref<128x128xf32, #tpu.memory_space<vmem>>, vector<1x16xf32>,
        %parallel_loop3A_679 = arith.index_cast %parallel_loop3A_630 : i32 to index
        %parallel_loop3A_680 = arith.constant 64 : index
        %parallel_loop3A_681 = tpu.vector_load %arg6[%parallel_loop3A_679, %parallel_loop3A_680] {strides = array<i32>} : memref<128x128xf32, #tpu.memory_space<vmem>>, vector<1x16xf32>,
        %parallel_loop3A_682 = vector.shape_cast %parallel_loop3A_681 : vector<1x16xf32> to vector<16xf32>
        %parallel_loop3A_683 = arith.constant 11.3137083 : f32
        %parallel_loop3A_684 = vector.broadcast %parallel_loop3A_683 : f32 to vector<16xf32>
        %parallel_loop3A_685 = arith.mulf %parallel_loop3A_682, %parallel_loop3A_684 : vector<16xf32>
        %parallel_loop3A_686 = arith.index_cast %parallel_loop3A_630 : i32 to index
        %parallel_loop3A_687 = arith.constant 64 : index
        %parallel_loop3A_688 = tpu.vector_load %arg6[%parallel_loop3A_686, %parallel_loop3A_687] {strides = array<i32>} : memref<128x128xf32, #tpu.memory_space<vmem>>, vector<1x16xf32>,
        %parallel_loop3A_689 = vector.shape_cast %parallel_loop3A_688 : vector<1x16xf32> to vector<16xf32>
        %parallel_loop3A_690 = vector.shape_cast %parallel_loop3A_685 : vector<16xf32> to vector<1x16xf32>
        tpu.vector_store %arg6[%parallel_loop3A_686, %parallel_loop3A_687], %parallel_loop3A_690 {strides = array<i32>} : memref<128x128xf32, #tpu.memory_space<vmem>>, vector<1x16xf32>,
        %parallel_loop3A_691 = arith.index_cast %parallel_loop3A_630 : i32 to index
        %parallel_loop3A_692 = arith.constant 80 : index
        %parallel_loop3A_693 = tpu.vector_load %arg6[%parallel_loop3A_691, %parallel_loop3A_692] {strides = array<i32>} : memref<128x128xf32, #tpu.memory_space<vmem>>, vector<1x16xf32>,
        %parallel_loop3A_694 = vector.shape_cast %parallel_loop3A_693 : vector<1x16xf32> to vector<16xf32>
        %parallel_loop3A_695 = arith.constant 11.3137083 : f32
        %parallel_loop3A_696 = vector.broadcast %parallel_loop3A_695 : f32 to vector<16xf32>
        %parallel_loop3A_697 = arith.mulf %parallel_loop3A_694, %parallel_loop3A_696 : vector<16xf32>
        %parallel_loop3A_698 = arith.index_cast %parallel_loop3A_630 : i32 to index
        %parallel_loop3A_699 = arith.constant 80 : index
        %parallel_loop3A_700 = tpu.vector_load %arg6[%parallel_loop3A_698, %parallel_loop3A_699] {strides = array<i32>} : memref<128x128xf32, #tpu.memory_space<vmem>>, vector<1x16xf32>,
        %parallel_loop3A_701 = vector.shape_cast %parallel_loop3A_700 : vector<1x16xf32> to vector<16xf32>
        %parallel_loop3A_702 = vector.shape_cast %parallel_loop3A_697 : vector<16xf32> to vector<1x16xf32>
        tpu.vector_store %arg6[%parallel_loop3A_698, %parallel_loop3A_699], %parallel_loop3A_702 {strides = array<i32>} : memref<128x128xf32, #tpu.memory_space<vmem>>, vector<1x16xf32>,
        %parallel_loop3A_703 = arith.index_cast %parallel_loop3A_630 : i32 to index
        %parallel_loop3A_704 = arith.constant 96 : index
        %parallel_loop3A_705 = tpu.vector_load %arg6[%parallel_loop3A_703, %parallel_loop3A_704] {strides = array<i32>} : memref<128x128xf32, #tpu.memory_space<vmem>>, vector<1x16xf32>,
        %parallel_loop3A_706 = vector.shape_cast %parallel_loop3A_705 : vector<1x16xf32> to vector<16xf32>
        %parallel_loop3A_707 = arith.constant 11.3137083 : f32
        %parallel_loop3A_708 = vector.broadcast %parallel_loop3A_707 : f32 to vector<16xf32>
        %parallel_loop3A_709 = arith.mulf %parallel_loop3A_706, %parallel_loop3A_708 : vector<16xf32>
        %parallel_loop3A_710 = arith.index_cast %parallel_loop3A_630 : i32 to index
        %parallel_loop3A_711 = arith.constant 96 : index
        %parallel_loop3A_712 = tpu.vector_load %arg6[%parallel_loop3A_710, %parallel_loop3A_711] {strides = array<i32>} : memref<128x128xf32, #tpu.memory_space<vmem>>, vector<1x16xf32>,
        %parallel_loop3A_713 = vector.shape_cast %parallel_loop3A_712 : vector<1x16xf32> to vector<16xf32>
        %parallel_loop3A_714 = vector.shape_cast %parallel_loop3A_709 : vector<16xf32> to vector<1x16xf32>
        tpu.vector_store %arg6[%parallel_loop3A_710, %parallel_loop3A_711], %parallel_loop3A_714 {strides = array<i32>} : memref<128x128xf32, #tpu.memory_space<vmem>>, vector<1x16xf32>,
        %parallel_loop3A_715 = arith.index_cast %parallel_loop3A_630 : i32 to index
        %parallel_loop3A_716 = arith.constant 112 : index
        %parallel_loop3A_717 = tpu.vector_load %arg6[%parallel_loop3A_715, %parallel_loop3A_716] {strides = array<i32>} : memref<128x128xf32, #tpu.memory_space<vmem>>, vector<1x16xf32>,
        %parallel_loop3A_718 = vector.shape_cast %parallel_loop3A_717 : vector<1x16xf32> to vector<16xf32>
        %parallel_loop3A_719 = arith.constant 11.3137083 : f32
        %parallel_loop3A_720 = vector.broadcast %parallel_loop3A_719 : f32 to vector<16xf32>
        %parallel_loop3A_721 = arith.mulf %parallel_loop3A_718, %parallel_loop3A_720 : vector<16xf32>
        %parallel_loop3A_722 = arith.index_cast %parallel_loop3A_630 : i32 to index
        %parallel_loop3A_723 = arith.constant 112 : index
        %parallel_loop3A_724 = tpu.vector_load %arg6[%parallel_loop3A_722, %parallel_loop3A_723] {strides = array<i32>} : memref<128x128xf32, #tpu.memory_space<vmem>>, vector<1x16xf32>,
        %parallel_loop3A_725 = vector.shape_cast %parallel_loop3A_724 : vector<1x16xf32> to vector<16xf32>
        %parallel_loop3A_726 = vector.shape_cast %parallel_loop3A_721 : vector<16xf32> to vector<1x16xf32>
        tpu.vector_store %arg6[%parallel_loop3A_722, %parallel_loop3A_723], %parallel_loop3A_726 {strides = array<i32>} : memref<128x128xf32, #tpu.memory_space<vmem>>, vector<1x16xf32>,
      } {sc.loop_unroll_factor = 4 : i64, sc.parallel_access}
      %add3A_453 = arith.addi %mul3A_2, %add3A_429 : i32
      %mul3A_454 = arith.constant 128 : i32
      %mul3A_455 = arith.muli %add3A_453, %mul3A_454 : i32
      %dma_start3A_456 = arith.constant 0 : i32
      %dma_start3A_457 = tpu.memref_slice %arg4[%mul3A_455, %dma_start3A_456] : memref<819200x128xf32, #tpu.memory_space<hbm>> -> memref<128x128xf32, #tpu.memory_space<hbm>>
      %dma_start3A_458 = arith.constant 0 : i32
      %dma_start3A_459 = tpu.memref_slice %arg4[%mul3A_455, %dma_start3A_458] : memref<819200x128xf32, #tpu.memory_space<hbm>> -> memref<128x128xf32, #tpu.memory_space<hbm>>
      tpu.enqueue_dma source(%arg6 : memref<128x128xf32, #tpu.memory_space<vmem>>) target(%dma_start3A_459 : memref<128x128xf32, #tpu.memory_space<hbm>>) target_semaphore(%arg18 : memref<!tpu.dma_semaphore, #tpu.memory_space<semaphore_mem>>)
      %mul3A_460 = arith.constant 6 : i32
      %mul3A_461 = arith.muli %scan3A_425, %mul3A_460 : i32
      %add3A_462 = arith.constant 1 : i32
      %add3A_463 = arith.addi %mul3A_461, %add3A_462 : i32
      %add3A_464 = arith.constant 3 : i32
      %add3A_465 = arith.addi %add3A_463, %add3A_464 : i32
      %dma_wait3A_466 = arith.constant 0 : i32
      %dma_wait3A_467 = arith.constant 0 : i32
      %dma_wait3A_468 = tpu.memref_slice %arg2[%dma_wait3A_466, %dma_wait3A_467] : memref<100000x128xf32, #tpu.memory_space<hbm>> -> memref<128x128xf32, #tpu.memory_space<hbm>>
      %dma_wait3A_469 = arith.constant 0 : i32
      %dma_wait3A_470 = arith.constant 0 : i32
      %dma_wait3A_471 = tpu.memref_slice %arg2[%dma_wait3A_469, %dma_wait3A_470] : memref<100000x128xf32, #tpu.memory_space<hbm>> -> memref<128x128xf32, #tpu.memory_space<hbm>>
      tpu.wait_dma2 semaphore(%arg13 : memref<!tpu.dma_semaphore, #tpu.memory_space<semaphore_mem>>) src(%dma_wait3A_471 : memref<128x128xf32, #tpu.memory_space<hbm>>) dst(%arg7 : memref<128x128xf32, #tpu.memory_space<vmem>>)
      %dma_wait3A_472 = arith.constant 0 : i32
      %dma_wait3A_473 = arith.constant 0 : i32
      %dma_wait3A_474 = tpu.memref_slice %arg4[%dma_wait3A_472, %dma_wait3A_473] : memref<819200x128xf32, #tpu.memory_space<hbm>> -> memref<128x128xf32, #tpu.memory_space<hbm>>
      %dma_wait3A_475 = arith.constant 0 : i32
      %dma_wait3A_476 = arith.constant 0 : i32
      %dma_wait3A_477 = tpu.memref_slice %arg4[%dma_wait3A_475, %dma_wait3A_476] : memref<819200x128xf32, #tpu.memory_space<hbm>> -> memref<128x128xf32, #tpu.memory_space<hbm>>
      tpu.wait_dma2 semaphore(%arg22 : memref<!tpu.dma_semaphore, #tpu.memory_space<semaphore_mem>>) src(%arg10 : memref<128x128xf32, #tpu.memory_space<vmem>>) dst(%dma_wait3A_477 : memref<128x128xf32, #tpu.memory_space<hbm>>)
      %dma_start3A_478 = arith.constant 0 : i32
      %dma_start3A_479 = tpu.memref_slice %arg5[%add3A_465, %dma_start3A_478] : memref<200x128xi32, #tpu.memory_space<vmem>> -> memref<1x128xi32, #tpu.memory_space<vmem>>
      %dma_start3A_480 = tpu.memref_squeeze %dma_start3A_479 : memref<1x128xi32, #tpu.memory_space<vmem>> -> memref<128xi32, #tpu.memory_space<vmem>>
      %dma_start3A_481 = arith.constant 0 : i32
      %dma_start3A_482 = arith.constant 0 : i32
      %dma_start3A_483 = tpu.memref_slice %arg2[%dma_start3A_481, %dma_start3A_482] : memref<100000x128xf32, #tpu.memory_space<hbm>> -> memref<100000x128xf32, #tpu.memory_space<hbm>>
      tpu.enqueue_indirect_dma source(%dma_start3A_483 : memref<100000x128xf32, #tpu.memory_space<hbm>>) target(%arg10 : memref<128x128xf32, #tpu.memory_space<vmem>>) offsets(%dma_start3A_480 : memref<128xi32, #tpu.memory_space<vmem>>) semaphore(%arg16 : memref<!tpu.dma_semaphore, #tpu.memory_space<semaphore_mem>>)
      %parallel_loop3A_484 = arith.constant 0 : i32
      %parallel_loop3A_485 = arith.constant 128 : i32
      %parallel_loop3A_486 = arith.constant 1 : i32
      scf.for %parallel_loop3A_630 = %parallel_loop3A_484 to %parallel_loop3A_485 step %parallel_loop3A_486  : i32 {
        %parallel_loop3A_631 = arith.index_cast %parallel_loop3A_630 : i32 to index
        %parallel_loop3A_632 = arith.constant 0 : index
        %parallel_loop3A_633 = tpu.vector_load %arg7[%parallel_loop3A_631, %parallel_loop3A_632] {strides = array<i32>} : memref<128x128xf32, #tpu.memory_space<vmem>>, vector<1x16xf32>,
        %parallel_loop3A_634 = vector.shape_cast %parallel_loop3A_633 : vector<1x16xf32> to vector<16xf32>
        %parallel_loop3A_635 = arith.constant 11.3137083 : f32
        %parallel_loop3A_636 = vector.broadcast %parallel_loop3A_635 : f32 to vector<16xf32>
        %parallel_loop3A_637 = arith.mulf %parallel_loop3A_634, %parallel_loop3A_636 : vector<16xf32>
        %parallel_loop3A_638 = arith.index_cast %parallel_loop3A_630 : i32 to index
        %parallel_loop3A_639 = arith.constant 0 : index
        %parallel_loop3A_640 = tpu.vector_load %arg7[%parallel_loop3A_638, %parallel_loop3A_639] {strides = array<i32>} : memref<128x128xf32, #tpu.memory_space<vmem>>, vector<1x16xf32>,
        %parallel_loop3A_641 = vector.shape_cast %parallel_loop3A_640 : vector<1x16xf32> to vector<16xf32>
        %parallel_loop3A_642 = vector.shape_cast %parallel_loop3A_637 : vector<16xf32> to vector<1x16xf32>
        tpu.vector_store %arg7[%parallel_loop3A_638, %parallel_loop3A_639], %parallel_loop3A_642 {strides = array<i32>} : memref<128x128xf32, #tpu.memory_space<vmem>>, vector<1x16xf32>,
        %parallel_loop3A_643 = arith.index_cast %parallel_loop3A_630 : i32 to index
        %parallel_loop3A_644 = arith.constant 16 : index
        %parallel_loop3A_645 = tpu.vector_load %arg7[%parallel_loop3A_643, %parallel_loop3A_644] {strides = array<i32>} : memref<128x128xf32, #tpu.memory_space<vmem>>, vector<1x16xf32>,
        %parallel_loop3A_646 = vector.shape_cast %parallel_loop3A_645 : vector<1x16xf32> to vector<16xf32>
        %parallel_loop3A_647 = arith.constant 11.3137083 : f32
        %parallel_loop3A_648 = vector.broadcast %parallel_loop3A_647 : f32 to vector<16xf32>
        %parallel_loop3A_649 = arith.mulf %parallel_loop3A_646, %parallel_loop3A_648 : vector<16xf32>
        %parallel_loop3A_650 = arith.index_cast %parallel_loop3A_630 : i32 to index
        %parallel_loop3A_651 = arith.constant 16 : index
        %parallel_loop3A_652 = tpu.vector_load %arg7[%parallel_loop3A_650, %parallel_loop3A_651] {strides = array<i32>} : memref<128x128xf32, #tpu.memory_space<vmem>>, vector<1x16xf32>,
        %parallel_loop3A_653 = vector.shape_cast %parallel_loop3A_652 : vector<1x16xf32> to vector<16xf32>
        %parallel_loop3A_654 = vector.shape_cast %parallel_loop3A_649 : vector<16xf32> to vector<1x16xf32>
        tpu.vector_store %arg7[%parallel_loop3A_650, %parallel_loop3A_651], %parallel_loop3A_654 {strides = array<i32>} : memref<128x128xf32, #tpu.memory_space<vmem>>, vector<1x16xf32>,
        %parallel_loop3A_655 = arith.index_cast %parallel_loop3A_630 : i32 to index
        %parallel_loop3A_656 = arith.constant 32 : index
        %parallel_loop3A_657 = tpu.vector_load %arg7[%parallel_loop3A_655, %parallel_loop3A_656] {strides = array<i32>} : memref<128x128xf32, #tpu.memory_space<vmem>>, vector<1x16xf32>,
        %parallel_loop3A_658 = vector.shape_cast %parallel_loop3A_657 : vector<1x16xf32> to vector<16xf32>
        %parallel_loop3A_659 = arith.constant 11.3137083 : f32
        %parallel_loop3A_660 = vector.broadcast %parallel_loop3A_659 : f32 to vector<16xf32>
        %parallel_loop3A_661 = arith.mulf %parallel_loop3A_658, %parallel_loop3A_660 : vector<16xf32>
        %parallel_loop3A_662 = arith.index_cast %parallel_loop3A_630 : i32 to index
        %parallel_loop3A_663 = arith.constant 32 : index
        %parallel_loop3A_664 = tpu.vector_load %arg7[%parallel_loop3A_662, %parallel_loop3A_663] {strides = array<i32>} : memref<128x128xf32, #tpu.memory_space<vmem>>, vector<1x16xf32>,
        %parallel_loop3A_665 = vector.shape_cast %parallel_loop3A_664 : vector<1x16xf32> to vector<16xf32>
        %parallel_loop3A_666 = vector.shape_cast %parallel_loop3A_661 : vector<16xf32> to vector<1x16xf32>
        tpu.vector_store %arg7[%parallel_loop3A_662, %parallel_loop3A_663], %parallel_loop3A_666 {strides = array<i32>} : memref<128x128xf32, #tpu.memory_space<vmem>>, vector<1x16xf32>,
        %parallel_loop3A_667 = arith.index_cast %parallel_loop3A_630 : i32 to index
        %parallel_loop3A_668 = arith.constant 48 : index
        %parallel_loop3A_669 = tpu.vector_load %arg7[%parallel_loop3A_667, %parallel_loop3A_668] {strides = array<i32>} : memref<128x128xf32, #tpu.memory_space<vmem>>, vector<1x16xf32>,
        %parallel_loop3A_670 = vector.shape_cast %parallel_loop3A_669 : vector<1x16xf32> to vector<16xf32>
        %parallel_loop3A_671 = arith.constant 11.3137083 : f32
        %parallel_loop3A_672 = vector.broadcast %parallel_loop3A_671 : f32 to vector<16xf32>
        %parallel_loop3A_673 = arith.mulf %parallel_loop3A_670, %parallel_loop3A_672 : vector<16xf32>
        %parallel_loop3A_674 = arith.index_cast %parallel_loop3A_630 : i32 to index
        %parallel_loop3A_675 = arith.constant 48 : index
        %parallel_loop3A_676 = tpu.vector_load %arg7[%parallel_loop3A_674, %parallel_loop3A_675] {strides = array<i32>} : memref<128x128xf32, #tpu.memory_space<vmem>>, vector<1x16xf32>,
        %parallel_loop3A_677 = vector.shape_cast %parallel_loop3A_676 : vector<1x16xf32> to vector<16xf32>
        %parallel_loop3A_678 = vector.shape_cast %parallel_loop3A_673 : vector<16xf32> to vector<1x16xf32>
        tpu.vector_store %arg7[%parallel_loop3A_674, %parallel_loop3A_675], %parallel_loop3A_678 {strides = array<i32>} : memref<128x128xf32, #tpu.memory_space<vmem>>, vector<1x16xf32>,
        %parallel_loop3A_679 = arith.index_cast %parallel_loop3A_630 : i32 to index
        %parallel_loop3A_680 = arith.constant 64 : index
        %parallel_loop3A_681 = tpu.vector_load %arg7[%parallel_loop3A_679, %parallel_loop3A_680] {strides = array<i32>} : memref<128x128xf32, #tpu.memory_space<vmem>>, vector<1x16xf32>,
        %parallel_loop3A_682 = vector.shape_cast %parallel_loop3A_681 : vector<1x16xf32> to vector<16xf32>
        %parallel_loop3A_683 = arith.constant 11.3137083 : f32
        %parallel_loop3A_684 = vector.broadcast %parallel_loop3A_683 : f32 to vector<16xf32>
        %parallel_loop3A_685 = arith.mulf %parallel_loop3A_682, %parallel_loop3A_684 : vector<16xf32>
        %parallel_loop3A_686 = arith.index_cast %parallel_loop3A_630 : i32 to index
        %parallel_loop3A_687 = arith.constant 64 : index
        %parallel_loop3A_688 = tpu.vector_load %arg7[%parallel_loop3A_686, %parallel_loop3A_687] {strides = array<i32>} : memref<128x128xf32, #tpu.memory_space<vmem>>, vector<1x16xf32>,
        %parallel_loop3A_689 = vector.shape_cast %parallel_loop3A_688 : vector<1x16xf32> to vector<16xf32>
        %parallel_loop3A_690 = vector.shape_cast %parallel_loop3A_685 : vector<16xf32> to vector<1x16xf32>
        tpu.vector_store %arg7[%parallel_loop3A_686, %parallel_loop3A_687], %parallel_loop3A_690 {strides = array<i32>} : memref<128x128xf32, #tpu.memory_space<vmem>>, vector<1x16xf32>,
        %parallel_loop3A_691 = arith.index_cast %parallel_loop3A_630 : i32 to index
        %parallel_loop3A_692 = arith.constant 80 : index
        %parallel_loop3A_693 = tpu.vector_load %arg7[%parallel_loop3A_691, %parallel_loop3A_692] {strides = array<i32>} : memref<128x128xf32, #tpu.memory_space<vmem>>, vector<1x16xf32>,
        %parallel_loop3A_694 = vector.shape_cast %parallel_loop3A_693 : vector<1x16xf32> to vector<16xf32>
        %parallel_loop3A_695 = arith.constant 11.3137083 : f32
        %parallel_loop3A_696 = vector.broadcast %parallel_loop3A_695 : f32 to vector<16xf32>
        %parallel_loop3A_697 = arith.mulf %parallel_loop3A_694, %parallel_loop3A_696 : vector<16xf32>
        %parallel_loop3A_698 = arith.index_cast %parallel_loop3A_630 : i32 to index
        %parallel_loop3A_699 = arith.constant 80 : index
        %parallel_loop3A_700 = tpu.vector_load %arg7[%parallel_loop3A_698, %parallel_loop3A_699] {strides = array<i32>} : memref<128x128xf32, #tpu.memory_space<vmem>>, vector<1x16xf32>,
        %parallel_loop3A_701 = vector.shape_cast %parallel_loop3A_700 : vector<1x16xf32> to vector<16xf32>
        %parallel_loop3A_702 = vector.shape_cast %parallel_loop3A_697 : vector<16xf32> to vector<1x16xf32>
        tpu.vector_store %arg7[%parallel_loop3A_698, %parallel_loop3A_699], %parallel_loop3A_702 {strides = array<i32>} : memref<128x128xf32, #tpu.memory_space<vmem>>, vector<1x16xf32>,
        %parallel_loop3A_703 = arith.index_cast %parallel_loop3A_630 : i32 to index
        %parallel_loop3A_704 = arith.constant 96 : index
        %parallel_loop3A_705 = tpu.vector_load %arg7[%parallel_loop3A_703, %parallel_loop3A_704] {strides = array<i32>} : memref<128x128xf32, #tpu.memory_space<vmem>>, vector<1x16xf32>,
        %parallel_loop3A_706 = vector.shape_cast %parallel_loop3A_705 : vector<1x16xf32> to vector<16xf32>
        %parallel_loop3A_707 = arith.constant 11.3137083 : f32
        %parallel_loop3A_708 = vector.broadcast %parallel_loop3A_707 : f32 to vector<16xf32>
        %parallel_loop3A_709 = arith.mulf %parallel_loop3A_706, %parallel_loop3A_708 : vector<16xf32>
        %parallel_loop3A_710 = arith.index_cast %parallel_loop3A_630 : i32 to index
        %parallel_loop3A_711 = arith.constant 96 : index
        %parallel_loop3A_712 = tpu.vector_load %arg7[%parallel_loop3A_710, %parallel_loop3A_711] {strides = array<i32>} : memref<128x128xf32, #tpu.memory_space<vmem>>, vector<1x16xf32>,
        %parallel_loop3A_713 = vector.shape_cast %parallel_loop3A_712 : vector<1x16xf32> to vector<16xf32>
        %parallel_loop3A_714 = vector.shape_cast %parallel_loop3A_709 : vector<16xf32> to vector<1x16xf32>
        tpu.vector_store %arg7[%parallel_loop3A_710, %parallel_loop3A_711], %parallel_loop3A_714 {strides = array<i32>} : memref<128x128xf32, #tpu.memory_space<vmem>>, vector<1x16xf32>,
        %parallel_loop3A_715 = arith.index_cast %parallel_loop3A_630 : i32 to index
        %parallel_loop3A_716 = arith.constant 112 : index
        %parallel_loop3A_717 = tpu.vector_load %arg7[%parallel_loop3A_715, %parallel_loop3A_716] {strides = array<i32>} : memref<128x128xf32, #tpu.memory_space<vmem>>, vector<1x16xf32>,
        %parallel_loop3A_718 = vector.shape_cast %parallel_loop3A_717 : vector<1x16xf32> to vector<16xf32>
        %parallel_loop3A_719 = arith.constant 11.3137083 : f32
        %parallel_loop3A_720 = vector.broadcast %parallel_loop3A_719 : f32 to vector<16xf32>
        %parallel_loop3A_721 = arith.mulf %parallel_loop3A_718, %parallel_loop3A_720 : vector<16xf32>
        %parallel_loop3A_722 = arith.index_cast %parallel_loop3A_630 : i32 to index
        %parallel_loop3A_723 = arith.constant 112 : index
        %parallel_loop3A_724 = tpu.vector_load %arg7[%parallel_loop3A_722, %parallel_loop3A_723] {strides = array<i32>} : memref<128x128xf32, #tpu.memory_space<vmem>>, vector<1x16xf32>,
        %parallel_loop3A_725 = vector.shape_cast %parallel_loop3A_724 : vector<1x16xf32> to vector<16xf32>
        %parallel_loop3A_726 = vector.shape_cast %parallel_loop3A_721 : vector<16xf32> to vector<1x16xf32>
        tpu.vector_store %arg7[%parallel_loop3A_722, %parallel_loop3A_723], %parallel_loop3A_726 {strides = array<i32>} : memref<128x128xf32, #tpu.memory_space<vmem>>, vector<1x16xf32>,
      } {sc.loop_unroll_factor = 4 : i64, sc.parallel_access}
      %add3A_487 = arith.addi %mul3A_2, %add3A_463 : i32
      %mul3A_488 = arith.constant 128 : i32
      %mul3A_489 = arith.muli %add3A_487, %mul3A_488 : i32
      %dma_start3A_490 = arith.constant 0 : i32
      %dma_start3A_491 = tpu.memref_slice %arg4[%mul3A_489, %dma_start3A_490] : memref<819200x128xf32, #tpu.memory_space<hbm>> -> memref<128x128xf32, #tpu.memory_space<hbm>>
      %dma_start3A_492 = arith.constant 0 : i32
      %dma_start3A_493 = tpu.memref_slice %arg4[%mul3A_489, %dma_start3A_492] : memref<819200x128xf32, #tpu.memory_space<hbm>> -> memref<128x128xf32, #tpu.memory_space<hbm>>
      tpu.enqueue_dma source(%arg7 : memref<128x128xf32, #tpu.memory_space<vmem>>) target(%dma_start3A_493 : memref<128x128xf32, #tpu.memory_space<hbm>>) target_semaphore(%arg19 : memref<!tpu.dma_semaphore, #tpu.memory_space<semaphore_mem>>)
      %mul3A_494 = arith.constant 6 : i32
      %mul3A_495 = arith.muli %scan3A_425, %mul3A_494 : i32
      %add3A_496 = arith.constant 2 : i32
      %add3A_497 = arith.addi %mul3A_495, %add3A_496 : i32
      %add3A_498 = arith.constant 3 : i32
      %add3A_499 = arith.addi %add3A_497, %add3A_498 : i32
      %dma_wait3A_500 = arith.constant 0 : i32
      %dma_wait3A_501 = arith.constant 0 : i32
      %dma_wait3A_502 = tpu.memref_slice %arg2[%dma_wait3A_500, %dma_wait3A_501] : memref<100000x128xf32, #tpu.memory_space<hbm>> -> memref<128x128xf32, #tpu.memory_space<hbm>>
      %dma_wait3A_503 = arith.constant 0 : i32
      %dma_wait3A_504 = arith.constant 0 : i32
      %dma_wait3A_505 = tpu.memref_slice %arg2[%dma_wait3A_503, %dma_wait3A_504] : memref<100000x128xf32, #tpu.memory_space<hbm>> -> memref<128x128xf32, #tpu.memory_space<hbm>>
      tpu.wait_dma2 semaphore(%arg14 : memref<!tpu.dma_semaphore, #tpu.memory_space<semaphore_mem>>) src(%dma_wait3A_505 : memref<128x128xf32, #tpu.memory_space<hbm>>) dst(%arg8 : memref<128x128xf32, #tpu.memory_space<vmem>>)
      %dma_wait3A_506 = arith.constant 0 : i32
      %dma_wait3A_507 = arith.constant 0 : i32
      %dma_wait3A_508 = tpu.memref_slice %arg4[%dma_wait3A_506, %dma_wait3A_507] : memref<819200x128xf32, #tpu.memory_space<hbm>> -> memref<128x128xf32, #tpu.memory_space<hbm>>
      %dma_wait3A_509 = arith.constant 0 : i32
      %dma_wait3A_510 = arith.constant 0 : i32
      %dma_wait3A_511 = tpu.memref_slice %arg4[%dma_wait3A_509, %dma_wait3A_510] : memref<819200x128xf32, #tpu.memory_space<hbm>> -> memref<128x128xf32, #tpu.memory_space<hbm>>
      tpu.wait_dma2 semaphore(%arg23 : memref<!tpu.dma_semaphore, #tpu.memory_space<semaphore_mem>>) src(%arg11 : memref<128x128xf32, #tpu.memory_space<vmem>>) dst(%dma_wait3A_511 : memref<128x128xf32, #tpu.memory_space<hbm>>)
      %dma_start3A_512 = arith.constant 0 : i32
      %dma_start3A_513 = tpu.memref_slice %arg5[%add3A_499, %dma_start3A_512] : memref<200x128xi32, #tpu.memory_space<vmem>> -> memref<1x128xi32, #tpu.memory_space<vmem>>
      %dma_start3A_514 = tpu.memref_squeeze %dma_start3A_513 : memref<1x128xi32, #tpu.memory_space<vmem>> -> memref<128xi32, #tpu.memory_space<vmem>>
      %dma_start3A_515 = arith.constant 0 : i32
      %dma_start3A_516 = arith.constant 0 : i32
      %dma_start3A_517 = tpu.memref_slice %arg2[%dma_start3A_515, %dma_start3A_516] : memref<100000x128xf32, #tpu.memory_space<hbm>> -> memref<100000x128xf32, #tpu.memory_space<hbm>>
      tpu.enqueue_indirect_dma source(%dma_start3A_517 : memref<100000x128xf32, #tpu.memory_space<hbm>>) target(%arg11 : memref<128x128xf32, #tpu.memory_space<vmem>>) offsets(%dma_start3A_514 : memref<128xi32, #tpu.memory_space<vmem>>) semaphore(%arg17 : memref<!tpu.dma_semaphore, #tpu.memory_space<semaphore_mem>>)
      %parallel_loop3A_518 = arith.constant 0 : i32
      %parallel_loop3A_519 = arith.constant 128 : i32
      %parallel_loop3A_520 = arith.constant 1 : i32
      scf.for %parallel_loop3A_630 = %parallel_loop3A_518 to %parallel_loop3A_519 step %parallel_loop3A_520  : i32 {
        %parallel_loop3A_631 = arith.index_cast %parallel_loop3A_630 : i32 to index
        %parallel_loop3A_632 = arith.constant 0 : index
        %parallel_loop3A_633 = tpu.vector_load %arg8[%parallel_loop3A_631, %parallel_loop3A_632] {strides = array<i32>} : memref<128x128xf32, #tpu.memory_space<vmem>>, vector<1x16xf32>,
        %parallel_loop3A_634 = vector.shape_cast %parallel_loop3A_633 : vector<1x16xf32> to vector<16xf32>
        %parallel_loop3A_635 = arith.constant 11.3137083 : f32
        %parallel_loop3A_636 = vector.broadcast %parallel_loop3A_635 : f32 to vector<16xf32>
        %parallel_loop3A_637 = arith.mulf %parallel_loop3A_634, %parallel_loop3A_636 : vector<16xf32>
        %parallel_loop3A_638 = arith.index_cast %parallel_loop3A_630 : i32 to index
        %parallel_loop3A_639 = arith.constant 0 : index
        %parallel_loop3A_640 = tpu.vector_load %arg8[%parallel_loop3A_638, %parallel_loop3A_639] {strides = array<i32>} : memref<128x128xf32, #tpu.memory_space<vmem>>, vector<1x16xf32>,
        %parallel_loop3A_641 = vector.shape_cast %parallel_loop3A_640 : vector<1x16xf32> to vector<16xf32>
        %parallel_loop3A_642 = vector.shape_cast %parallel_loop3A_637 : vector<16xf32> to vector<1x16xf32>
        tpu.vector_store %arg8[%parallel_loop3A_638, %parallel_loop3A_639], %parallel_loop3A_642 {strides = array<i32>} : memref<128x128xf32, #tpu.memory_space<vmem>>, vector<1x16xf32>,
        %parallel_loop3A_643 = arith.index_cast %parallel_loop3A_630 : i32 to index
        %parallel_loop3A_644 = arith.constant 16 : index
        %parallel_loop3A_645 = tpu.vector_load %arg8[%parallel_loop3A_643, %parallel_loop3A_644] {strides = array<i32>} : memref<128x128xf32, #tpu.memory_space<vmem>>, vector<1x16xf32>,
        %parallel_loop3A_646 = vector.shape_cast %parallel_loop3A_645 : vector<1x16xf32> to vector<16xf32>
        %parallel_loop3A_647 = arith.constant 11.3137083 : f32
        %parallel_loop3A_648 = vector.broadcast %parallel_loop3A_647 : f32 to vector<16xf32>
        %parallel_loop3A_649 = arith.mulf %parallel_loop3A_646, %parallel_loop3A_648 : vector<16xf32>
        %parallel_loop3A_650 = arith.index_cast %parallel_loop3A_630 : i32 to index
        %parallel_loop3A_651 = arith.constant 16 : index
        %parallel_loop3A_652 = tpu.vector_load %arg8[%parallel_loop3A_650, %parallel_loop3A_651] {strides = array<i32>} : memref<128x128xf32, #tpu.memory_space<vmem>>, vector<1x16xf32>,
        %parallel_loop3A_653 = vector.shape_cast %parallel_loop3A_652 : vector<1x16xf32> to vector<16xf32>
        %parallel_loop3A_654 = vector.shape_cast %parallel_loop3A_649 : vector<16xf32> to vector<1x16xf32>
        tpu.vector_store %arg8[%parallel_loop3A_650, %parallel_loop3A_651], %parallel_loop3A_654 {strides = array<i32>} : memref<128x128xf32, #tpu.memory_space<vmem>>, vector<1x16xf32>,
        %parallel_loop3A_655 = arith.index_cast %parallel_loop3A_630 : i32 to index
        %parallel_loop3A_656 = arith.constant 32 : index
        %parallel_loop3A_657 = tpu.vector_load %arg8[%parallel_loop3A_655, %parallel_loop3A_656] {strides = array<i32>} : memref<128x128xf32, #tpu.memory_space<vmem>>, vector<1x16xf32>,
        %parallel_loop3A_658 = vector.shape_cast %parallel_loop3A_657 : vector<1x16xf32> to vector<16xf32>
        %parallel_loop3A_659 = arith.constant 11.3137083 : f32
        %parallel_loop3A_660 = vector.broadcast %parallel_loop3A_659 : f32 to vector<16xf32>
        %parallel_loop3A_661 = arith.mulf %parallel_loop3A_658, %parallel_loop3A_660 : vector<16xf32>
        %parallel_loop3A_662 = arith.index_cast %parallel_loop3A_630 : i32 to index
        %parallel_loop3A_663 = arith.constant 32 : index
        %parallel_loop3A_664 = tpu.vector_load %arg8[%parallel_loop3A_662, %parallel_loop3A_663] {strides = array<i32>} : memref<128x128xf32, #tpu.memory_space<vmem>>, vector<1x16xf32>,
        %parallel_loop3A_665 = vector.shape_cast %parallel_loop3A_664 : vector<1x16xf32> to vector<16xf32>
        %parallel_loop3A_666 = vector.shape_cast %parallel_loop3A_661 : vector<16xf32> to vector<1x16xf32>
        tpu.vector_store %arg8[%parallel_loop3A_662, %parallel_loop3A_663], %parallel_loop3A_666 {strides = array<i32>} : memref<128x128xf32, #tpu.memory_space<vmem>>, vector<1x16xf32>,
        %parallel_loop3A_667 = arith.index_cast %parallel_loop3A_630 : i32 to index
        %parallel_loop3A_668 = arith.constant 48 : index
        %parallel_loop3A_669 = tpu.vector_load %arg8[%parallel_loop3A_667, %parallel_loop3A_668] {strides = array<i32>} : memref<128x128xf32, #tpu.memory_space<vmem>>, vector<1x16xf32>,
        %parallel_loop3A_670 = vector.shape_cast %parallel_loop3A_669 : vector<1x16xf32> to vector<16xf32>
        %parallel_loop3A_671 = arith.constant 11.3137083 : f32
        %parallel_loop3A_672 = vector.broadcast %parallel_loop3A_671 : f32 to vector<16xf32>
        %parallel_loop3A_673 = arith.mulf %parallel_loop3A_670, %parallel_loop3A_672 : vector<16xf32>
        %parallel_loop3A_674 = arith.index_cast %parallel_loop3A_630 : i32 to index
        %parallel_loop3A_675 = arith.constant 48 : index
        %parallel_loop3A_676 = tpu.vector_load %arg8[%parallel_loop3A_674, %parallel_loop3A_675] {strides = array<i32>} : memref<128x128xf32, #tpu.memory_space<vmem>>, vector<1x16xf32>,
        %parallel_loop3A_677 = vector.shape_cast %parallel_loop3A_676 : vector<1x16xf32> to vector<16xf32>
        %parallel_loop3A_678 = vector.shape_cast %parallel_loop3A_673 : vector<16xf32> to vector<1x16xf32>
        tpu.vector_store %arg8[%parallel_loop3A_674, %parallel_loop3A_675], %parallel_loop3A_678 {strides = array<i32>} : memref<128x128xf32, #tpu.memory_space<vmem>>, vector<1x16xf32>,
        %parallel_loop3A_679 = arith.index_cast %parallel_loop3A_630 : i32 to index
        %parallel_loop3A_680 = arith.constant 64 : index
        %parallel_loop3A_681 = tpu.vector_load %arg8[%parallel_loop3A_679, %parallel_loop3A_680] {strides = array<i32>} : memref<128x128xf32, #tpu.memory_space<vmem>>, vector<1x16xf32>,
        %parallel_loop3A_682 = vector.shape_cast %parallel_loop3A_681 : vector<1x16xf32> to vector<16xf32>
        %parallel_loop3A_683 = arith.constant 11.3137083 : f32
        %parallel_loop3A_684 = vector.broadcast %parallel_loop3A_683 : f32 to vector<16xf32>
        %parallel_loop3A_685 = arith.mulf %parallel_loop3A_682, %parallel_loop3A_684 : vector<16xf32>
        %parallel_loop3A_686 = arith.index_cast %parallel_loop3A_630 : i32 to index
        %parallel_loop3A_687 = arith.constant 64 : index
        %parallel_loop3A_688 = tpu.vector_load %arg8[%parallel_loop3A_686, %parallel_loop3A_687] {strides = array<i32>} : memref<128x128xf32, #tpu.memory_space<vmem>>, vector<1x16xf32>,
        %parallel_loop3A_689 = vector.shape_cast %parallel_loop3A_688 : vector<1x16xf32> to vector<16xf32>
        %parallel_loop3A_690 = vector.shape_cast %parallel_loop3A_685 : vector<16xf32> to vector<1x16xf32>
        tpu.vector_store %arg8[%parallel_loop3A_686, %parallel_loop3A_687], %parallel_loop3A_690 {strides = array<i32>} : memref<128x128xf32, #tpu.memory_space<vmem>>, vector<1x16xf32>,
        %parallel_loop3A_691 = arith.index_cast %parallel_loop3A_630 : i32 to index
        %parallel_loop3A_692 = arith.constant 80 : index
        %parallel_loop3A_693 = tpu.vector_load %arg8[%parallel_loop3A_691, %parallel_loop3A_692] {strides = array<i32>} : memref<128x128xf32, #tpu.memory_space<vmem>>, vector<1x16xf32>,
        %parallel_loop3A_694 = vector.shape_cast %parallel_loop3A_693 : vector<1x16xf32> to vector<16xf32>
        %parallel_loop3A_695 = arith.constant 11.3137083 : f32
        %parallel_loop3A_696 = vector.broadcast %parallel_loop3A_695 : f32 to vector<16xf32>
        %parallel_loop3A_697 = arith.mulf %parallel_loop3A_694, %parallel_loop3A_696 : vector<16xf32>
        %parallel_loop3A_698 = arith.index_cast %parallel_loop3A_630 : i32 to index
        %parallel_loop3A_699 = arith.constant 80 : index
        %parallel_loop3A_700 = tpu.vector_load %arg8[%parallel_loop3A_698, %parallel_loop3A_699] {strides = array<i32>} : memref<128x128xf32, #tpu.memory_space<vmem>>, vector<1x16xf32>,
        %parallel_loop3A_701 = vector.shape_cast %parallel_loop3A_700 : vector<1x16xf32> to vector<16xf32>
        %parallel_loop3A_702 = vector.shape_cast %parallel_loop3A_697 : vector<16xf32> to vector<1x16xf32>
        tpu.vector_store %arg8[%parallel_loop3A_698, %parallel_loop3A_699], %parallel_loop3A_702 {strides = array<i32>} : memref<128x128xf32, #tpu.memory_space<vmem>>, vector<1x16xf32>,
        %parallel_loop3A_703 = arith.index_cast %parallel_loop3A_630 : i32 to index
        %parallel_loop3A_704 = arith.constant 96 : index
        %parallel_loop3A_705 = tpu.vector_load %arg8[%parallel_loop3A_703, %parallel_loop3A_704] {strides = array<i32>} : memref<128x128xf32, #tpu.memory_space<vmem>>, vector<1x16xf32>,
        %parallel_loop3A_706 = vector.shape_cast %parallel_loop3A_705 : vector<1x16xf32> to vector<16xf32>
        %parallel_loop3A_707 = arith.constant 11.3137083 : f32
        %parallel_loop3A_708 = vector.broadcast %parallel_loop3A_707 : f32 to vector<16xf32>
        %parallel_loop3A_709 = arith.mulf %parallel_loop3A_706, %parallel_loop3A_708 : vector<16xf32>
        %parallel_loop3A_710 = arith.index_cast %parallel_loop3A_630 : i32 to index
        %parallel_loop3A_711 = arith.constant 96 : index
        %parallel_loop3A_712 = tpu.vector_load %arg8[%parallel_loop3A_710, %parallel_loop3A_711] {strides = array<i32>} : memref<128x128xf32, #tpu.memory_space<vmem>>, vector<1x16xf32>,
        %parallel_loop3A_713 = vector.shape_cast %parallel_loop3A_712 : vector<1x16xf32> to vector<16xf32>
        %parallel_loop3A_714 = vector.shape_cast %parallel_loop3A_709 : vector<16xf32> to vector<1x16xf32>
        tpu.vector_store %arg8[%parallel_loop3A_710, %parallel_loop3A_711], %parallel_loop3A_714 {strides = array<i32>} : memref<128x128xf32, #tpu.memory_space<vmem>>, vector<1x16xf32>,
        %parallel_loop3A_715 = arith.index_cast %parallel_loop3A_630 : i32 to index
        %parallel_loop3A_716 = arith.constant 112 : index
        %parallel_loop3A_717 = tpu.vector_load %arg8[%parallel_loop3A_715, %parallel_loop3A_716] {strides = array<i32>} : memref<128x128xf32, #tpu.memory_space<vmem>>, vector<1x16xf32>,
        %parallel_loop3A_718 = vector.shape_cast %parallel_loop3A_717 : vector<1x16xf32> to vector<16xf32>
        %parallel_loop3A_719 = arith.constant 11.3137083 : f32
        %parallel_loop3A_720 = vector.broadcast %parallel_loop3A_719 : f32 to vector<16xf32>
        %parallel_loop3A_721 = arith.mulf %parallel_loop3A_718, %parallel_loop3A_720 : vector<16xf32>
        %parallel_loop3A_722 = arith.index_cast %parallel_loop3A_630 : i32 to index
        %parallel_loop3A_723 = arith.constant 112 : index
        %parallel_loop3A_724 = tpu.vector_load %arg8[%parallel_loop3A_722, %parallel_loop3A_723] {strides = array<i32>} : memref<128x128xf32, #tpu.memory_space<vmem>>, vector<1x16xf32>,
        %parallel_loop3A_725 = vector.shape_cast %parallel_loop3A_724 : vector<1x16xf32> to vector<16xf32>
        %parallel_loop3A_726 = vector.shape_cast %parallel_loop3A_721 : vector<16xf32> to vector<1x16xf32>
        tpu.vector_store %arg8[%parallel_loop3A_722, %parallel_loop3A_723], %parallel_loop3A_726 {strides = array<i32>} : memref<128x128xf32, #tpu.memory_space<vmem>>, vector<1x16xf32>,
      } {sc.loop_unroll_factor = 4 : i64, sc.parallel_access}
      %add3A_521 = arith.addi %mul3A_2, %add3A_497 : i32
      %mul3A_522 = arith.constant 128 : i32
      %mul3A_523 = arith.muli %add3A_521, %mul3A_522 : i32
      %dma_start3A_524 = arith.constant 0 : i32
      %dma_start3A_525 = tpu.memref_slice %arg4[%mul3A_523, %dma_start3A_524] : memref<819200x128xf32, #tpu.memory_space<hbm>> -> memref<128x128xf32, #tpu.memory_space<hbm>>
      %dma_start3A_526 = arith.constant 0 : i32
      %dma_start3A_527 = tpu.memref_slice %arg4[%mul3A_523, %dma_start3A_526] : memref<819200x128xf32, #tpu.memory_space<hbm>> -> memref<128x128xf32, #tpu.memory_space<hbm>>
      tpu.enqueue_dma source(%arg8 : memref<128x128xf32, #tpu.memory_space<vmem>>) target(%dma_start3A_527 : memref<128x128xf32, #tpu.memory_space<hbm>>) target_semaphore(%arg20 : memref<!tpu.dma_semaphore, #tpu.memory_space<semaphore_mem>>)
      %mul3A_528 = arith.constant 6 : i32
      %mul3A_529 = arith.muli %scan3A_425, %mul3A_528 : i32
      %add3A_530 = arith.constant 3 : i32
      %add3A_531 = arith.addi %mul3A_529, %add3A_530 : i32
      %add3A_532 = arith.constant 3 : i32
      %add3A_533 = arith.addi %add3A_531, %add3A_532 : i32
      %dma_wait3A_534 = arith.constant 0 : i32
      %dma_wait3A_535 = arith.constant 0 : i32
      %dma_wait3A_536 = tpu.memref_slice %arg2[%dma_wait3A_534, %dma_wait3A_535] : memref<100000x128xf32, #tpu.memory_space<hbm>> -> memref<128x128xf32, #tpu.memory_space<hbm>>
      %dma_wait3A_537 = arith.constant 0 : i32
      %dma_wait3A_538 = arith.constant 0 : i32
      %dma_wait3A_539 = tpu.memref_slice %arg2[%dma_wait3A_537, %dma_wait3A_538] : memref<100000x128xf32, #tpu.memory_space<hbm>> -> memref<128x128xf32, #tpu.memory_space<hbm>>
      tpu.wait_dma2 semaphore(%arg15 : memref<!tpu.dma_semaphore, #tpu.memory_space<semaphore_mem>>) src(%dma_wait3A_539 : memref<128x128xf32, #tpu.memory_space<hbm>>) dst(%arg9 : memref<128x128xf32, #tpu.memory_space<vmem>>)
      %dma_wait3A_540 = arith.constant 0 : i32
      %dma_wait3A_541 = arith.constant 0 : i32
      %dma_wait3A_542 = tpu.memref_slice %arg4[%dma_wait3A_540, %dma_wait3A_541] : memref<819200x128xf32, #tpu.memory_space<hbm>> -> memref<128x128xf32, #tpu.memory_space<hbm>>
      %dma_wait3A_543 = arith.constant 0 : i32
      %dma_wait3A_544 = arith.constant 0 : i32
      %dma_wait3A_545 = tpu.memref_slice %arg4[%dma_wait3A_543, %dma_wait3A_544] : memref<819200x128xf32, #tpu.memory_space<hbm>> -> memref<128x128xf32, #tpu.memory_space<hbm>>
      tpu.wait_dma2 semaphore(%arg18 : memref<!tpu.dma_semaphore, #tpu.memory_space<semaphore_mem>>) src(%arg6 : memref<128x128xf32, #tpu.memory_space<vmem>>) dst(%dma_wait3A_545 : memref<128x128xf32, #tpu.memory_space<hbm>>)
      %dma_start3A_546 = arith.constant 0 : i32
      %dma_start3A_547 = tpu.memref_slice %arg5[%add3A_533, %dma_start3A_546] : memref<200x128xi32, #tpu.memory_space<vmem>> -> memref<1x128xi32, #tpu.memory_space<vmem>>
      %dma_start3A_548 = tpu.memref_squeeze %dma_start3A_547 : memref<1x128xi32, #tpu.memory_space<vmem>> -> memref<128xi32, #tpu.memory_space<vmem>>
      %dma_start3A_549 = arith.constant 0 : i32
      %dma_start3A_550 = arith.constant 0 : i32
      %dma_start3A_551 = tpu.memref_slice %arg2[%dma_start3A_549, %dma_start3A_550] : memref<100000x128xf32, #tpu.memory_space<hbm>> -> memref<100000x128xf32, #tpu.memory_space<hbm>>
      tpu.enqueue_indirect_dma source(%dma_start3A_551 : memref<100000x128xf32, #tpu.memory_space<hbm>>) target(%arg6 : memref<128x128xf32, #tpu.memory_space<vmem>>) offsets(%dma_start3A_548 : memref<128xi32, #tpu.memory_space<vmem>>) semaphore(%arg12 : memref<!tpu.dma_semaphore, #tpu.memory_space<semaphore_mem>>)
      %parallel_loop3A_552 = arith.constant 0 : i32
      %parallel_loop3A_553 = arith.constant 128 : i32
      %parallel_loop3A_554 = arith.constant 1 : i32
      scf.for %parallel_loop3A_630 = %parallel_loop3A_552 to %parallel_loop3A_553 step %parallel_loop3A_554  : i32 {
        %parallel_loop3A_631 = arith.index_cast %parallel_loop3A_630 : i32 to index
        %parallel_loop3A_632 = arith.constant 0 : index
        %parallel_loop3A_633 = tpu.vector_load %arg9[%parallel_loop3A_631, %parallel_loop3A_632] {strides = array<i32>} : memref<128x128xf32, #tpu.memory_space<vmem>>, vector<1x16xf32>,
        %parallel_loop3A_634 = vector.shape_cast %parallel_loop3A_633 : vector<1x16xf32> to vector<16xf32>
        %parallel_loop3A_635 = arith.constant 11.3137083 : f32
        %parallel_loop3A_636 = vector.broadcast %parallel_loop3A_635 : f32 to vector<16xf32>
        %parallel_loop3A_637 = arith.mulf %parallel_loop3A_634, %parallel_loop3A_636 : vector<16xf32>
        %parallel_loop3A_638 = arith.index_cast %parallel_loop3A_630 : i32 to index
        %parallel_loop3A_639 = arith.constant 0 : index
        %parallel_loop3A_640 = tpu.vector_load %arg9[%parallel_loop3A_638, %parallel_loop3A_639] {strides = array<i32>} : memref<128x128xf32, #tpu.memory_space<vmem>>, vector<1x16xf32>,
        %parallel_loop3A_641 = vector.shape_cast %parallel_loop3A_640 : vector<1x16xf32> to vector<16xf32>
        %parallel_loop3A_642 = vector.shape_cast %parallel_loop3A_637 : vector<16xf32> to vector<1x16xf32>
        tpu.vector_store %arg9[%parallel_loop3A_638, %parallel_loop3A_639], %parallel_loop3A_642 {strides = array<i32>} : memref<128x128xf32, #tpu.memory_space<vmem>>, vector<1x16xf32>,
        %parallel_loop3A_643 = arith.index_cast %parallel_loop3A_630 : i32 to index
        %parallel_loop3A_644 = arith.constant 16 : index
        %parallel_loop3A_645 = tpu.vector_load %arg9[%parallel_loop3A_643, %parallel_loop3A_644] {strides = array<i32>} : memref<128x128xf32, #tpu.memory_space<vmem>>, vector<1x16xf32>,
        %parallel_loop3A_646 = vector.shape_cast %parallel_loop3A_645 : vector<1x16xf32> to vector<16xf32>
        %parallel_loop3A_647 = arith.constant 11.3137083 : f32
        %parallel_loop3A_648 = vector.broadcast %parallel_loop3A_647 : f32 to vector<16xf32>
        %parallel_loop3A_649 = arith.mulf %parallel_loop3A_646, %parallel_loop3A_648 : vector<16xf32>
        %parallel_loop3A_650 = arith.index_cast %parallel_loop3A_630 : i32 to index
        %parallel_loop3A_651 = arith.constant 16 : index
        %parallel_loop3A_652 = tpu.vector_load %arg9[%parallel_loop3A_650, %parallel_loop3A_651] {strides = array<i32>} : memref<128x128xf32, #tpu.memory_space<vmem>>, vector<1x16xf32>,
        %parallel_loop3A_653 = vector.shape_cast %parallel_loop3A_652 : vector<1x16xf32> to vector<16xf32>
        %parallel_loop3A_654 = vector.shape_cast %parallel_loop3A_649 : vector<16xf32> to vector<1x16xf32>
        tpu.vector_store %arg9[%parallel_loop3A_650, %parallel_loop3A_651], %parallel_loop3A_654 {strides = array<i32>} : memref<128x128xf32, #tpu.memory_space<vmem>>, vector<1x16xf32>,
        %parallel_loop3A_655 = arith.index_cast %parallel_loop3A_630 : i32 to index
        %parallel_loop3A_656 = arith.constant 32 : index
        %parallel_loop3A_657 = tpu.vector_load %arg9[%parallel_loop3A_655, %parallel_loop3A_656] {strides = array<i32>} : memref<128x128xf32, #tpu.memory_space<vmem>>, vector<1x16xf32>,
        %parallel_loop3A_658 = vector.shape_cast %parallel_loop3A_657 : vector<1x16xf32> to vector<16xf32>
        %parallel_loop3A_659 = arith.constant 11.3137083 : f32
        %parallel_loop3A_660 = vector.broadcast %parallel_loop3A_659 : f32 to vector<16xf32>
        %parallel_loop3A_661 = arith.mulf %parallel_loop3A_658, %parallel_loop3A_660 : vector<16xf32>
        %parallel_loop3A_662 = arith.index_cast %parallel_loop3A_630 : i32 to index
        %parallel_loop3A_663 = arith.constant 32 : index
        %parallel_loop3A_664 = tpu.vector_load %arg9[%parallel_loop3A_662, %parallel_loop3A_663] {strides = array<i32>} : memref<128x128xf32, #tpu.memory_space<vmem>>, vector<1x16xf32>,
        %parallel_loop3A_665 = vector.shape_cast %parallel_loop3A_664 : vector<1x16xf32> to vector<16xf32>
        %parallel_loop3A_666 = vector.shape_cast %parallel_loop3A_661 : vector<16xf32> to vector<1x16xf32>
        tpu.vector_store %arg9[%parallel_loop3A_662, %parallel_loop3A_663], %parallel_loop3A_666 {strides = array<i32>} : memref<128x128xf32, #tpu.memory_space<vmem>>, vector<1x16xf32>,
        %parallel_loop3A_667 = arith.index_cast %parallel_loop3A_630 : i32 to index
        %parallel_loop3A_668 = arith.constant 48 : index
        %parallel_loop3A_669 = tpu.vector_load %arg9[%parallel_loop3A_667, %parallel_loop3A_668] {strides = array<i32>} : memref<128x128xf32, #tpu.memory_space<vmem>>, vector<1x16xf32>,
        %parallel_loop3A_670 = vector.shape_cast %parallel_loop3A_669 : vector<1x16xf32> to vector<16xf32>
        %parallel_loop3A_671 = arith.constant 11.3137083 : f32
        %parallel_loop3A_672 = vector.broadcast %parallel_loop3A_671 : f32 to vector<16xf32>
        %parallel_loop3A_673 = arith.mulf %parallel_loop3A_670, %parallel_loop3A_672 : vector<16xf32>
        %parallel_loop3A_674 = arith.index_cast %parallel_loop3A_630 : i32 to index
        %parallel_loop3A_675 = arith.constant 48 : index
        %parallel_loop3A_676 = tpu.vector_load %arg9[%parallel_loop3A_674, %parallel_loop3A_675] {strides = array<i32>} : memref<128x128xf32, #tpu.memory_space<vmem>>, vector<1x16xf32>,
        %parallel_loop3A_677 = vector.shape_cast %parallel_loop3A_676 : vector<1x16xf32> to vector<16xf32>
        %parallel_loop3A_678 = vector.shape_cast %parallel_loop3A_673 : vector<16xf32> to vector<1x16xf32>
        tpu.vector_store %arg9[%parallel_loop3A_674, %parallel_loop3A_675], %parallel_loop3A_678 {strides = array<i32>} : memref<128x128xf32, #tpu.memory_space<vmem>>, vector<1x16xf32>,
        %parallel_loop3A_679 = arith.index_cast %parallel_loop3A_630 : i32 to index
        %parallel_loop3A_680 = arith.constant 64 : index
        %parallel_loop3A_681 = tpu.vector_load %arg9[%parallel_loop3A_679, %parallel_loop3A_680] {strides = array<i32>} : memref<128x128xf32, #tpu.memory_space<vmem>>, vector<1x16xf32>,
        %parallel_loop3A_682 = vector.shape_cast %parallel_loop3A_681 : vector<1x16xf32> to vector<16xf32>
        %parallel_loop3A_683 = arith.constant 11.3137083 : f32
        %parallel_loop3A_684 = vector.broadcast %parallel_loop3A_683 : f32 to vector<16xf32>
        %parallel_loop3A_685 = arith.mulf %parallel_loop3A_682, %parallel_loop3A_684 : vector<16xf32>
        %parallel_loop3A_686 = arith.index_cast %parallel_loop3A_630 : i32 to index
        %parallel_loop3A_687 = arith.constant 64 : index
        %parallel_loop3A_688 = tpu.vector_load %arg9[%parallel_loop3A_686, %parallel_loop3A_687] {strides = array<i32>} : memref<128x128xf32, #tpu.memory_space<vmem>>, vector<1x16xf32>,
        %parallel_loop3A_689 = vector.shape_cast %parallel_loop3A_688 : vector<1x16xf32> to vector<16xf32>
        %parallel_loop3A_690 = vector.shape_cast %parallel_loop3A_685 : vector<16xf32> to vector<1x16xf32>
        tpu.vector_store %arg9[%parallel_loop3A_686, %parallel_loop3A_687], %parallel_loop3A_690 {strides = array<i32>} : memref<128x128xf32, #tpu.memory_space<vmem>>, vector<1x16xf32>,
        %parallel_loop3A_691 = arith.index_cast %parallel_loop3A_630 : i32 to index
        %parallel_loop3A_692 = arith.constant 80 : index
        %parallel_loop3A_693 = tpu.vector_load %arg9[%parallel_loop3A_691, %parallel_loop3A_692] {strides = array<i32>} : memref<128x128xf32, #tpu.memory_space<vmem>>, vector<1x16xf32>,
        %parallel_loop3A_694 = vector.shape_cast %parallel_loop3A_693 : vector<1x16xf32> to vector<16xf32>
        %parallel_loop3A_695 = arith.constant 11.3137083 : f32
        %parallel_loop3A_696 = vector.broadcast %parallel_loop3A_695 : f32 to vector<16xf32>
        %parallel_loop3A_697 = arith.mulf %parallel_loop3A_694, %parallel_loop3A_696 : vector<16xf32>
        %parallel_loop3A_698 = arith.index_cast %parallel_loop3A_630 : i32 to index
        %parallel_loop3A_699 = arith.constant 80 : index
        %parallel_loop3A_700 = tpu.vector_load %arg9[%parallel_loop3A_698, %parallel_loop3A_699] {strides = array<i32>} : memref<128x128xf32, #tpu.memory_space<vmem>>, vector<1x16xf32>,
        %parallel_loop3A_701 = vector.shape_cast %parallel_loop3A_700 : vector<1x16xf32> to vector<16xf32>
        %parallel_loop3A_702 = vector.shape_cast %parallel_loop3A_697 : vector<16xf32> to vector<1x16xf32>
        tpu.vector_store %arg9[%parallel_loop3A_698, %parallel_loop3A_699], %parallel_loop3A_702 {strides = array<i32>} : memref<128x128xf32, #tpu.memory_space<vmem>>, vector<1x16xf32>,
        %parallel_loop3A_703 = arith.index_cast %parallel_loop3A_630 : i32 to index
        %parallel_loop3A_704 = arith.constant 96 : index
        %parallel_loop3A_705 = tpu.vector_load %arg9[%parallel_loop3A_703, %parallel_loop3A_704] {strides = array<i32>} : memref<128x128xf32, #tpu.memory_space<vmem>>, vector<1x16xf32>,
        %parallel_loop3A_706 = vector.shape_cast %parallel_loop3A_705 : vector<1x16xf32> to vector<16xf32>
        %parallel_loop3A_707 = arith.constant 11.3137083 : f32
        %parallel_loop3A_708 = vector.broadcast %parallel_loop3A_707 : f32 to vector<16xf32>
        %parallel_loop3A_709 = arith.mulf %parallel_loop3A_706, %parallel_loop3A_708 : vector<16xf32>
        %parallel_loop3A_710 = arith.index_cast %parallel_loop3A_630 : i32 to index
        %parallel_loop3A_711 = arith.constant 96 : index
        %parallel_loop3A_712 = tpu.vector_load %arg9[%parallel_loop3A_710, %parallel_loop3A_711] {strides = array<i32>} : memref<128x128xf32, #tpu.memory_space<vmem>>, vector<1x16xf32>,
        %parallel_loop3A_713 = vector.shape_cast %parallel_loop3A_712 : vector<1x16xf32> to vector<16xf32>
        %parallel_loop3A_714 = vector.shape_cast %parallel_loop3A_709 : vector<16xf32> to vector<1x16xf32>
        tpu.vector_store %arg9[%parallel_loop3A_710, %parallel_loop3A_711], %parallel_loop3A_714 {strides = array<i32>} : memref<128x128xf32, #tpu.memory_space<vmem>>, vector<1x16xf32>,
        %parallel_loop3A_715 = arith.index_cast %parallel_loop3A_630 : i32 to index
        %parallel_loop3A_716 = arith.constant 112 : index
        %parallel_loop3A_717 = tpu.vector_load %arg9[%parallel_loop3A_715, %parallel_loop3A_716] {strides = array<i32>} : memref<128x128xf32, #tpu.memory_space<vmem>>, vector<1x16xf32>,
        %parallel_loop3A_718 = vector.shape_cast %parallel_loop3A_717 : vector<1x16xf32> to vector<16xf32>
        %parallel_loop3A_719 = arith.constant 11.3137083 : f32
        %parallel_loop3A_720 = vector.broadcast %parallel_loop3A_719 : f32 to vector<16xf32>
        %parallel_loop3A_721 = arith.mulf %parallel_loop3A_718, %parallel_loop3A_720 : vector<16xf32>
        %parallel_loop3A_722 = arith.index_cast %parallel_loop3A_630 : i32 to index
        %parallel_loop3A_723 = arith.constant 112 : index
        %parallel_loop3A_724 = tpu.vector_load %arg9[%parallel_loop3A_722, %parallel_loop3A_723] {strides = array<i32>} : memref<128x128xf32, #tpu.memory_space<vmem>>, vector<1x16xf32>,
        %parallel_loop3A_725 = vector.shape_cast %parallel_loop3A_724 : vector<1x16xf32> to vector<16xf32>
        %parallel_loop3A_726 = vector.shape_cast %parallel_loop3A_721 : vector<16xf32> to vector<1x16xf32>
        tpu.vector_store %arg9[%parallel_loop3A_722, %parallel_loop3A_723], %parallel_loop3A_726 {strides = array<i32>} : memref<128x128xf32, #tpu.memory_space<vmem>>, vector<1x16xf32>,
      } {sc.loop_unroll_factor = 4 : i64, sc.parallel_access}
      %add3A_555 = arith.addi %mul3A_2, %add3A_531 : i32
      %mul3A_556 = arith.constant 128 : i32
      %mul3A_557 = arith.muli %add3A_555, %mul3A_556 : i32
      %dma_start3A_558 = arith.constant 0 : i32
      %dma_start3A_559 = tpu.memref_slice %arg4[%mul3A_557, %dma_start3A_558] : memref<819200x128xf32, #tpu.memory_space<hbm>> -> memref<128x128xf32, #tpu.memory_space<hbm>>
      %dma_start3A_560 = arith.constant 0 : i32
      %dma_start3A_561 = tpu.memref_slice %arg4[%mul3A_557, %dma_start3A_560] : memref<819200x128xf32, #tpu.memory_space<hbm>> -> memref<128x128xf32, #tpu.memory_space<hbm>>
      tpu.enqueue_dma source(%arg9 : memref<128x128xf32, #tpu.memory_space<vmem>>) target(%dma_start3A_561 : memref<128x128xf32, #tpu.memory_space<hbm>>) target_semaphore(%arg21 : memref<!tpu.dma_semaphore, #tpu.memory_space<semaphore_mem>>)
      %mul3A_562 = arith.constant 6 : i32
      %mul3A_563 = arith.muli %scan3A_425, %mul3A_562 : i32
      %add3A_564 = arith.constant 4 : i32
      %add3A_565 = arith.addi %mul3A_563, %add3A_564 : i32
      %add3A_566 = arith.constant 3 : i32
      %add3A_567 = arith.addi %add3A_565, %add3A_566 : i32
      %dma_wait3A_568 = arith.constant 0 : i32
      %dma_wait3A_569 = arith.constant 0 : i32
      %dma_wait3A_570 = tpu.memref_slice %arg2[%dma_wait3A_568, %dma_wait3A_569] : memref<100000x128xf32, #tpu.memory_space<hbm>> -> memref<128x128xf32, #tpu.memory_space<hbm>>
      %dma_wait3A_571 = arith.constant 0 : i32
      %dma_wait3A_572 = arith.constant 0 : i32
      %dma_wait3A_573 = tpu.memref_slice %arg2[%dma_wait3A_571, %dma_wait3A_572] : memref<100000x128xf32, #tpu.memory_space<hbm>> -> memref<128x128xf32, #tpu.memory_space<hbm>>
      tpu.wait_dma2 semaphore(%arg16 : memref<!tpu.dma_semaphore, #tpu.memory_space<semaphore_mem>>) src(%dma_wait3A_573 : memref<128x128xf32, #tpu.memory_space<hbm>>) dst(%arg10 : memref<128x128xf32, #tpu.memory_space<vmem>>)
      %dma_wait3A_574 = arith.constant 0 : i32
      %dma_wait3A_575 = arith.constant 0 : i32
      %dma_wait3A_576 = tpu.memref_slice %arg4[%dma_wait3A_574, %dma_wait3A_575] : memref<819200x128xf32, #tpu.memory_space<hbm>> -> memref<128x128xf32, #tpu.memory_space<hbm>>
      %dma_wait3A_577 = arith.constant 0 : i32
      %dma_wait3A_578 = arith.constant 0 : i32
      %dma_wait3A_579 = tpu.memref_slice %arg4[%dma_wait3A_577, %dma_wait3A_578] : memref<819200x128xf32, #tpu.memory_space<hbm>> -> memref<128x128xf32, #tpu.memory_space<hbm>>
      tpu.wait_dma2 semaphore(%arg19 : memref<!tpu.dma_semaphore, #tpu.memory_space<semaphore_mem>>) src(%arg7 : memref<128x128xf32, #tpu.memory_space<vmem>>) dst(%dma_wait3A_579 : memref<128x128xf32, #tpu.memory_space<hbm>>)
      %dma_start3A_580 = arith.constant 0 : i32
      %dma_start3A_581 = tpu.memref_slice %arg5[%add3A_567, %dma_start3A_580] : memref<200x128xi32, #tpu.memory_space<vmem>> -> memref<1x128xi32, #tpu.memory_space<vmem>>
      %dma_start3A_582 = tpu.memref_squeeze %dma_start3A_581 : memref<1x128xi32, #tpu.memory_space<vmem>> -> memref<128xi32, #tpu.memory_space<vmem>>
      %dma_start3A_583 = arith.constant 0 : i32
      %dma_start3A_584 = arith.constant 0 : i32
      %dma_start3A_585 = tpu.memref_slice %arg2[%dma_start3A_583, %dma_start3A_584] : memref<100000x128xf32, #tpu.memory_space<hbm>> -> memref<100000x128xf32, #tpu.memory_space<hbm>>
      tpu.enqueue_indirect_dma source(%dma_start3A_585 : memref<100000x128xf32, #tpu.memory_space<hbm>>) target(%arg7 : memref<128x128xf32, #tpu.memory_space<vmem>>) offsets(%dma_start3A_582 : memref<128xi32, #tpu.memory_space<vmem>>) semaphore(%arg13 : memref<!tpu.dma_semaphore, #tpu.memory_space<semaphore_mem>>)
      %parallel_loop3A_586 = arith.constant 0 : i32
      %parallel_loop3A_587 = arith.constant 128 : i32
      %parallel_loop3A_588 = arith.constant 1 : i32
      scf.for %parallel_loop3A_630 = %parallel_loop3A_586 to %parallel_loop3A_587 step %parallel_loop3A_588  : i32 {
        %parallel_loop3A_631 = arith.index_cast %parallel_loop3A_630 : i32 to index
        %parallel_loop3A_632 = arith.constant 0 : index
        %parallel_loop3A_633 = tpu.vector_load %arg10[%parallel_loop3A_631, %parallel_loop3A_632] {strides = array<i32>} : memref<128x128xf32, #tpu.memory_space<vmem>>, vector<1x16xf32>,
        %parallel_loop3A_634 = vector.shape_cast %parallel_loop3A_633 : vector<1x16xf32> to vector<16xf32>
        %parallel_loop3A_635 = arith.constant 11.3137083 : f32
        %parallel_loop3A_636 = vector.broadcast %parallel_loop3A_635 : f32 to vector<16xf32>
        %parallel_loop3A_637 = arith.mulf %parallel_loop3A_634, %parallel_loop3A_636 : vector<16xf32>
        %parallel_loop3A_638 = arith.index_cast %parallel_loop3A_630 : i32 to index
        %parallel_loop3A_639 = arith.constant 0 : index
        %parallel_loop3A_640 = tpu.vector_load %arg10[%parallel_loop3A_638, %parallel_loop3A_639] {strides = array<i32>} : memref<128x128xf32, #tpu.memory_space<vmem>>, vector<1x16xf32>,
        %parallel_loop3A_641 = vector.shape_cast %parallel_loop3A_640 : vector<1x16xf32> to vector<16xf32>
        %parallel_loop3A_642 = vector.shape_cast %parallel_loop3A_637 : vector<16xf32> to vector<1x16xf32>
        tpu.vector_store %arg10[%parallel_loop3A_638, %parallel_loop3A_639], %parallel_loop3A_642 {strides = array<i32>} : memref<128x128xf32, #tpu.memory_space<vmem>>, vector<1x16xf32>,
        %parallel_loop3A_643 = arith.index_cast %parallel_loop3A_630 : i32 to index
        %parallel_loop3A_644 = arith.constant 16 : index
        %parallel_loop3A_645 = tpu.vector_load %arg10[%parallel_loop3A_643, %parallel_loop3A_644] {strides = array<i32>} : memref<128x128xf32, #tpu.memory_space<vmem>>, vector<1x16xf32>,
        %parallel_loop3A_646 = vector.shape_cast %parallel_loop3A_645 : vector<1x16xf32> to vector<16xf32>
        %parallel_loop3A_647 = arith.constant 11.3137083 : f32
        %parallel_loop3A_648 = vector.broadcast %parallel_loop3A_647 : f32 to vector<16xf32>
        %parallel_loop3A_649 = arith.mulf %parallel_loop3A_646, %parallel_loop3A_648 : vector<16xf32>
        %parallel_loop3A_650 = arith.index_cast %parallel_loop3A_630 : i32 to index
        %parallel_loop3A_651 = arith.constant 16 : index
        %parallel_loop3A_652 = tpu.vector_load %arg10[%parallel_loop3A_650, %parallel_loop3A_651] {strides = array<i32>} : memref<128x128xf32, #tpu.memory_space<vmem>>, vector<1x16xf32>,
        %parallel_loop3A_653 = vector.shape_cast %parallel_loop3A_652 : vector<1x16xf32> to vector<16xf32>
        %parallel_loop3A_654 = vector.shape_cast %parallel_loop3A_649 : vector<16xf32> to vector<1x16xf32>
        tpu.vector_store %arg10[%parallel_loop3A_650, %parallel_loop3A_651], %parallel_loop3A_654 {strides = array<i32>} : memref<128x128xf32, #tpu.memory_space<vmem>>, vector<1x16xf32>,
        %parallel_loop3A_655 = arith.index_cast %parallel_loop3A_630 : i32 to index
        %parallel_loop3A_656 = arith.constant 32 : index
        %parallel_loop3A_657 = tpu.vector_load %arg10[%parallel_loop3A_655, %parallel_loop3A_656] {strides = array<i32>} : memref<128x128xf32, #tpu.memory_space<vmem>>, vector<1x16xf32>,
        %parallel_loop3A_658 = vector.shape_cast %parallel_loop3A_657 : vector<1x16xf32> to vector<16xf32>
        %parallel_loop3A_659 = arith.constant 11.3137083 : f32
        %parallel_loop3A_660 = vector.broadcast %parallel_loop3A_659 : f32 to vector<16xf32>
        %parallel_loop3A_661 = arith.mulf %parallel_loop3A_658, %parallel_loop3A_660 : vector<16xf32>
        %parallel_loop3A_662 = arith.index_cast %parallel_loop3A_630 : i32 to index
        %parallel_loop3A_663 = arith.constant 32 : index
        %parallel_loop3A_664 = tpu.vector_load %arg10[%parallel_loop3A_662, %parallel_loop3A_663] {strides = array<i32>} : memref<128x128xf32, #tpu.memory_space<vmem>>, vector<1x16xf32>,
        %parallel_loop3A_665 = vector.shape_cast %parallel_loop3A_664 : vector<1x16xf32> to vector<16xf32>
        %parallel_loop3A_666 = vector.shape_cast %parallel_loop3A_661 : vector<16xf32> to vector<1x16xf32>
        tpu.vector_store %arg10[%parallel_loop3A_662, %parallel_loop3A_663], %parallel_loop3A_666 {strides = array<i32>} : memref<128x128xf32, #tpu.memory_space<vmem>>, vector<1x16xf32>,
        %parallel_loop3A_667 = arith.index_cast %parallel_loop3A_630 : i32 to index
        %parallel_loop3A_668 = arith.constant 48 : index
        %parallel_loop3A_669 = tpu.vector_load %arg10[%parallel_loop3A_667, %parallel_loop3A_668] {strides = array<i32>} : memref<128x128xf32, #tpu.memory_space<vmem>>, vector<1x16xf32>,
        %parallel_loop3A_670 = vector.shape_cast %parallel_loop3A_669 : vector<1x16xf32> to vector<16xf32>
        %parallel_loop3A_671 = arith.constant 11.3137083 : f32
        %parallel_loop3A_672 = vector.broadcast %parallel_loop3A_671 : f32 to vector<16xf32>
        %parallel_loop3A_673 = arith.mulf %parallel_loop3A_670, %parallel_loop3A_672 : vector<16xf32>
        %parallel_loop3A_674 = arith.index_cast %parallel_loop3A_630 : i32 to index
        %parallel_loop3A_675 = arith.constant 48 : index
        %parallel_loop3A_676 = tpu.vector_load %arg10[%parallel_loop3A_674, %parallel_loop3A_675] {strides = array<i32>} : memref<128x128xf32, #tpu.memory_space<vmem>>, vector<1x16xf32>,
        %parallel_loop3A_677 = vector.shape_cast %parallel_loop3A_676 : vector<1x16xf32> to vector<16xf32>
        %parallel_loop3A_678 = vector.shape_cast %parallel_loop3A_673 : vector<16xf32> to vector<1x16xf32>
        tpu.vector_store %arg10[%parallel_loop3A_674, %parallel_loop3A_675], %parallel_loop3A_678 {strides = array<i32>} : memref<128x128xf32, #tpu.memory_space<vmem>>, vector<1x16xf32>,
        %parallel_loop3A_679 = arith.index_cast %parallel_loop3A_630 : i32 to index
        %parallel_loop3A_680 = arith.constant 64 : index
        %parallel_loop3A_681 = tpu.vector_load %arg10[%parallel_loop3A_679, %parallel_loop3A_680] {strides = array<i32>} : memref<128x128xf32, #tpu.memory_space<vmem>>, vector<1x16xf32>,
        %parallel_loop3A_682 = vector.shape_cast %parallel_loop3A_681 : vector<1x16xf32> to vector<16xf32>
        %parallel_loop3A_683 = arith.constant 11.3137083 : f32
        %parallel_loop3A_684 = vector.broadcast %parallel_loop3A_683 : f32 to vector<16xf32>
        %parallel_loop3A_685 = arith.mulf %parallel_loop3A_682, %parallel_loop3A_684 : vector<16xf32>
        %parallel_loop3A_686 = arith.index_cast %parallel_loop3A_630 : i32 to index
        %parallel_loop3A_687 = arith.constant 64 : index
        %parallel_loop3A_688 = tpu.vector_load %arg10[%parallel_loop3A_686, %parallel_loop3A_687] {strides = array<i32>} : memref<128x128xf32, #tpu.memory_space<vmem>>, vector<1x16xf32>,
        %parallel_loop3A_689 = vector.shape_cast %parallel_loop3A_688 : vector<1x16xf32> to vector<16xf32>
        %parallel_loop3A_690 = vector.shape_cast %parallel_loop3A_685 : vector<16xf32> to vector<1x16xf32>
        tpu.vector_store %arg10[%parallel_loop3A_686, %parallel_loop3A_687], %parallel_loop3A_690 {strides = array<i32>} : memref<128x128xf32, #tpu.memory_space<vmem>>, vector<1x16xf32>,
        %parallel_loop3A_691 = arith.index_cast %parallel_loop3A_630 : i32 to index
        %parallel_loop3A_692 = arith.constant 80 : index
        %parallel_loop3A_693 = tpu.vector_load %arg10[%parallel_loop3A_691, %parallel_loop3A_692] {strides = array<i32>} : memref<128x128xf32, #tpu.memory_space<vmem>>, vector<1x16xf32>,
        %parallel_loop3A_694 = vector.shape_cast %parallel_loop3A_693 : vector<1x16xf32> to vector<16xf32>
        %parallel_loop3A_695 = arith.constant 11.3137083 : f32
        %parallel_loop3A_696 = vector.broadcast %parallel_loop3A_695 : f32 to vector<16xf32>
        %parallel_loop3A_697 = arith.mulf %parallel_loop3A_694, %parallel_loop3A_696 : vector<16xf32>
        %parallel_loop3A_698 = arith.index_cast %parallel_loop3A_630 : i32 to index
        %parallel_loop3A_699 = arith.constant 80 : index
        %parallel_loop3A_700 = tpu.vector_load %arg10[%parallel_loop3A_698, %parallel_loop3A_699] {strides = array<i32>} : memref<128x128xf32, #tpu.memory_space<vmem>>, vector<1x16xf32>,
        %parallel_loop3A_701 = vector.shape_cast %parallel_loop3A_700 : vector<1x16xf32> to vector<16xf32>
        %parallel_loop3A_702 = vector.shape_cast %parallel_loop3A_697 : vector<16xf32> to vector<1x16xf32>
        tpu.vector_store %arg10[%parallel_loop3A_698, %parallel_loop3A_699], %parallel_loop3A_702 {strides = array<i32>} : memref<128x128xf32, #tpu.memory_space<vmem>>, vector<1x16xf32>,
        %parallel_loop3A_703 = arith.index_cast %parallel_loop3A_630 : i32 to index
        %parallel_loop3A_704 = arith.constant 96 : index
        %parallel_loop3A_705 = tpu.vector_load %arg10[%parallel_loop3A_703, %parallel_loop3A_704] {strides = array<i32>} : memref<128x128xf32, #tpu.memory_space<vmem>>, vector<1x16xf32>,
        %parallel_loop3A_706 = vector.shape_cast %parallel_loop3A_705 : vector<1x16xf32> to vector<16xf32>
        %parallel_loop3A_707 = arith.constant 11.3137083 : f32
        %parallel_loop3A_708 = vector.broadcast %parallel_loop3A_707 : f32 to vector<16xf32>
        %parallel_loop3A_709 = arith.mulf %parallel_loop3A_706, %parallel_loop3A_708 : vector<16xf32>
        %parallel_loop3A_710 = arith.index_cast %parallel_loop3A_630 : i32 to index
        %parallel_loop3A_711 = arith.constant 96 : index
        %parallel_loop3A_712 = tpu.vector_load %arg10[%parallel_loop3A_710, %parallel_loop3A_711] {strides = array<i32>} : memref<128x128xf32, #tpu.memory_space<vmem>>, vector<1x16xf32>,
        %parallel_loop3A_713 = vector.shape_cast %parallel_loop3A_712 : vector<1x16xf32> to vector<16xf32>
        %parallel_loop3A_714 = vector.shape_cast %parallel_loop3A_709 : vector<16xf32> to vector<1x16xf32>
        tpu.vector_store %arg10[%parallel_loop3A_710, %parallel_loop3A_711], %parallel_loop3A_714 {strides = array<i32>} : memref<128x128xf32, #tpu.memory_space<vmem>>, vector<1x16xf32>,
        %parallel_loop3A_715 = arith.index_cast %parallel_loop3A_630 : i32 to index
        %parallel_loop3A_716 = arith.constant 112 : index
        %parallel_loop3A_717 = tpu.vector_load %arg10[%parallel_loop3A_715, %parallel_loop3A_716] {strides = array<i32>} : memref<128x128xf32, #tpu.memory_space<vmem>>, vector<1x16xf32>,
        %parallel_loop3A_718 = vector.shape_cast %parallel_loop3A_717 : vector<1x16xf32> to vector<16xf32>
        %parallel_loop3A_719 = arith.constant 11.3137083 : f32
        %parallel_loop3A_720 = vector.broadcast %parallel_loop3A_719 : f32 to vector<16xf32>
        %parallel_loop3A_721 = arith.mulf %parallel_loop3A_718, %parallel_loop3A_720 : vector<16xf32>
        %parallel_loop3A_722 = arith.index_cast %parallel_loop3A_630 : i32 to index
        %parallel_loop3A_723 = arith.constant 112 : index
        %parallel_loop3A_724 = tpu.vector_load %arg10[%parallel_loop3A_722, %parallel_loop3A_723] {strides = array<i32>} : memref<128x128xf32, #tpu.memory_space<vmem>>, vector<1x16xf32>,
        %parallel_loop3A_725 = vector.shape_cast %parallel_loop3A_724 : vector<1x16xf32> to vector<16xf32>
        %parallel_loop3A_726 = vector.shape_cast %parallel_loop3A_721 : vector<16xf32> to vector<1x16xf32>
        tpu.vector_store %arg10[%parallel_loop3A_722, %parallel_loop3A_723], %parallel_loop3A_726 {strides = array<i32>} : memref<128x128xf32, #tpu.memory_space<vmem>>, vector<1x16xf32>,
      } {sc.loop_unroll_factor = 4 : i64, sc.parallel_access}
      %add3A_589 = arith.addi %mul3A_2, %add3A_565 : i32
      %mul3A_590 = arith.constant 128 : i32
      %mul3A_591 = arith.muli %add3A_589, %mul3A_590 : i32
      %dma_start3A_592 = arith.constant 0 : i32
      %dma_start3A_593 = tpu.memref_slice %arg4[%mul3A_591, %dma_start3A_592] : memref<819200x128xf32, #tpu.memory_space<hbm>> -> memref<128x128xf32, #tpu.memory_space<hbm>>
      %dma_start3A_594 = arith.constant 0 : i32
      %dma_start3A_595 = tpu.memref_slice %arg4[%mul3A_591, %dma_start3A_594] : memref<819200x128xf32, #tpu.memory_space<hbm>> -> memref<128x128xf32, #tpu.memory_space<hbm>>
      tpu.enqueue_dma source(%arg10 : memref<128x128xf32, #tpu.memory_space<vmem>>) target(%dma_start3A_595 : memref<128x128xf32, #tpu.memory_space<hbm>>) target_semaphore(%arg22 : memref<!tpu.dma_semaphore, #tpu.memory_space<semaphore_mem>>)
      %mul3A_596 = arith.constant 6 : i32
      %mul3A_597 = arith.muli %scan3A_425, %mul3A_596 : i32
      %add3A_598 = arith.constant 5 : i32
      %add3A_599 = arith.addi %mul3A_597, %add3A_598 : i32
      %add3A_600 = arith.constant 3 : i32
      %add3A_601 = arith.addi %add3A_599, %add3A_600 : i32
      %dma_wait3A_602 = arith.constant 0 : i32
      %dma_wait3A_603 = arith.constant 0 : i32
      %dma_wait3A_604 = tpu.memref_slice %arg2[%dma_wait3A_602, %dma_wait3A_603] : memref<100000x128xf32, #tpu.memory_space<hbm>> -> memref<128x128xf32, #tpu.memory_space<hbm>>
      %dma_wait3A_605 = arith.constant 0 : i32
      %dma_wait3A_606 = arith.constant 0 : i32
      %dma_wait3A_607 = tpu.memref_slice %arg2[%dma_wait3A_605, %dma_wait3A_606] : memref<100000x128xf32, #tpu.memory_space<hbm>> -> memref<128x128xf32, #tpu.memory_space<hbm>>
      tpu.wait_dma2 semaphore(%arg17 : memref<!tpu.dma_semaphore, #tpu.memory_space<semaphore_mem>>) src(%dma_wait3A_607 : memref<128x128xf32, #tpu.memory_space<hbm>>) dst(%arg11 : memref<128x128xf32, #tpu.memory_space<vmem>>)
      %dma_wait3A_608 = arith.constant 0 : i32
      %dma_wait3A_609 = arith.constant 0 : i32
      %dma_wait3A_610 = tpu.memref_slice %arg4[%dma_wait3A_608, %dma_wait3A_609] : memref<819200x128xf32, #tpu.memory_space<hbm>> -> memref<128x128xf32, #tpu.memory_space<hbm>>
      %dma_wait3A_611 = arith.constant 0 : i32
      %dma_wait3A_612 = arith.constant 0 : i32
      %dma_wait3A_613 = tpu.memref_slice %arg4[%dma_wait3A_611, %dma_wait3A_612] : memref<819200x128xf32, #tpu.memory_space<hbm>> -> memref<128x128xf32, #tpu.memory_space<hbm>>
      tpu.wait_dma2 semaphore(%arg20 : memref<!tpu.dma_semaphore, #tpu.memory_space<semaphore_mem>>) src(%arg8 : memref<128x128xf32, #tpu.memory_space<vmem>>) dst(%dma_wait3A_613 : memref<128x128xf32, #tpu.memory_space<hbm>>)
      %dma_start3A_614 = arith.constant 0 : i32
      %dma_start3A_615 = tpu.memref_slice %arg5[%add3A_601, %dma_start3A_614] : memref<200x128xi32, #tpu.memory_space<vmem>> -> memref<1x128xi32, #tpu.memory_space<vmem>>
      %dma_start3A_616 = tpu.memref_squeeze %dma_start3A_615 : memref<1x128xi32, #tpu.memory_space<vmem>> -> memref<128xi32, #tpu.memory_space<vmem>>
      %dma_start3A_617 = arith.constant 0 : i32
      %dma_start3A_618 = arith.constant 0 : i32
      %dma_start3A_619 = tpu.memref_slice %arg2[%dma_start3A_617, %dma_start3A_618] : memref<100000x128xf32, #tpu.memory_space<hbm>> -> memref<100000x128xf32, #tpu.memory_space<hbm>>
      tpu.enqueue_indirect_dma source(%dma_start3A_619 : memref<100000x128xf32, #tpu.memory_space<hbm>>) target(%arg8 : memref<128x128xf32, #tpu.memory_space<vmem>>) offsets(%dma_start3A_616 : memref<128xi32, #tpu.memory_space<vmem>>) semaphore(%arg14 : memref<!tpu.dma_semaphore, #tpu.memory_space<semaphore_mem>>)
      %parallel_loop3A_620 = arith.constant 0 : i32
      %parallel_loop3A_621 = arith.constant 128 : i32
      %parallel_loop3A_622 = arith.constant 1 : i32
      scf.for %parallel_loop3A_630 = %parallel_loop3A_620 to %parallel_loop3A_621 step %parallel_loop3A_622  : i32 {
        %parallel_loop3A_631 = arith.index_cast %parallel_loop3A_630 : i32 to index
        %parallel_loop3A_632 = arith.constant 0 : index
        %parallel_loop3A_633 = tpu.vector_load %arg11[%parallel_loop3A_631, %parallel_loop3A_632] {strides = array<i32>} : memref<128x128xf32, #tpu.memory_space<vmem>>, vector<1x16xf32>,
        %parallel_loop3A_634 = vector.shape_cast %parallel_loop3A_633 : vector<1x16xf32> to vector<16xf32>
        %parallel_loop3A_635 = arith.constant 11.3137083 : f32
        %parallel_loop3A_636 = vector.broadcast %parallel_loop3A_635 : f32 to vector<16xf32>
        %parallel_loop3A_637 = arith.mulf %parallel_loop3A_634, %parallel_loop3A_636 : vector<16xf32>
        %parallel_loop3A_638 = arith.index_cast %parallel_loop3A_630 : i32 to index
        %parallel_loop3A_639 = arith.constant 0 : index
        %parallel_loop3A_640 = tpu.vector_load %arg11[%parallel_loop3A_638, %parallel_loop3A_639] {strides = array<i32>} : memref<128x128xf32, #tpu.memory_space<vmem>>, vector<1x16xf32>,
        %parallel_loop3A_641 = vector.shape_cast %parallel_loop3A_640 : vector<1x16xf32> to vector<16xf32>
        %parallel_loop3A_642 = vector.shape_cast %parallel_loop3A_637 : vector<16xf32> to vector<1x16xf32>
        tpu.vector_store %arg11[%parallel_loop3A_638, %parallel_loop3A_639], %parallel_loop3A_642 {strides = array<i32>} : memref<128x128xf32, #tpu.memory_space<vmem>>, vector<1x16xf32>,
        %parallel_loop3A_643 = arith.index_cast %parallel_loop3A_630 : i32 to index
        %parallel_loop3A_644 = arith.constant 16 : index
        %parallel_loop3A_645 = tpu.vector_load %arg11[%parallel_loop3A_643, %parallel_loop3A_644] {strides = array<i32>} : memref<128x128xf32, #tpu.memory_space<vmem>>, vector<1x16xf32>,
        %parallel_loop3A_646 = vector.shape_cast %parallel_loop3A_645 : vector<1x16xf32> to vector<16xf32>
        %parallel_loop3A_647 = arith.constant 11.3137083 : f32
        %parallel_loop3A_648 = vector.broadcast %parallel_loop3A_647 : f32 to vector<16xf32>
        %parallel_loop3A_649 = arith.mulf %parallel_loop3A_646, %parallel_loop3A_648 : vector<16xf32>
        %parallel_loop3A_650 = arith.index_cast %parallel_loop3A_630 : i32 to index
        %parallel_loop3A_651 = arith.constant 16 : index
        %parallel_loop3A_652 = tpu.vector_load %arg11[%parallel_loop3A_650, %parallel_loop3A_651] {strides = array<i32>} : memref<128x128xf32, #tpu.memory_space<vmem>>, vector<1x16xf32>,
        %parallel_loop3A_653 = vector.shape_cast %parallel_loop3A_652 : vector<1x16xf32> to vector<16xf32>
        %parallel_loop3A_654 = vector.shape_cast %parallel_loop3A_649 : vector<16xf32> to vector<1x16xf32>
        tpu.vector_store %arg11[%parallel_loop3A_650, %parallel_loop3A_651], %parallel_loop3A_654 {strides = array<i32>} : memref<128x128xf32, #tpu.memory_space<vmem>>, vector<1x16xf32>,
        %parallel_loop3A_655 = arith.index_cast %parallel_loop3A_630 : i32 to index
        %parallel_loop3A_656 = arith.constant 32 : index
        %parallel_loop3A_657 = tpu.vector_load %arg11[%parallel_loop3A_655, %parallel_loop3A_656] {strides = array<i32>} : memref<128x128xf32, #tpu.memory_space<vmem>>, vector<1x16xf32>,
        %parallel_loop3A_658 = vector.shape_cast %parallel_loop3A_657 : vector<1x16xf32> to vector<16xf32>
        %parallel_loop3A_659 = arith.constant 11.3137083 : f32
        %parallel_loop3A_660 = vector.broadcast %parallel_loop3A_659 : f32 to vector<16xf32>
        %parallel_loop3A_661 = arith.mulf %parallel_loop3A_658, %parallel_loop3A_660 : vector<16xf32>
        %parallel_loop3A_662 = arith.index_cast %parallel_loop3A_630 : i32 to index
        %parallel_loop3A_663 = arith.constant 32 : index
        %parallel_loop3A_664 = tpu.vector_load %arg11[%parallel_loop3A_662, %parallel_loop3A_663] {strides = array<i32>} : memref<128x128xf32, #tpu.memory_space<vmem>>, vector<1x16xf32>,
        %parallel_loop3A_665 = vector.shape_cast %parallel_loop3A_664 : vector<1x16xf32> to vector<16xf32>
        %parallel_loop3A_666 = vector.shape_cast %parallel_loop3A_661 : vector<16xf32> to vector<1x16xf32>
        tpu.vector_store %arg11[%parallel_loop3A_662, %parallel_loop3A_663], %parallel_loop3A_666 {strides = array<i32>} : memref<128x128xf32, #tpu.memory_space<vmem>>, vector<1x16xf32>,
        %parallel_loop3A_667 = arith.index_cast %parallel_loop3A_630 : i32 to index
        %parallel_loop3A_668 = arith.constant 48 : index
        %parallel_loop3A_669 = tpu.vector_load %arg11[%parallel_loop3A_667, %parallel_loop3A_668] {strides = array<i32>} : memref<128x128xf32, #tpu.memory_space<vmem>>, vector<1x16xf32>,
        %parallel_loop3A_670 = vector.shape_cast %parallel_loop3A_669 : vector<1x16xf32> to vector<16xf32>
        %parallel_loop3A_671 = arith.constant 11.3137083 : f32
        %parallel_loop3A_672 = vector.broadcast %parallel_loop3A_671 : f32 to vector<16xf32>
        %parallel_loop3A_673 = arith.mulf %parallel_loop3A_670, %parallel_loop3A_672 : vector<16xf32>
        %parallel_loop3A_674 = arith.index_cast %parallel_loop3A_630 : i32 to index
        %parallel_loop3A_675 = arith.constant 48 : index
        %parallel_loop3A_676 = tpu.vector_load %arg11[%parallel_loop3A_674, %parallel_loop3A_675] {strides = array<i32>} : memref<128x128xf32, #tpu.memory_space<vmem>>, vector<1x16xf32>,
        %parallel_loop3A_677 = vector.shape_cast %parallel_loop3A_676 : vector<1x16xf32> to vector<16xf32>
        %parallel_loop3A_678 = vector.shape_cast %parallel_loop3A_673 : vector<16xf32> to vector<1x16xf32>
        tpu.vector_store %arg11[%parallel_loop3A_674, %parallel_loop3A_675], %parallel_loop3A_678 {strides = array<i32>} : memref<128x128xf32, #tpu.memory_space<vmem>>, vector<1x16xf32>,
        %parallel_loop3A_679 = arith.index_cast %parallel_loop3A_630 : i32 to index
        %parallel_loop3A_680 = arith.constant 64 : index
        %parallel_loop3A_681 = tpu.vector_load %arg11[%parallel_loop3A_679, %parallel_loop3A_680] {strides = array<i32>} : memref<128x128xf32, #tpu.memory_space<vmem>>, vector<1x16xf32>,
        %parallel_loop3A_682 = vector.shape_cast %parallel_loop3A_681 : vector<1x16xf32> to vector<16xf32>
        %parallel_loop3A_683 = arith.constant 11.3137083 : f32
        %parallel_loop3A_684 = vector.broadcast %parallel_loop3A_683 : f32 to vector<16xf32>
        %parallel_loop3A_685 = arith.mulf %parallel_loop3A_682, %parallel_loop3A_684 : vector<16xf32>
        %parallel_loop3A_686 = arith.index_cast %parallel_loop3A_630 : i32 to index
        %parallel_loop3A_687 = arith.constant 64 : index
        %parallel_loop3A_688 = tpu.vector_load %arg11[%parallel_loop3A_686, %parallel_loop3A_687] {strides = array<i32>} : memref<128x128xf32, #tpu.memory_space<vmem>>, vector<1x16xf32>,
        %parallel_loop3A_689 = vector.shape_cast %parallel_loop3A_688 : vector<1x16xf32> to vector<16xf32>
        %parallel_loop3A_690 = vector.shape_cast %parallel_loop3A_685 : vector<16xf32> to vector<1x16xf32>
        tpu.vector_store %arg11[%parallel_loop3A_686, %parallel_loop3A_687], %parallel_loop3A_690 {strides = array<i32>} : memref<128x128xf32, #tpu.memory_space<vmem>>, vector<1x16xf32>,
        %parallel_loop3A_691 = arith.index_cast %parallel_loop3A_630 : i32 to index
        %parallel_loop3A_692 = arith.constant 80 : index
        %parallel_loop3A_693 = tpu.vector_load %arg11[%parallel_loop3A_691, %parallel_loop3A_692] {strides = array<i32>} : memref<128x128xf32, #tpu.memory_space<vmem>>, vector<1x16xf32>,
        %parallel_loop3A_694 = vector.shape_cast %parallel_loop3A_693 : vector<1x16xf32> to vector<16xf32>
        %parallel_loop3A_695 = arith.constant 11.3137083 : f32
        %parallel_loop3A_696 = vector.broadcast %parallel_loop3A_695 : f32 to vector<16xf32>
        %parallel_loop3A_697 = arith.mulf %parallel_loop3A_694, %parallel_loop3A_696 : vector<16xf32>
        %parallel_loop3A_698 = arith.index_cast %parallel_loop3A_630 : i32 to index
        %parallel_loop3A_699 = arith.constant 80 : index
        %parallel_loop3A_700 = tpu.vector_load %arg11[%parallel_loop3A_698, %parallel_loop3A_699] {strides = array<i32>} : memref<128x128xf32, #tpu.memory_space<vmem>>, vector<1x16xf32>,
        %parallel_loop3A_701 = vector.shape_cast %parallel_loop3A_700 : vector<1x16xf32> to vector<16xf32>
        %parallel_loop3A_702 = vector.shape_cast %parallel_loop3A_697 : vector<16xf32> to vector<1x16xf32>
        tpu.vector_store %arg11[%parallel_loop3A_698, %parallel_loop3A_699], %parallel_loop3A_702 {strides = array<i32>} : memref<128x128xf32, #tpu.memory_space<vmem>>, vector<1x16xf32>,
        %parallel_loop3A_703 = arith.index_cast %parallel_loop3A_630 : i32 to index
        %parallel_loop3A_704 = arith.constant 96 : index
        %parallel_loop3A_705 = tpu.vector_load %arg11[%parallel_loop3A_703, %parallel_loop3A_704] {strides = array<i32>} : memref<128x128xf32, #tpu.memory_space<vmem>>, vector<1x16xf32>,
        %parallel_loop3A_706 = vector.shape_cast %parallel_loop3A_705 : vector<1x16xf32> to vector<16xf32>
        %parallel_loop3A_707 = arith.constant 11.3137083 : f32
        %parallel_loop3A_708 = vector.broadcast %parallel_loop3A_707 : f32 to vector<16xf32>
        %parallel_loop3A_709 = arith.mulf %parallel_loop3A_706, %parallel_loop3A_708 : vector<16xf32>
        %parallel_loop3A_710 = arith.index_cast %parallel_loop3A_630 : i32 to index
        %parallel_loop3A_711 = arith.constant 96 : index
        %parallel_loop3A_712 = tpu.vector_load %arg11[%parallel_loop3A_710, %parallel_loop3A_711] {strides = array<i32>} : memref<128x128xf32, #tpu.memory_space<vmem>>, vector<1x16xf32>,
        %parallel_loop3A_713 = vector.shape_cast %parallel_loop3A_712 : vector<1x16xf32> to vector<16xf32>
        %parallel_loop3A_714 = vector.shape_cast %parallel_loop3A_709 : vector<16xf32> to vector<1x16xf32>
        tpu.vector_store %arg11[%parallel_loop3A_710, %parallel_loop3A_711], %parallel_loop3A_714 {strides = array<i32>} : memref<128x128xf32, #tpu.memory_space<vmem>>, vector<1x16xf32>,
        %parallel_loop3A_715 = arith.index_cast %parallel_loop3A_630 : i32 to index
        %parallel_loop3A_716 = arith.constant 112 : index
        %parallel_loop3A_717 = tpu.vector_load %arg11[%parallel_loop3A_715, %parallel_loop3A_716] {strides = array<i32>} : memref<128x128xf32, #tpu.memory_space<vmem>>, vector<1x16xf32>,
        %parallel_loop3A_718 = vector.shape_cast %parallel_loop3A_717 : vector<1x16xf32> to vector<16xf32>
        %parallel_loop3A_719 = arith.constant 11.3137083 : f32
        %parallel_loop3A_720 = vector.broadcast %parallel_loop3A_719 : f32 to vector<16xf32>
        %parallel_loop3A_721 = arith.mulf %parallel_loop3A_718, %parallel_loop3A_720 : vector<16xf32>
        %parallel_loop3A_722 = arith.index_cast %parallel_loop3A_630 : i32 to index
        %parallel_loop3A_723 = arith.constant 112 : index
        %parallel_loop3A_724 = tpu.vector_load %arg11[%parallel_loop3A_722, %parallel_loop3A_723] {strides = array<i32>} : memref<128x128xf32, #tpu.memory_space<vmem>>, vector<1x16xf32>,
        %parallel_loop3A_725 = vector.shape_cast %parallel_loop3A_724 : vector<1x16xf32> to vector<16xf32>
        %parallel_loop3A_726 = vector.shape_cast %parallel_loop3A_721 : vector<16xf32> to vector<1x16xf32>
        tpu.vector_store %arg11[%parallel_loop3A_722, %parallel_loop3A_723], %parallel_loop3A_726 {strides = array<i32>} : memref<128x128xf32, #tpu.memory_space<vmem>>, vector<1x16xf32>,
      } {sc.loop_unroll_factor = 4 : i64, sc.parallel_access}
      %add3A_623 = arith.addi %mul3A_2, %add3A_599 : i32
      %mul3A_624 = arith.constant 128 : i32
      %mul3A_625 = arith.muli %add3A_623, %mul3A_624 : i32
      %dma_start3A_626 = arith.constant 0 : i32
      %dma_start3A_627 = tpu.memref_slice %arg4[%mul3A_625, %dma_start3A_626] : memref<819200x128xf32, #tpu.memory_space<hbm>> -> memref<128x128xf32, #tpu.memory_space<hbm>>
      %dma_start3A_628 = arith.constant 0 : i32
      %dma_start3A_629 = tpu.memref_slice %arg4[%mul3A_625, %dma_start3A_628] : memref<819200x128xf32, #tpu.memory_space<hbm>> -> memref<128x128xf32, #tpu.memory_space<hbm>>
      tpu.enqueue_dma source(%arg11 : memref<128x128xf32, #tpu.memory_space<vmem>>) target(%dma_start3A_629 : memref<128x128xf32, #tpu.memory_space<hbm>>) target_semaphore(%arg23 : memref<!tpu.dma_semaphore, #tpu.memory_space<semaphore_mem>>)
    }
    %scan3A_187 = arith.constant 31 : i32
    %dma_wait3A_188 = arith.constant 0 : i32
    %dma_wait3A_189 = arith.constant 0 : i32
    %dma_wait3A_190 = tpu.memref_slice %arg2[%dma_wait3A_188, %dma_wait3A_189] : memref<100000x128xf32, #tpu.memory_space<hbm>> -> memref<128x128xf32, #tpu.memory_space<hbm>>
    %dma_wait3A_191 = arith.constant 0 : i32
    %dma_wait3A_192 = arith.constant 0 : i32
    %dma_wait3A_193 = tpu.memref_slice %arg2[%dma_wait3A_191, %dma_wait3A_192] : memref<100000x128xf32, #tpu.memory_space<hbm>> -> memref<128x128xf32, #tpu.memory_space<hbm>>
    tpu.wait_dma2 semaphore(%arg12 : memref<!tpu.dma_semaphore, #tpu.memory_space<semaphore_mem>>) src(%dma_wait3A_193 : memref<128x128xf32, #tpu.memory_space<hbm>>) dst(%arg6 : memref<128x128xf32, #tpu.memory_space<vmem>>)
    %dma_wait3A_194 = arith.constant 0 : i32
    %dma_wait3A_195 = arith.constant 0 : i32
    %dma_wait3A_196 = tpu.memref_slice %arg4[%dma_wait3A_194, %dma_wait3A_195] : memref<819200x128xf32, #tpu.memory_space<hbm>> -> memref<128x128xf32, #tpu.memory_space<hbm>>
    %dma_wait3A_197 = arith.constant 0 : i32
    %dma_wait3A_198 = arith.constant 0 : i32
    %dma_wait3A_199 = tpu.memref_slice %arg4[%dma_wait3A_197, %dma_wait3A_198] : memref<819200x128xf32, #tpu.memory_space<hbm>> -> memref<128x128xf32, #tpu.memory_space<hbm>>
    tpu.wait_dma2 semaphore(%arg21 : memref<!tpu.dma_semaphore, #tpu.memory_space<semaphore_mem>>) src(%arg9 : memref<128x128xf32, #tpu.memory_space<vmem>>) dst(%dma_wait3A_199 : memref<128x128xf32, #tpu.memory_space<hbm>>)
    %dma_start3A_200 = arith.constant 195 : i32
    %dma_start3A_201 = arith.constant 0 : i32
    %dma_start3A_202 = tpu.memref_slice %arg5[%dma_start3A_200, %dma_start3A_201] : memref<200x128xi32, #tpu.memory_space<vmem>> -> memref<1x128xi32, #tpu.memory_space<vmem>>
    %dma_start3A_203 = tpu.memref_squeeze %dma_start3A_202 : memref<1x128xi32, #tpu.memory_space<vmem>> -> memref<128xi32, #tpu.memory_space<vmem>>
    %dma_start3A_204 = arith.constant 0 : i32
    %dma_start3A_205 = arith.constant 0 : i32
    %dma_start3A_206 = tpu.memref_slice %arg2[%dma_start3A_204, %dma_start3A_205] : memref<100000x128xf32, #tpu.memory_space<hbm>> -> memref<100000x128xf32, #tpu.memory_space<hbm>>
    tpu.enqueue_indirect_dma source(%dma_start3A_206 : memref<100000x128xf32, #tpu.memory_space<hbm>>) target(%arg9 : memref<128x128xf32, #tpu.memory_space<vmem>>) offsets(%dma_start3A_203 : memref<128xi32, #tpu.memory_space<vmem>>) semaphore(%arg15 : memref<!tpu.dma_semaphore, #tpu.memory_space<semaphore_mem>>)
    %parallel_loop3A_207 = arith.constant 0 : i32
    %parallel_loop3A_208 = arith.constant 128 : i32
    %parallel_loop3A_209 = arith.constant 1 : i32
    scf.for %parallel_loop3A_425 = %parallel_loop3A_207 to %parallel_loop3A_208 step %parallel_loop3A_209  : i32 {
      %parallel_loop3A_426 = arith.index_cast %parallel_loop3A_425 : i32 to index
      %parallel_loop3A_427 = arith.constant 0 : index
      %parallel_loop3A_428 = tpu.vector_load %arg6[%parallel_loop3A_426, %parallel_loop3A_427] {strides = array<i32>} : memref<128x128xf32, #tpu.memory_space<vmem>>, vector<1x16xf32>,
      %parallel_loop3A_429 = vector.shape_cast %parallel_loop3A_428 : vector<1x16xf32> to vector<16xf32>
      %parallel_loop3A_430 = arith.constant 11.3137083 : f32
      %parallel_loop3A_431 = vector.broadcast %parallel_loop3A_430 : f32 to vector<16xf32>
      %parallel_loop3A_432 = arith.mulf %parallel_loop3A_429, %parallel_loop3A_431 : vector<16xf32>
      %parallel_loop3A_433 = arith.index_cast %parallel_loop3A_425 : i32 to index
      %parallel_loop3A_434 = arith.constant 0 : index
      %parallel_loop3A_435 = tpu.vector_load %arg6[%parallel_loop3A_433, %parallel_loop3A_434] {strides = array<i32>} : memref<128x128xf32, #tpu.memory_space<vmem>>, vector<1x16xf32>,
      %parallel_loop3A_436 = vector.shape_cast %parallel_loop3A_435 : vector<1x16xf32> to vector<16xf32>
      %parallel_loop3A_437 = vector.shape_cast %parallel_loop3A_432 : vector<16xf32> to vector<1x16xf32>
      tpu.vector_store %arg6[%parallel_loop3A_433, %parallel_loop3A_434], %parallel_loop3A_437 {strides = array<i32>} : memref<128x128xf32, #tpu.memory_space<vmem>>, vector<1x16xf32>,
      %parallel_loop3A_438 = arith.index_cast %parallel_loop3A_425 : i32 to index
      %parallel_loop3A_439 = arith.constant 16 : index
      %parallel_loop3A_440 = tpu.vector_load %arg6[%parallel_loop3A_438, %parallel_loop3A_439] {strides = array<i32>} : memref<128x128xf32, #tpu.memory_space<vmem>>, vector<1x16xf32>,
      %parallel_loop3A_441 = vector.shape_cast %parallel_loop3A_440 : vector<1x16xf32> to vector<16xf32>
      %parallel_loop3A_442 = arith.constant 11.3137083 : f32
      %parallel_loop3A_443 = vector.broadcast %parallel_loop3A_442 : f32 to vector<16xf32>
      %parallel_loop3A_444 = arith.mulf %parallel_loop3A_441, %parallel_loop3A_443 : vector<16xf32>
      %parallel_loop3A_445 = arith.index_cast %parallel_loop3A_425 : i32 to index
      %parallel_loop3A_446 = arith.constant 16 : index
      %parallel_loop3A_447 = tpu.vector_load %arg6[%parallel_loop3A_445, %parallel_loop3A_446] {strides = array<i32>} : memref<128x128xf32, #tpu.memory_space<vmem>>, vector<1x16xf32>,
      %parallel_loop3A_448 = vector.shape_cast %parallel_loop3A_447 : vector<1x16xf32> to vector<16xf32>
      %parallel_loop3A_449 = vector.shape_cast %parallel_loop3A_444 : vector<16xf32> to vector<1x16xf32>
      tpu.vector_store %arg6[%parallel_loop3A_445, %parallel_loop3A_446], %parallel_loop3A_449 {strides = array<i32>} : memref<128x128xf32, #tpu.memory_space<vmem>>, vector<1x16xf32>,
      %parallel_loop3A_450 = arith.index_cast %parallel_loop3A_425 : i32 to index
      %parallel_loop3A_451 = arith.constant 32 : index
      %parallel_loop3A_452 = tpu.vector_load %arg6[%parallel_loop3A_450, %parallel_loop3A_451] {strides = array<i32>} : memref<128x128xf32, #tpu.memory_space<vmem>>, vector<1x16xf32>,
      %parallel_loop3A_453 = vector.shape_cast %parallel_loop3A_452 : vector<1x16xf32> to vector<16xf32>
      %parallel_loop3A_454 = arith.constant 11.3137083 : f32
      %parallel_loop3A_455 = vector.broadcast %parallel_loop3A_454 : f32 to vector<16xf32>
      %parallel_loop3A_456 = arith.mulf %parallel_loop3A_453, %parallel_loop3A_455 : vector<16xf32>
      %parallel_loop3A_457 = arith.index_cast %parallel_loop3A_425 : i32 to index
      %parallel_loop3A_458 = arith.constant 32 : index
      %parallel_loop3A_459 = tpu.vector_load %arg6[%parallel_loop3A_457, %parallel_loop3A_458] {strides = array<i32>} : memref<128x128xf32, #tpu.memory_space<vmem>>, vector<1x16xf32>,
      %parallel_loop3A_460 = vector.shape_cast %parallel_loop3A_459 : vector<1x16xf32> to vector<16xf32>
      %parallel_loop3A_461 = vector.shape_cast %parallel_loop3A_456 : vector<16xf32> to vector<1x16xf32>
      tpu.vector_store %arg6[%parallel_loop3A_457, %parallel_loop3A_458], %parallel_loop3A_461 {strides = array<i32>} : memref<128x128xf32, #tpu.memory_space<vmem>>, vector<1x16xf32>,
      %parallel_loop3A_462 = arith.index_cast %parallel_loop3A_425 : i32 to index
      %parallel_loop3A_463 = arith.constant 48 : index
      %parallel_loop3A_464 = tpu.vector_load %arg6[%parallel_loop3A_462, %parallel_loop3A_463] {strides = array<i32>} : memref<128x128xf32, #tpu.memory_space<vmem>>, vector<1x16xf32>,
      %parallel_loop3A_465 = vector.shape_cast %parallel_loop3A_464 : vector<1x16xf32> to vector<16xf32>
      %parallel_loop3A_466 = arith.constant 11.3137083 : f32
      %parallel_loop3A_467 = vector.broadcast %parallel_loop3A_466 : f32 to vector<16xf32>
      %parallel_loop3A_468 = arith.mulf %parallel_loop3A_465, %parallel_loop3A_467 : vector<16xf32>
      %parallel_loop3A_469 = arith.index_cast %parallel_loop3A_425 : i32 to index
      %parallel_loop3A_470 = arith.constant 48 : index
      %parallel_loop3A_471 = tpu.vector_load %arg6[%parallel_loop3A_469, %parallel_loop3A_470] {strides = array<i32>} : memref<128x128xf32, #tpu.memory_space<vmem>>, vector<1x16xf32>,
      %parallel_loop3A_472 = vector.shape_cast %parallel_loop3A_471 : vector<1x16xf32> to vector<16xf32>
      %parallel_loop3A_473 = vector.shape_cast %parallel_loop3A_468 : vector<16xf32> to vector<1x16xf32>
      tpu.vector_store %arg6[%parallel_loop3A_469, %parallel_loop3A_470], %parallel_loop3A_473 {strides = array<i32>} : memref<128x128xf32, #tpu.memory_space<vmem>>, vector<1x16xf32>,
      %parallel_loop3A_474 = arith.index_cast %parallel_loop3A_425 : i32 to index
      %parallel_loop3A_475 = arith.constant 64 : index
      %parallel_loop3A_476 = tpu.vector_load %arg6[%parallel_loop3A_474, %parallel_loop3A_475] {strides = array<i32>} : memref<128x128xf32, #tpu.memory_space<vmem>>, vector<1x16xf32>,
      %parallel_loop3A_477 = vector.shape_cast %parallel_loop3A_476 : vector<1x16xf32> to vector<16xf32>
      %parallel_loop3A_478 = arith.constant 11.3137083 : f32
      %parallel_loop3A_479 = vector.broadcast %parallel_loop3A_478 : f32 to vector<16xf32>
      %parallel_loop3A_480 = arith.mulf %parallel_loop3A_477, %parallel_loop3A_479 : vector<16xf32>
      %parallel_loop3A_481 = arith.index_cast %parallel_loop3A_425 : i32 to index
      %parallel_loop3A_482 = arith.constant 64 : index
      %parallel_loop3A_483 = tpu.vector_load %arg6[%parallel_loop3A_481, %parallel_loop3A_482] {strides = array<i32>} : memref<128x128xf32, #tpu.memory_space<vmem>>, vector<1x16xf32>,
      %parallel_loop3A_484 = vector.shape_cast %parallel_loop3A_483 : vector<1x16xf32> to vector<16xf32>
      %parallel_loop3A_485 = vector.shape_cast %parallel_loop3A_480 : vector<16xf32> to vector<1x16xf32>
      tpu.vector_store %arg6[%parallel_loop3A_481, %parallel_loop3A_482], %parallel_loop3A_485 {strides = array<i32>} : memref<128x128xf32, #tpu.memory_space<vmem>>, vector<1x16xf32>,
      %parallel_loop3A_486 = arith.index_cast %parallel_loop3A_425 : i32 to index
      %parallel_loop3A_487 = arith.constant 80 : index
      %parallel_loop3A_488 = tpu.vector_load %arg6[%parallel_loop3A_486, %parallel_loop3A_487] {strides = array<i32>} : memref<128x128xf32, #tpu.memory_space<vmem>>, vector<1x16xf32>,
      %parallel_loop3A_489 = vector.shape_cast %parallel_loop3A_488 : vector<1x16xf32> to vector<16xf32>
      %parallel_loop3A_490 = arith.constant 11.3137083 : f32
      %parallel_loop3A_491 = vector.broadcast %parallel_loop3A_490 : f32 to vector<16xf32>
      %parallel_loop3A_492 = arith.mulf %parallel_loop3A_489, %parallel_loop3A_491 : vector<16xf32>
      %parallel_loop3A_493 = arith.index_cast %parallel_loop3A_425 : i32 to index
      %parallel_loop3A_494 = arith.constant 80 : index
      %parallel_loop3A_495 = tpu.vector_load %arg6[%parallel_loop3A_493, %parallel_loop3A_494] {strides = array<i32>} : memref<128x128xf32, #tpu.memory_space<vmem>>, vector<1x16xf32>,
      %parallel_loop3A_496 = vector.shape_cast %parallel_loop3A_495 : vector<1x16xf32> to vector<16xf32>
      %parallel_loop3A_497 = vector.shape_cast %parallel_loop3A_492 : vector<16xf32> to vector<1x16xf32>
      tpu.vector_store %arg6[%parallel_loop3A_493, %parallel_loop3A_494], %parallel_loop3A_497 {strides = array<i32>} : memref<128x128xf32, #tpu.memory_space<vmem>>, vector<1x16xf32>,
      %parallel_loop3A_498 = arith.index_cast %parallel_loop3A_425 : i32 to index
      %parallel_loop3A_499 = arith.constant 96 : index
      %parallel_loop3A_500 = tpu.vector_load %arg6[%parallel_loop3A_498, %parallel_loop3A_499] {strides = array<i32>} : memref<128x128xf32, #tpu.memory_space<vmem>>, vector<1x16xf32>,
      %parallel_loop3A_501 = vector.shape_cast %parallel_loop3A_500 : vector<1x16xf32> to vector<16xf32>
      %parallel_loop3A_502 = arith.constant 11.3137083 : f32
      %parallel_loop3A_503 = vector.broadcast %parallel_loop3A_502 : f32 to vector<16xf32>
      %parallel_loop3A_504 = arith.mulf %parallel_loop3A_501, %parallel_loop3A_503 : vector<16xf32>
      %parallel_loop3A_505 = arith.index_cast %parallel_loop3A_425 : i32 to index
      %parallel_loop3A_506 = arith.constant 96 : index
      %parallel_loop3A_507 = tpu.vector_load %arg6[%parallel_loop3A_505, %parallel_loop3A_506] {strides = array<i32>} : memref<128x128xf32, #tpu.memory_space<vmem>>, vector<1x16xf32>,
      %parallel_loop3A_508 = vector.shape_cast %parallel_loop3A_507 : vector<1x16xf32> to vector<16xf32>
      %parallel_loop3A_509 = vector.shape_cast %parallel_loop3A_504 : vector<16xf32> to vector<1x16xf32>
      tpu.vector_store %arg6[%parallel_loop3A_505, %parallel_loop3A_506], %parallel_loop3A_509 {strides = array<i32>} : memref<128x128xf32, #tpu.memory_space<vmem>>, vector<1x16xf32>,
      %parallel_loop3A_510 = arith.index_cast %parallel_loop3A_425 : i32 to index
      %parallel_loop3A_511 = arith.constant 112 : index
      %parallel_loop3A_512 = tpu.vector_load %arg6[%parallel_loop3A_510, %parallel_loop3A_511] {strides = array<i32>} : memref<128x128xf32, #tpu.memory_space<vmem>>, vector<1x16xf32>,
      %parallel_loop3A_513 = vector.shape_cast %parallel_loop3A_512 : vector<1x16xf32> to vector<16xf32>
      %parallel_loop3A_514 = arith.constant 11.3137083 : f32
      %parallel_loop3A_515 = vector.broadcast %parallel_loop3A_514 : f32 to vector<16xf32>
      %parallel_loop3A_516 = arith.mulf %parallel_loop3A_513, %parallel_loop3A_515 : vector<16xf32>
      %parallel_loop3A_517 = arith.index_cast %parallel_loop3A_425 : i32 to index
      %parallel_loop3A_518 = arith.constant 112 : index
      %parallel_loop3A_519 = tpu.vector_load %arg6[%parallel_loop3A_517, %parallel_loop3A_518] {strides = array<i32>} : memref<128x128xf32, #tpu.memory_space<vmem>>, vector<1x16xf32>,
      %parallel_loop3A_520 = vector.shape_cast %parallel_loop3A_519 : vector<1x16xf32> to vector<16xf32>
      %parallel_loop3A_521 = vector.shape_cast %parallel_loop3A_516 : vector<16xf32> to vector<1x16xf32>
      tpu.vector_store %arg6[%parallel_loop3A_517, %parallel_loop3A_518], %parallel_loop3A_521 {strides = array<i32>} : memref<128x128xf32, #tpu.memory_space<vmem>>, vector<1x16xf32>,
    } {sc.loop_unroll_factor = 4 : i64, sc.parallel_access}
    %add3A_210 = arith.constant 192 : i32
    %add3A_211 = arith.addi %mul3A_2, %add3A_210 : i32
    %mul3A_212 = arith.constant 128 : i32
    %mul3A_213 = arith.muli %add3A_211, %mul3A_212 : i32
    %dma_start3A_214 = arith.constant 0 : i32
    %dma_start3A_215 = tpu.memref_slice %arg4[%mul3A_213, %dma_start3A_214] : memref<819200x128xf32, #tpu.memory_space<hbm>> -> memref<128x128xf32, #tpu.memory_space<hbm>>
    %dma_start3A_216 = arith.constant 0 : i32
    %dma_start3A_217 = tpu.memref_slice %arg4[%mul3A_213, %dma_start3A_216] : memref<819200x128xf32, #tpu.memory_space<hbm>> -> memref<128x128xf32, #tpu.memory_space<hbm>>
    tpu.enqueue_dma source(%arg6 : memref<128x128xf32, #tpu.memory_space<vmem>>) target(%dma_start3A_217 : memref<128x128xf32, #tpu.memory_space<hbm>>) target_semaphore(%arg18 : memref<!tpu.dma_semaphore, #tpu.memory_space<semaphore_mem>>)
    %dma_wait3A_218 = arith.constant 0 : i32
    %dma_wait3A_219 = arith.constant 0 : i32
    %dma_wait3A_220 = tpu.memref_slice %arg2[%dma_wait3A_218, %dma_wait3A_219] : memref<100000x128xf32, #tpu.memory_space<hbm>> -> memref<128x128xf32, #tpu.memory_space<hbm>>
    %dma_wait3A_221 = arith.constant 0 : i32
    %dma_wait3A_222 = arith.constant 0 : i32
    %dma_wait3A_223 = tpu.memref_slice %arg2[%dma_wait3A_221, %dma_wait3A_222] : memref<100000x128xf32, #tpu.memory_space<hbm>> -> memref<128x128xf32, #tpu.memory_space<hbm>>
    tpu.wait_dma2 semaphore(%arg13 : memref<!tpu.dma_semaphore, #tpu.memory_space<semaphore_mem>>) src(%dma_wait3A_223 : memref<128x128xf32, #tpu.memory_space<hbm>>) dst(%arg7 : memref<128x128xf32, #tpu.memory_space<vmem>>)
    %dma_wait3A_224 = arith.constant 0 : i32
    %dma_wait3A_225 = arith.constant 0 : i32
    %dma_wait3A_226 = tpu.memref_slice %arg4[%dma_wait3A_224, %dma_wait3A_225] : memref<819200x128xf32, #tpu.memory_space<hbm>> -> memref<128x128xf32, #tpu.memory_space<hbm>>
    %dma_wait3A_227 = arith.constant 0 : i32
    %dma_wait3A_228 = arith.constant 0 : i32
    %dma_wait3A_229 = tpu.memref_slice %arg4[%dma_wait3A_227, %dma_wait3A_228] : memref<819200x128xf32, #tpu.memory_space<hbm>> -> memref<128x128xf32, #tpu.memory_space<hbm>>
    tpu.wait_dma2 semaphore(%arg22 : memref<!tpu.dma_semaphore, #tpu.memory_space<semaphore_mem>>) src(%arg10 : memref<128x128xf32, #tpu.memory_space<vmem>>) dst(%dma_wait3A_229 : memref<128x128xf32, #tpu.memory_space<hbm>>)
    %dma_start3A_230 = arith.constant 196 : i32
    %dma_start3A_231 = arith.constant 0 : i32
    %dma_start3A_232 = tpu.memref_slice %arg5[%dma_start3A_230, %dma_start3A_231] : memref<200x128xi32, #tpu.memory_space<vmem>> -> memref<1x128xi32, #tpu.memory_space<vmem>>
    %dma_start3A_233 = tpu.memref_squeeze %dma_start3A_232 : memref<1x128xi32, #tpu.memory_space<vmem>> -> memref<128xi32, #tpu.memory_space<vmem>>
    %dma_start3A_234 = arith.constant 0 : i32
    %dma_start3A_235 = arith.constant 0 : i32
    %dma_start3A_236 = tpu.memref_slice %arg2[%dma_start3A_234, %dma_start3A_235] : memref<100000x128xf32, #tpu.memory_space<hbm>> -> memref<100000x128xf32, #tpu.memory_space<hbm>>
    tpu.enqueue_indirect_dma source(%dma_start3A_236 : memref<100000x128xf32, #tpu.memory_space<hbm>>) target(%arg10 : memref<128x128xf32, #tpu.memory_space<vmem>>) offsets(%dma_start3A_233 : memref<128xi32, #tpu.memory_space<vmem>>) semaphore(%arg16 : memref<!tpu.dma_semaphore, #tpu.memory_space<semaphore_mem>>)
    %parallel_loop3A_237 = arith.constant 0 : i32
    %parallel_loop3A_238 = arith.constant 128 : i32
    %parallel_loop3A_239 = arith.constant 1 : i32
    scf.for %parallel_loop3A_425 = %parallel_loop3A_237 to %parallel_loop3A_238 step %parallel_loop3A_239  : i32 {
      %parallel_loop3A_426 = arith.index_cast %parallel_loop3A_425 : i32 to index
      %parallel_loop3A_427 = arith.constant 0 : index
      %parallel_loop3A_428 = tpu.vector_load %arg7[%parallel_loop3A_426, %parallel_loop3A_427] {strides = array<i32>} : memref<128x128xf32, #tpu.memory_space<vmem>>, vector<1x16xf32>,
      %parallel_loop3A_429 = vector.shape_cast %parallel_loop3A_428 : vector<1x16xf32> to vector<16xf32>
      %parallel_loop3A_430 = arith.constant 11.3137083 : f32
      %parallel_loop3A_431 = vector.broadcast %parallel_loop3A_430 : f32 to vector<16xf32>
      %parallel_loop3A_432 = arith.mulf %parallel_loop3A_429, %parallel_loop3A_431 : vector<16xf32>
      %parallel_loop3A_433 = arith.index_cast %parallel_loop3A_425 : i32 to index
      %parallel_loop3A_434 = arith.constant 0 : index
      %parallel_loop3A_435 = tpu.vector_load %arg7[%parallel_loop3A_433, %parallel_loop3A_434] {strides = array<i32>} : memref<128x128xf32, #tpu.memory_space<vmem>>, vector<1x16xf32>,
      %parallel_loop3A_436 = vector.shape_cast %parallel_loop3A_435 : vector<1x16xf32> to vector<16xf32>
      %parallel_loop3A_437 = vector.shape_cast %parallel_loop3A_432 : vector<16xf32> to vector<1x16xf32>
      tpu.vector_store %arg7[%parallel_loop3A_433, %parallel_loop3A_434], %parallel_loop3A_437 {strides = array<i32>} : memref<128x128xf32, #tpu.memory_space<vmem>>, vector<1x16xf32>,
      %parallel_loop3A_438 = arith.index_cast %parallel_loop3A_425 : i32 to index
      %parallel_loop3A_439 = arith.constant 16 : index
      %parallel_loop3A_440 = tpu.vector_load %arg7[%parallel_loop3A_438, %parallel_loop3A_439] {strides = array<i32>} : memref<128x128xf32, #tpu.memory_space<vmem>>, vector<1x16xf32>,
      %parallel_loop3A_441 = vector.shape_cast %parallel_loop3A_440 : vector<1x16xf32> to vector<16xf32>
      %parallel_loop3A_442 = arith.constant 11.3137083 : f32
      %parallel_loop3A_443 = vector.broadcast %parallel_loop3A_442 : f32 to vector<16xf32>
      %parallel_loop3A_444 = arith.mulf %parallel_loop3A_441, %parallel_loop3A_443 : vector<16xf32>
      %parallel_loop3A_445 = arith.index_cast %parallel_loop3A_425 : i32 to index
      %parallel_loop3A_446 = arith.constant 16 : index
      %parallel_loop3A_447 = tpu.vector_load %arg7[%parallel_loop3A_445, %parallel_loop3A_446] {strides = array<i32>} : memref<128x128xf32, #tpu.memory_space<vmem>>, vector<1x16xf32>,
      %parallel_loop3A_448 = vector.shape_cast %parallel_loop3A_447 : vector<1x16xf32> to vector<16xf32>
      %parallel_loop3A_449 = vector.shape_cast %parallel_loop3A_444 : vector<16xf32> to vector<1x16xf32>
      tpu.vector_store %arg7[%parallel_loop3A_445, %parallel_loop3A_446], %parallel_loop3A_449 {strides = array<i32>} : memref<128x128xf32, #tpu.memory_space<vmem>>, vector<1x16xf32>,
      %parallel_loop3A_450 = arith.index_cast %parallel_loop3A_425 : i32 to index
      %parallel_loop3A_451 = arith.constant 32 : index
      %parallel_loop3A_452 = tpu.vector_load %arg7[%parallel_loop3A_450, %parallel_loop3A_451] {strides = array<i32>} : memref<128x128xf32, #tpu.memory_space<vmem>>, vector<1x16xf32>,
      %parallel_loop3A_453 = vector.shape_cast %parallel_loop3A_452 : vector<1x16xf32> to vector<16xf32>
      %parallel_loop3A_454 = arith.constant 11.3137083 : f32
      %parallel_loop3A_455 = vector.broadcast %parallel_loop3A_454 : f32 to vector<16xf32>
      %parallel_loop3A_456 = arith.mulf %parallel_loop3A_453, %parallel_loop3A_455 : vector<16xf32>
      %parallel_loop3A_457 = arith.index_cast %parallel_loop3A_425 : i32 to index
      %parallel_loop3A_458 = arith.constant 32 : index
      %parallel_loop3A_459 = tpu.vector_load %arg7[%parallel_loop3A_457, %parallel_loop3A_458] {strides = array<i32>} : memref<128x128xf32, #tpu.memory_space<vmem>>, vector<1x16xf32>,
      %parallel_loop3A_460 = vector.shape_cast %parallel_loop3A_459 : vector<1x16xf32> to vector<16xf32>
      %parallel_loop3A_461 = vector.shape_cast %parallel_loop3A_456 : vector<16xf32> to vector<1x16xf32>
      tpu.vector_store %arg7[%parallel_loop3A_457, %parallel_loop3A_458], %parallel_loop3A_461 {strides = array<i32>} : memref<128x128xf32, #tpu.memory_space<vmem>>, vector<1x16xf32>,
      %parallel_loop3A_462 = arith.index_cast %parallel_loop3A_425 : i32 to index
      %parallel_loop3A_463 = arith.constant 48 : index
      %parallel_loop3A_464 = tpu.vector_load %arg7[%parallel_loop3A_462, %parallel_loop3A_463] {strides = array<i32>} : memref<128x128xf32, #tpu.memory_space<vmem>>, vector<1x16xf32>,
      %parallel_loop3A_465 = vector.shape_cast %parallel_loop3A_464 : vector<1x16xf32> to vector<16xf32>
      %parallel_loop3A_466 = arith.constant 11.3137083 : f32
      %parallel_loop3A_467 = vector.broadcast %parallel_loop3A_466 : f32 to vector<16xf32>
      %parallel_loop3A_468 = arith.mulf %parallel_loop3A_465, %parallel_loop3A_467 : vector<16xf32>
      %parallel_loop3A_469 = arith.index_cast %parallel_loop3A_425 : i32 to index
      %parallel_loop3A_470 = arith.constant 48 : index
      %parallel_loop3A_471 = tpu.vector_load %arg7[%parallel_loop3A_469, %parallel_loop3A_470] {strides = array<i32>} : memref<128x128xf32, #tpu.memory_space<vmem>>, vector<1x16xf32>,
      %parallel_loop3A_472 = vector.shape_cast %parallel_loop3A_471 : vector<1x16xf32> to vector<16xf32>
      %parallel_loop3A_473 = vector.shape_cast %parallel_loop3A_468 : vector<16xf32> to vector<1x16xf32>
      tpu.vector_store %arg7[%parallel_loop3A_469, %parallel_loop3A_470], %parallel_loop3A_473 {strides = array<i32>} : memref<128x128xf32, #tpu.memory_space<vmem>>, vector<1x16xf32>,
      %parallel_loop3A_474 = arith.index_cast %parallel_loop3A_425 : i32 to index
      %parallel_loop3A_475 = arith.constant 64 : index
      %parallel_loop3A_476 = tpu.vector_load %arg7[%parallel_loop3A_474, %parallel_loop3A_475] {strides = array<i32>} : memref<128x128xf32, #tpu.memory_space<vmem>>, vector<1x16xf32>,
      %parallel_loop3A_477 = vector.shape_cast %parallel_loop3A_476 : vector<1x16xf32> to vector<16xf32>
      %parallel_loop3A_478 = arith.constant 11.3137083 : f32
      %parallel_loop3A_479 = vector.broadcast %parallel_loop3A_478 : f32 to vector<16xf32>
      %parallel_loop3A_480 = arith.mulf %parallel_loop3A_477, %parallel_loop3A_479 : vector<16xf32>
      %parallel_loop3A_481 = arith.index_cast %parallel_loop3A_425 : i32 to index
      %parallel_loop3A_482 = arith.constant 64 : index
      %parallel_loop3A_483 = tpu.vector_load %arg7[%parallel_loop3A_481, %parallel_loop3A_482] {strides = array<i32>} : memref<128x128xf32, #tpu.memory_space<vmem>>, vector<1x16xf32>,
      %parallel_loop3A_484 = vector.shape_cast %parallel_loop3A_483 : vector<1x16xf32> to vector<16xf32>
      %parallel_loop3A_485 = vector.shape_cast %parallel_loop3A_480 : vector<16xf32> to vector<1x16xf32>
      tpu.vector_store %arg7[%parallel_loop3A_481, %parallel_loop3A_482], %parallel_loop3A_485 {strides = array<i32>} : memref<128x128xf32, #tpu.memory_space<vmem>>, vector<1x16xf32>,
      %parallel_loop3A_486 = arith.index_cast %parallel_loop3A_425 : i32 to index
      %parallel_loop3A_487 = arith.constant 80 : index
      %parallel_loop3A_488 = tpu.vector_load %arg7[%parallel_loop3A_486, %parallel_loop3A_487] {strides = array<i32>} : memref<128x128xf32, #tpu.memory_space<vmem>>, vector<1x16xf32>,
      %parallel_loop3A_489 = vector.shape_cast %parallel_loop3A_488 : vector<1x16xf32> to vector<16xf32>
      %parallel_loop3A_490 = arith.constant 11.3137083 : f32
      %parallel_loop3A_491 = vector.broadcast %parallel_loop3A_490 : f32 to vector<16xf32>
      %parallel_loop3A_492 = arith.mulf %parallel_loop3A_489, %parallel_loop3A_491 : vector<16xf32>
      %parallel_loop3A_493 = arith.index_cast %parallel_loop3A_425 : i32 to index
      %parallel_loop3A_494 = arith.constant 80 : index
      %parallel_loop3A_495 = tpu.vector_load %arg7[%parallel_loop3A_493, %parallel_loop3A_494] {strides = array<i32>} : memref<128x128xf32, #tpu.memory_space<vmem>>, vector<1x16xf32>,
      %parallel_loop3A_496 = vector.shape_cast %parallel_loop3A_495 : vector<1x16xf32> to vector<16xf32>
      %parallel_loop3A_497 = vector.shape_cast %parallel_loop3A_492 : vector<16xf32> to vector<1x16xf32>
      tpu.vector_store %arg7[%parallel_loop3A_493, %parallel_loop3A_494], %parallel_loop3A_497 {strides = array<i32>} : memref<128x128xf32, #tpu.memory_space<vmem>>, vector<1x16xf32>,
      %parallel_loop3A_498 = arith.index_cast %parallel_loop3A_425 : i32 to index
      %parallel_loop3A_499 = arith.constant 96 : index
      %parallel_loop3A_500 = tpu.vector_load %arg7[%parallel_loop3A_498, %parallel_loop3A_499] {strides = array<i32>} : memref<128x128xf32, #tpu.memory_space<vmem>>, vector<1x16xf32>,
      %parallel_loop3A_501 = vector.shape_cast %parallel_loop3A_500 : vector<1x16xf32> to vector<16xf32>
      %parallel_loop3A_502 = arith.constant 11.3137083 : f32
      %parallel_loop3A_503 = vector.broadcast %parallel_loop3A_502 : f32 to vector<16xf32>
      %parallel_loop3A_504 = arith.mulf %parallel_loop3A_501, %parallel_loop3A_503 : vector<16xf32>
      %parallel_loop3A_505 = arith.index_cast %parallel_loop3A_425 : i32 to index
      %parallel_loop3A_506 = arith.constant 96 : index
      %parallel_loop3A_507 = tpu.vector_load %arg7[%parallel_loop3A_505, %parallel_loop3A_506] {strides = array<i32>} : memref<128x128xf32, #tpu.memory_space<vmem>>, vector<1x16xf32>,
      %parallel_loop3A_508 = vector.shape_cast %parallel_loop3A_507 : vector<1x16xf32> to vector<16xf32>
      %parallel_loop3A_509 = vector.shape_cast %parallel_loop3A_504 : vector<16xf32> to vector<1x16xf32>
      tpu.vector_store %arg7[%parallel_loop3A_505, %parallel_loop3A_506], %parallel_loop3A_509 {strides = array<i32>} : memref<128x128xf32, #tpu.memory_space<vmem>>, vector<1x16xf32>,
      %parallel_loop3A_510 = arith.index_cast %parallel_loop3A_425 : i32 to index
      %parallel_loop3A_511 = arith.constant 112 : index
      %parallel_loop3A_512 = tpu.vector_load %arg7[%parallel_loop3A_510, %parallel_loop3A_511] {strides = array<i32>} : memref<128x128xf32, #tpu.memory_space<vmem>>, vector<1x16xf32>,
      %parallel_loop3A_513 = vector.shape_cast %parallel_loop3A_512 : vector<1x16xf32> to vector<16xf32>
      %parallel_loop3A_514 = arith.constant 11.3137083 : f32
      %parallel_loop3A_515 = vector.broadcast %parallel_loop3A_514 : f32 to vector<16xf32>
      %parallel_loop3A_516 = arith.mulf %parallel_loop3A_513, %parallel_loop3A_515 : vector<16xf32>
      %parallel_loop3A_517 = arith.index_cast %parallel_loop3A_425 : i32 to index
      %parallel_loop3A_518 = arith.constant 112 : index
      %parallel_loop3A_519 = tpu.vector_load %arg7[%parallel_loop3A_517, %parallel_loop3A_518] {strides = array<i32>} : memref<128x128xf32, #tpu.memory_space<vmem>>, vector<1x16xf32>,
      %parallel_loop3A_520 = vector.shape_cast %parallel_loop3A_519 : vector<1x16xf32> to vector<16xf32>
      %parallel_loop3A_521 = vector.shape_cast %parallel_loop3A_516 : vector<16xf32> to vector<1x16xf32>
      tpu.vector_store %arg7[%parallel_loop3A_517, %parallel_loop3A_518], %parallel_loop3A_521 {strides = array<i32>} : memref<128x128xf32, #tpu.memory_space<vmem>>, vector<1x16xf32>,
    } {sc.loop_unroll_factor = 4 : i64, sc.parallel_access}
    %add3A_240 = arith.constant 193 : i32
    %add3A_241 = arith.addi %mul3A_2, %add3A_240 : i32
    %mul3A_242 = arith.constant 128 : i32
    %mul3A_243 = arith.muli %add3A_241, %mul3A_242 : i32
    %dma_start3A_244 = arith.constant 0 : i32
    %dma_start3A_245 = tpu.memref_slice %arg4[%mul3A_243, %dma_start3A_244] : memref<819200x128xf32, #tpu.memory_space<hbm>> -> memref<128x128xf32, #tpu.memory_space<hbm>>
    %dma_start3A_246 = arith.constant 0 : i32
    %dma_start3A_247 = tpu.memref_slice %arg4[%mul3A_243, %dma_start3A_246] : memref<819200x128xf32, #tpu.memory_space<hbm>> -> memref<128x128xf32, #tpu.memory_space<hbm>>
    tpu.enqueue_dma source(%arg7 : memref<128x128xf32, #tpu.memory_space<vmem>>) target(%dma_start3A_247 : memref<128x128xf32, #tpu.memory_space<hbm>>) target_semaphore(%arg19 : memref<!tpu.dma_semaphore, #tpu.memory_space<semaphore_mem>>)
    %dma_wait3A_248 = arith.constant 0 : i32
    %dma_wait3A_249 = arith.constant 0 : i32
    %dma_wait3A_250 = tpu.memref_slice %arg2[%dma_wait3A_248, %dma_wait3A_249] : memref<100000x128xf32, #tpu.memory_space<hbm>> -> memref<128x128xf32, #tpu.memory_space<hbm>>
    %dma_wait3A_251 = arith.constant 0 : i32
    %dma_wait3A_252 = arith.constant 0 : i32
    %dma_wait3A_253 = tpu.memref_slice %arg2[%dma_wait3A_251, %dma_wait3A_252] : memref<100000x128xf32, #tpu.memory_space<hbm>> -> memref<128x128xf32, #tpu.memory_space<hbm>>
    tpu.wait_dma2 semaphore(%arg14 : memref<!tpu.dma_semaphore, #tpu.memory_space<semaphore_mem>>) src(%dma_wait3A_253 : memref<128x128xf32, #tpu.memory_space<hbm>>) dst(%arg8 : memref<128x128xf32, #tpu.memory_space<vmem>>)
    %dma_wait3A_254 = arith.constant 0 : i32
    %dma_wait3A_255 = arith.constant 0 : i32
    %dma_wait3A_256 = tpu.memref_slice %arg4[%dma_wait3A_254, %dma_wait3A_255] : memref<819200x128xf32, #tpu.memory_space<hbm>> -> memref<128x128xf32, #tpu.memory_space<hbm>>
    %dma_wait3A_257 = arith.constant 0 : i32
    %dma_wait3A_258 = arith.constant 0 : i32
    %dma_wait3A_259 = tpu.memref_slice %arg4[%dma_wait3A_257, %dma_wait3A_258] : memref<819200x128xf32, #tpu.memory_space<hbm>> -> memref<128x128xf32, #tpu.memory_space<hbm>>
    tpu.wait_dma2 semaphore(%arg23 : memref<!tpu.dma_semaphore, #tpu.memory_space<semaphore_mem>>) src(%arg11 : memref<128x128xf32, #tpu.memory_space<vmem>>) dst(%dma_wait3A_259 : memref<128x128xf32, #tpu.memory_space<hbm>>)
    %dma_start3A_260 = arith.constant 197 : i32
    %dma_start3A_261 = arith.constant 0 : i32
    %dma_start3A_262 = tpu.memref_slice %arg5[%dma_start3A_260, %dma_start3A_261] : memref<200x128xi32, #tpu.memory_space<vmem>> -> memref<1x128xi32, #tpu.memory_space<vmem>>
    %dma_start3A_263 = tpu.memref_squeeze %dma_start3A_262 : memref<1x128xi32, #tpu.memory_space<vmem>> -> memref<128xi32, #tpu.memory_space<vmem>>
    %dma_start3A_264 = arith.constant 0 : i32
    %dma_start3A_265 = arith.constant 0 : i32
    %dma_start3A_266 = tpu.memref_slice %arg2[%dma_start3A_264, %dma_start3A_265] : memref<100000x128xf32, #tpu.memory_space<hbm>> -> memref<100000x128xf32, #tpu.memory_space<hbm>>
    tpu.enqueue_indirect_dma source(%dma_start3A_266 : memref<100000x128xf32, #tpu.memory_space<hbm>>) target(%arg11 : memref<128x128xf32, #tpu.memory_space<vmem>>) offsets(%dma_start3A_263 : memref<128xi32, #tpu.memory_space<vmem>>) semaphore(%arg17 : memref<!tpu.dma_semaphore, #tpu.memory_space<semaphore_mem>>)
    %parallel_loop3A_267 = arith.constant 0 : i32
    %parallel_loop3A_268 = arith.constant 128 : i32
    %parallel_loop3A_269 = arith.constant 1 : i32
    scf.for %parallel_loop3A_425 = %parallel_loop3A_267 to %parallel_loop3A_268 step %parallel_loop3A_269  : i32 {
      %parallel_loop3A_426 = arith.index_cast %parallel_loop3A_425 : i32 to index
      %parallel_loop3A_427 = arith.constant 0 : index
      %parallel_loop3A_428 = tpu.vector_load %arg8[%parallel_loop3A_426, %parallel_loop3A_427] {strides = array<i32>} : memref<128x128xf32, #tpu.memory_space<vmem>>, vector<1x16xf32>,
      %parallel_loop3A_429 = vector.shape_cast %parallel_loop3A_428 : vector<1x16xf32> to vector<16xf32>
      %parallel_loop3A_430 = arith.constant 11.3137083 : f32
      %parallel_loop3A_431 = vector.broadcast %parallel_loop3A_430 : f32 to vector<16xf32>
      %parallel_loop3A_432 = arith.mulf %parallel_loop3A_429, %parallel_loop3A_431 : vector<16xf32>
      %parallel_loop3A_433 = arith.index_cast %parallel_loop3A_425 : i32 to index
      %parallel_loop3A_434 = arith.constant 0 : index
      %parallel_loop3A_435 = tpu.vector_load %arg8[%parallel_loop3A_433, %parallel_loop3A_434] {strides = array<i32>} : memref<128x128xf32, #tpu.memory_space<vmem>>, vector<1x16xf32>,
      %parallel_loop3A_436 = vector.shape_cast %parallel_loop3A_435 : vector<1x16xf32> to vector<16xf32>
      %parallel_loop3A_437 = vector.shape_cast %parallel_loop3A_432 : vector<16xf32> to vector<1x16xf32>
      tpu.vector_store %arg8[%parallel_loop3A_433, %parallel_loop3A_434], %parallel_loop3A_437 {strides = array<i32>} : memref<128x128xf32, #tpu.memory_space<vmem>>, vector<1x16xf32>,
      %parallel_loop3A_438 = arith.index_cast %parallel_loop3A_425 : i32 to index
      %parallel_loop3A_439 = arith.constant 16 : index
      %parallel_loop3A_440 = tpu.vector_load %arg8[%parallel_loop3A_438, %parallel_loop3A_439] {strides = array<i32>} : memref<128x128xf32, #tpu.memory_space<vmem>>, vector<1x16xf32>,
      %parallel_loop3A_441 = vector.shape_cast %parallel_loop3A_440 : vector<1x16xf32> to vector<16xf32>
      %parallel_loop3A_442 = arith.constant 11.3137083 : f32
      %parallel_loop3A_443 = vector.broadcast %parallel_loop3A_442 : f32 to vector<16xf32>
      %parallel_loop3A_444 = arith.mulf %parallel_loop3A_441, %parallel_loop3A_443 : vector<16xf32>
      %parallel_loop3A_445 = arith.index_cast %parallel_loop3A_425 : i32 to index
      %parallel_loop3A_446 = arith.constant 16 : index
      %parallel_loop3A_447 = tpu.vector_load %arg8[%parallel_loop3A_445, %parallel_loop3A_446] {strides = array<i32>} : memref<128x128xf32, #tpu.memory_space<vmem>>, vector<1x16xf32>,
      %parallel_loop3A_448 = vector.shape_cast %parallel_loop3A_447 : vector<1x16xf32> to vector<16xf32>
      %parallel_loop3A_449 = vector.shape_cast %parallel_loop3A_444 : vector<16xf32> to vector<1x16xf32>
      tpu.vector_store %arg8[%parallel_loop3A_445, %parallel_loop3A_446], %parallel_loop3A_449 {strides = array<i32>} : memref<128x128xf32, #tpu.memory_space<vmem>>, vector<1x16xf32>,
      %parallel_loop3A_450 = arith.index_cast %parallel_loop3A_425 : i32 to index
      %parallel_loop3A_451 = arith.constant 32 : index
      %parallel_loop3A_452 = tpu.vector_load %arg8[%parallel_loop3A_450, %parallel_loop3A_451] {strides = array<i32>} : memref<128x128xf32, #tpu.memory_space<vmem>>, vector<1x16xf32>,
      %parallel_loop3A_453 = vector.shape_cast %parallel_loop3A_452 : vector<1x16xf32> to vector<16xf32>
      %parallel_loop3A_454 = arith.constant 11.3137083 : f32
      %parallel_loop3A_455 = vector.broadcast %parallel_loop3A_454 : f32 to vector<16xf32>
      %parallel_loop3A_456 = arith.mulf %parallel_loop3A_453, %parallel_loop3A_455 : vector<16xf32>
      %parallel_loop3A_457 = arith.index_cast %parallel_loop3A_425 : i32 to index
      %parallel_loop3A_458 = arith.constant 32 : index
      %parallel_loop3A_459 = tpu.vector_load %arg8[%parallel_loop3A_457, %parallel_loop3A_458] {strides = array<i32>} : memref<128x128xf32, #tpu.memory_space<vmem>>, vector<1x16xf32>,
      %parallel_loop3A_460 = vector.shape_cast %parallel_loop3A_459 : vector<1x16xf32> to vector<16xf32>
      %parallel_loop3A_461 = vector.shape_cast %parallel_loop3A_456 : vector<16xf32> to vector<1x16xf32>
      tpu.vector_store %arg8[%parallel_loop3A_457, %parallel_loop3A_458], %parallel_loop3A_461 {strides = array<i32>} : memref<128x128xf32, #tpu.memory_space<vmem>>, vector<1x16xf32>,
      %parallel_loop3A_462 = arith.index_cast %parallel_loop3A_425 : i32 to index
      %parallel_loop3A_463 = arith.constant 48 : index
      %parallel_loop3A_464 = tpu.vector_load %arg8[%parallel_loop3A_462, %parallel_loop3A_463] {strides = array<i32>} : memref<128x128xf32, #tpu.memory_space<vmem>>, vector<1x16xf32>,
      %parallel_loop3A_465 = vector.shape_cast %parallel_loop3A_464 : vector<1x16xf32> to vector<16xf32>
      %parallel_loop3A_466 = arith.constant 11.3137083 : f32
      %parallel_loop3A_467 = vector.broadcast %parallel_loop3A_466 : f32 to vector<16xf32>
      %parallel_loop3A_468 = arith.mulf %parallel_loop3A_465, %parallel_loop3A_467 : vector<16xf32>
      %parallel_loop3A_469 = arith.index_cast %parallel_loop3A_425 : i32 to index
      %parallel_loop3A_470 = arith.constant 48 : index
      %parallel_loop3A_471 = tpu.vector_load %arg8[%parallel_loop3A_469, %parallel_loop3A_470] {strides = array<i32>} : memref<128x128xf32, #tpu.memory_space<vmem>>, vector<1x16xf32>,
      %parallel_loop3A_472 = vector.shape_cast %parallel_loop3A_471 : vector<1x16xf32> to vector<16xf32>
      %parallel_loop3A_473 = vector.shape_cast %parallel_loop3A_468 : vector<16xf32> to vector<1x16xf32>
      tpu.vector_store %arg8[%parallel_loop3A_469, %parallel_loop3A_470], %parallel_loop3A_473 {strides = array<i32>} : memref<128x128xf32, #tpu.memory_space<vmem>>, vector<1x16xf32>,
      %parallel_loop3A_474 = arith.index_cast %parallel_loop3A_425 : i32 to index
      %parallel_loop3A_475 = arith.constant 64 : index
      %parallel_loop3A_476 = tpu.vector_load %arg8[%parallel_loop3A_474, %parallel_loop3A_475] {strides = array<i32>} : memref<128x128xf32, #tpu.memory_space<vmem>>, vector<1x16xf32>,
      %parallel_loop3A_477 = vector.shape_cast %parallel_loop3A_476 : vector<1x16xf32> to vector<16xf32>
      %parallel_loop3A_478 = arith.constant 11.3137083 : f32
      %parallel_loop3A_479 = vector.broadcast %parallel_loop3A_478 : f32 to vector<16xf32>
      %parallel_loop3A_480 = arith.mulf %parallel_loop3A_477, %parallel_loop3A_479 : vector<16xf32>
      %parallel_loop3A_481 = arith.index_cast %parallel_loop3A_425 : i32 to index
      %parallel_loop3A_482 = arith.constant 64 : index
      %parallel_loop3A_483 = tpu.vector_load %arg8[%parallel_loop3A_481, %parallel_loop3A_482] {strides = array<i32>} : memref<128x128xf32, #tpu.memory_space<vmem>>, vector<1x16xf32>,
      %parallel_loop3A_484 = vector.shape_cast %parallel_loop3A_483 : vector<1x16xf32> to vector<16xf32>
      %parallel_loop3A_485 = vector.shape_cast %parallel_loop3A_480 : vector<16xf32> to vector<1x16xf32>
      tpu.vector_store %arg8[%parallel_loop3A_481, %parallel_loop3A_482], %parallel_loop3A_485 {strides = array<i32>} : memref<128x128xf32, #tpu.memory_space<vmem>>, vector<1x16xf32>,
      %parallel_loop3A_486 = arith.index_cast %parallel_loop3A_425 : i32 to index
      %parallel_loop3A_487 = arith.constant 80 : index
      %parallel_loop3A_488 = tpu.vector_load %arg8[%parallel_loop3A_486, %parallel_loop3A_487] {strides = array<i32>} : memref<128x128xf32, #tpu.memory_space<vmem>>, vector<1x16xf32>,
      %parallel_loop3A_489 = vector.shape_cast %parallel_loop3A_488 : vector<1x16xf32> to vector<16xf32>
      %parallel_loop3A_490 = arith.constant 11.3137083 : f32
      %parallel_loop3A_491 = vector.broadcast %parallel_loop3A_490 : f32 to vector<16xf32>
      %parallel_loop3A_492 = arith.mulf %parallel_loop3A_489, %parallel_loop3A_491 : vector<16xf32>
      %parallel_loop3A_493 = arith.index_cast %parallel_loop3A_425 : i32 to index
      %parallel_loop3A_494 = arith.constant 80 : index
      %parallel_loop3A_495 = tpu.vector_load %arg8[%parallel_loop3A_493, %parallel_loop3A_494] {strides = array<i32>} : memref<128x128xf32, #tpu.memory_space<vmem>>, vector<1x16xf32>,
      %parallel_loop3A_496 = vector.shape_cast %parallel_loop3A_495 : vector<1x16xf32> to vector<16xf32>
      %parallel_loop3A_497 = vector.shape_cast %parallel_loop3A_492 : vector<16xf32> to vector<1x16xf32>
      tpu.vector_store %arg8[%parallel_loop3A_493, %parallel_loop3A_494], %parallel_loop3A_497 {strides = array<i32>} : memref<128x128xf32, #tpu.memory_space<vmem>>, vector<1x16xf32>,
      %parallel_loop3A_498 = arith.index_cast %parallel_loop3A_425 : i32 to index
      %parallel_loop3A_499 = arith.constant 96 : index
      %parallel_loop3A_500 = tpu.vector_load %arg8[%parallel_loop3A_498, %parallel_loop3A_499] {strides = array<i32>} : memref<128x128xf32, #tpu.memory_space<vmem>>, vector<1x16xf32>,
      %parallel_loop3A_501 = vector.shape_cast %parallel_loop3A_500 : vector<1x16xf32> to vector<16xf32>
      %parallel_loop3A_502 = arith.constant 11.3137083 : f32
      %parallel_loop3A_503 = vector.broadcast %parallel_loop3A_502 : f32 to vector<16xf32>
      %parallel_loop3A_504 = arith.mulf %parallel_loop3A_501, %parallel_loop3A_503 : vector<16xf32>
      %parallel_loop3A_505 = arith.index_cast %parallel_loop3A_425 : i32 to index
      %parallel_loop3A_506 = arith.constant 96 : index
      %parallel_loop3A_507 = tpu.vector_load %arg8[%parallel_loop3A_505, %parallel_loop3A_506] {strides = array<i32>} : memref<128x128xf32, #tpu.memory_space<vmem>>, vector<1x16xf32>,
      %parallel_loop3A_508 = vector.shape_cast %parallel_loop3A_507 : vector<1x16xf32> to vector<16xf32>
      %parallel_loop3A_509 = vector.shape_cast %parallel_loop3A_504 : vector<16xf32> to vector<1x16xf32>
      tpu.vector_store %arg8[%parallel_loop3A_505, %parallel_loop3A_506], %parallel_loop3A_509 {strides = array<i32>} : memref<128x128xf32, #tpu.memory_space<vmem>>, vector<1x16xf32>,
      %parallel_loop3A_510 = arith.index_cast %parallel_loop3A_425 : i32 to index
      %parallel_loop3A_511 = arith.constant 112 : index
      %parallel_loop3A_512 = tpu.vector_load %arg8[%parallel_loop3A_510, %parallel_loop3A_511] {strides = array<i32>} : memref<128x128xf32, #tpu.memory_space<vmem>>, vector<1x16xf32>,
      %parallel_loop3A_513 = vector.shape_cast %parallel_loop3A_512 : vector<1x16xf32> to vector<16xf32>
      %parallel_loop3A_514 = arith.constant 11.3137083 : f32
      %parallel_loop3A_515 = vector.broadcast %parallel_loop3A_514 : f32 to vector<16xf32>
      %parallel_loop3A_516 = arith.mulf %parallel_loop3A_513, %parallel_loop3A_515 : vector<16xf32>
      %parallel_loop3A_517 = arith.index_cast %parallel_loop3A_425 : i32 to index
      %parallel_loop3A_518 = arith.constant 112 : index
      %parallel_loop3A_519 = tpu.vector_load %arg8[%parallel_loop3A_517, %parallel_loop3A_518] {strides = array<i32>} : memref<128x128xf32, #tpu.memory_space<vmem>>, vector<1x16xf32>,
      %parallel_loop3A_520 = vector.shape_cast %parallel_loop3A_519 : vector<1x16xf32> to vector<16xf32>
      %parallel_loop3A_521 = vector.shape_cast %parallel_loop3A_516 : vector<16xf32> to vector<1x16xf32>
      tpu.vector_store %arg8[%parallel_loop3A_517, %parallel_loop3A_518], %parallel_loop3A_521 {strides = array<i32>} : memref<128x128xf32, #tpu.memory_space<vmem>>, vector<1x16xf32>,
    } {sc.loop_unroll_factor = 4 : i64, sc.parallel_access}
    %add3A_270 = arith.constant 194 : i32
    %add3A_271 = arith.addi %mul3A_2, %add3A_270 : i32
    %mul3A_272 = arith.constant 128 : i32
    %mul3A_273 = arith.muli %add3A_271, %mul3A_272 : i32
    %dma_start3A_274 = arith.constant 0 : i32
    %dma_start3A_275 = tpu.memref_slice %arg4[%mul3A_273, %dma_start3A_274] : memref<819200x128xf32, #tpu.memory_space<hbm>> -> memref<128x128xf32, #tpu.memory_space<hbm>>
    %dma_start3A_276 = arith.constant 0 : i32
    %dma_start3A_277 = tpu.memref_slice %arg4[%mul3A_273, %dma_start3A_276] : memref<819200x128xf32, #tpu.memory_space<hbm>> -> memref<128x128xf32, #tpu.memory_space<hbm>>
    tpu.enqueue_dma source(%arg8 : memref<128x128xf32, #tpu.memory_space<vmem>>) target(%dma_start3A_277 : memref<128x128xf32, #tpu.memory_space<hbm>>) target_semaphore(%arg20 : memref<!tpu.dma_semaphore, #tpu.memory_space<semaphore_mem>>)
    %dma_wait3A_278 = arith.constant 0 : i32
    %dma_wait3A_279 = arith.constant 0 : i32
    %dma_wait3A_280 = tpu.memref_slice %arg2[%dma_wait3A_278, %dma_wait3A_279] : memref<100000x128xf32, #tpu.memory_space<hbm>> -> memref<128x128xf32, #tpu.memory_space<hbm>>
    %dma_wait3A_281 = arith.constant 0 : i32
    %dma_wait3A_282 = arith.constant 0 : i32
    %dma_wait3A_283 = tpu.memref_slice %arg2[%dma_wait3A_281, %dma_wait3A_282] : memref<100000x128xf32, #tpu.memory_space<hbm>> -> memref<128x128xf32, #tpu.memory_space<hbm>>
    tpu.wait_dma2 semaphore(%arg15 : memref<!tpu.dma_semaphore, #tpu.memory_space<semaphore_mem>>) src(%dma_wait3A_283 : memref<128x128xf32, #tpu.memory_space<hbm>>) dst(%arg9 : memref<128x128xf32, #tpu.memory_space<vmem>>)
    %dma_wait3A_284 = arith.constant 0 : i32
    %dma_wait3A_285 = arith.constant 0 : i32
    %dma_wait3A_286 = tpu.memref_slice %arg4[%dma_wait3A_284, %dma_wait3A_285] : memref<819200x128xf32, #tpu.memory_space<hbm>> -> memref<128x128xf32, #tpu.memory_space<hbm>>
    %dma_wait3A_287 = arith.constant 0 : i32
    %dma_wait3A_288 = arith.constant 0 : i32
    %dma_wait3A_289 = tpu.memref_slice %arg4[%dma_wait3A_287, %dma_wait3A_288] : memref<819200x128xf32, #tpu.memory_space<hbm>> -> memref<128x128xf32, #tpu.memory_space<hbm>>
    tpu.wait_dma2 semaphore(%arg18 : memref<!tpu.dma_semaphore, #tpu.memory_space<semaphore_mem>>) src(%arg6 : memref<128x128xf32, #tpu.memory_space<vmem>>) dst(%dma_wait3A_289 : memref<128x128xf32, #tpu.memory_space<hbm>>)
    %dma_start3A_290 = arith.constant 198 : i32
    %dma_start3A_291 = arith.constant 0 : i32
    %dma_start3A_292 = tpu.memref_slice %arg5[%dma_start3A_290, %dma_start3A_291] : memref<200x128xi32, #tpu.memory_space<vmem>> -> memref<1x128xi32, #tpu.memory_space<vmem>>
    %dma_start3A_293 = tpu.memref_squeeze %dma_start3A_292 : memref<1x128xi32, #tpu.memory_space<vmem>> -> memref<128xi32, #tpu.memory_space<vmem>>
    %dma_start3A_294 = arith.constant 0 : i32
    %dma_start3A_295 = arith.constant 0 : i32
    %dma_start3A_296 = tpu.memref_slice %arg2[%dma_start3A_294, %dma_start3A_295] : memref<100000x128xf32, #tpu.memory_space<hbm>> -> memref<100000x128xf32, #tpu.memory_space<hbm>>
    tpu.enqueue_indirect_dma source(%dma_start3A_296 : memref<100000x128xf32, #tpu.memory_space<hbm>>) target(%arg6 : memref<128x128xf32, #tpu.memory_space<vmem>>) offsets(%dma_start3A_293 : memref<128xi32, #tpu.memory_space<vmem>>) semaphore(%arg12 : memref<!tpu.dma_semaphore, #tpu.memory_space<semaphore_mem>>)
    %parallel_loop3A_297 = arith.constant 0 : i32
    %parallel_loop3A_298 = arith.constant 128 : i32
    %parallel_loop3A_299 = arith.constant 1 : i32
    scf.for %parallel_loop3A_425 = %parallel_loop3A_297 to %parallel_loop3A_298 step %parallel_loop3A_299  : i32 {
      %parallel_loop3A_426 = arith.index_cast %parallel_loop3A_425 : i32 to index
      %parallel_loop3A_427 = arith.constant 0 : index
      %parallel_loop3A_428 = tpu.vector_load %arg9[%parallel_loop3A_426, %parallel_loop3A_427] {strides = array<i32>} : memref<128x128xf32, #tpu.memory_space<vmem>>, vector<1x16xf32>,
      %parallel_loop3A_429 = vector.shape_cast %parallel_loop3A_428 : vector<1x16xf32> to vector<16xf32>
      %parallel_loop3A_430 = arith.constant 11.3137083 : f32
      %parallel_loop3A_431 = vector.broadcast %parallel_loop3A_430 : f32 to vector<16xf32>
      %parallel_loop3A_432 = arith.mulf %parallel_loop3A_429, %parallel_loop3A_431 : vector<16xf32>
      %parallel_loop3A_433 = arith.index_cast %parallel_loop3A_425 : i32 to index
      %parallel_loop3A_434 = arith.constant 0 : index
      %parallel_loop3A_435 = tpu.vector_load %arg9[%parallel_loop3A_433, %parallel_loop3A_434] {strides = array<i32>} : memref<128x128xf32, #tpu.memory_space<vmem>>, vector<1x16xf32>,
      %parallel_loop3A_436 = vector.shape_cast %parallel_loop3A_435 : vector<1x16xf32> to vector<16xf32>
      %parallel_loop3A_437 = vector.shape_cast %parallel_loop3A_432 : vector<16xf32> to vector<1x16xf32>
      tpu.vector_store %arg9[%parallel_loop3A_433, %parallel_loop3A_434], %parallel_loop3A_437 {strides = array<i32>} : memref<128x128xf32, #tpu.memory_space<vmem>>, vector<1x16xf32>,
      %parallel_loop3A_438 = arith.index_cast %parallel_loop3A_425 : i32 to index
      %parallel_loop3A_439 = arith.constant 16 : index
      %parallel_loop3A_440 = tpu.vector_load %arg9[%parallel_loop3A_438, %parallel_loop3A_439] {strides = array<i32>} : memref<128x128xf32, #tpu.memory_space<vmem>>, vector<1x16xf32>,
      %parallel_loop3A_441 = vector.shape_cast %parallel_loop3A_440 : vector<1x16xf32> to vector<16xf32>
      %parallel_loop3A_442 = arith.constant 11.3137083 : f32
      %parallel_loop3A_443 = vector.broadcast %parallel_loop3A_442 : f32 to vector<16xf32>
      %parallel_loop3A_444 = arith.mulf %parallel_loop3A_441, %parallel_loop3A_443 : vector<16xf32>
      %parallel_loop3A_445 = arith.index_cast %parallel_loop3A_425 : i32 to index
      %parallel_loop3A_446 = arith.constant 16 : index
      %parallel_loop3A_447 = tpu.vector_load %arg9[%parallel_loop3A_445, %parallel_loop3A_446] {strides = array<i32>} : memref<128x128xf32, #tpu.memory_space<vmem>>, vector<1x16xf32>,
      %parallel_loop3A_448 = vector.shape_cast %parallel_loop3A_447 : vector<1x16xf32> to vector<16xf32>
      %parallel_loop3A_449 = vector.shape_cast %parallel_loop3A_444 : vector<16xf32> to vector<1x16xf32>
      tpu.vector_store %arg9[%parallel_loop3A_445, %parallel_loop3A_446], %parallel_loop3A_449 {strides = array<i32>} : memref<128x128xf32, #tpu.memory_space<vmem>>, vector<1x16xf32>,
      %parallel_loop3A_450 = arith.index_cast %parallel_loop3A_425 : i32 to index
      %parallel_loop3A_451 = arith.constant 32 : index
      %parallel_loop3A_452 = tpu.vector_load %arg9[%parallel_loop3A_450, %parallel_loop3A_451] {strides = array<i32>} : memref<128x128xf32, #tpu.memory_space<vmem>>, vector<1x16xf32>,
      %parallel_loop3A_453 = vector.shape_cast %parallel_loop3A_452 : vector<1x16xf32> to vector<16xf32>
      %parallel_loop3A_454 = arith.constant 11.3137083 : f32
      %parallel_loop3A_455 = vector.broadcast %parallel_loop3A_454 : f32 to vector<16xf32>
      %parallel_loop3A_456 = arith.mulf %parallel_loop3A_453, %parallel_loop3A_455 : vector<16xf32>
      %parallel_loop3A_457 = arith.index_cast %parallel_loop3A_425 : i32 to index
      %parallel_loop3A_458 = arith.constant 32 : index
      %parallel_loop3A_459 = tpu.vector_load %arg9[%parallel_loop3A_457, %parallel_loop3A_458] {strides = array<i32>} : memref<128x128xf32, #tpu.memory_space<vmem>>, vector<1x16xf32>,
      %parallel_loop3A_460 = vector.shape_cast %parallel_loop3A_459 : vector<1x16xf32> to vector<16xf32>
      %parallel_loop3A_461 = vector.shape_cast %parallel_loop3A_456 : vector<16xf32> to vector<1x16xf32>
      tpu.vector_store %arg9[%parallel_loop3A_457, %parallel_loop3A_458], %parallel_loop3A_461 {strides = array<i32>} : memref<128x128xf32, #tpu.memory_space<vmem>>, vector<1x16xf32>,
      %parallel_loop3A_462 = arith.index_cast %parallel_loop3A_425 : i32 to index
      %parallel_loop3A_463 = arith.constant 48 : index
      %parallel_loop3A_464 = tpu.vector_load %arg9[%parallel_loop3A_462, %parallel_loop3A_463] {strides = array<i32>} : memref<128x128xf32, #tpu.memory_space<vmem>>, vector<1x16xf32>,
      %parallel_loop3A_465 = vector.shape_cast %parallel_loop3A_464 : vector<1x16xf32> to vector<16xf32>
      %parallel_loop3A_466 = arith.constant 11.3137083 : f32
      %parallel_loop3A_467 = vector.broadcast %parallel_loop3A_466 : f32 to vector<16xf32>
      %parallel_loop3A_468 = arith.mulf %parallel_loop3A_465, %parallel_loop3A_467 : vector<16xf32>
      %parallel_loop3A_469 = arith.index_cast %parallel_loop3A_425 : i32 to index
      %parallel_loop3A_470 = arith.constant 48 : index
      %parallel_loop3A_471 = tpu.vector_load %arg9[%parallel_loop3A_469, %parallel_loop3A_470] {strides = array<i32>} : memref<128x128xf32, #tpu.memory_space<vmem>>, vector<1x16xf32>,
      %parallel_loop3A_472 = vector.shape_cast %parallel_loop3A_471 : vector<1x16xf32> to vector<16xf32>
      %parallel_loop3A_473 = vector.shape_cast %parallel_loop3A_468 : vector<16xf32> to vector<1x16xf32>
      tpu.vector_store %arg9[%parallel_loop3A_469, %parallel_loop3A_470], %parallel_loop3A_473 {strides = array<i32>} : memref<128x128xf32, #tpu.memory_space<vmem>>, vector<1x16xf32>,
      %parallel_loop3A_474 = arith.index_cast %parallel_loop3A_425 : i32 to index
      %parallel_loop3A_475 = arith.constant 64 : index
      %parallel_loop3A_476 = tpu.vector_load %arg9[%parallel_loop3A_474, %parallel_loop3A_475] {strides = array<i32>} : memref<128x128xf32, #tpu.memory_space<vmem>>, vector<1x16xf32>,
      %parallel_loop3A_477 = vector.shape_cast %parallel_loop3A_476 : vector<1x16xf32> to vector<16xf32>
      %parallel_loop3A_478 = arith.constant 11.3137083 : f32
      %parallel_loop3A_479 = vector.broadcast %parallel_loop3A_478 : f32 to vector<16xf32>
      %parallel_loop3A_480 = arith.mulf %parallel_loop3A_477, %parallel_loop3A_479 : vector<16xf32>
      %parallel_loop3A_481 = arith.index_cast %parallel_loop3A_425 : i32 to index
      %parallel_loop3A_482 = arith.constant 64 : index
      %parallel_loop3A_483 = tpu.vector_load %arg9[%parallel_loop3A_481, %parallel_loop3A_482] {strides = array<i32>} : memref<128x128xf32, #tpu.memory_space<vmem>>, vector<1x16xf32>,
      %parallel_loop3A_484 = vector.shape_cast %parallel_loop3A_483 : vector<1x16xf32> to vector<16xf32>
      %parallel_loop3A_485 = vector.shape_cast %parallel_loop3A_480 : vector<16xf32> to vector<1x16xf32>
      tpu.vector_store %arg9[%parallel_loop3A_481, %parallel_loop3A_482], %parallel_loop3A_485 {strides = array<i32>} : memref<128x128xf32, #tpu.memory_space<vmem>>, vector<1x16xf32>,
      %parallel_loop3A_486 = arith.index_cast %parallel_loop3A_425 : i32 to index
      %parallel_loop3A_487 = arith.constant 80 : index
      %parallel_loop3A_488 = tpu.vector_load %arg9[%parallel_loop3A_486, %parallel_loop3A_487] {strides = array<i32>} : memref<128x128xf32, #tpu.memory_space<vmem>>, vector<1x16xf32>,
      %parallel_loop3A_489 = vector.shape_cast %parallel_loop3A_488 : vector<1x16xf32> to vector<16xf32>
      %parallel_loop3A_490 = arith.constant 11.3137083 : f32
      %parallel_loop3A_491 = vector.broadcast %parallel_loop3A_490 : f32 to vector<16xf32>
      %parallel_loop3A_492 = arith.mulf %parallel_loop3A_489, %parallel_loop3A_491 : vector<16xf32>
      %parallel_loop3A_493 = arith.index_cast %parallel_loop3A_425 : i32 to index
      %parallel_loop3A_494 = arith.constant 80 : index
      %parallel_loop3A_495 = tpu.vector_load %arg9[%parallel_loop3A_493, %parallel_loop3A_494] {strides = array<i32>} : memref<128x128xf32, #tpu.memory_space<vmem>>, vector<1x16xf32>,
      %parallel_loop3A_496 = vector.shape_cast %parallel_loop3A_495 : vector<1x16xf32> to vector<16xf32>
      %parallel_loop3A_497 = vector.shape_cast %parallel_loop3A_492 : vector<16xf32> to vector<1x16xf32>
      tpu.vector_store %arg9[%parallel_loop3A_493, %parallel_loop3A_494], %parallel_loop3A_497 {strides = array<i32>} : memref<128x128xf32, #tpu.memory_space<vmem>>, vector<1x16xf32>,
      %parallel_loop3A_498 = arith.index_cast %parallel_loop3A_425 : i32 to index
      %parallel_loop3A_499 = arith.constant 96 : index
      %parallel_loop3A_500 = tpu.vector_load %arg9[%parallel_loop3A_498, %parallel_loop3A_499] {strides = array<i32>} : memref<128x128xf32, #tpu.memory_space<vmem>>, vector<1x16xf32>,
      %parallel_loop3A_501 = vector.shape_cast %parallel_loop3A_500 : vector<1x16xf32> to vector<16xf32>
      %parallel_loop3A_502 = arith.constant 11.3137083 : f32
      %parallel_loop3A_503 = vector.broadcast %parallel_loop3A_502 : f32 to vector<16xf32>
      %parallel_loop3A_504 = arith.mulf %parallel_loop3A_501, %parallel_loop3A_503 : vector<16xf32>
      %parallel_loop3A_505 = arith.index_cast %parallel_loop3A_425 : i32 to index
      %parallel_loop3A_506 = arith.constant 96 : index
      %parallel_loop3A_507 = tpu.vector_load %arg9[%parallel_loop3A_505, %parallel_loop3A_506] {strides = array<i32>} : memref<128x128xf32, #tpu.memory_space<vmem>>, vector<1x16xf32>,
      %parallel_loop3A_508 = vector.shape_cast %parallel_loop3A_507 : vector<1x16xf32> to vector<16xf32>
      %parallel_loop3A_509 = vector.shape_cast %parallel_loop3A_504 : vector<16xf32> to vector<1x16xf32>
      tpu.vector_store %arg9[%parallel_loop3A_505, %parallel_loop3A_506], %parallel_loop3A_509 {strides = array<i32>} : memref<128x128xf32, #tpu.memory_space<vmem>>, vector<1x16xf32>,
      %parallel_loop3A_510 = arith.index_cast %parallel_loop3A_425 : i32 to index
      %parallel_loop3A_511 = arith.constant 112 : index
      %parallel_loop3A_512 = tpu.vector_load %arg9[%parallel_loop3A_510, %parallel_loop3A_511] {strides = array<i32>} : memref<128x128xf32, #tpu.memory_space<vmem>>, vector<1x16xf32>,
      %parallel_loop3A_513 = vector.shape_cast %parallel_loop3A_512 : vector<1x16xf32> to vector<16xf32>
      %parallel_loop3A_514 = arith.constant 11.3137083 : f32
      %parallel_loop3A_515 = vector.broadcast %parallel_loop3A_514 : f32 to vector<16xf32>
      %parallel_loop3A_516 = arith.mulf %parallel_loop3A_513, %parallel_loop3A_515 : vector<16xf32>
      %parallel_loop3A_517 = arith.index_cast %parallel_loop3A_425 : i32 to index
      %parallel_loop3A_518 = arith.constant 112 : index
      %parallel_loop3A_519 = tpu.vector_load %arg9[%parallel_loop3A_517, %parallel_loop3A_518] {strides = array<i32>} : memref<128x128xf32, #tpu.memory_space<vmem>>, vector<1x16xf32>,
      %parallel_loop3A_520 = vector.shape_cast %parallel_loop3A_519 : vector<1x16xf32> to vector<16xf32>
      %parallel_loop3A_521 = vector.shape_cast %parallel_loop3A_516 : vector<16xf32> to vector<1x16xf32>
      tpu.vector_store %arg9[%parallel_loop3A_517, %parallel_loop3A_518], %parallel_loop3A_521 {strides = array<i32>} : memref<128x128xf32, #tpu.memory_space<vmem>>, vector<1x16xf32>,
    } {sc.loop_unroll_factor = 4 : i64, sc.parallel_access}
    %add3A_300 = arith.constant 195 : i32
    %add3A_301 = arith.addi %mul3A_2, %add3A_300 : i32
    %mul3A_302 = arith.constant 128 : i32
    %mul3A_303 = arith.muli %add3A_301, %mul3A_302 : i32
    %dma_start3A_304 = arith.constant 0 : i32
    %dma_start3A_305 = tpu.memref_slice %arg4[%mul3A_303, %dma_start3A_304] : memref<819200x128xf32, #tpu.memory_space<hbm>> -> memref<128x128xf32, #tpu.memory_space<hbm>>
    %dma_start3A_306 = arith.constant 0 : i32
    %dma_start3A_307 = tpu.memref_slice %arg4[%mul3A_303, %dma_start3A_306] : memref<819200x128xf32, #tpu.memory_space<hbm>> -> memref<128x128xf32, #tpu.memory_space<hbm>>
    tpu.enqueue_dma source(%arg9 : memref<128x128xf32, #tpu.memory_space<vmem>>) target(%dma_start3A_307 : memref<128x128xf32, #tpu.memory_space<hbm>>) target_semaphore(%arg21 : memref<!tpu.dma_semaphore, #tpu.memory_space<semaphore_mem>>)
    %dma_wait3A_308 = arith.constant 0 : i32
    %dma_wait3A_309 = arith.constant 0 : i32
    %dma_wait3A_310 = tpu.memref_slice %arg2[%dma_wait3A_308, %dma_wait3A_309] : memref<100000x128xf32, #tpu.memory_space<hbm>> -> memref<128x128xf32, #tpu.memory_space<hbm>>
    %dma_wait3A_311 = arith.constant 0 : i32
    %dma_wait3A_312 = arith.constant 0 : i32
    %dma_wait3A_313 = tpu.memref_slice %arg2[%dma_wait3A_311, %dma_wait3A_312] : memref<100000x128xf32, #tpu.memory_space<hbm>> -> memref<128x128xf32, #tpu.memory_space<hbm>>
    tpu.wait_dma2 semaphore(%arg16 : memref<!tpu.dma_semaphore, #tpu.memory_space<semaphore_mem>>) src(%dma_wait3A_313 : memref<128x128xf32, #tpu.memory_space<hbm>>) dst(%arg10 : memref<128x128xf32, #tpu.memory_space<vmem>>)
    %dma_wait3A_314 = arith.constant 0 : i32
    %dma_wait3A_315 = arith.constant 0 : i32
    %dma_wait3A_316 = tpu.memref_slice %arg4[%dma_wait3A_314, %dma_wait3A_315] : memref<819200x128xf32, #tpu.memory_space<hbm>> -> memref<128x128xf32, #tpu.memory_space<hbm>>
    %dma_wait3A_317 = arith.constant 0 : i32
    %dma_wait3A_318 = arith.constant 0 : i32
    %dma_wait3A_319 = tpu.memref_slice %arg4[%dma_wait3A_317, %dma_wait3A_318] : memref<819200x128xf32, #tpu.memory_space<hbm>> -> memref<128x128xf32, #tpu.memory_space<hbm>>
    tpu.wait_dma2 semaphore(%arg19 : memref<!tpu.dma_semaphore, #tpu.memory_space<semaphore_mem>>) src(%arg7 : memref<128x128xf32, #tpu.memory_space<vmem>>) dst(%dma_wait3A_319 : memref<128x128xf32, #tpu.memory_space<hbm>>)
    %dma_start3A_320 = arith.constant 199 : i32
    %dma_start3A_321 = arith.constant 0 : i32
    %dma_start3A_322 = tpu.memref_slice %arg5[%dma_start3A_320, %dma_start3A_321] : memref<200x128xi32, #tpu.memory_space<vmem>> -> memref<1x128xi32, #tpu.memory_space<vmem>>
    %dma_start3A_323 = tpu.memref_squeeze %dma_start3A_322 : memref<1x128xi32, #tpu.memory_space<vmem>> -> memref<128xi32, #tpu.memory_space<vmem>>
    %dma_start3A_324 = arith.constant 0 : i32
    %dma_start3A_325 = arith.constant 0 : i32
    %dma_start3A_326 = tpu.memref_slice %arg2[%dma_start3A_324, %dma_start3A_325] : memref<100000x128xf32, #tpu.memory_space<hbm>> -> memref<100000x128xf32, #tpu.memory_space<hbm>>
    tpu.enqueue_indirect_dma source(%dma_start3A_326 : memref<100000x128xf32, #tpu.memory_space<hbm>>) target(%arg7 : memref<128x128xf32, #tpu.memory_space<vmem>>) offsets(%dma_start3A_323 : memref<128xi32, #tpu.memory_space<vmem>>) semaphore(%arg13 : memref<!tpu.dma_semaphore, #tpu.memory_space<semaphore_mem>>)
    %parallel_loop3A_327 = arith.constant 0 : i32
    %parallel_loop3A_328 = arith.constant 128 : i32
    %parallel_loop3A_329 = arith.constant 1 : i32
    scf.for %parallel_loop3A_425 = %parallel_loop3A_327 to %parallel_loop3A_328 step %parallel_loop3A_329  : i32 {
      %parallel_loop3A_426 = arith.index_cast %parallel_loop3A_425 : i32 to index
      %parallel_loop3A_427 = arith.constant 0 : index
      %parallel_loop3A_428 = tpu.vector_load %arg10[%parallel_loop3A_426, %parallel_loop3A_427] {strides = array<i32>} : memref<128x128xf32, #tpu.memory_space<vmem>>, vector<1x16xf32>,
      %parallel_loop3A_429 = vector.shape_cast %parallel_loop3A_428 : vector<1x16xf32> to vector<16xf32>
      %parallel_loop3A_430 = arith.constant 11.3137083 : f32
      %parallel_loop3A_431 = vector.broadcast %parallel_loop3A_430 : f32 to vector<16xf32>
      %parallel_loop3A_432 = arith.mulf %parallel_loop3A_429, %parallel_loop3A_431 : vector<16xf32>
      %parallel_loop3A_433 = arith.index_cast %parallel_loop3A_425 : i32 to index
      %parallel_loop3A_434 = arith.constant 0 : index
      %parallel_loop3A_435 = tpu.vector_load %arg10[%parallel_loop3A_433, %parallel_loop3A_434] {strides = array<i32>} : memref<128x128xf32, #tpu.memory_space<vmem>>, vector<1x16xf32>,
      %parallel_loop3A_436 = vector.shape_cast %parallel_loop3A_435 : vector<1x16xf32> to vector<16xf32>
      %parallel_loop3A_437 = vector.shape_cast %parallel_loop3A_432 : vector<16xf32> to vector<1x16xf32>
      tpu.vector_store %arg10[%parallel_loop3A_433, %parallel_loop3A_434], %parallel_loop3A_437 {strides = array<i32>} : memref<128x128xf32, #tpu.memory_space<vmem>>, vector<1x16xf32>,
      %parallel_loop3A_438 = arith.index_cast %parallel_loop3A_425 : i32 to index
      %parallel_loop3A_439 = arith.constant 16 : index
      %parallel_loop3A_440 = tpu.vector_load %arg10[%parallel_loop3A_438, %parallel_loop3A_439] {strides = array<i32>} : memref<128x128xf32, #tpu.memory_space<vmem>>, vector<1x16xf32>,
      %parallel_loop3A_441 = vector.shape_cast %parallel_loop3A_440 : vector<1x16xf32> to vector<16xf32>
      %parallel_loop3A_442 = arith.constant 11.3137083 : f32
      %parallel_loop3A_443 = vector.broadcast %parallel_loop3A_442 : f32 to vector<16xf32>
      %parallel_loop3A_444 = arith.mulf %parallel_loop3A_441, %parallel_loop3A_443 : vector<16xf32>
      %parallel_loop3A_445 = arith.index_cast %parallel_loop3A_425 : i32 to index
      %parallel_loop3A_446 = arith.constant 16 : index
      %parallel_loop3A_447 = tpu.vector_load %arg10[%parallel_loop3A_445, %parallel_loop3A_446] {strides = array<i32>} : memref<128x128xf32, #tpu.memory_space<vmem>>, vector<1x16xf32>,
      %parallel_loop3A_448 = vector.shape_cast %parallel_loop3A_447 : vector<1x16xf32> to vector<16xf32>
      %parallel_loop3A_449 = vector.shape_cast %parallel_loop3A_444 : vector<16xf32> to vector<1x16xf32>
      tpu.vector_store %arg10[%parallel_loop3A_445, %parallel_loop3A_446], %parallel_loop3A_449 {strides = array<i32>} : memref<128x128xf32, #tpu.memory_space<vmem>>, vector<1x16xf32>,
      %parallel_loop3A_450 = arith.index_cast %parallel_loop3A_425 : i32 to index
      %parallel_loop3A_451 = arith.constant 32 : index
      %parallel_loop3A_452 = tpu.vector_load %arg10[%parallel_loop3A_450, %parallel_loop3A_451] {strides = array<i32>} : memref<128x128xf32, #tpu.memory_space<vmem>>, vector<1x16xf32>,
      %parallel_loop3A_453 = vector.shape_cast %parallel_loop3A_452 : vector<1x16xf32> to vector<16xf32>
      %parallel_loop3A_454 = arith.constant 11.3137083 : f32
      %parallel_loop3A_455 = vector.broadcast %parallel_loop3A_454 : f32 to vector<16xf32>
      %parallel_loop3A_456 = arith.mulf %parallel_loop3A_453, %parallel_loop3A_455 : vector<16xf32>
      %parallel_loop3A_457 = arith.index_cast %parallel_loop3A_425 : i32 to index
      %parallel_loop3A_458 = arith.constant 32 : index
      %parallel_loop3A_459 = tpu.vector_load %arg10[%parallel_loop3A_457, %parallel_loop3A_458] {strides = array<i32>} : memref<128x128xf32, #tpu.memory_space<vmem>>, vector<1x16xf32>,
      %parallel_loop3A_460 = vector.shape_cast %parallel_loop3A_459 : vector<1x16xf32> to vector<16xf32>
      %parallel_loop3A_461 = vector.shape_cast %parallel_loop3A_456 : vector<16xf32> to vector<1x16xf32>
      tpu.vector_store %arg10[%parallel_loop3A_457, %parallel_loop3A_458], %parallel_loop3A_461 {strides = array<i32>} : memref<128x128xf32, #tpu.memory_space<vmem>>, vector<1x16xf32>,
      %parallel_loop3A_462 = arith.index_cast %parallel_loop3A_425 : i32 to index
      %parallel_loop3A_463 = arith.constant 48 : index
      %parallel_loop3A_464 = tpu.vector_load %arg10[%parallel_loop3A_462, %parallel_loop3A_463] {strides = array<i32>} : memref<128x128xf32, #tpu.memory_space<vmem>>, vector<1x16xf32>,
      %parallel_loop3A_465 = vector.shape_cast %parallel_loop3A_464 : vector<1x16xf32> to vector<16xf32>
      %parallel_loop3A_466 = arith.constant 11.3137083 : f32
      %parallel_loop3A_467 = vector.broadcast %parallel_loop3A_466 : f32 to vector<16xf32>
      %parallel_loop3A_468 = arith.mulf %parallel_loop3A_465, %parallel_loop3A_467 : vector<16xf32>
      %parallel_loop3A_469 = arith.index_cast %parallel_loop3A_425 : i32 to index
      %parallel_loop3A_470 = arith.constant 48 : index
      %parallel_loop3A_471 = tpu.vector_load %arg10[%parallel_loop3A_469, %parallel_loop3A_470] {strides = array<i32>} : memref<128x128xf32, #tpu.memory_space<vmem>>, vector<1x16xf32>,
      %parallel_loop3A_472 = vector.shape_cast %parallel_loop3A_471 : vector<1x16xf32> to vector<16xf32>
      %parallel_loop3A_473 = vector.shape_cast %parallel_loop3A_468 : vector<16xf32> to vector<1x16xf32>
      tpu.vector_store %arg10[%parallel_loop3A_469, %parallel_loop3A_470], %parallel_loop3A_473 {strides = array<i32>} : memref<128x128xf32, #tpu.memory_space<vmem>>, vector<1x16xf32>,
      %parallel_loop3A_474 = arith.index_cast %parallel_loop3A_425 : i32 to index
      %parallel_loop3A_475 = arith.constant 64 : index
      %parallel_loop3A_476 = tpu.vector_load %arg10[%parallel_loop3A_474, %parallel_loop3A_475] {strides = array<i32>} : memref<128x128xf32, #tpu.memory_space<vmem>>, vector<1x16xf32>,
      %parallel_loop3A_477 = vector.shape_cast %parallel_loop3A_476 : vector<1x16xf32> to vector<16xf32>
      %parallel_loop3A_478 = arith.constant 11.3137083 : f32
      %parallel_loop3A_479 = vector.broadcast %parallel_loop3A_478 : f32 to vector<16xf32>
      %parallel_loop3A_480 = arith.mulf %parallel_loop3A_477, %parallel_loop3A_479 : vector<16xf32>
      %parallel_loop3A_481 = arith.index_cast %parallel_loop3A_425 : i32 to index
      %parallel_loop3A_482 = arith.constant 64 : index
      %parallel_loop3A_483 = tpu.vector_load %arg10[%parallel_loop3A_481, %parallel_loop3A_482] {strides = array<i32>} : memref<128x128xf32, #tpu.memory_space<vmem>>, vector<1x16xf32>,
      %parallel_loop3A_484 = vector.shape_cast %parallel_loop3A_483 : vector<1x16xf32> to vector<16xf32>
      %parallel_loop3A_485 = vector.shape_cast %parallel_loop3A_480 : vector<16xf32> to vector<1x16xf32>
      tpu.vector_store %arg10[%parallel_loop3A_481, %parallel_loop3A_482], %parallel_loop3A_485 {strides = array<i32>} : memref<128x128xf32, #tpu.memory_space<vmem>>, vector<1x16xf32>,
      %parallel_loop3A_486 = arith.index_cast %parallel_loop3A_425 : i32 to index
      %parallel_loop3A_487 = arith.constant 80 : index
      %parallel_loop3A_488 = tpu.vector_load %arg10[%parallel_loop3A_486, %parallel_loop3A_487] {strides = array<i32>} : memref<128x128xf32, #tpu.memory_space<vmem>>, vector<1x16xf32>,
      %parallel_loop3A_489 = vector.shape_cast %parallel_loop3A_488 : vector<1x16xf32> to vector<16xf32>
      %parallel_loop3A_490 = arith.constant 11.3137083 : f32
      %parallel_loop3A_491 = vector.broadcast %parallel_loop3A_490 : f32 to vector<16xf32>
      %parallel_loop3A_492 = arith.mulf %parallel_loop3A_489, %parallel_loop3A_491 : vector<16xf32>
      %parallel_loop3A_493 = arith.index_cast %parallel_loop3A_425 : i32 to index
      %parallel_loop3A_494 = arith.constant 80 : index
      %parallel_loop3A_495 = tpu.vector_load %arg10[%parallel_loop3A_493, %parallel_loop3A_494] {strides = array<i32>} : memref<128x128xf32, #tpu.memory_space<vmem>>, vector<1x16xf32>,
      %parallel_loop3A_496 = vector.shape_cast %parallel_loop3A_495 : vector<1x16xf32> to vector<16xf32>
      %parallel_loop3A_497 = vector.shape_cast %parallel_loop3A_492 : vector<16xf32> to vector<1x16xf32>
      tpu.vector_store %arg10[%parallel_loop3A_493, %parallel_loop3A_494], %parallel_loop3A_497 {strides = array<i32>} : memref<128x128xf32, #tpu.memory_space<vmem>>, vector<1x16xf32>,
      %parallel_loop3A_498 = arith.index_cast %parallel_loop3A_425 : i32 to index
      %parallel_loop3A_499 = arith.constant 96 : index
      %parallel_loop3A_500 = tpu.vector_load %arg10[%parallel_loop3A_498, %parallel_loop3A_499] {strides = array<i32>} : memref<128x128xf32, #tpu.memory_space<vmem>>, vector<1x16xf32>,
      %parallel_loop3A_501 = vector.shape_cast %parallel_loop3A_500 : vector<1x16xf32> to vector<16xf32>
      %parallel_loop3A_502 = arith.constant 11.3137083 : f32
      %parallel_loop3A_503 = vector.broadcast %parallel_loop3A_502 : f32 to vector<16xf32>
      %parallel_loop3A_504 = arith.mulf %parallel_loop3A_501, %parallel_loop3A_503 : vector<16xf32>
      %parallel_loop3A_505 = arith.index_cast %parallel_loop3A_425 : i32 to index
      %parallel_loop3A_506 = arith.constant 96 : index
      %parallel_loop3A_507 = tpu.vector_load %arg10[%parallel_loop3A_505, %parallel_loop3A_506] {strides = array<i32>} : memref<128x128xf32, #tpu.memory_space<vmem>>, vector<1x16xf32>,
      %parallel_loop3A_508 = vector.shape_cast %parallel_loop3A_507 : vector<1x16xf32> to vector<16xf32>
      %parallel_loop3A_509 = vector.shape_cast %parallel_loop3A_504 : vector<16xf32> to vector<1x16xf32>
      tpu.vector_store %arg10[%parallel_loop3A_505, %parallel_loop3A_506], %parallel_loop3A_509 {strides = array<i32>} : memref<128x128xf32, #tpu.memory_space<vmem>>, vector<1x16xf32>,
      %parallel_loop3A_510 = arith.index_cast %parallel_loop3A_425 : i32 to index
      %parallel_loop3A_511 = arith.constant 112 : index
      %parallel_loop3A_512 = tpu.vector_load %arg10[%parallel_loop3A_510, %parallel_loop3A_511] {strides = array<i32>} : memref<128x128xf32, #tpu.memory_space<vmem>>, vector<1x16xf32>,
      %parallel_loop3A_513 = vector.shape_cast %parallel_loop3A_512 : vector<1x16xf32> to vector<16xf32>
      %parallel_loop3A_514 = arith.constant 11.3137083 : f32
      %parallel_loop3A_515 = vector.broadcast %parallel_loop3A_514 : f32 to vector<16xf32>
      %parallel_loop3A_516 = arith.mulf %parallel_loop3A_513, %parallel_loop3A_515 : vector<16xf32>
      %parallel_loop3A_517 = arith.index_cast %parallel_loop3A_425 : i32 to index
      %parallel_loop3A_518 = arith.constant 112 : index
      %parallel_loop3A_519 = tpu.vector_load %arg10[%parallel_loop3A_517, %parallel_loop3A_518] {strides = array<i32>} : memref<128x128xf32, #tpu.memory_space<vmem>>, vector<1x16xf32>,
      %parallel_loop3A_520 = vector.shape_cast %parallel_loop3A_519 : vector<1x16xf32> to vector<16xf32>
      %parallel_loop3A_521 = vector.shape_cast %parallel_loop3A_516 : vector<16xf32> to vector<1x16xf32>
      tpu.vector_store %arg10[%parallel_loop3A_517, %parallel_loop3A_518], %parallel_loop3A_521 {strides = array<i32>} : memref<128x128xf32, #tpu.memory_space<vmem>>, vector<1x16xf32>,
    } {sc.loop_unroll_factor = 4 : i64, sc.parallel_access}
    %add3A_330 = arith.constant 196 : i32
    %add3A_331 = arith.addi %mul3A_2, %add3A_330 : i32
    %mul3A_332 = arith.constant 128 : i32
    %mul3A_333 = arith.muli %add3A_331, %mul3A_332 : i32
    %dma_start3A_334 = arith.constant 0 : i32
    %dma_start3A_335 = tpu.memref_slice %arg4[%mul3A_333, %dma_start3A_334] : memref<819200x128xf32, #tpu.memory_space<hbm>> -> memref<128x128xf32, #tpu.memory_space<hbm>>
    %dma_start3A_336 = arith.constant 0 : i32
    %dma_start3A_337 = tpu.memref_slice %arg4[%mul3A_333, %dma_start3A_336] : memref<819200x128xf32, #tpu.memory_space<hbm>> -> memref<128x128xf32, #tpu.memory_space<hbm>>
    tpu.enqueue_dma source(%arg10 : memref<128x128xf32, #tpu.memory_space<vmem>>) target(%dma_start3A_337 : memref<128x128xf32, #tpu.memory_space<hbm>>) target_semaphore(%arg22 : memref<!tpu.dma_semaphore, #tpu.memory_space<semaphore_mem>>)
    %dma_wait3A_338 = arith.constant 0 : i32
    %dma_wait3A_339 = arith.constant 0 : i32
    %dma_wait3A_340 = tpu.memref_slice %arg2[%dma_wait3A_338, %dma_wait3A_339] : memref<100000x128xf32, #tpu.memory_space<hbm>> -> memref<128x128xf32, #tpu.memory_space<hbm>>
    %dma_wait3A_341 = arith.constant 0 : i32
    %dma_wait3A_342 = arith.constant 0 : i32
    %dma_wait3A_343 = tpu.memref_slice %arg2[%dma_wait3A_341, %dma_wait3A_342] : memref<100000x128xf32, #tpu.memory_space<hbm>> -> memref<128x128xf32, #tpu.memory_space<hbm>>
    tpu.wait_dma2 semaphore(%arg17 : memref<!tpu.dma_semaphore, #tpu.memory_space<semaphore_mem>>) src(%dma_wait3A_343 : memref<128x128xf32, #tpu.memory_space<hbm>>) dst(%arg11 : memref<128x128xf32, #tpu.memory_space<vmem>>)
    %parallel_loop3A_344 = arith.constant 0 : i32
    %parallel_loop3A_345 = arith.constant 128 : i32
    %parallel_loop3A_346 = arith.constant 1 : i32
    scf.for %parallel_loop3A_425 = %parallel_loop3A_344 to %parallel_loop3A_345 step %parallel_loop3A_346  : i32 {
      %parallel_loop3A_426 = arith.index_cast %parallel_loop3A_425 : i32 to index
      %parallel_loop3A_427 = arith.constant 0 : index
      %parallel_loop3A_428 = tpu.vector_load %arg11[%parallel_loop3A_426, %parallel_loop3A_427] {strides = array<i32>} : memref<128x128xf32, #tpu.memory_space<vmem>>, vector<1x16xf32>,
      %parallel_loop3A_429 = vector.shape_cast %parallel_loop3A_428 : vector<1x16xf32> to vector<16xf32>
      %parallel_loop3A_430 = arith.constant 11.3137083 : f32
      %parallel_loop3A_431 = vector.broadcast %parallel_loop3A_430 : f32 to vector<16xf32>
      %parallel_loop3A_432 = arith.mulf %parallel_loop3A_429, %parallel_loop3A_431 : vector<16xf32>
      %parallel_loop3A_433 = arith.index_cast %parallel_loop3A_425 : i32 to index
      %parallel_loop3A_434 = arith.constant 0 : index
      %parallel_loop3A_435 = tpu.vector_load %arg11[%parallel_loop3A_433, %parallel_loop3A_434] {strides = array<i32>} : memref<128x128xf32, #tpu.memory_space<vmem>>, vector<1x16xf32>,
      %parallel_loop3A_436 = vector.shape_cast %parallel_loop3A_435 : vector<1x16xf32> to vector<16xf32>
      %parallel_loop3A_437 = vector.shape_cast %parallel_loop3A_432 : vector<16xf32> to vector<1x16xf32>
      tpu.vector_store %arg11[%parallel_loop3A_433, %parallel_loop3A_434], %parallel_loop3A_437 {strides = array<i32>} : memref<128x128xf32, #tpu.memory_space<vmem>>, vector<1x16xf32>,
      %parallel_loop3A_438 = arith.index_cast %parallel_loop3A_425 : i32 to index
      %parallel_loop3A_439 = arith.constant 16 : index
      %parallel_loop3A_440 = tpu.vector_load %arg11[%parallel_loop3A_438, %parallel_loop3A_439] {strides = array<i32>} : memref<128x128xf32, #tpu.memory_space<vmem>>, vector<1x16xf32>,
      %parallel_loop3A_441 = vector.shape_cast %parallel_loop3A_440 : vector<1x16xf32> to vector<16xf32>
      %parallel_loop3A_442 = arith.constant 11.3137083 : f32
      %parallel_loop3A_443 = vector.broadcast %parallel_loop3A_442 : f32 to vector<16xf32>
      %parallel_loop3A_444 = arith.mulf %parallel_loop3A_441, %parallel_loop3A_443 : vector<16xf32>
      %parallel_loop3A_445 = arith.index_cast %parallel_loop3A_425 : i32 to index
      %parallel_loop3A_446 = arith.constant 16 : index
      %parallel_loop3A_447 = tpu.vector_load %arg11[%parallel_loop3A_445, %parallel_loop3A_446] {strides = array<i32>} : memref<128x128xf32, #tpu.memory_space<vmem>>, vector<1x16xf32>,
      %parallel_loop3A_448 = vector.shape_cast %parallel_loop3A_447 : vector<1x16xf32> to vector<16xf32>
      %parallel_loop3A_449 = vector.shape_cast %parallel_loop3A_444 : vector<16xf32> to vector<1x16xf32>
      tpu.vector_store %arg11[%parallel_loop3A_445, %parallel_loop3A_446], %parallel_loop3A_449 {strides = array<i32>} : memref<128x128xf32, #tpu.memory_space<vmem>>, vector<1x16xf32>,
      %parallel_loop3A_450 = arith.index_cast %parallel_loop3A_425 : i32 to index
      %parallel_loop3A_451 = arith.constant 32 : index
      %parallel_loop3A_452 = tpu.vector_load %arg11[%parallel_loop3A_450, %parallel_loop3A_451] {strides = array<i32>} : memref<128x128xf32, #tpu.memory_space<vmem>>, vector<1x16xf32>,
      %parallel_loop3A_453 = vector.shape_cast %parallel_loop3A_452 : vector<1x16xf32> to vector<16xf32>
      %parallel_loop3A_454 = arith.constant 11.3137083 : f32
      %parallel_loop3A_455 = vector.broadcast %parallel_loop3A_454 : f32 to vector<16xf32>
      %parallel_loop3A_456 = arith.mulf %parallel_loop3A_453, %parallel_loop3A_455 : vector<16xf32>
      %parallel_loop3A_457 = arith.index_cast %parallel_loop3A_425 : i32 to index
      %parallel_loop3A_458 = arith.constant 32 : index
      %parallel_loop3A_459 = tpu.vector_load %arg11[%parallel_loop3A_457, %parallel_loop3A_458] {strides = array<i32>} : memref<128x128xf32, #tpu.memory_space<vmem>>, vector<1x16xf32>,
      %parallel_loop3A_460 = vector.shape_cast %parallel_loop3A_459 : vector<1x16xf32> to vector<16xf32>
      %parallel_loop3A_461 = vector.shape_cast %parallel_loop3A_456 : vector<16xf32> to vector<1x16xf32>
      tpu.vector_store %arg11[%parallel_loop3A_457, %parallel_loop3A_458], %parallel_loop3A_461 {strides = array<i32>} : memref<128x128xf32, #tpu.memory_space<vmem>>, vector<1x16xf32>,
      %parallel_loop3A_462 = arith.index_cast %parallel_loop3A_425 : i32 to index
      %parallel_loop3A_463 = arith.constant 48 : index
      %parallel_loop3A_464 = tpu.vector_load %arg11[%parallel_loop3A_462, %parallel_loop3A_463] {strides = array<i32>} : memref<128x128xf32, #tpu.memory_space<vmem>>, vector<1x16xf32>,
      %parallel_loop3A_465 = vector.shape_cast %parallel_loop3A_464 : vector<1x16xf32> to vector<16xf32>
      %parallel_loop3A_466 = arith.constant 11.3137083 : f32
      %parallel_loop3A_467 = vector.broadcast %parallel_loop3A_466 : f32 to vector<16xf32>
      %parallel_loop3A_468 = arith.mulf %parallel_loop3A_465, %parallel_loop3A_467 : vector<16xf32>
      %parallel_loop3A_469 = arith.index_cast %parallel_loop3A_425 : i32 to index
      %parallel_loop3A_470 = arith.constant 48 : index
      %parallel_loop3A_471 = tpu.vector_load %arg11[%parallel_loop3A_469, %parallel_loop3A_470] {strides = array<i32>} : memref<128x128xf32, #tpu.memory_space<vmem>>, vector<1x16xf32>,
      %parallel_loop3A_472 = vector.shape_cast %parallel_loop3A_471 : vector<1x16xf32> to vector<16xf32>
      %parallel_loop3A_473 = vector.shape_cast %parallel_loop3A_468 : vector<16xf32> to vector<1x16xf32>
      tpu.vector_store %arg11[%parallel_loop3A_469, %parallel_loop3A_470], %parallel_loop3A_473 {strides = array<i32>} : memref<128x128xf32, #tpu.memory_space<vmem>>, vector<1x16xf32>,
      %parallel_loop3A_474 = arith.index_cast %parallel_loop3A_425 : i32 to index
      %parallel_loop3A_475 = arith.constant 64 : index
      %parallel_loop3A_476 = tpu.vector_load %arg11[%parallel_loop3A_474, %parallel_loop3A_475] {strides = array<i32>} : memref<128x128xf32, #tpu.memory_space<vmem>>, vector<1x16xf32>,
      %parallel_loop3A_477 = vector.shape_cast %parallel_loop3A_476 : vector<1x16xf32> to vector<16xf32>
      %parallel_loop3A_478 = arith.constant 11.3137083 : f32
      %parallel_loop3A_479 = vector.broadcast %parallel_loop3A_478 : f32 to vector<16xf32>
      %parallel_loop3A_480 = arith.mulf %parallel_loop3A_477, %parallel_loop3A_479 : vector<16xf32>
      %parallel_loop3A_481 = arith.index_cast %parallel_loop3A_425 : i32 to index
      %parallel_loop3A_482 = arith.constant 64 : index
      %parallel_loop3A_483 = tpu.vector_load %arg11[%parallel_loop3A_481, %parallel_loop3A_482] {strides = array<i32>} : memref<128x128xf32, #tpu.memory_space<vmem>>, vector<1x16xf32>,
      %parallel_loop3A_484 = vector.shape_cast %parallel_loop3A_483 : vector<1x16xf32> to vector<16xf32>
      %parallel_loop3A_485 = vector.shape_cast %parallel_loop3A_480 : vector<16xf32> to vector<1x16xf32>
      tpu.vector_store %arg11[%parallel_loop3A_481, %parallel_loop3A_482], %parallel_loop3A_485 {strides = array<i32>} : memref<128x128xf32, #tpu.memory_space<vmem>>, vector<1x16xf32>,
      %parallel_loop3A_486 = arith.index_cast %parallel_loop3A_425 : i32 to index
      %parallel_loop3A_487 = arith.constant 80 : index
      %parallel_loop3A_488 = tpu.vector_load %arg11[%parallel_loop3A_486, %parallel_loop3A_487] {strides = array<i32>} : memref<128x128xf32, #tpu.memory_space<vmem>>, vector<1x16xf32>,
      %parallel_loop3A_489 = vector.shape_cast %parallel_loop3A_488 : vector<1x16xf32> to vector<16xf32>
      %parallel_loop3A_490 = arith.constant 11.3137083 : f32
      %parallel_loop3A_491 = vector.broadcast %parallel_loop3A_490 : f32 to vector<16xf32>
      %parallel_loop3A_492 = arith.mulf %parallel_loop3A_489, %parallel_loop3A_491 : vector<16xf32>
      %parallel_loop3A_493 = arith.index_cast %parallel_loop3A_425 : i32 to index
      %parallel_loop3A_494 = arith.constant 80 : index
      %parallel_loop3A_495 = tpu.vector_load %arg11[%parallel_loop3A_493, %parallel_loop3A_494] {strides = array<i32>} : memref<128x128xf32, #tpu.memory_space<vmem>>, vector<1x16xf32>,
      %parallel_loop3A_496 = vector.shape_cast %parallel_loop3A_495 : vector<1x16xf32> to vector<16xf32>
      %parallel_loop3A_497 = vector.shape_cast %parallel_loop3A_492 : vector<16xf32> to vector<1x16xf32>
      tpu.vector_store %arg11[%parallel_loop3A_493, %parallel_loop3A_494], %parallel_loop3A_497 {strides = array<i32>} : memref<128x128xf32, #tpu.memory_space<vmem>>, vector<1x16xf32>,
      %parallel_loop3A_498 = arith.index_cast %parallel_loop3A_425 : i32 to index
      %parallel_loop3A_499 = arith.constant 96 : index
      %parallel_loop3A_500 = tpu.vector_load %arg11[%parallel_loop3A_498, %parallel_loop3A_499] {strides = array<i32>} : memref<128x128xf32, #tpu.memory_space<vmem>>, vector<1x16xf32>,
      %parallel_loop3A_501 = vector.shape_cast %parallel_loop3A_500 : vector<1x16xf32> to vector<16xf32>
      %parallel_loop3A_502 = arith.constant 11.3137083 : f32
      %parallel_loop3A_503 = vector.broadcast %parallel_loop3A_502 : f32 to vector<16xf32>
      %parallel_loop3A_504 = arith.mulf %parallel_loop3A_501, %parallel_loop3A_503 : vector<16xf32>
      %parallel_loop3A_505 = arith.index_cast %parallel_loop3A_425 : i32 to index
      %parallel_loop3A_506 = arith.constant 96 : index
      %parallel_loop3A_507 = tpu.vector_load %arg11[%parallel_loop3A_505, %parallel_loop3A_506] {strides = array<i32>} : memref<128x128xf32, #tpu.memory_space<vmem>>, vector<1x16xf32>,
      %parallel_loop3A_508 = vector.shape_cast %parallel_loop3A_507 : vector<1x16xf32> to vector<16xf32>
      %parallel_loop3A_509 = vector.shape_cast %parallel_loop3A_504 : vector<16xf32> to vector<1x16xf32>
      tpu.vector_store %arg11[%parallel_loop3A_505, %parallel_loop3A_506], %parallel_loop3A_509 {strides = array<i32>} : memref<128x128xf32, #tpu.memory_space<vmem>>, vector<1x16xf32>,
      %parallel_loop3A_510 = arith.index_cast %parallel_loop3A_425 : i32 to index
      %parallel_loop3A_511 = arith.constant 112 : index
      %parallel_loop3A_512 = tpu.vector_load %arg11[%parallel_loop3A_510, %parallel_loop3A_511] {strides = array<i32>} : memref<128x128xf32, #tpu.memory_space<vmem>>, vector<1x16xf32>,
      %parallel_loop3A_513 = vector.shape_cast %parallel_loop3A_512 : vector<1x16xf32> to vector<16xf32>
      %parallel_loop3A_514 = arith.constant 11.3137083 : f32
      %parallel_loop3A_515 = vector.broadcast %parallel_loop3A_514 : f32 to vector<16xf32>
      %parallel_loop3A_516 = arith.mulf %parallel_loop3A_513, %parallel_loop3A_515 : vector<16xf32>
      %parallel_loop3A_517 = arith.index_cast %parallel_loop3A_425 : i32 to index
      %parallel_loop3A_518 = arith.constant 112 : index
      %parallel_loop3A_519 = tpu.vector_load %arg11[%parallel_loop3A_517, %parallel_loop3A_518] {strides = array<i32>} : memref<128x128xf32, #tpu.memory_space<vmem>>, vector<1x16xf32>,
      %parallel_loop3A_520 = vector.shape_cast %parallel_loop3A_519 : vector<1x16xf32> to vector<16xf32>
      %parallel_loop3A_521 = vector.shape_cast %parallel_loop3A_516 : vector<16xf32> to vector<1x16xf32>
      tpu.vector_store %arg11[%parallel_loop3A_517, %parallel_loop3A_518], %parallel_loop3A_521 {strides = array<i32>} : memref<128x128xf32, #tpu.memory_space<vmem>>, vector<1x16xf32>,
    } {sc.loop_unroll_factor = 4 : i64, sc.parallel_access}
    %add3A_347 = arith.constant 197 : i32
    %add3A_348 = arith.addi %mul3A_2, %add3A_347 : i32
    %mul3A_349 = arith.constant 128 : i32
    %mul3A_350 = arith.muli %add3A_348, %mul3A_349 : i32
    %dma_start3A_351 = arith.constant 0 : i32
    %dma_start3A_352 = tpu.memref_slice %arg4[%mul3A_350, %dma_start3A_351] : memref<819200x128xf32, #tpu.memory_space<hbm>> -> memref<128x128xf32, #tpu.memory_space<hbm>>
    %dma_start3A_353 = arith.constant 0 : i32
    %dma_start3A_354 = tpu.memref_slice %arg4[%mul3A_350, %dma_start3A_353] : memref<819200x128xf32, #tpu.memory_space<hbm>> -> memref<128x128xf32, #tpu.memory_space<hbm>>
    tpu.enqueue_dma source(%arg11 : memref<128x128xf32, #tpu.memory_space<vmem>>) target(%dma_start3A_354 : memref<128x128xf32, #tpu.memory_space<hbm>>) target_semaphore(%arg23 : memref<!tpu.dma_semaphore, #tpu.memory_space<semaphore_mem>>)
    %dma_wait3A_355 = arith.constant 0 : i32
    %dma_wait3A_356 = arith.constant 0 : i32
    %dma_wait3A_357 = tpu.memref_slice %arg2[%dma_wait3A_355, %dma_wait3A_356] : memref<100000x128xf32, #tpu.memory_space<hbm>> -> memref<128x128xf32, #tpu.memory_space<hbm>>
    %dma_wait3A_358 = arith.constant 0 : i32
    %dma_wait3A_359 = arith.constant 0 : i32
    %dma_wait3A_360 = tpu.memref_slice %arg2[%dma_wait3A_358, %dma_wait3A_359] : memref<100000x128xf32, #tpu.memory_space<hbm>> -> memref<128x128xf32, #tpu.memory_space<hbm>>
    tpu.wait_dma2 semaphore(%arg12 : memref<!tpu.dma_semaphore, #tpu.memory_space<semaphore_mem>>) src(%dma_wait3A_360 : memref<128x128xf32, #tpu.memory_space<hbm>>) dst(%arg6 : memref<128x128xf32, #tpu.memory_space<vmem>>)
    %parallel_loop3A_361 = arith.constant 0 : i32
    %parallel_loop3A_362 = arith.constant 128 : i32
    %parallel_loop3A_363 = arith.constant 1 : i32
    scf.for %parallel_loop3A_425 = %parallel_loop3A_361 to %parallel_loop3A_362 step %parallel_loop3A_363  : i32 {
      %parallel_loop3A_426 = arith.index_cast %parallel_loop3A_425 : i32 to index
      %parallel_loop3A_427 = arith.constant 0 : index
      %parallel_loop3A_428 = tpu.vector_load %arg6[%parallel_loop3A_426, %parallel_loop3A_427] {strides = array<i32>} : memref<128x128xf32, #tpu.memory_space<vmem>>, vector<1x16xf32>,
      %parallel_loop3A_429 = vector.shape_cast %parallel_loop3A_428 : vector<1x16xf32> to vector<16xf32>
      %parallel_loop3A_430 = arith.constant 11.3137083 : f32
      %parallel_loop3A_431 = vector.broadcast %parallel_loop3A_430 : f32 to vector<16xf32>
      %parallel_loop3A_432 = arith.mulf %parallel_loop3A_429, %parallel_loop3A_431 : vector<16xf32>
      %parallel_loop3A_433 = arith.index_cast %parallel_loop3A_425 : i32 to index
      %parallel_loop3A_434 = arith.constant 0 : index
      %parallel_loop3A_435 = tpu.vector_load %arg6[%parallel_loop3A_433, %parallel_loop3A_434] {strides = array<i32>} : memref<128x128xf32, #tpu.memory_space<vmem>>, vector<1x16xf32>,
      %parallel_loop3A_436 = vector.shape_cast %parallel_loop3A_435 : vector<1x16xf32> to vector<16xf32>
      %parallel_loop3A_437 = vector.shape_cast %parallel_loop3A_432 : vector<16xf32> to vector<1x16xf32>
      tpu.vector_store %arg6[%parallel_loop3A_433, %parallel_loop3A_434], %parallel_loop3A_437 {strides = array<i32>} : memref<128x128xf32, #tpu.memory_space<vmem>>, vector<1x16xf32>,
      %parallel_loop3A_438 = arith.index_cast %parallel_loop3A_425 : i32 to index
      %parallel_loop3A_439 = arith.constant 16 : index
      %parallel_loop3A_440 = tpu.vector_load %arg6[%parallel_loop3A_438, %parallel_loop3A_439] {strides = array<i32>} : memref<128x128xf32, #tpu.memory_space<vmem>>, vector<1x16xf32>,
      %parallel_loop3A_441 = vector.shape_cast %parallel_loop3A_440 : vector<1x16xf32> to vector<16xf32>
      %parallel_loop3A_442 = arith.constant 11.3137083 : f32
      %parallel_loop3A_443 = vector.broadcast %parallel_loop3A_442 : f32 to vector<16xf32>
      %parallel_loop3A_444 = arith.mulf %parallel_loop3A_441, %parallel_loop3A_443 : vector<16xf32>
      %parallel_loop3A_445 = arith.index_cast %parallel_loop3A_425 : i32 to index
      %parallel_loop3A_446 = arith.constant 16 : index
      %parallel_loop3A_447 = tpu.vector_load %arg6[%parallel_loop3A_445, %parallel_loop3A_446] {strides = array<i32>} : memref<128x128xf32, #tpu.memory_space<vmem>>, vector<1x16xf32>,
      %parallel_loop3A_448 = vector.shape_cast %parallel_loop3A_447 : vector<1x16xf32> to vector<16xf32>
      %parallel_loop3A_449 = vector.shape_cast %parallel_loop3A_444 : vector<16xf32> to vector<1x16xf32>
      tpu.vector_store %arg6[%parallel_loop3A_445, %parallel_loop3A_446], %parallel_loop3A_449 {strides = array<i32>} : memref<128x128xf32, #tpu.memory_space<vmem>>, vector<1x16xf32>,
      %parallel_loop3A_450 = arith.index_cast %parallel_loop3A_425 : i32 to index
      %parallel_loop3A_451 = arith.constant 32 : index
      %parallel_loop3A_452 = tpu.vector_load %arg6[%parallel_loop3A_450, %parallel_loop3A_451] {strides = array<i32>} : memref<128x128xf32, #tpu.memory_space<vmem>>, vector<1x16xf32>,
      %parallel_loop3A_453 = vector.shape_cast %parallel_loop3A_452 : vector<1x16xf32> to vector<16xf32>
      %parallel_loop3A_454 = arith.constant 11.3137083 : f32
      %parallel_loop3A_455 = vector.broadcast %parallel_loop3A_454 : f32 to vector<16xf32>
      %parallel_loop3A_456 = arith.mulf %parallel_loop3A_453, %parallel_loop3A_455 : vector<16xf32>
      %parallel_loop3A_457 = arith.index_cast %parallel_loop3A_425 : i32 to index
      %parallel_loop3A_458 = arith.constant 32 : index
      %parallel_loop3A_459 = tpu.vector_load %arg6[%parallel_loop3A_457, %parallel_loop3A_458] {strides = array<i32>} : memref<128x128xf32, #tpu.memory_space<vmem>>, vector<1x16xf32>,
      %parallel_loop3A_460 = vector.shape_cast %parallel_loop3A_459 : vector<1x16xf32> to vector<16xf32>
      %parallel_loop3A_461 = vector.shape_cast %parallel_loop3A_456 : vector<16xf32> to vector<1x16xf32>
      tpu.vector_store %arg6[%parallel_loop3A_457, %parallel_loop3A_458], %parallel_loop3A_461 {strides = array<i32>} : memref<128x128xf32, #tpu.memory_space<vmem>>, vector<1x16xf32>,
      %parallel_loop3A_462 = arith.index_cast %parallel_loop3A_425 : i32 to index
      %parallel_loop3A_463 = arith.constant 48 : index
      %parallel_loop3A_464 = tpu.vector_load %arg6[%parallel_loop3A_462, %parallel_loop3A_463] {strides = array<i32>} : memref<128x128xf32, #tpu.memory_space<vmem>>, vector<1x16xf32>,
      %parallel_loop3A_465 = vector.shape_cast %parallel_loop3A_464 : vector<1x16xf32> to vector<16xf32>
      %parallel_loop3A_466 = arith.constant 11.3137083 : f32
      %parallel_loop3A_467 = vector.broadcast %parallel_loop3A_466 : f32 to vector<16xf32>
      %parallel_loop3A_468 = arith.mulf %parallel_loop3A_465, %parallel_loop3A_467 : vector<16xf32>
      %parallel_loop3A_469 = arith.index_cast %parallel_loop3A_425 : i32 to index
      %parallel_loop3A_470 = arith.constant 48 : index
      %parallel_loop3A_471 = tpu.vector_load %arg6[%parallel_loop3A_469, %parallel_loop3A_470] {strides = array<i32>} : memref<128x128xf32, #tpu.memory_space<vmem>>, vector<1x16xf32>,
      %parallel_loop3A_472 = vector.shape_cast %parallel_loop3A_471 : vector<1x16xf32> to vector<16xf32>
      %parallel_loop3A_473 = vector.shape_cast %parallel_loop3A_468 : vector<16xf32> to vector<1x16xf32>
      tpu.vector_store %arg6[%parallel_loop3A_469, %parallel_loop3A_470], %parallel_loop3A_473 {strides = array<i32>} : memref<128x128xf32, #tpu.memory_space<vmem>>, vector<1x16xf32>,
      %parallel_loop3A_474 = arith.index_cast %parallel_loop3A_425 : i32 to index
      %parallel_loop3A_475 = arith.constant 64 : index
      %parallel_loop3A_476 = tpu.vector_load %arg6[%parallel_loop3A_474, %parallel_loop3A_475] {strides = array<i32>} : memref<128x128xf32, #tpu.memory_space<vmem>>, vector<1x16xf32>,
      %parallel_loop3A_477 = vector.shape_cast %parallel_loop3A_476 : vector<1x16xf32> to vector<16xf32>
      %parallel_loop3A_478 = arith.constant 11.3137083 : f32
      %parallel_loop3A_479 = vector.broadcast %parallel_loop3A_478 : f32 to vector<16xf32>
      %parallel_loop3A_480 = arith.mulf %parallel_loop3A_477, %parallel_loop3A_479 : vector<16xf32>
      %parallel_loop3A_481 = arith.index_cast %parallel_loop3A_425 : i32 to index
      %parallel_loop3A_482 = arith.constant 64 : index
      %parallel_loop3A_483 = tpu.vector_load %arg6[%parallel_loop3A_481, %parallel_loop3A_482] {strides = array<i32>} : memref<128x128xf32, #tpu.memory_space<vmem>>, vector<1x16xf32>,
      %parallel_loop3A_484 = vector.shape_cast %parallel_loop3A_483 : vector<1x16xf32> to vector<16xf32>
      %parallel_loop3A_485 = vector.shape_cast %parallel_loop3A_480 : vector<16xf32> to vector<1x16xf32>
      tpu.vector_store %arg6[%parallel_loop3A_481, %parallel_loop3A_482], %parallel_loop3A_485 {strides = array<i32>} : memref<128x128xf32, #tpu.memory_space<vmem>>, vector<1x16xf32>,
      %parallel_loop3A_486 = arith.index_cast %parallel_loop3A_425 : i32 to index
      %parallel_loop3A_487 = arith.constant 80 : index
      %parallel_loop3A_488 = tpu.vector_load %arg6[%parallel_loop3A_486, %parallel_loop3A_487] {strides = array<i32>} : memref<128x128xf32, #tpu.memory_space<vmem>>, vector<1x16xf32>,
      %parallel_loop3A_489 = vector.shape_cast %parallel_loop3A_488 : vector<1x16xf32> to vector<16xf32>
      %parallel_loop3A_490 = arith.constant 11.3137083 : f32
      %parallel_loop3A_491 = vector.broadcast %parallel_loop3A_490 : f32 to vector<16xf32>
      %parallel_loop3A_492 = arith.mulf %parallel_loop3A_489, %parallel_loop3A_491 : vector<16xf32>
      %parallel_loop3A_493 = arith.index_cast %parallel_loop3A_425 : i32 to index
      %parallel_loop3A_494 = arith.constant 80 : index
      %parallel_loop3A_495 = tpu.vector_load %arg6[%parallel_loop3A_493, %parallel_loop3A_494] {strides = array<i32>} : memref<128x128xf32, #tpu.memory_space<vmem>>, vector<1x16xf32>,
      %parallel_loop3A_496 = vector.shape_cast %parallel_loop3A_495 : vector<1x16xf32> to vector<16xf32>
      %parallel_loop3A_497 = vector.shape_cast %parallel_loop3A_492 : vector<16xf32> to vector<1x16xf32>
      tpu.vector_store %arg6[%parallel_loop3A_493, %parallel_loop3A_494], %parallel_loop3A_497 {strides = array<i32>} : memref<128x128xf32, #tpu.memory_space<vmem>>, vector<1x16xf32>,
      %parallel_loop3A_498 = arith.index_cast %parallel_loop3A_425 : i32 to index
      %parallel_loop3A_499 = arith.constant 96 : index
      %parallel_loop3A_500 = tpu.vector_load %arg6[%parallel_loop3A_498, %parallel_loop3A_499] {strides = array<i32>} : memref<128x128xf32, #tpu.memory_space<vmem>>, vector<1x16xf32>,
      %parallel_loop3A_501 = vector.shape_cast %parallel_loop3A_500 : vector<1x16xf32> to vector<16xf32>
      %parallel_loop3A_502 = arith.constant 11.3137083 : f32
      %parallel_loop3A_503 = vector.broadcast %parallel_loop3A_502 : f32 to vector<16xf32>
      %parallel_loop3A_504 = arith.mulf %parallel_loop3A_501, %parallel_loop3A_503 : vector<16xf32>
      %parallel_loop3A_505 = arith.index_cast %parallel_loop3A_425 : i32 to index
      %parallel_loop3A_506 = arith.constant 96 : index
      %parallel_loop3A_507 = tpu.vector_load %arg6[%parallel_loop3A_505, %parallel_loop3A_506] {strides = array<i32>} : memref<128x128xf32, #tpu.memory_space<vmem>>, vector<1x16xf32>,
      %parallel_loop3A_508 = vector.shape_cast %parallel_loop3A_507 : vector<1x16xf32> to vector<16xf32>
      %parallel_loop3A_509 = vector.shape_cast %parallel_loop3A_504 : vector<16xf32> to vector<1x16xf32>
      tpu.vector_store %arg6[%parallel_loop3A_505, %parallel_loop3A_506], %parallel_loop3A_509 {strides = array<i32>} : memref<128x128xf32, #tpu.memory_space<vmem>>, vector<1x16xf32>,
      %parallel_loop3A_510 = arith.index_cast %parallel_loop3A_425 : i32 to index
      %parallel_loop3A_511 = arith.constant 112 : index
      %parallel_loop3A_512 = tpu.vector_load %arg6[%parallel_loop3A_510, %parallel_loop3A_511] {strides = array<i32>} : memref<128x128xf32, #tpu.memory_space<vmem>>, vector<1x16xf32>,
      %parallel_loop3A_513 = vector.shape_cast %parallel_loop3A_512 : vector<1x16xf32> to vector<16xf32>
      %parallel_loop3A_514 = arith.constant 11.3137083 : f32
      %parallel_loop3A_515 = vector.broadcast %parallel_loop3A_514 : f32 to vector<16xf32>
      %parallel_loop3A_516 = arith.mulf %parallel_loop3A_513, %parallel_loop3A_515 : vector<16xf32>
      %parallel_loop3A_517 = arith.index_cast %parallel_loop3A_425 : i32 to index
      %parallel_loop3A_518 = arith.constant 112 : index
      %parallel_loop3A_519 = tpu.vector_load %arg6[%parallel_loop3A_517, %parallel_loop3A_518] {strides = array<i32>} : memref<128x128xf32, #tpu.memory_space<vmem>>, vector<1x16xf32>,
      %parallel_loop3A_520 = vector.shape_cast %parallel_loop3A_519 : vector<1x16xf32> to vector<16xf32>
      %parallel_loop3A_521 = vector.shape_cast %parallel_loop3A_516 : vector<16xf32> to vector<1x16xf32>
      tpu.vector_store %arg6[%parallel_loop3A_517, %parallel_loop3A_518], %parallel_loop3A_521 {strides = array<i32>} : memref<128x128xf32, #tpu.memory_space<vmem>>, vector<1x16xf32>,
    } {sc.loop_unroll_factor = 4 : i64, sc.parallel_access}
    %add3A_364 = arith.constant 198 : i32
    %add3A_365 = arith.addi %mul3A_2, %add3A_364 : i32
    %mul3A_366 = arith.constant 128 : i32
    %mul3A_367 = arith.muli %add3A_365, %mul3A_366 : i32
    %dma_start3A_368 = arith.constant 0 : i32
    %dma_start3A_369 = tpu.memref_slice %arg4[%mul3A_367, %dma_start3A_368] : memref<819200x128xf32, #tpu.memory_space<hbm>> -> memref<128x128xf32, #tpu.memory_space<hbm>>
    %dma_start3A_370 = arith.constant 0 : i32
    %dma_start3A_371 = tpu.memref_slice %arg4[%mul3A_367, %dma_start3A_370] : memref<819200x128xf32, #tpu.memory_space<hbm>> -> memref<128x128xf32, #tpu.memory_space<hbm>>
    tpu.enqueue_dma source(%arg6 : memref<128x128xf32, #tpu.memory_space<vmem>>) target(%dma_start3A_371 : memref<128x128xf32, #tpu.memory_space<hbm>>) target_semaphore(%arg18 : memref<!tpu.dma_semaphore, #tpu.memory_space<semaphore_mem>>)
    %dma_wait3A_372 = arith.constant 0 : i32
    %dma_wait3A_373 = arith.constant 0 : i32
    %dma_wait3A_374 = tpu.memref_slice %arg2[%dma_wait3A_372, %dma_wait3A_373] : memref<100000x128xf32, #tpu.memory_space<hbm>> -> memref<128x128xf32, #tpu.memory_space<hbm>>
    %dma_wait3A_375 = arith.constant 0 : i32
    %dma_wait3A_376 = arith.constant 0 : i32
    %dma_wait3A_377 = tpu.memref_slice %arg2[%dma_wait3A_375, %dma_wait3A_376] : memref<100000x128xf32, #tpu.memory_space<hbm>> -> memref<128x128xf32, #tpu.memory_space<hbm>>
    tpu.wait_dma2 semaphore(%arg13 : memref<!tpu.dma_semaphore, #tpu.memory_space<semaphore_mem>>) src(%dma_wait3A_377 : memref<128x128xf32, #tpu.memory_space<hbm>>) dst(%arg7 : memref<128x128xf32, #tpu.memory_space<vmem>>)
    %parallel_loop3A_378 = arith.constant 0 : i32
    %parallel_loop3A_379 = arith.constant 128 : i32
    %parallel_loop3A_380 = arith.constant 1 : i32
    scf.for %parallel_loop3A_425 = %parallel_loop3A_378 to %parallel_loop3A_379 step %parallel_loop3A_380  : i32 {
      %parallel_loop3A_426 = arith.index_cast %parallel_loop3A_425 : i32 to index
      %parallel_loop3A_427 = arith.constant 0 : index
      %parallel_loop3A_428 = tpu.vector_load %arg7[%parallel_loop3A_426, %parallel_loop3A_427] {strides = array<i32>} : memref<128x128xf32, #tpu.memory_space<vmem>>, vector<1x16xf32>,
      %parallel_loop3A_429 = vector.shape_cast %parallel_loop3A_428 : vector<1x16xf32> to vector<16xf32>
      %parallel_loop3A_430 = arith.constant 11.3137083 : f32
      %parallel_loop3A_431 = vector.broadcast %parallel_loop3A_430 : f32 to vector<16xf32>
      %parallel_loop3A_432 = arith.mulf %parallel_loop3A_429, %parallel_loop3A_431 : vector<16xf32>
      %parallel_loop3A_433 = arith.index_cast %parallel_loop3A_425 : i32 to index
      %parallel_loop3A_434 = arith.constant 0 : index
      %parallel_loop3A_435 = tpu.vector_load %arg7[%parallel_loop3A_433, %parallel_loop3A_434] {strides = array<i32>} : memref<128x128xf32, #tpu.memory_space<vmem>>, vector<1x16xf32>,
      %parallel_loop3A_436 = vector.shape_cast %parallel_loop3A_435 : vector<1x16xf32> to vector<16xf32>
      %parallel_loop3A_437 = vector.shape_cast %parallel_loop3A_432 : vector<16xf32> to vector<1x16xf32>
      tpu.vector_store %arg7[%parallel_loop3A_433, %parallel_loop3A_434], %parallel_loop3A_437 {strides = array<i32>} : memref<128x128xf32, #tpu.memory_space<vmem>>, vector<1x16xf32>,
      %parallel_loop3A_438 = arith.index_cast %parallel_loop3A_425 : i32 to index
      %parallel_loop3A_439 = arith.constant 16 : index
      %parallel_loop3A_440 = tpu.vector_load %arg7[%parallel_loop3A_438, %parallel_loop3A_439] {strides = array<i32>} : memref<128x128xf32, #tpu.memory_space<vmem>>, vector<1x16xf32>,
      %parallel_loop3A_441 = vector.shape_cast %parallel_loop3A_440 : vector<1x16xf32> to vector<16xf32>
      %parallel_loop3A_442 = arith.constant 11.3137083 : f32
      %parallel_loop3A_443 = vector.broadcast %parallel_loop3A_442 : f32 to vector<16xf32>
      %parallel_loop3A_444 = arith.mulf %parallel_loop3A_441, %parallel_loop3A_443 : vector<16xf32>
      %parallel_loop3A_445 = arith.index_cast %parallel_loop3A_425 : i32 to index
      %parallel_loop3A_446 = arith.constant 16 : index
      %parallel_loop3A_447 = tpu.vector_load %arg7[%parallel_loop3A_445, %parallel_loop3A_446] {strides = array<i32>} : memref<128x128xf32, #tpu.memory_space<vmem>>, vector<1x16xf32>,
      %parallel_loop3A_448 = vector.shape_cast %parallel_loop3A_447 : vector<1x16xf32> to vector<16xf32>
      %parallel_loop3A_449 = vector.shape_cast %parallel_loop3A_444 : vector<16xf32> to vector<1x16xf32>
      tpu.vector_store %arg7[%parallel_loop3A_445, %parallel_loop3A_446], %parallel_loop3A_449 {strides = array<i32>} : memref<128x128xf32, #tpu.memory_space<vmem>>, vector<1x16xf32>,
      %parallel_loop3A_450 = arith.index_cast %parallel_loop3A_425 : i32 to index
      %parallel_loop3A_451 = arith.constant 32 : index
      %parallel_loop3A_452 = tpu.vector_load %arg7[%parallel_loop3A_450, %parallel_loop3A_451] {strides = array<i32>} : memref<128x128xf32, #tpu.memory_space<vmem>>, vector<1x16xf32>,
      %parallel_loop3A_453 = vector.shape_cast %parallel_loop3A_452 : vector<1x16xf32> to vector<16xf32>
      %parallel_loop3A_454 = arith.constant 11.3137083 : f32
      %parallel_loop3A_455 = vector.broadcast %parallel_loop3A_454 : f32 to vector<16xf32>
      %parallel_loop3A_456 = arith.mulf %parallel_loop3A_453, %parallel_loop3A_455 : vector<16xf32>
      %parallel_loop3A_457 = arith.index_cast %parallel_loop3A_425 : i32 to index
      %parallel_loop3A_458 = arith.constant 32 : index
      %parallel_loop3A_459 = tpu.vector_load %arg7[%parallel_loop3A_457, %parallel_loop3A_458] {strides = array<i32>} : memref<128x128xf32, #tpu.memory_space<vmem>>, vector<1x16xf32>,
      %parallel_loop3A_460 = vector.shape_cast %parallel_loop3A_459 : vector<1x16xf32> to vector<16xf32>
      %parallel_loop3A_461 = vector.shape_cast %parallel_loop3A_456 : vector<16xf32> to vector<1x16xf32>
      tpu.vector_store %arg7[%parallel_loop3A_457, %parallel_loop3A_458], %parallel_loop3A_461 {strides = array<i32>} : memref<128x128xf32, #tpu.memory_space<vmem>>, vector<1x16xf32>,
      %parallel_loop3A_462 = arith.index_cast %parallel_loop3A_425 : i32 to index
      %parallel_loop3A_463 = arith.constant 48 : index
      %parallel_loop3A_464 = tpu.vector_load %arg7[%parallel_loop3A_462, %parallel_loop3A_463] {strides = array<i32>} : memref<128x128xf32, #tpu.memory_space<vmem>>, vector<1x16xf32>,
      %parallel_loop3A_465 = vector.shape_cast %parallel_loop3A_464 : vector<1x16xf32> to vector<16xf32>
      %parallel_loop3A_466 = arith.constant 11.3137083 : f32
      %parallel_loop3A_467 = vector.broadcast %parallel_loop3A_466 : f32 to vector<16xf32>
      %parallel_loop3A_468 = arith.mulf %parallel_loop3A_465, %parallel_loop3A_467 : vector<16xf32>
      %parallel_loop3A_469 = arith.index_cast %parallel_loop3A_425 : i32 to index
      %parallel_loop3A_470 = arith.constant 48 : index
      %parallel_loop3A_471 = tpu.vector_load %arg7[%parallel_loop3A_469, %parallel_loop3A_470] {strides = array<i32>} : memref<128x128xf32, #tpu.memory_space<vmem>>, vector<1x16xf32>,
      %parallel_loop3A_472 = vector.shape_cast %parallel_loop3A_471 : vector<1x16xf32> to vector<16xf32>
      %parallel_loop3A_473 = vector.shape_cast %parallel_loop3A_468 : vector<16xf32> to vector<1x16xf32>
      tpu.vector_store %arg7[%parallel_loop3A_469, %parallel_loop3A_470], %parallel_loop3A_473 {strides = array<i32>} : memref<128x128xf32, #tpu.memory_space<vmem>>, vector<1x16xf32>,
      %parallel_loop3A_474 = arith.index_cast %parallel_loop3A_425 : i32 to index
      %parallel_loop3A_475 = arith.constant 64 : index
      %parallel_loop3A_476 = tpu.vector_load %arg7[%parallel_loop3A_474, %parallel_loop3A_475] {strides = array<i32>} : memref<128x128xf32, #tpu.memory_space<vmem>>, vector<1x16xf32>,
      %parallel_loop3A_477 = vector.shape_cast %parallel_loop3A_476 : vector<1x16xf32> to vector<16xf32>
      %parallel_loop3A_478 = arith.constant 11.3137083 : f32
      %parallel_loop3A_479 = vector.broadcast %parallel_loop3A_478 : f32 to vector<16xf32>
      %parallel_loop3A_480 = arith.mulf %parallel_loop3A_477, %parallel_loop3A_479 : vector<16xf32>
      %parallel_loop3A_481 = arith.index_cast %parallel_loop3A_425 : i32 to index
      %parallel_loop3A_482 = arith.constant 64 : index
      %parallel_loop3A_483 = tpu.vector_load %arg7[%parallel_loop3A_481, %parallel_loop3A_482] {strides = array<i32>} : memref<128x128xf32, #tpu.memory_space<vmem>>, vector<1x16xf32>,
      %parallel_loop3A_484 = vector.shape_cast %parallel_loop3A_483 : vector<1x16xf32> to vector<16xf32>
      %parallel_loop3A_485 = vector.shape_cast %parallel_loop3A_480 : vector<16xf32> to vector<1x16xf32>
      tpu.vector_store %arg7[%parallel_loop3A_481, %parallel_loop3A_482], %parallel_loop3A_485 {strides = array<i32>} : memref<128x128xf32, #tpu.memory_space<vmem>>, vector<1x16xf32>,
      %parallel_loop3A_486 = arith.index_cast %parallel_loop3A_425 : i32 to index
      %parallel_loop3A_487 = arith.constant 80 : index
      %parallel_loop3A_488 = tpu.vector_load %arg7[%parallel_loop3A_486, %parallel_loop3A_487] {strides = array<i32>} : memref<128x128xf32, #tpu.memory_space<vmem>>, vector<1x16xf32>,
      %parallel_loop3A_489 = vector.shape_cast %parallel_loop3A_488 : vector<1x16xf32> to vector<16xf32>
      %parallel_loop3A_490 = arith.constant 11.3137083 : f32
      %parallel_loop3A_491 = vector.broadcast %parallel_loop3A_490 : f32 to vector<16xf32>
      %parallel_loop3A_492 = arith.mulf %parallel_loop3A_489, %parallel_loop3A_491 : vector<16xf32>
      %parallel_loop3A_493 = arith.index_cast %parallel_loop3A_425 : i32 to index
      %parallel_loop3A_494 = arith.constant 80 : index
      %parallel_loop3A_495 = tpu.vector_load %arg7[%parallel_loop3A_493, %parallel_loop3A_494] {strides = array<i32>} : memref<128x128xf32, #tpu.memory_space<vmem>>, vector<1x16xf32>,
      %parallel_loop3A_496 = vector.shape_cast %parallel_loop3A_495 : vector<1x16xf32> to vector<16xf32>
      %parallel_loop3A_497 = vector.shape_cast %parallel_loop3A_492 : vector<16xf32> to vector<1x16xf32>
      tpu.vector_store %arg7[%parallel_loop3A_493, %parallel_loop3A_494], %parallel_loop3A_497 {strides = array<i32>} : memref<128x128xf32, #tpu.memory_space<vmem>>, vector<1x16xf32>,
      %parallel_loop3A_498 = arith.index_cast %parallel_loop3A_425 : i32 to index
      %parallel_loop3A_499 = arith.constant 96 : index
      %parallel_loop3A_500 = tpu.vector_load %arg7[%parallel_loop3A_498, %parallel_loop3A_499] {strides = array<i32>} : memref<128x128xf32, #tpu.memory_space<vmem>>, vector<1x16xf32>,
      %parallel_loop3A_501 = vector.shape_cast %parallel_loop3A_500 : vector<1x16xf32> to vector<16xf32>
      %parallel_loop3A_502 = arith.constant 11.3137083 : f32
      %parallel_loop3A_503 = vector.broadcast %parallel_loop3A_502 : f32 to vector<16xf32>
      %parallel_loop3A_504 = arith.mulf %parallel_loop3A_501, %parallel_loop3A_503 : vector<16xf32>
      %parallel_loop3A_505 = arith.index_cast %parallel_loop3A_425 : i32 to index
      %parallel_loop3A_506 = arith.constant 96 : index
      %parallel_loop3A_507 = tpu.vector_load %arg7[%parallel_loop3A_505, %parallel_loop3A_506] {strides = array<i32>} : memref<128x128xf32, #tpu.memory_space<vmem>>, vector<1x16xf32>,
      %parallel_loop3A_508 = vector.shape_cast %parallel_loop3A_507 : vector<1x16xf32> to vector<16xf32>
      %parallel_loop3A_509 = vector.shape_cast %parallel_loop3A_504 : vector<16xf32> to vector<1x16xf32>
      tpu.vector_store %arg7[%parallel_loop3A_505, %parallel_loop3A_506], %parallel_loop3A_509 {strides = array<i32>} : memref<128x128xf32, #tpu.memory_space<vmem>>, vector<1x16xf32>,
      %parallel_loop3A_510 = arith.index_cast %parallel_loop3A_425 : i32 to index
      %parallel_loop3A_511 = arith.constant 112 : index
      %parallel_loop3A_512 = tpu.vector_load %arg7[%parallel_loop3A_510, %parallel_loop3A_511] {strides = array<i32>} : memref<128x128xf32, #tpu.memory_space<vmem>>, vector<1x16xf32>,
      %parallel_loop3A_513 = vector.shape_cast %parallel_loop3A_512 : vector<1x16xf32> to vector<16xf32>
      %parallel_loop3A_514 = arith.constant 11.3137083 : f32
      %parallel_loop3A_515 = vector.broadcast %parallel_loop3A_514 : f32 to vector<16xf32>
      %parallel_loop3A_516 = arith.mulf %parallel_loop3A_513, %parallel_loop3A_515 : vector<16xf32>
      %parallel_loop3A_517 = arith.index_cast %parallel_loop3A_425 : i32 to index
      %parallel_loop3A_518 = arith.constant 112 : index
      %parallel_loop3A_519 = tpu.vector_load %arg7[%parallel_loop3A_517, %parallel_loop3A_518] {strides = array<i32>} : memref<128x128xf32, #tpu.memory_space<vmem>>, vector<1x16xf32>,
      %parallel_loop3A_520 = vector.shape_cast %parallel_loop3A_519 : vector<1x16xf32> to vector<16xf32>
      %parallel_loop3A_521 = vector.shape_cast %parallel_loop3A_516 : vector<16xf32> to vector<1x16xf32>
      tpu.vector_store %arg7[%parallel_loop3A_517, %parallel_loop3A_518], %parallel_loop3A_521 {strides = array<i32>} : memref<128x128xf32, #tpu.memory_space<vmem>>, vector<1x16xf32>,
    } {sc.loop_unroll_factor = 4 : i64, sc.parallel_access}
    %add3A_381 = arith.constant 199 : i32
    %add3A_382 = arith.addi %mul3A_2, %add3A_381 : i32
    %mul3A_383 = arith.constant 128 : i32
    %mul3A_384 = arith.muli %add3A_382, %mul3A_383 : i32
    %dma_start3A_385 = arith.constant 0 : i32
    %dma_start3A_386 = tpu.memref_slice %arg4[%mul3A_384, %dma_start3A_385] : memref<819200x128xf32, #tpu.memory_space<hbm>> -> memref<128x128xf32, #tpu.memory_space<hbm>>
    %dma_start3A_387 = arith.constant 0 : i32
    %dma_start3A_388 = tpu.memref_slice %arg4[%mul3A_384, %dma_start3A_387] : memref<819200x128xf32, #tpu.memory_space<hbm>> -> memref<128x128xf32, #tpu.memory_space<hbm>>
    tpu.enqueue_dma source(%arg7 : memref<128x128xf32, #tpu.memory_space<vmem>>) target(%dma_start3A_388 : memref<128x128xf32, #tpu.memory_space<hbm>>) target_semaphore(%arg19 : memref<!tpu.dma_semaphore, #tpu.memory_space<semaphore_mem>>)
    %dma_wait3A_389 = arith.constant 0 : i32
    %dma_wait3A_390 = arith.constant 0 : i32
    %dma_wait3A_391 = tpu.memref_slice %arg4[%dma_wait3A_389, %dma_wait3A_390] : memref<819200x128xf32, #tpu.memory_space<hbm>> -> memref<128x128xf32, #tpu.memory_space<hbm>>
    %dma_wait3A_392 = arith.constant 0 : i32
    %dma_wait3A_393 = arith.constant 0 : i32
    %dma_wait3A_394 = tpu.memref_slice %arg4[%dma_wait3A_392, %dma_wait3A_393] : memref<819200x128xf32, #tpu.memory_space<hbm>> -> memref<128x128xf32, #tpu.memory_space<hbm>>
    tpu.wait_dma2 semaphore(%arg20 : memref<!tpu.dma_semaphore, #tpu.memory_space<semaphore_mem>>) src(%arg8 : memref<128x128xf32, #tpu.memory_space<vmem>>) dst(%dma_wait3A_394 : memref<128x128xf32, #tpu.memory_space<hbm>>)
    %dma_wait3A_395 = arith.constant 0 : i32
    %dma_wait3A_396 = arith.constant 0 : i32
    %dma_wait3A_397 = tpu.memref_slice %arg4[%dma_wait3A_395, %dma_wait3A_396] : memref<819200x128xf32, #tpu.memory_space<hbm>> -> memref<128x128xf32, #tpu.memory_space<hbm>>
    %dma_wait3A_398 = arith.constant 0 : i32
    %dma_wait3A_399 = arith.constant 0 : i32
    %dma_wait3A_400 = tpu.memref_slice %arg4[%dma_wait3A_398, %dma_wait3A_399] : memref<819200x128xf32, #tpu.memory_space<hbm>> -> memref<128x128xf32, #tpu.memory_space<hbm>>
    tpu.wait_dma2 semaphore(%arg21 : memref<!tpu.dma_semaphore, #tpu.memory_space<semaphore_mem>>) src(%arg9 : memref<128x128xf32, #tpu.memory_space<vmem>>) dst(%dma_wait3A_400 : memref<128x128xf32, #tpu.memory_space<hbm>>)
    %dma_wait3A_401 = arith.constant 0 : i32
    %dma_wait3A_402 = arith.constant 0 : i32
    %dma_wait3A_403 = tpu.memref_slice %arg4[%dma_wait3A_401, %dma_wait3A_402] : memref<819200x128xf32, #tpu.memory_space<hbm>> -> memref<128x128xf32, #tpu.memory_space<hbm>>
    %dma_wait3A_404 = arith.constant 0 : i32
    %dma_wait3A_405 = arith.constant 0 : i32
    %dma_wait3A_406 = tpu.memref_slice %arg4[%dma_wait3A_404, %dma_wait3A_405] : memref<819200x128xf32, #tpu.memory_space<hbm>> -> memref<128x128xf32, #tpu.memory_space<hbm>>
    tpu.wait_dma2 semaphore(%arg22 : memref<!tpu.dma_semaphore, #tpu.memory_space<semaphore_mem>>) src(%arg10 : memref<128x128xf32, #tpu.memory_space<vmem>>) dst(%dma_wait3A_406 : memref<128x128xf32, #tpu.memory_space<hbm>>)
    %dma_wait3A_407 = arith.constant 0 : i32
    %dma_wait3A_408 = arith.constant 0 : i32
    %dma_wait3A_409 = tpu.memref_slice %arg4[%dma_wait3A_407, %dma_wait3A_408] : memref<819200x128xf32, #tpu.memory_space<hbm>> -> memref<128x128xf32, #tpu.memory_space<hbm>>
    %dma_wait3A_410 = arith.constant 0 : i32
    %dma_wait3A_411 = arith.constant 0 : i32
    %dma_wait3A_412 = tpu.memref_slice %arg4[%dma_wait3A_410, %dma_wait3A_411] : memref<819200x128xf32, #tpu.memory_space<hbm>> -> memref<128x128xf32, #tpu.memory_space<hbm>>
    tpu.wait_dma2 semaphore(%arg23 : memref<!tpu.dma_semaphore, #tpu.memory_space<semaphore_mem>>) src(%arg11 : memref<128x128xf32, #tpu.memory_space<vmem>>) dst(%dma_wait3A_412 : memref<128x128xf32, #tpu.memory_space<hbm>>)
    %dma_wait3A_413 = arith.constant 0 : i32
    %dma_wait3A_414 = arith.constant 0 : i32
    %dma_wait3A_415 = tpu.memref_slice %arg4[%dma_wait3A_413, %dma_wait3A_414] : memref<819200x128xf32, #tpu.memory_space<hbm>> -> memref<128x128xf32, #tpu.memory_space<hbm>>
    %dma_wait3A_416 = arith.constant 0 : i32
    %dma_wait3A_417 = arith.constant 0 : i32
    %dma_wait3A_418 = tpu.memref_slice %arg4[%dma_wait3A_416, %dma_wait3A_417] : memref<819200x128xf32, #tpu.memory_space<hbm>> -> memref<128x128xf32, #tpu.memory_space<hbm>>
    tpu.wait_dma2 semaphore(%arg18 : memref<!tpu.dma_semaphore, #tpu.memory_space<semaphore_mem>>) src(%arg6 : memref<128x128xf32, #tpu.memory_space<vmem>>) dst(%dma_wait3A_418 : memref<128x128xf32, #tpu.memory_space<hbm>>)
    %dma_wait3A_419 = arith.constant 0 : i32
    %dma_wait3A_420 = arith.constant 0 : i32
    %dma_wait3A_421 = tpu.memref_slice %arg4[%dma_wait3A_419, %dma_wait3A_420] : memref<819200x128xf32, #tpu.memory_space<hbm>> -> memref<128x128xf32, #tpu.memory_space<hbm>>
    %dma_wait3A_422 = arith.constant 0 : i32
    %dma_wait3A_423 = arith.constant 0 : i32
    %dma_wait3A_424 = tpu.memref_slice %arg4[%dma_wait3A_422, %dma_wait3A_423] : memref<819200x128xf32, #tpu.memory_space<hbm>> -> memref<128x128xf32, #tpu.memory_space<hbm>>
    tpu.wait_dma2 semaphore(%arg19 : memref<!tpu.dma_semaphore, #tpu.memory_space<semaphore_mem>>) src(%arg7 : memref<128x128xf32, #tpu.memory_space<vmem>>) dst(%dma_wait3A_424 : memref<128x128xf32, #tpu.memory_space<hbm>>)
    return
  }
}

</mosaic_0001>

<sc_bundles>
// kernel: kernel.3.cloned.1.call-start
scs
__scs_entry_jumppad:
0x0: {  	(pc) =	sbr.rel $0x88, $3  }
0x1: {  	(tag) =	ssettag $0x0;
	lr =	simm.s32 $0x1  }
0x2: {  	[smem:$0x3F9F] =	sst lr;
	_ =	strace $0xD0000000  }
0x3: {  	_ = 	snop  }
0x4: {  	_ = 	snop  }
0x5: {  	_ = 	snop  }
0x6: {  	_ = 	snop  }
0x7: {  	_ = 	snop  }
__scs_overlays_trampoline_lowered:
0x8: {  	[smem:$0x3FAE] =	sst s0  }
0x9: {  	[smem:$0x3FAF] =	sst s1  }
0xa: {  	[smem:$0x3FB0] =	sst s2  }
0xb: {  	[smem:$0x3FB1] =	sst s3  }
0xc: {  	[smem:$0x3FB2] =	sst s4  }
0xd: {  	[smem:$0x3FB3] =	sst s5  }
0xe: {  	[smem:$0x3FB4] =	sst s6  }
0xf: {  	[smem:$0x3FB5] =	sst s7  }
0x10: {  	[smem:$0x3FB6] =	sst s8  }
0x11: {  	[smem:$0x3FB7] =	sst s9;
	s0 =	simm.s32 @!p0 $0x0  }
0x12: {  	s1 =	sld [smem:$0x3F9D];
	s0 =	simm.s32 @p0 $0x1  }
0x13: {  	[smem:$0x3FB8] =	sst s0;
	s0 =	simm.s32 @!p1 $0x0  }
0x14: {  	s2 =	sld [smem:$0x3F9C];
	s0 =	simm.s32 @p1 $0x1  }
0x15: {  	[smem:$0x3FB9] =	sst s0;
	s0 =	simm.s32 @!p2 $0x0  }
0x16: {  	s3 =	sld [smem:$0x3FDB];
	s0 =	simm.s32 @p2 $0x1  }
0x17: {  	s4 =	simm.s32 $0x1BF5;
	[smem:$0x3FBB] =	sst s0  }
0x18: {  	s0 =	sld [smem:$0x3F9E];
	_ =	swait.ge [sflag:s4], $0x0  }
0x19: {  	s7 =	sld [smem:$0x3F9F]  }
0x1a: {  	s8 =	sadd.s32 $0xFFFFE003, lr  }
0x1b: {  	s9 =	sadd.s32 $0xFFFFFEF7, lr;
	s5 =	simm.s32 $0xFFFFFFFF;
	p2 =	slt.u32 s8, $0xFFFFF086  }
0x1c: {  	p1 =	slt.u32 s9, $0xF7A;
	s5 =	simm.s32 @!p2 $0x0  }
0x1d: {  	s5 =	simm.s32 @p1 $0x1;
	p0 =	seq.s32 s7, s2  }
0x1e: {  	s7 =	smul.u32 @!p0 $0xF7A, s2;
	p2 =	seq.s32 @!p0 s5, $0x0  }
0x1f: {  	s9 =	smul.u32 $0xF7A, s1;
	s8 =	simm.s32 @!p0 $0x1BF5;
	p2 =	por !p2, p0  }
0x20: {  	[sflag:s8] =	ssyncset.s32 @!p0 $0xFFFFF086;
	s6 =	sadd.s32 @!p0 s3, s7;
	s7 =	simm.s32 @!p0 $0x108  }
0x21: {  	s3 =	sadd.s32 s3, s9;
	s6 =	sadd.s32 @!p0 $0x88, s6;
	s7 =	simm.s32 @p2 $0x1082  }
0x22: {  	[simem:s7], [sflag:s8] =	dma.local @!p0 [hbm:s6], $0xF7A  }
0x23: {  	s9 =	sor.u32 $0xD0000000, s2;
	s6 =	simm.s32 $0x108;
	_ =	swait.ge @!p0 [sflag:s8], $0x0  }
0x24: {  	s3 =	sadd.s32 $0x88, s3;
	s6 =	simm.s32 @!p1 $0x1082;
	[sflag:s4] =	ssyncset.s32 $0xFFFFF086  }
0x25: {  	[simem:s6], [sflag:s4] =	dma.local [hbm:s3], $0xF7A  }
0x26: {  	[smem:$0x3F9F] =	sst s1;
	(tag) =	ssettag s2;
	_ =	strace s9  }
0x27: {  	s1 =	sld [smem:$0x3FAF]  }
0x28: {  	s2 =	sld [smem:$0x3FB0]  }
0x29: {  	s4 =	sld [smem:$0x3FB2]  }
0x2a: {  	p0 =	seq.s32 s5, $0x0;
	s5 =	sld [smem:$0x3FB3]  }
0x2b: {  	s6 =	sld [smem:$0x3FB4]  }
0x2c: {  	s7 =	sld [smem:$0x3FB5]  }
0x2d: {  	s3 =	simm.s32 $0x108;
	s8 =	sld [smem:$0x3FB6]  }
0x2e: {  	s3 =	simm.s32 @!p0 $0x1082;
	s9 =	sld [smem:$0x3FB7]  }
0x2f: {  	lr =	sadd.s32 s0, s3;
	s0 =	sld [smem:$0x3FAE]  }
0x30: {  	s3 =	sld [smem:$0x3FB1]  }
0x31: {  	[smem:$0x3FBA] =	sst s10  }
0x32: {  	s10 =	sld [smem:$0x3FB8];
	_ =	sdelay $0x3  }
0x33: {  	p0 =	seq.s32 s10, $0x1;
	s10 =	sld [smem:$0x3FBA];
	_ =	sdelay $0x3  }
0x34: {  	[smem:$0x3FBA] =	sst s10  }
0x35: {  	s10 =	sld [smem:$0x3FB9];
	_ =	sdelay $0x3  }
0x36: {  	p1 =	seq.s32 s10, $0x1;
	s10 =	sld [smem:$0x3FBA];
	_ =	sdelay $0x3  }
0x37: {  	[smem:$0x3FBA] =	sst s10  }
0x38: {  	s10 =	sld [smem:$0x3FBB]  }
0x39: {  	_ = 	snop;
	(pc) =	sbr.ind lr, $3  }
0x3a: {  	_ = 	snop  }
0x3b: {  	_ = 	snop  }
0x3c: {  	p2 =	seq.s32 s10, $0x1;
	s10 =	sld [smem:$0x3FBA]  }
0x3d: {  	_ =	shalt  }
0x3e: {  	_ =	shalt  }
0x3f: {  	_ =	shalt  }
0x40: {  	_ =	shalt  }
0x41: {  	_ =	shalt  }
0x42: {  	_ =	shalt  }
0x43: {  	_ =	shalt  }
0x44: {  	_ =	shalt  }
0x45: {  	_ =	shalt  }
0x46: {  	_ =	shalt  }
0x47: {  	_ =	shalt  }
0x48: {  	_ =	shalt  }
0x49: {  	_ =	shalt  }
0x4a: {  	_ =	shalt  }
0x4b: {  	_ =	shalt  }
0x4c: {  	_ =	shalt  }
0x4d: {  	_ =	shalt  }
0x4e: {  	_ =	shalt  }
0x4f: {  	_ =	shalt  }
0x50: {  	_ =	shalt  }
0x51: {  	_ =	shalt  }
0x52: {  	_ =	shalt  }
0x53: {  	_ =	shalt  }
0x54: {  	_ =	shalt  }
0x55: {  	_ =	shalt  }
0x56: {  	_ =	shalt  }
0x57: {  	_ =	shalt  }
0x58: {  	_ =	shalt  }
0x59: {  	_ =	shalt  }
0x5a: {  	_ =	shalt  }
0x5b: {  	_ =	shalt  }
0x5c: {  	_ =	shalt  }
0x5d: {  	_ =	shalt  }
0x5e: {  	_ =	shalt  }
0x5f: {  	_ =	shalt  }
0x60: {  	_ =	shalt  }
0x61: {  	_ =	shalt  }
0x62: {  	_ =	shalt  }
0x63: {  	_ =	shalt  }
0x64: {  	_ =	shalt  }
0x65: {  	_ =	shalt  }
0x66: {  	_ =	shalt  }
0x67: {  	_ =	shalt  }
0x68: {  	_ =	shalt  }
0x69: {  	_ =	shalt  }
0x6a: {  	_ =	shalt  }
0x6b: {  	_ =	shalt  }
0x6c: {  	_ =	shalt  }
0x6d: {  	_ =	shalt  }
0x6e: {  	_ =	shalt  }
0x6f: {  	_ =	shalt  }
0x70: {  	_ =	shalt  }
0x71: {  	_ =	shalt  }
0x72: {  	_ =	shalt  }
0x73: {  	_ =	shalt  }
0x74: {  	_ =	shalt  }
0x75: {  	_ =	shalt  }
0x76: {  	_ =	shalt  }
0x77: {  	_ =	shalt  }
0x78: {  	_ =	shalt  }
0x79: {  	_ =	shalt  }
0x7a: {  	_ =	shalt  }
0x7b: {  	_ =	shalt  }
0x7c: {  	_ =	shalt  }
0x7d: {  	_ =	shalt  }
0x7e: {  	_ =	shalt  }
0x7f: {  	_ =	shalt  }
0x80: {  	_ =	shalt  }
0x81: {  	_ =	shalt  }
0x82: {  	_ =	shalt  }
0x83: {  	_ =	shalt  }
0x84: {  	_ =	shalt  }
0x85: {  	_ =	shalt  }
0x86: {  	_ =	shalt  }
0x87: {  	_ =	shalt  }
.Lfunc_end0:
.L_simem_size_0:
called_computation_lowered:
.L_overlay_start_0:
0x88: {  	s2 =	sld [smem:$0x3FD9]  }
0x89: {  	s3 =	sld [smem:$0x3FFE];
	_ =	sdelay $0x1  }
0x8a: {  	s1 =	srdreg.scid  }
0x8b: {  	s0 =	sand.u32 $0x1, s1  }
0x8c: {  	s17 =	sshll.u32 s0, $0xA;
	s2 =	sadd.s32 s3, s2  }
0x8d: {  	s2 =	sadd.s32 s2, s17  }
0x8e: {  	[smem:$0x3FC6] =	sst s2  }
0x8f: {  	_ = 	snop  }
0x90: {  	s2 =	sld [smem:$0x3FC8]  }
0x91: {  	s18 =	sld [smem:$0x3FD0];
	(tm) =	ssettm $0x1  }
0x92: {  	s4 =	sld [smem:$0x3FFB];
	_ =	sdelay $0x3  }
0x93: {  	_ =	strace s4  }
0x94: {  	s4 =	sld [smem:$0x3FFC];
	_ =	sdelay $0x3  }
0x95: {  	_ =	strace s4  }
0x96: {  	s4 =	sld [smem:$0x3FFD];
	_ =	sdelay $0x3  }
0x97: {  	_ =	strace s4  }
0x98: {  	_ =	strace $0x8FFFFFFF  }
0x99: {  	s19 =	sld [smem:$0x3FDB];
	_ =	sdelay $0x1  }
0x9a: {  	s5 =	simm.s32 $_scs_section_size  }
0x9b: {  	s6 =	simm.s32 $_size__tile_overlayer_lowered;
	s7 =	simm.s32 $_tile_overlayer_lowered  }
0x9c: {  	s22 =	simm.s32 $0x1BFF;
	s21 =	sshll.u32 s7, $0x1;
	s4 =	sadd.s32 s5, s19  }
0x9d: {  	s8 =	simm.s32 $0x0;
	s20 =	sshll.u32 s6, $0x1;
	s6 =	sadd.s32 s21, s4  }
0x9e: {  	[timem:s8], [sflag:s22] =	dma.local [hbm:s6], s20  }
0x9f: {  	_ =	swait.ge [sflag:s22], s20  }
0xa0: {  	s5 =	ssub.s32 $0x0, s20;
	[sflag:s22] =	ssyncset.done $0x0  }
0xa1: {  	[sflag:s22] =	ssyncadd.s32 s5;
	_ =	sdelay $0x1  }
0xa2: {  	s23 =	simm.s32 $0x1B8B  }
0xa3: {  	_ =	swait.ge [sflag:s23], $0x1  }
0xa4: {  	[sflag:s23] =	ssyncset.done $0x0  }
0xa5: {  	s25 =	simm.s32 $0x1B8E;
	s24 =	sld [smem:$0x3FFE];
	[sflag:s23] =	ssyncadd.s32 $0xFFFFFFFF  }
0xa6: {  	s26 =	simm.s32 $execute0_lowered;
	[smem:$0x3FD2] =	sst s25  }
0xa7: {  	s6 =	sshll.u32 s26, $0x1;
	_ =	strace $0x80000046;
	[dreg:$0x1] =	wrdreg $0xFFFFFFFF  }
0xa8: {  	s28 =	simm.s32 $_size_execute0_lowered;
	s4 =	sadd.s32 s4, s6;
	[dreg:$0x0] =	wrdreg $0x0  }
0xa9: {  	s6 =	sshll.u32 s28, $0x1;
	[dreg:$0x2] =	wrdreg s4  }
0xaa: {  	[dreg:$0x3] =	wrdreg s6  }
0xab: {  	[dreg:$0x4] =	wrdreg $0xC0  }
0xac: {  	_ =	task [dreg:s8], $0x5FFFF  }
0xad: {  	[dreg:$0x1] =	wrdreg $0xFFFFFFFF  }
0xae: {  	[dreg:$0x0] =	wrdreg $0x60  }
0xaf: {  	[dreg:$0x2] =	wrdreg s2  }
0xb0: {  	[dreg:$0x3] =	wrdreg s24  }
0xb1: {  	[dreg:$0x4] =	wrdreg s18  }
0xb2: {  	[dreg:$0x5] =	wrdreg $0x9  }
0xb3: {  	_ =	task.clear_ibuf [dreg:s8], $0x6FFFF;
	_ =	strace $0x90000046  }
0xb4: {  	s29 =	simm.s32 $0x9;
	_ =	strace $0x80000048  }
0xb5: {  	_ =	swait.ge [sflag:s29], $0x1  }
0xb6: {  	[sflag:s29] =	ssyncadd.s32 $0xFFFFFFFF  }
0xb7: {  	_ =	strace $0x90000048  }
0xb8: {  	_ =	sfence  }
0xb9: {  	s30 =	sld [smem:$0x0];
	_ =	sdelay $0x2  }
0xba: {  	s31 =	sshll.u32 s1, $0xD;
	s1 =	sshrl.u32 s1, $0x2  }
0xbb: {  	s3 =	sand.u32 $0x4000, s31;
	s1 =	sadd.s32 s1, s30  }
0xbc: {  	s0 =	sor.u32 s3, s0;
	s1 =	sshll.u32 s1, $0x11  }
0xbd: {  	s0 =	sor.u32 s1, s0  }
0xbe: {  	s0 =	sadd.s32 $0x8F2B, s0  }
0xbf: {  	[sflag:s0] =	ssyncadd.remote.s32 $0x1  }
0xc0: {  	_ =	sfence.sel $0xFFFF  }
0xc1: {  	[dreg:$0x0] =	wrdreg $0xFFFFFFFF;
	(pc) =	sbr.abs _section_cstart, $3  }
0xc2: {  	[dreg:$0x1] =	wrdreg $0xFFFFFFFF  }
0xc3: {  	_ =	task.clear_ibuf [dreg:s8], $0x2FFFF;
	_ =	strace $0x9FFFFFFF  }
0xc4: {  	(tm) =	ssettm $0x7FFFFFFF  }
0xc5: {  	_ =	shalt  }
tec
execute0_lowered:
.L_overlay_start_1:
0x0: {  	(tag) =	ssettag $0x1  }
0x1: {  	s1 =	rddreg [dreg:$0x0]  }
0x2: {  	s0 =	rddreg [dreg:$0x1];
	s2 =	srdreg.scid  }
0x3: {  	s4 =	stileid.u32;
	s3 =	rddreg [dreg:$0x2]  }
0x4: {  	s28 =	simm.s32 $0xA400;
	s2 =	sand.u32 $0x1, s2;
	s5 =	sshll.u32 s4, $0x1  }
0x5: {  	s30 =	simm.s32 $0xE400;
	s31 =	simm.s32 $0x1;
	s6 =	sor.u32 s2, s5  }
0x6: {  	s4 =	simm.s32 $0x0;
	s2 =	ssub.s32 $0x2, s2;
	s8 =	smul.u32 $0x64000, s6  }
0x7: {  	[smem:$0x7FF] =	sst s4;
	s5 =	smul.u32 $0xC80, s6;
	s7 =	sshrl.u32 s2, $0x1  }
0x8: {  	_ =	strace $0x80000047;
	s2 =	ssub.s32 s2, s7;
	s10 =	sadd.s32 s3, s8  }
0x9: {  	s0 =	sadd.s32 s5, s0;
	s26 =	smax.u32 s2, $0x1;
	[dreg:$0x5] =	wrdreg s10  }
0xa: {  	s29 =	simm.s32 $0x2;
	s0 =	sadd.s32 $0x400, s0;
	[dreg:$0x15] =	wrdreg s26  }
0xb: {  	s9 =	simm.s32 $0x4;
	s12 =	sadd.s32 $0x800, s10;
	[dreg:$0x4] =	wrdreg s0  }
0xc: {  	s11 =	smul.u32 $0x320000, s6;
	s13 =	sadd.s32 $0x1000, s10;
	[dreg:$0x6] =	wrdreg s12  }
0xd: {  	s5 =	smul.u32 $0xC8, s6;
	s14 =	sadd.s32 $0x1800, s10;
	[dreg:$0x7] =	wrdreg s13  }
0xe: {  	s2 =	simm.s32 $0x16400;
	s15 =	sadd.s32 $0x2000, s10;
	[dreg:$0x8] =	wrdreg s14  }
0xf: {  	s6 =	simm.s32 $0x3;
	s16 =	sadd.s32 $0x2800, s10;
	[dreg:$0x9] =	wrdreg s15  }
0x10: {  	[dreg:$0xa] =	wrdreg s16;
	s0 =	sshrl.u32 s11, $0x3;
	s17 =	sor.u32 $0x1, s5  }
0x11: {  	s18 =	sor.u32 $0x2, s5;
	[dreg:$0xb] =	wrdreg s17;
	s0 =	sadd.s32 s3, s0  }
0x12: {  	s8 =	simm.s32 $0x1A400;
	[dreg:$0xc] =	wrdreg s18;
	s19 =	sadd.s32 $0x60000, s0  }
0x13: {  	s26 =	simm.s32 $0x6400;
	s20 =	sadd.s32 $0x60800, s0;
	[dreg:$0xd] =	wrdreg s19  }
0x14: {  	s10 =	simm.s32 $0x7;
	s21 =	sadd.s32 $0x61000, s0;
	[dreg:$0xe] =	wrdreg s20  }
0x15: {  	s11 =	simm.s32 $0x5;
	s22 =	sadd.s32 $0x61800, s0;
	[dreg:$0xf] =	wrdreg s21  }
0x16: {  	s12 =	simm.s32 $0x8;
	s23 =	sadd.s32 $0x62000, s0;
	[dreg:$0x10] =	wrdreg s22  }
0x17: {  	s15 =	simm.s32 $0x6;
	s24 =	sadd.s32 $0x62800, s0;
	[dreg:$0x11] =	wrdreg s23  }
0x18: {  	s16 =	simm.s32 $0x9;
	s25 =	sadd.s32 $0x63000, s0;
	[dreg:$0x12] =	wrdreg s24  }
0x19: {  	s13 =	simm.s32 $0x0;
	s0 =	sadd.s32 $0x63800, s0;
	[dreg:$0x13] =	wrdreg s25  }
0x1a: {  	s17 =	simm.s32 $0xA;
	s18 =	simm.s32 $0xB;
	[dreg:$0x14] =	wrdreg s0  }
0x1b: {  	s25 =	simm.s32 $0x80;
	s0 =	simm.s32 $0x12400;
	s19 =	simm.s32 $0xC  }
.LBB2_1:
0x1c: {  	[dreg:$0x16] =	wrdreg s13  }
0x1d: {  	s7 =	rddreg [dreg:$0x4];
	s22 =	simm.s32 $0xD  }
0x1e: {  	[tilespmem:s4], [sflag:$0xD] =	stream.linear.gather [hbm4b:s7+s4], $0x6400, $0x38;
	[tilespmem:$0x1E400] =	vst v63  }
0x1f: {  	_ =	swait.ge [sflag:s22], $0x6400  }
0x20: {  	[sflag:s22] =	ssyncset.done $0x0  }
0x21: {  	[sflag:s22] =	ssyncadd.s32 $0xFFFF9C00  }
0x22: {  	[tilespmem:s26], [sflag:$0x1] =	stream.indirect.gather [hbm4b:s1+s25], $0x80, s4, s25, $0xb8;
	[tilespmem:$0x1E400] =	vst v63  }
0x23: {  	_ = 	snop  }
0x24: {  	[tilespmem:s28], [sflag:$0x2] =	stream.indirect.gather [hbm4b:s1+s25], $0x80, s25, s25, $0xb8;
	[tilespmem:$0x1E400] =	vst v63  }
0x25: {  	s23 =	simm.s32 $0x100  }
0x26: {  	[tilespmem:s30], [sflag:$0x3] =	stream.indirect.gather [hbm4b:s1+s25], $0x80, s23, s25, $0xb8;
	[tilespmem:$0x1E400] =	vst v63  }
0x27: {  	_ =	swait.ge [sflag:s31], $0x4000  }
0x28: {  	[sflag:s31] =	ssyncset.done $0x0  }
0x29: {  	s24 =	simm.s32 $0x180;
	s7 =	simm.s32 $0x6500;
	[sflag:s31] =	ssyncadd.s32 $0xFFFFC000  }
0x2a: {  	[tilespmem:s0], [sflag:$0x4] =	stream.indirect.gather [hbm4b:s1+s25], $0x80, s24, s25, $0xb8;
	[tilespmem:$0x1E400] =	vst v63  }
0x2b: {  	v0 =	vld [tilespmem:s7+$0xF0]  }
0x2c: {  	v1 =	vld [tilespmem:s7+$0xFFFFFF10]  }
0x2d: {  	v2 =	vld [tilespmem:s7+$0xFFFFFF20]  }
0x2e: {  	v3 =	vld [tilespmem:s7+$0xFFFFFF30]  }
0x2f: {  	v6 =	vld [tilespmem:s7+$0xFFFFFF60]  }
0x30: {  	v4 =	vld [tilespmem:s7+$0xFFFFFF40]  }
0x31: {  	v5 =	vld [tilespmem:s7+$0xFFFFFF50];
	v0 =	vmul.f32 $1.131370830e+01, v0  }
0x32: {  	v8 =	vld [tilespmem:s7+$0xFFFFFF80];
	v1 =	vmul.f32 $1.131370830e+01, v1  }
0x33: {  	v7 =	vld [tilespmem:s7+$0xFFFFFF70];
	v2 =	vmul.f32 $1.131370830e+01, v2;
	[tilespmem:s7+$0xF0] =	vst v0  }
0x34: {  	v6 =	vmul.f32 $1.131370830e+01, v6;
	v0 =	vld [tilespmem:s7+$0xFFFFFF90];
	[tilespmem:s7+$0xFFFFFF10] =	vst v1  }
0x35: {  	v1 =	vmul.f32 $1.131370830e+01, v3;
	v3 =	vld [tilespmem:s7+$0xFFFFFFA0];
	[tilespmem:s7+$0xFFFFFF20] =	vst v2;
	v2 =	vmul.f32 $1.131370830e+01, v4  }
0x36: {  	[tilespmem:s7+$0xFFFFFF60] =	vst v6;
	v6 =	vld [tilespmem:s7+$0xFFFFFFF0]  }
0x37: {  	v4 =	vld [tilespmem:s7+$0xFFFFFFB0];
	[tilespmem:s7+$0xFFFFFF40] =	vst v2;
	v2 =	vmul.f32 $1.131370830e+01, v8  }
0x38: {  	[tilespmem:s7+$0xFFFFFF30] =	vst v1;
	v1 =	vmul.f32 $1.131370830e+01, v5;
	v5 =	vld [tilespmem:s7+$0xFFFFFFC0]  }
0x39: {  	v8 =	vld [tilespmem:s7+$0xFFFFFFD0];
	[tilespmem:s7+$0xFFFFFF80] =	vst v2;
	v2 =	vmul.f32 $1.131370830e+01, v7  }
0x3a: {  	[tilespmem:s7+$0xFFFFFF50] =	vst v1;
	v1 =	vld [tilespmem:s7+$0xFFFFFFE0];
	v0 =	vmul.f32 $1.131370830e+01, v0  }
0x3b: {  	v7 =	vld [tilespmem:s7+$0x30];
	v6 =	vmul.f32 $1.131370830e+01, v6;
	[tilespmem:s7+$0xFFFFFF70] =	vst v2  }
0x3c: {  	v2 =	vmul.f32 $1.131370830e+01, v3;
	v3 =	vld [tilespmem:s7+$0x0];
	[tilespmem:s7+$0xFFFFFF90] =	vst v0  }
0x3d: {  	v0 =	vmul.f32 $1.131370830e+01, v4;
	v4 =	vld [tilespmem:s7+$0x10];
	[tilespmem:s7+$0xFFFFFFF0] =	vst v6  }
0x3e: {  	[tilespmem:s7+$0xFFFFFFA0] =	vst v2;
	v2 =	vmul.f32 $1.131370830e+01, v5;
	v5 =	vld [tilespmem:s7+$0x20]  }
0x3f: {  	v6 =	vld [tilespmem:s7+$0x80];
	[tilespmem:s7+$0xFFFFFFB0] =	vst v0;
	v0 =	vmul.f32 $1.131370830e+01, v8  }
0x40: {  	v1 =	vmul.f32 $1.131370830e+01, v1;
	[tilespmem:s7+$0xFFFFFFC0] =	vst v2;
	v2 =	vld [tilespmem:s7+$0x40]  }
0x41: {  	[tilespmem:s7+$0xFFFFFFD0] =	vst v0;
	v0 =	vmul.f32 $1.131370830e+01, v3  }
0x42: {  	v3 =	vld [tilespmem:s7+$0x50];
	[tilespmem:s7+$0xFFFFFFE0] =	vst v1;
	v4 =	vmul.f32 $1.131370830e+01, v4  }
0x43: {  	v1 =	vld [tilespmem:s7+$0x60];
	[tilespmem:s7+$0x0] =	vst v0;
	v0 =	vmul.f32 $1.131370830e+01, v5  }
0x44: {  	v6 =	vmul.f32 $1.131370830e+01, v6;
	v5 =	vld [tilespmem:s7+$0x70];
	[tilespmem:s7+$0x10] =	vst v4  }
0x45: {  	v4 =	vmul.f32 $1.131370830e+01, v7;
	v7 =	vld [tilespmem:s7+$0x90];
	[tilespmem:s7+$0x20] =	vst v0;
	v0 =	vmul.f32 $1.131370830e+01, v2  }
0x46: {  	v8 =	vld [tilespmem:s7+$0xA0];
	[tilespmem:s7+$0x80] =	vst v6  }
0x47: {  	v2 =	vmul.f32 $1.131370830e+01, v3;
	[tilespmem:s7+$0x40] =	vst v0;
	v0 =	vld [tilespmem:s7+$0xB0]  }
0x48: {  	[tilespmem:s7+$0x30] =	vst v4;
	v3 =	vmul.f32 $1.131370830e+01, v1;
	v1 =	vld [tilespmem:s7+$0xC0]  }
0x49: {  	[tilespmem:s7+$0x50] =	vst v2;
	v4 =	vmul.f32 $1.131370830e+01, v5;
	v2 =	vld [tilespmem:s7+$0xD0]  }
0x4a: {  	[tilespmem:s7+$0x60] =	vst v3;
	v3 =	vld [tilespmem:s7+$0xE0];
	v5 =	vmul.f32 $1.131370830e+01, v7  }
0x4b: {  	s20 =	simm.s32 $0x0;
	s13 =	simm.s32 $0x6700;
	v6 =	vmul.f32 $1.131370830e+01, v8;
	[tilespmem:s7+$0x70] =	vst v4;
	v4 =	vld [tilespmem:s7+$0xFFFFFF00]  }
.LBB2_2:
0x4c: {  	v7 =	vld [tilespmem:s13+$0xF0];
	s20 =	sadd.s32 $0x4, s20;
	[tilespmem:s7+$0x90] =	vst v5;
	v0 =	vmul.f32 $1.131370830e+01, v0  }
0x4d: {  	v5 =	vld [tilespmem:s13+$0xFFFFFF10];
	p0 =	slt.u32 s20, $0x7C;
	[tilespmem:s7+$0xA0] =	vst v6;
	v1 =	vmul.f32 $1.131370830e+01, v1  }
0x4e: {  	v6 =	vld [tilespmem:s13+$0xFFFFFF20];
	[tilespmem:s7+$0xB0] =	vst v0;
	v0 =	vmul.f32 $1.131370830e+01, v2  }
0x4f: {  	v2 =	vld [tilespmem:s13+$0xFFFFFF30];
	[tilespmem:s7+$0xC0] =	vst v1;
	v1 =	vmul.f32 $1.131370830e+01, v3  }
0x50: {  	v3 =	vld [tilespmem:s13+$0xFFFFFF40];
	v4 =	vmul.f32 $1.131370830e+01, v4;
	[tilespmem:s7+$0xD0] =	vst v0  }
0x51: {  	v0 =	vld [tilespmem:s13+$0xFFFFFF50];
	v7 =	vmul.f32 $1.131370830e+01, v7;
	[tilespmem:s7+$0xE0] =	vst v1  }
0x52: {  	v1 =	vmul.f32 $1.131370830e+01, v5;
	v5 =	vld [tilespmem:s13+$0xFFFFFF60];
	[tilespmem:s7+$0xFFFFFF00] =	vst v4;
	s7 =	smov.u32 s13  }
0x53: {  	v4 =	vmul.f32 $1.131370830e+01, v6;
	v6 =	vld [tilespmem:s13+$0xFFFFFF70];
	[tilespmem:s13+$0xF0] =	vst v7  }
0x54: {  	[tilespmem:s13+$0xFFFFFF10] =	vst v1;
	v1 =	vmul.f32 $1.131370830e+01, v2;
	v2 =	vld [tilespmem:s13+$0xFFFFFF80]  }
0x55: {  	[tilespmem:s13+$0xFFFFFF20] =	vst v4;
	v3 =	vmul.f32 $1.131370830e+01, v3;
	v4 =	vld [tilespmem:s13+$0xFFFFFF90]  }
0x56: {  	[tilespmem:s13+$0xFFFFFF30] =	vst v1;
	v0 =	vmul.f32 $1.131370830e+01, v0;
	v1 =	vld [tilespmem:s13+$0xFFFFFFA0]  }
0x57: {  	[tilespmem:s13+$0xFFFFFF40] =	vst v3;
	v3 =	vmul.f32 $1.131370830e+01, v5;
	v5 =	vld [tilespmem:s13+$0xFFFFFFB0]  }
0x58: {  	[tilespmem:s13+$0xFFFFFF50] =	vst v0;
	v0 =	vmul.f32 $1.131370830e+01, v6;
	v6 =	vld [tilespmem:s13+$0xFFFFFFC0]  }
0x59: {  	[tilespmem:s13+$0xFFFFFF60] =	vst v3;
	v2 =	vmul.f32 $1.131370830e+01, v2;
	v3 =	vld [tilespmem:s13+$0xFFFFFFD0]  }
0x5a: {  	[tilespmem:s13+$0xFFFFFF70] =	vst v0;
	v0 =	vmul.f32 $1.131370830e+01, v4;
	v4 =	vld [tilespmem:s13+$0xFFFFFFE0]  }
0x5b: {  	[tilespmem:s13+$0xFFFFFF80] =	vst v2;
	v1 =	vmul.f32 $1.131370830e+01, v1;
	v2 =	vld [tilespmem:s13+$0xFFFFFFF0]  }
0x5c: {  	[tilespmem:s13+$0xFFFFFF90] =	vst v0;
	v0 =	vmul.f32 $1.131370830e+01, v5;
	v5 =	vld [tilespmem:s13+$0x0]  }
0x5d: {  	[tilespmem:s13+$0xFFFFFFA0] =	vst v1;
	v1 =	vmul.f32 $1.131370830e+01, v6;
	v6 =	vld [tilespmem:s13+$0x10]  }
0x5e: {  	[tilespmem:s13+$0xFFFFFFB0] =	vst v0;
	v0 =	vmul.f32 $1.131370830e+01, v3;
	v3 =	vld [tilespmem:s13+$0x20]  }
0x5f: {  	[tilespmem:s13+$0xFFFFFFC0] =	vst v1;
	v1 =	vmul.f32 $1.131370830e+01, v4;
	v4 =	vld [tilespmem:s13+$0x30]  }
0x60: {  	[tilespmem:s13+$0xFFFFFFD0] =	vst v0;
	v0 =	vmul.f32 $1.131370830e+01, v2;
	v2 =	vld [tilespmem:s13+$0x40]  }
0x61: {  	[tilespmem:s13+$0xFFFFFFE0] =	vst v1;
	v1 =	vmul.f32 $1.131370830e+01, v5;
	v5 =	vld [tilespmem:s13+$0x50]  }
0x62: {  	[tilespmem:s13+$0xFFFFFFF0] =	vst v0;
	v0 =	vmul.f32 $1.131370830e+01, v6;
	v6 =	vld [tilespmem:s13+$0x60]  }
0x63: {  	[tilespmem:s13+$0x0] =	vst v1;
	v1 =	vmul.f32 $1.131370830e+01, v3;
	v3 =	vld [tilespmem:s13+$0x70]  }
0x64: {  	[tilespmem:s13+$0x10] =	vst v0;
	v0 =	vmul.f32 $1.131370830e+01, v4;
	v4 =	vld [tilespmem:s13+$0x80]  }
0x65: {  	[tilespmem:s13+$0x20] =	vst v1;
	v1 =	vmul.f32 $1.131370830e+01, v2;
	v7 =	vld [tilespmem:s13+$0x90]  }
0x66: {  	[tilespmem:s13+$0x30] =	vst v0;
	v2 =	vmul.f32 $1.131370830e+01, v5;
	v8 =	vld [tilespmem:s13+$0xA0]  }
.Ltmp0:
0x67: {  	[tilespmem:s13+$0x40] =	vst v1;
	v5 =	vmul.f32 $1.131370830e+01, v6;
	v0 =	vld [tilespmem:s13+$0xB0];
	(pc) =	sbr.rel @p0 .LBB2_2-.Ltmp0, $4  }
0x68: {  	[tilespmem:s13+$0x50] =	vst v2;
	v3 =	vmul.f32 $1.131370830e+01, v3;
	v1 =	vld [tilespmem:s13+$0xC0]  }
0x69: {  	[tilespmem:s13+$0x60] =	vst v5;
	v6 =	vmul.f32 $1.131370830e+01, v4;
	v2 =	vld [tilespmem:s13+$0xD0]  }
0x6a: {  	[tilespmem:s13+$0x70] =	vst v3;
	v5 =	vmul.f32 $1.131370830e+01, v7;
	v3 =	vld [tilespmem:s13+$0xE0]  }
0x6b: {  	s13 =	sadd.s32 $0x200, s13;
	v4 =	vld [tilespmem:s7+$0xFFFFFF00];
	[tilespmem:s7+$0x80] =	vst v6;
	v6 =	vmul.f32 $1.131370830e+01, v8  }
0x6c: {  	[tilespmem:s7+$0x90] =	vst v5;
	v0 =	vmul.f32 $1.131370830e+01, v0  }
0x6d: {  	[tilespmem:s7+$0xA0] =	vst v6;
	v1 =	vmul.f32 $1.131370830e+01, v1  }
0x6e: {  	[tilespmem:s7+$0xB0] =	vst v0;
	v0 =	vmul.f32 $1.131370830e+01, v2  }
0x6f: {  	[tilespmem:s7+$0xC0] =	vst v1;
	v1 =	vmul.f32 $1.131370830e+01, v3  }
0x70: {  	v2 =	vmul.f32 $1.131370830e+01, v4;
	[tilespmem:s7+$0xD0] =	vst v0  }
0x71: {  	[tilespmem:s7+$0xE0] =	vst v1  }
0x72: {  	[tilespmem:s7+$0xFFFFFF00] =	vst v2  }
0x73: {  	s7 =	rddreg [dreg:$0x5]  }
0x74: {  	[hbm4b:s7+s4] =	stream.linear.scatter [tilespmem:s26], [sflag:$0x7], $0x4000, $0x38;
	[tilespmem:$0x1E400] =	vst v63  }
0x75: {  	_ =	swait.ge [sflag:s29], $0x4000  }
0x76: {  	[sflag:s29] =	ssyncset.done $0x0  }
0x77: {  	s24 =	simm.s32 $0x200;
	s7 =	simm.s32 $0xA500;
	[sflag:s29] =	ssyncadd.s32 $0xFFFFC000  }
0x78: {  	[tilespmem:s2], [sflag:$0x5] =	stream.indirect.gather [hbm4b:s1+s25], $0x80, s24, s25, $0xb8;
	[tilespmem:$0x1E400] =	vst v63  }
0x79: {  	v0 =	vld [tilespmem:s7+$0xF0]  }
0x7a: {  	v1 =	vld [tilespmem:s7+$0xFFFFFF10]  }
0x7b: {  	v2 =	vld [tilespmem:s7+$0xFFFFFF20]  }
0x7c: {  	v3 =	vld [tilespmem:s7+$0xFFFFFF30]  }
0x7d: {  	v6 =	vld [tilespmem:s7+$0xFFFFFF60]  }
0x7e: {  	v4 =	vld [tilespmem:s7+$0xFFFFFF40]  }
0x7f: {  	v5 =	vld [tilespmem:s7+$0xFFFFFF50];
	v0 =	vmul.f32 $1.131370830e+01, v0  }
0x80: {  	v8 =	vld [tilespmem:s7+$0xFFFFFF80];
	v1 =	vmul.f32 $1.131370830e+01, v1  }
0x81: {  	v7 =	vld [tilespmem:s7+$0xFFFFFF70];
	v2 =	vmul.f32 $1.131370830e+01, v2;
	[tilespmem:s7+$0xF0] =	vst v0  }
0x82: {  	v6 =	vmul.f32 $1.131370830e+01, v6;
	v0 =	vld [tilespmem:s7+$0xFFFFFF90];
	[tilespmem:s7+$0xFFFFFF10] =	vst v1  }
0x83: {  	v1 =	vmul.f32 $1.131370830e+01, v3;
	v3 =	vld [tilespmem:s7+$0xFFFFFFA0];
	[tilespmem:s7+$0xFFFFFF20] =	vst v2;
	v2 =	vmul.f32 $1.131370830e+01, v4  }
0x84: {  	[tilespmem:s7+$0xFFFFFF60] =	vst v6;
	v6 =	vld [tilespmem:s7+$0xFFFFFFF0]  }
0x85: {  	v4 =	vld [tilespmem:s7+$0xFFFFFFB0];
	[tilespmem:s7+$0xFFFFFF40] =	vst v2;
	v2 =	vmul.f32 $1.131370830e+01, v8  }
0x86: {  	[tilespmem:s7+$0xFFFFFF30] =	vst v1;
	v1 =	vmul.f32 $1.131370830e+01, v5;
	v5 =	vld [tilespmem:s7+$0xFFFFFFC0]  }
0x87: {  	v8 =	vld [tilespmem:s7+$0xFFFFFFD0];
	[tilespmem:s7+$0xFFFFFF80] =	vst v2;
	v2 =	vmul.f32 $1.131370830e+01, v7  }
0x88: {  	[tilespmem:s7+$0xFFFFFF50] =	vst v1;
	v1 =	vld [tilespmem:s7+$0xFFFFFFE0];
	v0 =	vmul.f32 $1.131370830e+01, v0  }
0x89: {  	v7 =	vld [tilespmem:s7+$0x30];
	v6 =	vmul.f32 $1.131370830e+01, v6;
	[tilespmem:s7+$0xFFFFFF70] =	vst v2  }
0x8a: {  	v2 =	vmul.f32 $1.131370830e+01, v3;
	v3 =	vld [tilespmem:s7+$0x0];
	[tilespmem:s7+$0xFFFFFF90] =	vst v0  }
0x8b: {  	v0 =	vmul.f32 $1.131370830e+01, v4;
	v4 =	vld [tilespmem:s7+$0x10];
	[tilespmem:s7+$0xFFFFFFF0] =	vst v6  }
0x8c: {  	[tilespmem:s7+$0xFFFFFFA0] =	vst v2;
	v2 =	vmul.f32 $1.131370830e+01, v5;
	v5 =	vld [tilespmem:s7+$0x20]  }
0x8d: {  	v6 =	vld [tilespmem:s7+$0x80];
	[tilespmem:s7+$0xFFFFFFB0] =	vst v0;
	v0 =	vmul.f32 $1.131370830e+01, v8  }
0x8e: {  	v1 =	vmul.f32 $1.131370830e+01, v1;
	[tilespmem:s7+$0xFFFFFFC0] =	vst v2;
	v2 =	vld [tilespmem:s7+$0x40]  }
0x8f: {  	[tilespmem:s7+$0xFFFFFFD0] =	vst v0;
	v0 =	vmul.f32 $1.131370830e+01, v3  }
0x90: {  	v3 =	vld [tilespmem:s7+$0x50];
	[tilespmem:s7+$0xFFFFFFE0] =	vst v1;
	v4 =	vmul.f32 $1.131370830e+01, v4  }
0x91: {  	v1 =	vld [tilespmem:s7+$0x60];
	[tilespmem:s7+$0x0] =	vst v0;
	v0 =	vmul.f32 $1.131370830e+01, v5  }
0x92: {  	v6 =	vmul.f32 $1.131370830e+01, v6;
	v5 =	vld [tilespmem:s7+$0x70];
	[tilespmem:s7+$0x10] =	vst v4  }
0x93: {  	v4 =	vmul.f32 $1.131370830e+01, v7;
	v7 =	vld [tilespmem:s7+$0x90];
	[tilespmem:s7+$0x20] =	vst v0;
	v0 =	vmul.f32 $1.131370830e+01, v2  }
0x94: {  	v8 =	vld [tilespmem:s7+$0xA0];
	[tilespmem:s7+$0x80] =	vst v6  }
0x95: {  	v2 =	vmul.f32 $1.131370830e+01, v3;
	[tilespmem:s7+$0x40] =	vst v0;
	v0 =	vld [tilespmem:s7+$0xB0]  }
0x96: {  	[tilespmem:s7+$0x30] =	vst v4;
	v3 =	vmul.f32 $1.131370830e+01, v1;
	v1 =	vld [tilespmem:s7+$0xC0]  }
0x97: {  	[tilespmem:s7+$0x50] =	vst v2;
	v4 =	vmul.f32 $1.131370830e+01, v5;
	v2 =	vld [tilespmem:s7+$0xD0]  }
0x98: {  	[tilespmem:s7+$0x60] =	vst v3;
	v3 =	vld [tilespmem:s7+$0xE0];
	v5 =	vmul.f32 $1.131370830e+01, v7  }
0x99: {  	s20 =	simm.s32 $0x0;
	s13 =	simm.s32 $0xA700;
	v6 =	vmul.f32 $1.131370830e+01, v8;
	[tilespmem:s7+$0x70] =	vst v4;
	v4 =	vld [tilespmem:s7+$0xFFFFFF00]  }
.LBB2_4:
0x9a: {  	v7 =	vld [tilespmem:s13+$0xF0];
	s20 =	sadd.s32 $0x4, s20;
	[tilespmem:s7+$0x90] =	vst v5;
	v0 =	vmul.f32 $1.131370830e+01, v0  }
0x9b: {  	v5 =	vld [tilespmem:s13+$0xFFFFFF10];
	p0 =	slt.u32 s20, $0x7C;
	[tilespmem:s7+$0xA0] =	vst v6;
	v1 =	vmul.f32 $1.131370830e+01, v1  }
0x9c: {  	v6 =	vld [tilespmem:s13+$0xFFFFFF20];
	[tilespmem:s7+$0xB0] =	vst v0;
	v0 =	vmul.f32 $1.131370830e+01, v2  }
0x9d: {  	v2 =	vld [tilespmem:s13+$0xFFFFFF30];
	[tilespmem:s7+$0xC0] =	vst v1;
	v1 =	vmul.f32 $1.131370830e+01, v3  }
0x9e: {  	v3 =	vld [tilespmem:s13+$0xFFFFFF40];
	v4 =	vmul.f32 $1.131370830e+01, v4;
	[tilespmem:s7+$0xD0] =	vst v0  }
0x9f: {  	v0 =	vld [tilespmem:s13+$0xFFFFFF50];
	v7 =	vmul.f32 $1.131370830e+01, v7;
	[tilespmem:s7+$0xE0] =	vst v1  }
0xa0: {  	v1 =	vmul.f32 $1.131370830e+01, v5;
	v5 =	vld [tilespmem:s13+$0xFFFFFF60];
	[tilespmem:s7+$0xFFFFFF00] =	vst v4;
	s7 =	smov.u32 s13  }
0xa1: {  	v4 =	vmul.f32 $1.131370830e+01, v6;
	v6 =	vld [tilespmem:s13+$0xFFFFFF70];
	[tilespmem:s13+$0xF0] =	vst v7  }
0xa2: {  	[tilespmem:s13+$0xFFFFFF10] =	vst v1;
	v1 =	vmul.f32 $1.131370830e+01, v2;
	v2 =	vld [tilespmem:s13+$0xFFFFFF80]  }
0xa3: {  	[tilespmem:s13+$0xFFFFFF20] =	vst v4;
	v3 =	vmul.f32 $1.131370830e+01, v3;
	v4 =	vld [tilespmem:s13+$0xFFFFFF90]  }
0xa4: {  	[tilespmem:s13+$0xFFFFFF30] =	vst v1;
	v0 =	vmul.f32 $1.131370830e+01, v0;
	v1 =	vld [tilespmem:s13+$0xFFFFFFA0]  }
0xa5: {  	[tilespmem:s13+$0xFFFFFF40] =	vst v3;
	v3 =	vmul.f32 $1.131370830e+01, v5;
	v5 =	vld [tilespmem:s13+$0xFFFFFFB0]  }
0xa6: {  	[tilespmem:s13+$0xFFFFFF50] =	vst v0;
	v0 =	vmul.f32 $1.131370830e+01, v6;
	v6 =	vld [tilespmem:s13+$0xFFFFFFC0]  }
0xa7: {  	[tilespmem:s13+$0xFFFFFF60] =	vst v3;
	v2 =	vmul.f32 $1.131370830e+01, v2;
	v3 =	vld [tilespmem:s13+$0xFFFFFFD0]  }
0xa8: {  	[tilespmem:s13+$0xFFFFFF70] =	vst v0;
	v0 =	vmul.f32 $1.131370830e+01, v4;
	v4 =	vld [tilespmem:s13+$0xFFFFFFE0]  }
0xa9: {  	[tilespmem:s13+$0xFFFFFF80] =	vst v2;
	v1 =	vmul.f32 $1.131370830e+01, v1;
	v2 =	vld [tilespmem:s13+$0xFFFFFFF0]  }
0xaa: {  	[tilespmem:s13+$0xFFFFFF90] =	vst v0;
	v0 =	vmul.f32 $1.131370830e+01, v5;
	v5 =	vld [tilespmem:s13+$0x0]  }
0xab: {  	[tilespmem:s13+$0xFFFFFFA0] =	vst v1;
	v1 =	vmul.f32 $1.131370830e+01, v6;
	v6 =	vld [tilespmem:s13+$0x10]  }
0xac: {  	[tilespmem:s13+$0xFFFFFFB0] =	vst v0;
	v0 =	vmul.f32 $1.131370830e+01, v3;
	v3 =	vld [tilespmem:s13+$0x20]  }
0xad: {  	[tilespmem:s13+$0xFFFFFFC0] =	vst v1;
	v1 =	vmul.f32 $1.131370830e+01, v4;
	v4 =	vld [tilespmem:s13+$0x30]  }
0xae: {  	[tilespmem:s13+$0xFFFFFFD0] =	vst v0;
	v0 =	vmul.f32 $1.131370830e+01, v2;
	v2 =	vld [tilespmem:s13+$0x40]  }
0xaf: {  	[tilespmem:s13+$0xFFFFFFE0] =	vst v1;
	v1 =	vmul.f32 $1.131370830e+01, v5;
	v5 =	vld [tilespmem:s13+$0x50]  }
0xb0: {  	[tilespmem:s13+$0xFFFFFFF0] =	vst v0;
	v0 =	vmul.f32 $1.131370830e+01, v6;
	v6 =	vld [tilespmem:s13+$0x60]  }
0xb1: {  	[tilespmem:s13+$0x0] =	vst v1;
	v1 =	vmul.f32 $1.131370830e+01, v3;
	v3 =	vld [tilespmem:s13+$0x70]  }
0xb2: {  	[tilespmem:s13+$0x10] =	vst v0;
	v0 =	vmul.f32 $1.131370830e+01, v4;
	v4 =	vld [tilespmem:s13+$0x80]  }
0xb3: {  	[tilespmem:s13+$0x20] =	vst v1;
	v1 =	vmul.f32 $1.131370830e+01, v2;
	v7 =	vld [tilespmem:s13+$0x90]  }
0xb4: {  	[tilespmem:s13+$0x30] =	vst v0;
	v2 =	vmul.f32 $1.131370830e+01, v5;
	v8 =	vld [tilespmem:s13+$0xA0]  }
.Ltmp1:
0xb5: {  	[tilespmem:s13+$0x40] =	vst v1;
	v5 =	vmul.f32 $1.131370830e+01, v6;
	v0 =	vld [tilespmem:s13+$0xB0];
	(pc) =	sbr.rel @p0 .LBB2_4-.Ltmp1, $4  }
0xb6: {  	[tilespmem:s13+$0x50] =	vst v2;
	v3 =	vmul.f32 $1.131370830e+01, v3;
	v1 =	vld [tilespmem:s13+$0xC0]  }
0xb7: {  	[tilespmem:s13+$0x60] =	vst v5;
	v6 =	vmul.f32 $1.131370830e+01, v4;
	v2 =	vld [tilespmem:s13+$0xD0]  }
0xb8: {  	[tilespmem:s13+$0x70] =	vst v3;
	v5 =	vmul.f32 $1.131370830e+01, v7;
	v3 =	vld [tilespmem:s13+$0xE0]  }
0xb9: {  	s13 =	sadd.s32 $0x200, s13;
	v4 =	vld [tilespmem:s7+$0xFFFFFF00];
	[tilespmem:s7+$0x80] =	vst v6;
	v6 =	vmul.f32 $1.131370830e+01, v8  }
0xba: {  	[tilespmem:s7+$0x90] =	vst v5;
	v0 =	vmul.f32 $1.131370830e+01, v0  }
0xbb: {  	[tilespmem:s7+$0xA0] =	vst v6;
	v1 =	vmul.f32 $1.131370830e+01, v1  }
0xbc: {  	[tilespmem:s7+$0xB0] =	vst v0;
	v0 =	vmul.f32 $1.131370830e+01, v2  }
0xbd: {  	[tilespmem:s7+$0xC0] =	vst v1;
	v1 =	vmul.f32 $1.131370830e+01, v3  }
0xbe: {  	v2 =	vmul.f32 $1.131370830e+01, v4;
	[tilespmem:s7+$0xD0] =	vst v0  }
0xbf: {  	[tilespmem:s7+$0xE0] =	vst v1  }
0xc0: {  	[tilespmem:s7+$0xFFFFFF00] =	vst v2  }
0xc1: {  	s7 =	rddreg [dreg:$0x6]  }
0xc2: {  	[hbm4b:s7+s4] =	stream.linear.scatter [tilespmem:s28], [sflag:$0x8], $0x4000, $0x38;
	[tilespmem:$0x1E400] =	vst v63  }
0xc3: {  	_ =	swait.ge [sflag:s6], $0x4000  }
0xc4: {  	[sflag:s6] =	ssyncset.done $0x0  }
0xc5: {  	s24 =	simm.s32 $0x280;
	s7 =	simm.s32 $0xE500;
	[sflag:s6] =	ssyncadd.s32 $0xFFFFC000  }
0xc6: {  	[tilespmem:s8], [sflag:$0x6] =	stream.indirect.gather [hbm4b:s1+s25], $0x80, s24, s25, $0xb8;
	[tilespmem:$0x1E400] =	vst v63  }
0xc7: {  	v0 =	vld [tilespmem:s7+$0xF0]  }
0xc8: {  	v1 =	vld [tilespmem:s7+$0xFFFFFF10]  }
0xc9: {  	v2 =	vld [tilespmem:s7+$0xFFFFFF20]  }
0xca: {  	v3 =	vld [tilespmem:s7+$0xFFFFFF30]  }
0xcb: {  	v6 =	vld [tilespmem:s7+$0xFFFFFF60]  }
0xcc: {  	v4 =	vld [tilespmem:s7+$0xFFFFFF40]  }
0xcd: {  	v5 =	vld [tilespmem:s7+$0xFFFFFF50];
	v0 =	vmul.f32 $1.131370830e+01, v0  }
0xce: {  	v8 =	vld [tilespmem:s7+$0xFFFFFF80];
	v1 =	vmul.f32 $1.131370830e+01, v1  }
0xcf: {  	v7 =	vld [tilespmem:s7+$0xFFFFFF70];
	v2 =	vmul.f32 $1.131370830e+01, v2;
	[tilespmem:s7+$0xF0] =	vst v0  }
0xd0: {  	v6 =	vmul.f32 $1.131370830e+01, v6;
	v0 =	vld [tilespmem:s7+$0xFFFFFF90];
	[tilespmem:s7+$0xFFFFFF10] =	vst v1  }
0xd1: {  	v1 =	vmul.f32 $1.131370830e+01, v3;
	v3 =	vld [tilespmem:s7+$0xFFFFFFA0];
	[tilespmem:s7+$0xFFFFFF20] =	vst v2;
	v2 =	vmul.f32 $1.131370830e+01, v4  }
0xd2: {  	[tilespmem:s7+$0xFFFFFF60] =	vst v6;
	v6 =	vld [tilespmem:s7+$0xFFFFFFF0]  }
0xd3: {  	v4 =	vld [tilespmem:s7+$0xFFFFFFB0];
	[tilespmem:s7+$0xFFFFFF40] =	vst v2;
	v2 =	vmul.f32 $1.131370830e+01, v8  }
0xd4: {  	[tilespmem:s7+$0xFFFFFF30] =	vst v1;
	v1 =	vmul.f32 $1.131370830e+01, v5;
	v5 =	vld [tilespmem:s7+$0xFFFFFFC0]  }
0xd5: {  	v8 =	vld [tilespmem:s7+$0xFFFFFFD0];
	[tilespmem:s7+$0xFFFFFF80] =	vst v2;
	v2 =	vmul.f32 $1.131370830e+01, v7  }
0xd6: {  	[tilespmem:s7+$0xFFFFFF50] =	vst v1;
	v1 =	vld [tilespmem:s7+$0xFFFFFFE0];
	v0 =	vmul.f32 $1.131370830e+01, v0  }
0xd7: {  	v7 =	vld [tilespmem:s7+$0x30];
	v6 =	vmul.f32 $1.131370830e+01, v6;
	[tilespmem:s7+$0xFFFFFF70] =	vst v2  }
0xd8: {  	v2 =	vmul.f32 $1.131370830e+01, v3;
	v3 =	vld [tilespmem:s7+$0x0];
	[tilespmem:s7+$0xFFFFFF90] =	vst v0  }
0xd9: {  	v0 =	vmul.f32 $1.131370830e+01, v4;
	v4 =	vld [tilespmem:s7+$0x10];
	[tilespmem:s7+$0xFFFFFFF0] =	vst v6  }
0xda: {  	[tilespmem:s7+$0xFFFFFFA0] =	vst v2;
	v2 =	vmul.f32 $1.131370830e+01, v5;
	v5 =	vld [tilespmem:s7+$0x20]  }
0xdb: {  	v6 =	vld [tilespmem:s7+$0x80];
	[tilespmem:s7+$0xFFFFFFB0] =	vst v0;
	v0 =	vmul.f32 $1.131370830e+01, v8  }
0xdc: {  	v1 =	vmul.f32 $1.131370830e+01, v1;
	[tilespmem:s7+$0xFFFFFFC0] =	vst v2;
	v2 =	vld [tilespmem:s7+$0x40]  }
0xdd: {  	[tilespmem:s7+$0xFFFFFFD0] =	vst v0;
	v0 =	vmul.f32 $1.131370830e+01, v3  }
0xde: {  	v3 =	vld [tilespmem:s7+$0x50];
	[tilespmem:s7+$0xFFFFFFE0] =	vst v1;
	v4 =	vmul.f32 $1.131370830e+01, v4  }
0xdf: {  	v1 =	vld [tilespmem:s7+$0x60];
	[tilespmem:s7+$0x0] =	vst v0;
	v0 =	vmul.f32 $1.131370830e+01, v5  }
0xe0: {  	v6 =	vmul.f32 $1.131370830e+01, v6;
	v5 =	vld [tilespmem:s7+$0x70];
	[tilespmem:s7+$0x10] =	vst v4  }
0xe1: {  	v4 =	vmul.f32 $1.131370830e+01, v7;
	v7 =	vld [tilespmem:s7+$0x90];
	[tilespmem:s7+$0x20] =	vst v0;
	v0 =	vmul.f32 $1.131370830e+01, v2  }
0xe2: {  	v8 =	vld [tilespmem:s7+$0xA0];
	[tilespmem:s7+$0x80] =	vst v6  }
0xe3: {  	v2 =	vmul.f32 $1.131370830e+01, v3;
	[tilespmem:s7+$0x40] =	vst v0;
	v0 =	vld [tilespmem:s7+$0xB0]  }
0xe4: {  	[tilespmem:s7+$0x30] =	vst v4;
	v3 =	vmul.f32 $1.131370830e+01, v1;
	v1 =	vld [tilespmem:s7+$0xC0]  }
0xe5: {  	[tilespmem:s7+$0x50] =	vst v2;
	v4 =	vmul.f32 $1.131370830e+01, v5;
	v2 =	vld [tilespmem:s7+$0xD0]  }
0xe6: {  	[tilespmem:s7+$0x60] =	vst v3;
	v3 =	vld [tilespmem:s7+$0xE0];
	v5 =	vmul.f32 $1.131370830e+01, v7  }
0xe7: {  	s20 =	simm.s32 $0x0;
	s13 =	simm.s32 $0xE700;
	v6 =	vmul.f32 $1.131370830e+01, v8;
	[tilespmem:s7+$0x70] =	vst v4;
	v4 =	vld [tilespmem:s7+$0xFFFFFF00]  }
.LBB2_6:
0xe8: {  	v7 =	vld [tilespmem:s13+$0xF0];
	s20 =	sadd.s32 $0x4, s20;
	[tilespmem:s7+$0x90] =	vst v5;
	v0 =	vmul.f32 $1.131370830e+01, v0  }
0xe9: {  	v5 =	vld [tilespmem:s13+$0xFFFFFF10];
	p0 =	slt.u32 s20, $0x7C;
	[tilespmem:s7+$0xA0] =	vst v6;
	v1 =	vmul.f32 $1.131370830e+01, v1  }
0xea: {  	v6 =	vld [tilespmem:s13+$0xFFFFFF20];
	[tilespmem:s7+$0xB0] =	vst v0;
	v0 =	vmul.f32 $1.131370830e+01, v2  }
0xeb: {  	v2 =	vld [tilespmem:s13+$0xFFFFFF30];
	[tilespmem:s7+$0xC0] =	vst v1;
	v1 =	vmul.f32 $1.131370830e+01, v3  }
0xec: {  	v3 =	vld [tilespmem:s13+$0xFFFFFF40];
	v4 =	vmul.f32 $1.131370830e+01, v4;
	[tilespmem:s7+$0xD0] =	vst v0  }
0xed: {  	v0 =	vld [tilespmem:s13+$0xFFFFFF50];
	v7 =	vmul.f32 $1.131370830e+01, v7;
	[tilespmem:s7+$0xE0] =	vst v1  }
0xee: {  	v1 =	vmul.f32 $1.131370830e+01, v5;
	v5 =	vld [tilespmem:s13+$0xFFFFFF60];
	[tilespmem:s7+$0xFFFFFF00] =	vst v4;
	s7 =	smov.u32 s13  }
0xef: {  	v4 =	vmul.f32 $1.131370830e+01, v6;
	v6 =	vld [tilespmem:s13+$0xFFFFFF70];
	[tilespmem:s13+$0xF0] =	vst v7  }
0xf0: {  	[tilespmem:s13+$0xFFFFFF10] =	vst v1;
	v1 =	vmul.f32 $1.131370830e+01, v2;
	v2 =	vld [tilespmem:s13+$0xFFFFFF80]  }
0xf1: {  	[tilespmem:s13+$0xFFFFFF20] =	vst v4;
	v3 =	vmul.f32 $1.131370830e+01, v3;
	v4 =	vld [tilespmem:s13+$0xFFFFFF90]  }
0xf2: {  	[tilespmem:s13+$0xFFFFFF30] =	vst v1;
	v0 =	vmul.f32 $1.131370830e+01, v0;
	v1 =	vld [tilespmem:s13+$0xFFFFFFA0]  }
0xf3: {  	[tilespmem:s13+$0xFFFFFF40] =	vst v3;
	v3 =	vmul.f32 $1.131370830e+01, v5;
	v5 =	vld [tilespmem:s13+$0xFFFFFFB0]  }
0xf4: {  	[tilespmem:s13+$0xFFFFFF50] =	vst v0;
	v0 =	vmul.f32 $1.131370830e+01, v6;
	v6 =	vld [tilespmem:s13+$0xFFFFFFC0]  }
0xf5: {  	[tilespmem:s13+$0xFFFFFF60] =	vst v3;
	v2 =	vmul.f32 $1.131370830e+01, v2;
	v3 =	vld [tilespmem:s13+$0xFFFFFFD0]  }
0xf6: {  	[tilespmem:s13+$0xFFFFFF70] =	vst v0;
	v0 =	vmul.f32 $1.131370830e+01, v4;
	v4 =	vld [tilespmem:s13+$0xFFFFFFE0]  }
0xf7: {  	[tilespmem:s13+$0xFFFFFF80] =	vst v2;
	v1 =	vmul.f32 $1.131370830e+01, v1;
	v2 =	vld [tilespmem:s13+$0xFFFFFFF0]  }
0xf8: {  	[tilespmem:s13+$0xFFFFFF90] =	vst v0;
	v0 =	vmul.f32 $1.131370830e+01, v5;
	v5 =	vld [tilespmem:s13+$0x0]  }
0xf9: {  	[tilespmem:s13+$0xFFFFFFA0] =	vst v1;
	v1 =	vmul.f32 $1.131370830e+01, v6;
	v6 =	vld [tilespmem:s13+$0x10]  }
0xfa: {  	[tilespmem:s13+$0xFFFFFFB0] =	vst v0;
	v0 =	vmul.f32 $1.131370830e+01, v3;
	v3 =	vld [tilespmem:s13+$0x20]  }
0xfb: {  	[tilespmem:s13+$0xFFFFFFC0] =	vst v1;
	v1 =	vmul.f32 $1.131370830e+01, v4;
	v4 =	vld [tilespmem:s13+$0x30]  }
0xfc: {  	[tilespmem:s13+$0xFFFFFFD0] =	vst v0;
	v0 =	vmul.f32 $1.131370830e+01, v2;
	v2 =	vld [tilespmem:s13+$0x40]  }
0xfd: {  	[tilespmem:s13+$0xFFFFFFE0] =	vst v1;
	v1 =	vmul.f32 $1.131370830e+01, v5;
	v5 =	vld [tilespmem:s13+$0x50]  }
0xfe: {  	[tilespmem:s13+$0xFFFFFFF0] =	vst v0;
	v0 =	vmul.f32 $1.131370830e+01, v6;
	v6 =	vld [tilespmem:s13+$0x60]  }
0xff: {  	[tilespmem:s13+$0x0] =	vst v1;
	v1 =	vmul.f32 $1.131370830e+01, v3;
	v3 =	vld [tilespmem:s13+$0x70]  }
0x100: {  	[tilespmem:s13+$0x10] =	vst v0;
	v0 =	vmul.f32 $1.131370830e+01, v4;
	v4 =	vld [tilespmem:s13+$0x80]  }
0x101: {  	[tilespmem:s13+$0x20] =	vst v1;
	v1 =	vmul.f32 $1.131370830e+01, v2;
	v7 =	vld [tilespmem:s13+$0x90]  }
0x102: {  	[tilespmem:s13+$0x30] =	vst v0;
	v2 =	vmul.f32 $1.131370830e+01, v5;
	v8 =	vld [tilespmem:s13+$0xA0]  }
.Ltmp2:
0x103: {  	[tilespmem:s13+$0x40] =	vst v1;
	v5 =	vmul.f32 $1.131370830e+01, v6;
	v0 =	vld [tilespmem:s13+$0xB0];
	(pc) =	sbr.rel @p0 .LBB2_6-.Ltmp2, $4  }
0x104: {  	[tilespmem:s13+$0x50] =	vst v2;
	v3 =	vmul.f32 $1.131370830e+01, v3;
	v1 =	vld [tilespmem:s13+$0xC0]  }
0x105: {  	[tilespmem:s13+$0x60] =	vst v5;
	v6 =	vmul.f32 $1.131370830e+01, v4;
	v2 =	vld [tilespmem:s13+$0xD0]  }
0x106: {  	[tilespmem:s13+$0x70] =	vst v3;
	v5 =	vmul.f32 $1.131370830e+01, v7;
	v3 =	vld [tilespmem:s13+$0xE0]  }
0x107: {  	s13 =	sadd.s32 $0x200, s13;
	v4 =	vld [tilespmem:s7+$0xFFFFFF00];
	[tilespmem:s7+$0x80] =	vst v6;
	v6 =	vmul.f32 $1.131370830e+01, v8  }
0x108: {  	[tilespmem:s7+$0x90] =	vst v5;
	v0 =	vmul.f32 $1.131370830e+01, v0  }
0x109: {  	[tilespmem:s7+$0xA0] =	vst v6;
	v1 =	vmul.f32 $1.131370830e+01, v1  }
0x10a: {  	[tilespmem:s7+$0xB0] =	vst v0;
	v0 =	vmul.f32 $1.131370830e+01, v2  }
0x10b: {  	[tilespmem:s7+$0xC0] =	vst v1;
	v1 =	vmul.f32 $1.131370830e+01, v3  }
0x10c: {  	v2 =	vmul.f32 $1.131370830e+01, v4;
	[tilespmem:s7+$0xD0] =	vst v0  }
0x10d: {  	[tilespmem:s7+$0xE0] =	vst v1  }
0x10e: {  	[tilespmem:s7+$0xFFFFFF00] =	vst v2  }
0x10f: {  	s7 =	rddreg [dreg:$0x7]  }
0x110: {  	[hbm4b:s7+s4] =	stream.linear.scatter [tilespmem:s30], [sflag:$0x9], $0x4000, $0x38;
	[tilespmem:$0x1E400] =	vst v63  }
0x111: {  	_ =	swait.ge [sflag:s9], $0x4000  }
0x112: {  	[sflag:s9] =	ssyncset.done $0x0  }
0x113: {  	[sflag:s9] =	ssyncadd.s32 $0xFFFFC000  }
0x114: {  	_ =	swait.ge [sflag:s10], $0x4000  }
0x115: {  	[sflag:s10] =	ssyncset.done $0x0  }
0x116: {  	s24 =	simm.s32 $0x300;
	s7 =	simm.s32 $0x12500;
	[sflag:s10] =	ssyncadd.s32 $0xFFFFC000  }
0x117: {  	[tilespmem:s26], [sflag:$0x1] =	stream.indirect.gather [hbm4b:s1+s25], $0x80, s24, s25, $0xb8;
	[tilespmem:$0x1E400] =	vst v63  }
0x118: {  	v0 =	vld [tilespmem:s7+$0xF0]  }
0x119: {  	v1 =	vld [tilespmem:s7+$0xFFFFFF10]  }
0x11a: {  	v2 =	vld [tilespmem:s7+$0xFFFFFF20]  }
0x11b: {  	v3 =	vld [tilespmem:s7+$0xFFFFFF30]  }
0x11c: {  	v6 =	vld [tilespmem:s7+$0xFFFFFF60]  }
0x11d: {  	v4 =	vld [tilespmem:s7+$0xFFFFFF40]  }
0x11e: {  	v5 =	vld [tilespmem:s7+$0xFFFFFF50];
	v0 =	vmul.f32 $1.131370830e+01, v0  }
0x11f: {  	v8 =	vld [tilespmem:s7+$0xFFFFFF80];
	v1 =	vmul.f32 $1.131370830e+01, v1  }
0x120: {  	v7 =	vld [tilespmem:s7+$0xFFFFFF70];
	v2 =	vmul.f32 $1.131370830e+01, v2;
	[tilespmem:s7+$0xF0] =	vst v0  }
0x121: {  	v6 =	vmul.f32 $1.131370830e+01, v6;
	v0 =	vld [tilespmem:s7+$0xFFFFFF90];
	[tilespmem:s7+$0xFFFFFF10] =	vst v1  }
0x122: {  	v1 =	vmul.f32 $1.131370830e+01, v3;
	v3 =	vld [tilespmem:s7+$0xFFFFFFA0];
	[tilespmem:s7+$0xFFFFFF20] =	vst v2;
	v2 =	vmul.f32 $1.131370830e+01, v4  }
0x123: {  	[tilespmem:s7+$0xFFFFFF60] =	vst v6;
	v6 =	vld [tilespmem:s7+$0xFFFFFFF0]  }
0x124: {  	v4 =	vld [tilespmem:s7+$0xFFFFFFB0];
	[tilespmem:s7+$0xFFFFFF40] =	vst v2;
	v2 =	vmul.f32 $1.131370830e+01, v8  }
0x125: {  	[tilespmem:s7+$0xFFFFFF30] =	vst v1;
	v1 =	vmul.f32 $1.131370830e+01, v5;
	v5 =	vld [tilespmem:s7+$0xFFFFFFC0]  }
0x126: {  	v8 =	vld [tilespmem:s7+$0xFFFFFFD0];
	[tilespmem:s7+$0xFFFFFF80] =	vst v2;
	v2 =	vmul.f32 $1.131370830e+01, v7  }
0x127: {  	[tilespmem:s7+$0xFFFFFF50] =	vst v1;
	v1 =	vld [tilespmem:s7+$0xFFFFFFE0];
	v0 =	vmul.f32 $1.131370830e+01, v0  }
0x128: {  	v7 =	vld [tilespmem:s7+$0x30];
	v6 =	vmul.f32 $1.131370830e+01, v6;
	[tilespmem:s7+$0xFFFFFF70] =	vst v2  }
0x129: {  	v2 =	vmul.f32 $1.131370830e+01, v3;
	v3 =	vld [tilespmem:s7+$0x0];
	[tilespmem:s7+$0xFFFFFF90] =	vst v0  }
0x12a: {  	v0 =	vmul.f32 $1.131370830e+01, v4;
	v4 =	vld [tilespmem:s7+$0x10];
	[tilespmem:s7+$0xFFFFFFF0] =	vst v6  }
0x12b: {  	[tilespmem:s7+$0xFFFFFFA0] =	vst v2;
	v2 =	vmul.f32 $1.131370830e+01, v5;
	v5 =	vld [tilespmem:s7+$0x20]  }
0x12c: {  	v6 =	vld [tilespmem:s7+$0x80];
	[tilespmem:s7+$0xFFFFFFB0] =	vst v0;
	v0 =	vmul.f32 $1.131370830e+01, v8  }
0x12d: {  	v1 =	vmul.f32 $1.131370830e+01, v1;
	[tilespmem:s7+$0xFFFFFFC0] =	vst v2;
	v2 =	vld [tilespmem:s7+$0x40]  }
0x12e: {  	[tilespmem:s7+$0xFFFFFFD0] =	vst v0;
	v0 =	vmul.f32 $1.131370830e+01, v3  }
0x12f: {  	v3 =	vld [tilespmem:s7+$0x50];
	[tilespmem:s7+$0xFFFFFFE0] =	vst v1;
	v4 =	vmul.f32 $1.131370830e+01, v4  }
0x130: {  	v1 =	vld [tilespmem:s7+$0x60];
	[tilespmem:s7+$0x0] =	vst v0;
	v0 =	vmul.f32 $1.131370830e+01, v5  }
0x131: {  	v6 =	vmul.f32 $1.131370830e+01, v6;
	v5 =	vld [tilespmem:s7+$0x70];
	[tilespmem:s7+$0x10] =	vst v4  }
0x132: {  	v4 =	vmul.f32 $1.131370830e+01, v7;
	v7 =	vld [tilespmem:s7+$0x90];
	[tilespmem:s7+$0x20] =	vst v0;
	v0 =	vmul.f32 $1.131370830e+01, v2  }
0x133: {  	v8 =	vld [tilespmem:s7+$0xA0];
	[tilespmem:s7+$0x80] =	vst v6  }
0x134: {  	v2 =	vmul.f32 $1.131370830e+01, v3;
	[tilespmem:s7+$0x40] =	vst v0;
	v0 =	vld [tilespmem:s7+$0xB0]  }
0x135: {  	[tilespmem:s7+$0x30] =	vst v4;
	v3 =	vmul.f32 $1.131370830e+01, v1;
	v1 =	vld [tilespmem:s7+$0xC0]  }
0x136: {  	[tilespmem:s7+$0x50] =	vst v2;
	v4 =	vmul.f32 $1.131370830e+01, v5;
	v2 =	vld [tilespmem:s7+$0xD0]  }
0x137: {  	[tilespmem:s7+$0x60] =	vst v3;
	v3 =	vld [tilespmem:s7+$0xE0];
	v5 =	vmul.f32 $1.131370830e+01, v7  }
0x138: {  	s20 =	simm.s32 $0x0;
	s13 =	simm.s32 $0x12700;
	v6 =	vmul.f32 $1.131370830e+01, v8;
	[tilespmem:s7+$0x70] =	vst v4;
	v4 =	vld [tilespmem:s7+$0xFFFFFF00]  }
.LBB2_8:
0x139: {  	v7 =	vld [tilespmem:s13+$0xF0];
	s20 =	sadd.s32 $0x4, s20;
	[tilespmem:s7+$0x90] =	vst v5;
	v0 =	vmul.f32 $1.131370830e+01, v0  }
0x13a: {  	v5 =	vld [tilespmem:s13+$0xFFFFFF10];
	p0 =	slt.u32 s20, $0x7C;
	[tilespmem:s7+$0xA0] =	vst v6;
	v1 =	vmul.f32 $1.131370830e+01, v1  }
0x13b: {  	v6 =	vld [tilespmem:s13+$0xFFFFFF20];
	[tilespmem:s7+$0xB0] =	vst v0;
	v0 =	vmul.f32 $1.131370830e+01, v2  }
0x13c: {  	v2 =	vld [tilespmem:s13+$0xFFFFFF30];
	[tilespmem:s7+$0xC0] =	vst v1;
	v1 =	vmul.f32 $1.131370830e+01, v3  }
0x13d: {  	v3 =	vld [tilespmem:s13+$0xFFFFFF40];
	v4 =	vmul.f32 $1.131370830e+01, v4;
	[tilespmem:s7+$0xD0] =	vst v0  }
0x13e: {  	v0 =	vld [tilespmem:s13+$0xFFFFFF50];
	v7 =	vmul.f32 $1.131370830e+01, v7;
	[tilespmem:s7+$0xE0] =	vst v1  }
0x13f: {  	v1 =	vmul.f32 $1.131370830e+01, v5;
	v5 =	vld [tilespmem:s13+$0xFFFFFF60];
	[tilespmem:s7+$0xFFFFFF00] =	vst v4;
	s7 =	smov.u32 s13  }
0x140: {  	v4 =	vmul.f32 $1.131370830e+01, v6;
	v6 =	vld [tilespmem:s13+$0xFFFFFF70];
	[tilespmem:s13+$0xF0] =	vst v7  }
0x141: {  	[tilespmem:s13+$0xFFFFFF10] =	vst v1;
	v1 =	vmul.f32 $1.131370830e+01, v2;
	v2 =	vld [tilespmem:s13+$0xFFFFFF80]  }
0x142: {  	[tilespmem:s13+$0xFFFFFF20] =	vst v4;
	v3 =	vmul.f32 $1.131370830e+01, v3;
	v4 =	vld [tilespmem:s13+$0xFFFFFF90]  }
0x143: {  	[tilespmem:s13+$0xFFFFFF30] =	vst v1;
	v0 =	vmul.f32 $1.131370830e+01, v0;
	v1 =	vld [tilespmem:s13+$0xFFFFFFA0]  }
0x144: {  	[tilespmem:s13+$0xFFFFFF40] =	vst v3;
	v3 =	vmul.f32 $1.131370830e+01, v5;
	v5 =	vld [tilespmem:s13+$0xFFFFFFB0]  }
0x145: {  	[tilespmem:s13+$0xFFFFFF50] =	vst v0;
	v0 =	vmul.f32 $1.131370830e+01, v6;
	v6 =	vld [tilespmem:s13+$0xFFFFFFC0]  }
0x146: {  	[tilespmem:s13+$0xFFFFFF60] =	vst v3;
	v2 =	vmul.f32 $1.131370830e+01, v2;
	v3 =	vld [tilespmem:s13+$0xFFFFFFD0]  }
0x147: {  	[tilespmem:s13+$0xFFFFFF70] =	vst v0;
	v0 =	vmul.f32 $1.131370830e+01, v4;
	v4 =	vld [tilespmem:s13+$0xFFFFFFE0]  }
0x148: {  	[tilespmem:s13+$0xFFFFFF80] =	vst v2;
	v1 =	vmul.f32 $1.131370830e+01, v1;
	v2 =	vld [tilespmem:s13+$0xFFFFFFF0]  }
0x149: {  	[tilespmem:s13+$0xFFFFFF90] =	vst v0;
	v0 =	vmul.f32 $1.131370830e+01, v5;
	v5 =	vld [tilespmem:s13+$0x0]  }
0x14a: {  	[tilespmem:s13+$0xFFFFFFA0] =	vst v1;
	v1 =	vmul.f32 $1.131370830e+01, v6;
	v6 =	vld [tilespmem:s13+$0x10]  }
0x14b: {  	[tilespmem:s13+$0xFFFFFFB0] =	vst v0;
	v0 =	vmul.f32 $1.131370830e+01, v3;
	v3 =	vld [tilespmem:s13+$0x20]  }
0x14c: {  	[tilespmem:s13+$0xFFFFFFC0] =	vst v1;
	v1 =	vmul.f32 $1.131370830e+01, v4;
	v4 =	vld [tilespmem:s13+$0x30]  }
0x14d: {  	[tilespmem:s13+$0xFFFFFFD0] =	vst v0;
	v0 =	vmul.f32 $1.131370830e+01, v2;
	v2 =	vld [tilespmem:s13+$0x40]  }
0x14e: {  	[tilespmem:s13+$0xFFFFFFE0] =	vst v1;
	v1 =	vmul.f32 $1.131370830e+01, v5;
	v5 =	vld [tilespmem:s13+$0x50]  }
0x14f: {  	[tilespmem:s13+$0xFFFFFFF0] =	vst v0;
	v0 =	vmul.f32 $1.131370830e+01, v6;
	v6 =	vld [tilespmem:s13+$0x60]  }
0x150: {  	[tilespmem:s13+$0x0] =	vst v1;
	v1 =	vmul.f32 $1.131370830e+01, v3;
	v3 =	vld [tilespmem:s13+$0x70]  }
0x151: {  	[tilespmem:s13+$0x10] =	vst v0;
	v0 =	vmul.f32 $1.131370830e+01, v4;
	v4 =	vld [tilespmem:s13+$0x80]  }
0x152: {  	[tilespmem:s13+$0x20] =	vst v1;
	v1 =	vmul.f32 $1.131370830e+01, v2;
	v7 =	vld [tilespmem:s13+$0x90]  }
0x153: {  	[tilespmem:s13+$0x30] =	vst v0;
	v2 =	vmul.f32 $1.131370830e+01, v5;
	v8 =	vld [tilespmem:s13+$0xA0]  }
.Ltmp3:
0x154: {  	[tilespmem:s13+$0x40] =	vst v1;
	v5 =	vmul.f32 $1.131370830e+01, v6;
	v0 =	vld [tilespmem:s13+$0xB0];
	(pc) =	sbr.rel @p0 .LBB2_8-.Ltmp3, $4  }
0x155: {  	[tilespmem:s13+$0x50] =	vst v2;
	v3 =	vmul.f32 $1.131370830e+01, v3;
	v1 =	vld [tilespmem:s13+$0xC0]  }
0x156: {  	[tilespmem:s13+$0x60] =	vst v5;
	v6 =	vmul.f32 $1.131370830e+01, v4;
	v2 =	vld [tilespmem:s13+$0xD0]  }
0x157: {  	[tilespmem:s13+$0x70] =	vst v3;
	v5 =	vmul.f32 $1.131370830e+01, v7;
	v3 =	vld [tilespmem:s13+$0xE0]  }
0x158: {  	s13 =	sadd.s32 $0x200, s13;
	v4 =	vld [tilespmem:s7+$0xFFFFFF00];
	[tilespmem:s7+$0x80] =	vst v6;
	v6 =	vmul.f32 $1.131370830e+01, v8  }
0x159: {  	[tilespmem:s7+$0x90] =	vst v5;
	v0 =	vmul.f32 $1.131370830e+01, v0  }
0x15a: {  	[tilespmem:s7+$0xA0] =	vst v6;
	v1 =	vmul.f32 $1.131370830e+01, v1  }
0x15b: {  	[tilespmem:s7+$0xB0] =	vst v0;
	v0 =	vmul.f32 $1.131370830e+01, v2  }
0x15c: {  	[tilespmem:s7+$0xC0] =	vst v1;
	v1 =	vmul.f32 $1.131370830e+01, v3  }
0x15d: {  	v2 =	vmul.f32 $1.131370830e+01, v4;
	[tilespmem:s7+$0xD0] =	vst v0  }
0x15e: {  	[tilespmem:s7+$0xE0] =	vst v1  }
0x15f: {  	[tilespmem:s7+$0xFFFFFF00] =	vst v2  }
0x160: {  	s7 =	rddreg [dreg:$0x8]  }
0x161: {  	[hbm4b:s7+s4] =	stream.linear.scatter [tilespmem:s0], [sflag:$0xA], $0x4000, $0x38;
	[tilespmem:$0x1E400] =	vst v63  }
0x162: {  	_ =	swait.ge [sflag:s11], $0x4000  }
0x163: {  	[sflag:s11] =	ssyncset.done $0x0  }
0x164: {  	[sflag:s11] =	ssyncadd.s32 $0xFFFFC000  }
0x165: {  	_ =	swait.ge [sflag:s12], $0x4000  }
0x166: {  	[sflag:s12] =	ssyncset.done $0x0  }
0x167: {  	s24 =	simm.s32 $0x380;
	s7 =	simm.s32 $0x16500;
	[sflag:s12] =	ssyncadd.s32 $0xFFFFC000  }
0x168: {  	[tilespmem:s28], [sflag:$0x2] =	stream.indirect.gather [hbm4b:s1+s25], $0x80, s24, s25, $0xb8;
	[tilespmem:$0x1E400] =	vst v63  }
0x169: {  	v0 =	vld [tilespmem:s7+$0xF0]  }
0x16a: {  	v1 =	vld [tilespmem:s7+$0xFFFFFF10]  }
0x16b: {  	v2 =	vld [tilespmem:s7+$0xFFFFFF20]  }
0x16c: {  	v3 =	vld [tilespmem:s7+$0xFFFFFF30]  }
0x16d: {  	v6 =	vld [tilespmem:s7+$0xFFFFFF60]  }
0x16e: {  	v4 =	vld [tilespmem:s7+$0xFFFFFF40]  }
0x16f: {  	v5 =	vld [tilespmem:s7+$0xFFFFFF50];
	v0 =	vmul.f32 $1.131370830e+01, v0  }
0x170: {  	v8 =	vld [tilespmem:s7+$0xFFFFFF80];
	v1 =	vmul.f32 $1.131370830e+01, v1  }
0x171: {  	v7 =	vld [tilespmem:s7+$0xFFFFFF70];
	v2 =	vmul.f32 $1.131370830e+01, v2;
	[tilespmem:s7+$0xF0] =	vst v0  }
0x172: {  	v6 =	vmul.f32 $1.131370830e+01, v6;
	v0 =	vld [tilespmem:s7+$0xFFFFFF90];
	[tilespmem:s7+$0xFFFFFF10] =	vst v1  }
0x173: {  	v1 =	vmul.f32 $1.131370830e+01, v3;
	v3 =	vld [tilespmem:s7+$0xFFFFFFA0];
	[tilespmem:s7+$0xFFFFFF20] =	vst v2;
	v2 =	vmul.f32 $1.131370830e+01, v4  }
0x174: {  	[tilespmem:s7+$0xFFFFFF60] =	vst v6;
	v6 =	vld [tilespmem:s7+$0xFFFFFFF0]  }
0x175: {  	v4 =	vld [tilespmem:s7+$0xFFFFFFB0];
	[tilespmem:s7+$0xFFFFFF40] =	vst v2;
	v2 =	vmul.f32 $1.131370830e+01, v8  }
0x176: {  	[tilespmem:s7+$0xFFFFFF30] =	vst v1;
	v1 =	vmul.f32 $1.131370830e+01, v5;
	v5 =	vld [tilespmem:s7+$0xFFFFFFC0]  }
0x177: {  	v8 =	vld [tilespmem:s7+$0xFFFFFFD0];
	[tilespmem:s7+$0xFFFFFF80] =	vst v2;
	v2 =	vmul.f32 $1.131370830e+01, v7  }
0x178: {  	[tilespmem:s7+$0xFFFFFF50] =	vst v1;
	v1 =	vld [tilespmem:s7+$0xFFFFFFE0];
	v0 =	vmul.f32 $1.131370830e+01, v0  }
0x179: {  	v7 =	vld [tilespmem:s7+$0x30];
	v6 =	vmul.f32 $1.131370830e+01, v6;
	[tilespmem:s7+$0xFFFFFF70] =	vst v2  }
0x17a: {  	v2 =	vmul.f32 $1.131370830e+01, v3;
	v3 =	vld [tilespmem:s7+$0x0];
	[tilespmem:s7+$0xFFFFFF90] =	vst v0  }
0x17b: {  	v0 =	vmul.f32 $1.131370830e+01, v4;
	v4 =	vld [tilespmem:s7+$0x10];
	[tilespmem:s7+$0xFFFFFFF0] =	vst v6  }
0x17c: {  	[tilespmem:s7+$0xFFFFFFA0] =	vst v2;
	v2 =	vmul.f32 $1.131370830e+01, v5;
	v5 =	vld [tilespmem:s7+$0x20]  }
0x17d: {  	v6 =	vld [tilespmem:s7+$0x80];
	[tilespmem:s7+$0xFFFFFFB0] =	vst v0;
	v0 =	vmul.f32 $1.131370830e+01, v8  }
0x17e: {  	v1 =	vmul.f32 $1.131370830e+01, v1;
	[tilespmem:s7+$0xFFFFFFC0] =	vst v2;
	v2 =	vld [tilespmem:s7+$0x40]  }
0x17f: {  	[tilespmem:s7+$0xFFFFFFD0] =	vst v0;
	v0 =	vmul.f32 $1.131370830e+01, v3  }
0x180: {  	v3 =	vld [tilespmem:s7+$0x50];
	[tilespmem:s7+$0xFFFFFFE0] =	vst v1;
	v4 =	vmul.f32 $1.131370830e+01, v4  }
0x181: {  	v1 =	vld [tilespmem:s7+$0x60];
	[tilespmem:s7+$0x0] =	vst v0;
	v0 =	vmul.f32 $1.131370830e+01, v5  }
0x182: {  	v6 =	vmul.f32 $1.131370830e+01, v6;
	v5 =	vld [tilespmem:s7+$0x70];
	[tilespmem:s7+$0x10] =	vst v4  }
0x183: {  	v4 =	vmul.f32 $1.131370830e+01, v7;
	v7 =	vld [tilespmem:s7+$0x90];
	[tilespmem:s7+$0x20] =	vst v0;
	v0 =	vmul.f32 $1.131370830e+01, v2  }
0x184: {  	v8 =	vld [tilespmem:s7+$0xA0];
	[tilespmem:s7+$0x80] =	vst v6  }
0x185: {  	v2 =	vmul.f32 $1.131370830e+01, v3;
	[tilespmem:s7+$0x40] =	vst v0;
	v0 =	vld [tilespmem:s7+$0xB0]  }
0x186: {  	[tilespmem:s7+$0x30] =	vst v4;
	v3 =	vmul.f32 $1.131370830e+01, v1;
	v1 =	vld [tilespmem:s7+$0xC0]  }
0x187: {  	[tilespmem:s7+$0x50] =	vst v2;
	v4 =	vmul.f32 $1.131370830e+01, v5;
	v2 =	vld [tilespmem:s7+$0xD0]  }
0x188: {  	[tilespmem:s7+$0x60] =	vst v3;
	v3 =	vld [tilespmem:s7+$0xE0];
	v5 =	vmul.f32 $1.131370830e+01, v7  }
0x189: {  	s20 =	simm.s32 $0x0;
	s13 =	simm.s32 $0x16700;
	v6 =	vmul.f32 $1.131370830e+01, v8;
	[tilespmem:s7+$0x70] =	vst v4;
	v4 =	vld [tilespmem:s7+$0xFFFFFF00]  }
.LBB2_10:
0x18a: {  	v7 =	vld [tilespmem:s13+$0xF0];
	s20 =	sadd.s32 $0x4, s20;
	[tilespmem:s7+$0x90] =	vst v5;
	v0 =	vmul.f32 $1.131370830e+01, v0  }
0x18b: {  	v5 =	vld [tilespmem:s13+$0xFFFFFF10];
	p0 =	slt.u32 s20, $0x7C;
	[tilespmem:s7+$0xA0] =	vst v6;
	v1 =	vmul.f32 $1.131370830e+01, v1  }
0x18c: {  	v6 =	vld [tilespmem:s13+$0xFFFFFF20];
	[tilespmem:s7+$0xB0] =	vst v0;
	v0 =	vmul.f32 $1.131370830e+01, v2  }
0x18d: {  	v2 =	vld [tilespmem:s13+$0xFFFFFF30];
	[tilespmem:s7+$0xC0] =	vst v1;
	v1 =	vmul.f32 $1.131370830e+01, v3  }
0x18e: {  	v3 =	vld [tilespmem:s13+$0xFFFFFF40];
	v4 =	vmul.f32 $1.131370830e+01, v4;
	[tilespmem:s7+$0xD0] =	vst v0  }
0x18f: {  	v0 =	vld [tilespmem:s13+$0xFFFFFF50];
	v7 =	vmul.f32 $1.131370830e+01, v7;
	[tilespmem:s7+$0xE0] =	vst v1  }
0x190: {  	v1 =	vmul.f32 $1.131370830e+01, v5;
	v5 =	vld [tilespmem:s13+$0xFFFFFF60];
	[tilespmem:s7+$0xFFFFFF00] =	vst v4;
	s7 =	smov.u32 s13  }
0x191: {  	v4 =	vmul.f32 $1.131370830e+01, v6;
	v6 =	vld [tilespmem:s13+$0xFFFFFF70];
	[tilespmem:s13+$0xF0] =	vst v7  }
0x192: {  	[tilespmem:s13+$0xFFFFFF10] =	vst v1;
	v1 =	vmul.f32 $1.131370830e+01, v2;
	v2 =	vld [tilespmem:s13+$0xFFFFFF80]  }
0x193: {  	[tilespmem:s13+$0xFFFFFF20] =	vst v4;
	v3 =	vmul.f32 $1.131370830e+01, v3;
	v4 =	vld [tilespmem:s13+$0xFFFFFF90]  }
0x194: {  	[tilespmem:s13+$0xFFFFFF30] =	vst v1;
	v0 =	vmul.f32 $1.131370830e+01, v0;
	v1 =	vld [tilespmem:s13+$0xFFFFFFA0]  }
0x195: {  	[tilespmem:s13+$0xFFFFFF40] =	vst v3;
	v3 =	vmul.f32 $1.131370830e+01, v5;
	v5 =	vld [tilespmem:s13+$0xFFFFFFB0]  }
0x196: {  	[tilespmem:s13+$0xFFFFFF50] =	vst v0;
	v0 =	vmul.f32 $1.131370830e+01, v6;
	v6 =	vld [tilespmem:s13+$0xFFFFFFC0]  }
0x197: {  	[tilespmem:s13+$0xFFFFFF60] =	vst v3;
	v2 =	vmul.f32 $1.131370830e+01, v2;
	v3 =	vld [tilespmem:s13+$0xFFFFFFD0]  }
0x198: {  	[tilespmem:s13+$0xFFFFFF70] =	vst v0;
	v0 =	vmul.f32 $1.131370830e+01, v4;
	v4 =	vld [tilespmem:s13+$0xFFFFFFE0]  }
0x199: {  	[tilespmem:s13+$0xFFFFFF80] =	vst v2;
	v1 =	vmul.f32 $1.131370830e+01, v1;
	v2 =	vld [tilespmem:s13+$0xFFFFFFF0]  }
0x19a: {  	[tilespmem:s13+$0xFFFFFF90] =	vst v0;
	v0 =	vmul.f32 $1.131370830e+01, v5;
	v5 =	vld [tilespmem:s13+$0x0]  }
0x19b: {  	[tilespmem:s13+$0xFFFFFFA0] =	vst v1;
	v1 =	vmul.f32 $1.131370830e+01, v6;
	v6 =	vld [tilespmem:s13+$0x10]  }
0x19c: {  	[tilespmem:s13+$0xFFFFFFB0] =	vst v0;
	v0 =	vmul.f32 $1.131370830e+01, v3;
	v3 =	vld [tilespmem:s13+$0x20]  }
0x19d: {  	[tilespmem:s13+$0xFFFFFFC0] =	vst v1;
	v1 =	vmul.f32 $1.131370830e+01, v4;
	v4 =	vld [tilespmem:s13+$0x30]  }
0x19e: {  	[tilespmem:s13+$0xFFFFFFD0] =	vst v0;
	v0 =	vmul.f32 $1.131370830e+01, v2;
	v2 =	vld [tilespmem:s13+$0x40]  }
0x19f: {  	[tilespmem:s13+$0xFFFFFFE0] =	vst v1;
	v1 =	vmul.f32 $1.131370830e+01, v5;
	v5 =	vld [tilespmem:s13+$0x50]  }
0x1a0: {  	[tilespmem:s13+$0xFFFFFFF0] =	vst v0;
	v0 =	vmul.f32 $1.131370830e+01, v6;
	v6 =	vld [tilespmem:s13+$0x60]  }
0x1a1: {  	[tilespmem:s13+$0x0] =	vst v1;
	v1 =	vmul.f32 $1.131370830e+01, v3;
	v3 =	vld [tilespmem:s13+$0x70]  }
0x1a2: {  	[tilespmem:s13+$0x10] =	vst v0;
	v0 =	vmul.f32 $1.131370830e+01, v4;
	v4 =	vld [tilespmem:s13+$0x80]  }
0x1a3: {  	[tilespmem:s13+$0x20] =	vst v1;
	v1 =	vmul.f32 $1.131370830e+01, v2;
	v7 =	vld [tilespmem:s13+$0x90]  }
0x1a4: {  	[tilespmem:s13+$0x30] =	vst v0;
	v2 =	vmul.f32 $1.131370830e+01, v5;
	v8 =	vld [tilespmem:s13+$0xA0]  }
.Ltmp4:
0x1a5: {  	[tilespmem:s13+$0x40] =	vst v1;
	v5 =	vmul.f32 $1.131370830e+01, v6;
	v0 =	vld [tilespmem:s13+$0xB0];
	(pc) =	sbr.rel @p0 .LBB2_10-.Ltmp4, $4  }
0x1a6: {  	[tilespmem:s13+$0x50] =	vst v2;
	v3 =	vmul.f32 $1.131370830e+01, v3;
	v1 =	vld [tilespmem:s13+$0xC0]  }
0x1a7: {  	[tilespmem:s13+$0x60] =	vst v5;
	v6 =	vmul.f32 $1.131370830e+01, v4;
	v2 =	vld [tilespmem:s13+$0xD0]  }
0x1a8: {  	[tilespmem:s13+$0x70] =	vst v3;
	v5 =	vmul.f32 $1.131370830e+01, v7;
	v3 =	vld [tilespmem:s13+$0xE0]  }
0x1a9: {  	s13 =	sadd.s32 $0x200, s13;
	v4 =	vld [tilespmem:s7+$0xFFFFFF00];
	[tilespmem:s7+$0x80] =	vst v6;
	v6 =	vmul.f32 $1.131370830e+01, v8  }
0x1aa: {  	[tilespmem:s7+$0x90] =	vst v5;
	v0 =	vmul.f32 $1.131370830e+01, v0  }
0x1ab: {  	[tilespmem:s7+$0xA0] =	vst v6;
	v1 =	vmul.f32 $1.131370830e+01, v1  }
0x1ac: {  	[tilespmem:s7+$0xB0] =	vst v0;
	v0 =	vmul.f32 $1.131370830e+01, v2  }
0x1ad: {  	[tilespmem:s7+$0xC0] =	vst v1;
	v1 =	vmul.f32 $1.131370830e+01, v3  }
0x1ae: {  	v2 =	vmul.f32 $1.131370830e+01, v4;
	[tilespmem:s7+$0xD0] =	vst v0  }
0x1af: {  	[tilespmem:s7+$0xE0] =	vst v1  }
0x1b0: {  	[tilespmem:s7+$0xFFFFFF00] =	vst v2  }
0x1b1: {  	s7 =	rddreg [dreg:$0x9]  }
0x1b2: {  	[hbm4b:s7+s4] =	stream.linear.scatter [tilespmem:s2], [sflag:$0xB], $0x4000, $0x38;
	[tilespmem:$0x1E400] =	vst v63  }
0x1b3: {  	_ =	swait.ge [sflag:s15], $0x4000  }
0x1b4: {  	[sflag:s15] =	ssyncset.done $0x0  }
0x1b5: {  	[sflag:s15] =	ssyncadd.s32 $0xFFFFC000  }
0x1b6: {  	_ =	swait.ge [sflag:s16], $0x4000  }
0x1b7: {  	[sflag:s16] =	ssyncset.done $0x0  }
0x1b8: {  	s24 =	simm.s32 $0x400;
	s7 =	simm.s32 $0x1A500;
	[sflag:s16] =	ssyncadd.s32 $0xFFFFC000  }
0x1b9: {  	[tilespmem:s30], [sflag:$0x3] =	stream.indirect.gather [hbm4b:s1+s25], $0x80, s24, s25, $0xb8;
	[tilespmem:$0x1E400] =	vst v63  }
0x1ba: {  	v0 =	vld [tilespmem:s7+$0xF0]  }
0x1bb: {  	v1 =	vld [tilespmem:s7+$0xFFFFFF10]  }
0x1bc: {  	v2 =	vld [tilespmem:s7+$0xFFFFFF20]  }
0x1bd: {  	v3 =	vld [tilespmem:s7+$0xFFFFFF30]  }
0x1be: {  	v6 =	vld [tilespmem:s7+$0xFFFFFF60]  }
0x1bf: {  	v4 =	vld [tilespmem:s7+$0xFFFFFF40]  }
0x1c0: {  	v5 =	vld [tilespmem:s7+$0xFFFFFF50];
	v0 =	vmul.f32 $1.131370830e+01, v0  }
0x1c1: {  	v8 =	vld [tilespmem:s7+$0xFFFFFF80];
	v1 =	vmul.f32 $1.131370830e+01, v1  }
0x1c2: {  	v7 =	vld [tilespmem:s7+$0xFFFFFF70];
	v2 =	vmul.f32 $1.131370830e+01, v2;
	[tilespmem:s7+$0xF0] =	vst v0  }
0x1c3: {  	v6 =	vmul.f32 $1.131370830e+01, v6;
	v0 =	vld [tilespmem:s7+$0xFFFFFF90];
	[tilespmem:s7+$0xFFFFFF10] =	vst v1  }
0x1c4: {  	v1 =	vmul.f32 $1.131370830e+01, v3;
	v3 =	vld [tilespmem:s7+$0xFFFFFFA0];
	[tilespmem:s7+$0xFFFFFF20] =	vst v2;
	v2 =	vmul.f32 $1.131370830e+01, v4  }
0x1c5: {  	[tilespmem:s7+$0xFFFFFF60] =	vst v6;
	v6 =	vld [tilespmem:s7+$0xFFFFFFF0]  }
0x1c6: {  	v4 =	vld [tilespmem:s7+$0xFFFFFFB0];
	[tilespmem:s7+$0xFFFFFF40] =	vst v2;
	v2 =	vmul.f32 $1.131370830e+01, v8  }
0x1c7: {  	[tilespmem:s7+$0xFFFFFF30] =	vst v1;
	v1 =	vmul.f32 $1.131370830e+01, v5;
	v5 =	vld [tilespmem:s7+$0xFFFFFFC0]  }
0x1c8: {  	v8 =	vld [tilespmem:s7+$0xFFFFFFD0];
	[tilespmem:s7+$0xFFFFFF80] =	vst v2;
	v2 =	vmul.f32 $1.131370830e+01, v7  }
0x1c9: {  	[tilespmem:s7+$0xFFFFFF50] =	vst v1;
	v1 =	vld [tilespmem:s7+$0xFFFFFFE0];
	v0 =	vmul.f32 $1.131370830e+01, v0  }
0x1ca: {  	v7 =	vld [tilespmem:s7+$0x30];
	v6 =	vmul.f32 $1.131370830e+01, v6;
	[tilespmem:s7+$0xFFFFFF70] =	vst v2  }
0x1cb: {  	v2 =	vmul.f32 $1.131370830e+01, v3;
	v3 =	vld [tilespmem:s7+$0x0];
	[tilespmem:s7+$0xFFFFFF90] =	vst v0  }
0x1cc: {  	v0 =	vmul.f32 $1.131370830e+01, v4;
	v4 =	vld [tilespmem:s7+$0x10];
	[tilespmem:s7+$0xFFFFFFF0] =	vst v6  }
0x1cd: {  	[tilespmem:s7+$0xFFFFFFA0] =	vst v2;
	v2 =	vmul.f32 $1.131370830e+01, v5;
	v5 =	vld [tilespmem:s7+$0x20]  }
0x1ce: {  	v6 =	vld [tilespmem:s7+$0x80];
	[tilespmem:s7+$0xFFFFFFB0] =	vst v0;
	v0 =	vmul.f32 $1.131370830e+01, v8  }
0x1cf: {  	v1 =	vmul.f32 $1.131370830e+01, v1;
	[tilespmem:s7+$0xFFFFFFC0] =	vst v2;
	v2 =	vld [tilespmem:s7+$0x40]  }
0x1d0: {  	[tilespmem:s7+$0xFFFFFFD0] =	vst v0;
	v0 =	vmul.f32 $1.131370830e+01, v3  }
0x1d1: {  	v3 =	vld [tilespmem:s7+$0x50];
	[tilespmem:s7+$0xFFFFFFE0] =	vst v1;
	v4 =	vmul.f32 $1.131370830e+01, v4  }
0x1d2: {  	v1 =	vld [tilespmem:s7+$0x60];
	[tilespmem:s7+$0x0] =	vst v0;
	v0 =	vmul.f32 $1.131370830e+01, v5  }
0x1d3: {  	v6 =	vmul.f32 $1.131370830e+01, v6;
	v5 =	vld [tilespmem:s7+$0x70];
	[tilespmem:s7+$0x10] =	vst v4  }
0x1d4: {  	v4 =	vmul.f32 $1.131370830e+01, v7;
	v7 =	vld [tilespmem:s7+$0x90];
	[tilespmem:s7+$0x20] =	vst v0;
	v0 =	vmul.f32 $1.131370830e+01, v2  }
0x1d5: {  	v8 =	vld [tilespmem:s7+$0xA0];
	[tilespmem:s7+$0x80] =	vst v6  }
0x1d6: {  	v2 =	vmul.f32 $1.131370830e+01, v3;
	[tilespmem:s7+$0x40] =	vst v0;
	v0 =	vld [tilespmem:s7+$0xB0]  }
0x1d7: {  	[tilespmem:s7+$0x30] =	vst v4;
	v3 =	vmul.f32 $1.131370830e+01, v1;
	v1 =	vld [tilespmem:s7+$0xC0]  }
0x1d8: {  	[tilespmem:s7+$0x50] =	vst v2;
	v4 =	vmul.f32 $1.131370830e+01, v5;
	v2 =	vld [tilespmem:s7+$0xD0]  }
0x1d9: {  	[tilespmem:s7+$0x60] =	vst v3;
	v3 =	vld [tilespmem:s7+$0xE0];
	v5 =	vmul.f32 $1.131370830e+01, v7  }
0x1da: {  	s20 =	simm.s32 $0x0;
	s13 =	simm.s32 $0x1A700;
	v6 =	vmul.f32 $1.131370830e+01, v8;
	[tilespmem:s7+$0x70] =	vst v4;
	v4 =	vld [tilespmem:s7+$0xFFFFFF00]  }
.LBB2_12:
0x1db: {  	v7 =	vld [tilespmem:s13+$0xF0];
	s20 =	sadd.s32 $0x4, s20;
	[tilespmem:s7+$0x90] =	vst v5;
	v0 =	vmul.f32 $1.131370830e+01, v0  }
0x1dc: {  	v5 =	vld [tilespmem:s13+$0xFFFFFF10];
	p0 =	slt.u32 s20, $0x7C;
	[tilespmem:s7+$0xA0] =	vst v6;
	v1 =	vmul.f32 $1.131370830e+01, v1  }
0x1dd: {  	v6 =	vld [tilespmem:s13+$0xFFFFFF20];
	[tilespmem:s7+$0xB0] =	vst v0;
	v0 =	vmul.f32 $1.131370830e+01, v2  }
0x1de: {  	v2 =	vld [tilespmem:s13+$0xFFFFFF30];
	[tilespmem:s7+$0xC0] =	vst v1;
	v1 =	vmul.f32 $1.131370830e+01, v3  }
0x1df: {  	v3 =	vld [tilespmem:s13+$0xFFFFFF40];
	v4 =	vmul.f32 $1.131370830e+01, v4;
	[tilespmem:s7+$0xD0] =	vst v0  }
0x1e0: {  	v0 =	vld [tilespmem:s13+$0xFFFFFF50];
	v7 =	vmul.f32 $1.131370830e+01, v7;
	[tilespmem:s7+$0xE0] =	vst v1  }
0x1e1: {  	v1 =	vmul.f32 $1.131370830e+01, v5;
	v5 =	vld [tilespmem:s13+$0xFFFFFF60];
	[tilespmem:s7+$0xFFFFFF00] =	vst v4;
	s7 =	smov.u32 s13  }
0x1e2: {  	v4 =	vmul.f32 $1.131370830e+01, v6;
	v6 =	vld [tilespmem:s13+$0xFFFFFF70];
	[tilespmem:s13+$0xF0] =	vst v7  }
0x1e3: {  	[tilespmem:s13+$0xFFFFFF10] =	vst v1;
	v1 =	vmul.f32 $1.131370830e+01, v2;
	v2 =	vld [tilespmem:s13+$0xFFFFFF80]  }
0x1e4: {  	[tilespmem:s13+$0xFFFFFF20] =	vst v4;
	v3 =	vmul.f32 $1.131370830e+01, v3;
	v4 =	vld [tilespmem:s13+$0xFFFFFF90]  }
0x1e5: {  	[tilespmem:s13+$0xFFFFFF30] =	vst v1;
	v0 =	vmul.f32 $1.131370830e+01, v0;
	v1 =	vld [tilespmem:s13+$0xFFFFFFA0]  }
0x1e6: {  	[tilespmem:s13+$0xFFFFFF40] =	vst v3;
	v3 =	vmul.f32 $1.131370830e+01, v5;
	v5 =	vld [tilespmem:s13+$0xFFFFFFB0]  }
0x1e7: {  	[tilespmem:s13+$0xFFFFFF50] =	vst v0;
	v0 =	vmul.f32 $1.131370830e+01, v6;
	v6 =	vld [tilespmem:s13+$0xFFFFFFC0]  }
0x1e8: {  	[tilespmem:s13+$0xFFFFFF60] =	vst v3;
	v2 =	vmul.f32 $1.131370830e+01, v2;
	v3 =	vld [tilespmem:s13+$0xFFFFFFD0]  }
0x1e9: {  	[tilespmem:s13+$0xFFFFFF70] =	vst v0;
	v0 =	vmul.f32 $1.131370830e+01, v4;
	v4 =	vld [tilespmem:s13+$0xFFFFFFE0]  }
0x1ea: {  	[tilespmem:s13+$0xFFFFFF80] =	vst v2;
	v1 =	vmul.f32 $1.131370830e+01, v1;
	v2 =	vld [tilespmem:s13+$0xFFFFFFF0]  }
0x1eb: {  	[tilespmem:s13+$0xFFFFFF90] =	vst v0;
	v0 =	vmul.f32 $1.131370830e+01, v5;
	v5 =	vld [tilespmem:s13+$0x0]  }
0x1ec: {  	[tilespmem:s13+$0xFFFFFFA0] =	vst v1;
	v1 =	vmul.f32 $1.131370830e+01, v6;
	v6 =	vld [tilespmem:s13+$0x10]  }
0x1ed: {  	[tilespmem:s13+$0xFFFFFFB0] =	vst v0;
	v0 =	vmul.f32 $1.131370830e+01, v3;
	v3 =	vld [tilespmem:s13+$0x20]  }
0x1ee: {  	[tilespmem:s13+$0xFFFFFFC0] =	vst v1;
	v1 =	vmul.f32 $1.131370830e+01, v4;
	v4 =	vld [tilespmem:s13+$0x30]  }
0x1ef: {  	[tilespmem:s13+$0xFFFFFFD0] =	vst v0;
	v0 =	vmul.f32 $1.131370830e+01, v2;
	v2 =	vld [tilespmem:s13+$0x40]  }
0x1f0: {  	[tilespmem:s13+$0xFFFFFFE0] =	vst v1;
	v1 =	vmul.f32 $1.131370830e+01, v5;
	v5 =	vld [tilespmem:s13+$0x50]  }
0x1f1: {  	[tilespmem:s13+$0xFFFFFFF0] =	vst v0;
	v0 =	vmul.f32 $1.131370830e+01, v6;
	v6 =	vld [tilespmem:s13+$0x60]  }
0x1f2: {  	[tilespmem:s13+$0x0] =	vst v1;
	v1 =	vmul.f32 $1.131370830e+01, v3;
	v3 =	vld [tilespmem:s13+$0x70]  }
0x1f3: {  	[tilespmem:s13+$0x10] =	vst v0;
	v0 =	vmul.f32 $1.131370830e+01, v4;
	v4 =	vld [tilespmem:s13+$0x80]  }
0x1f4: {  	[tilespmem:s13+$0x20] =	vst v1;
	v1 =	vmul.f32 $1.131370830e+01, v2;
	v7 =	vld [tilespmem:s13+$0x90]  }
0x1f5: {  	[tilespmem:s13+$0x30] =	vst v0;
	v2 =	vmul.f32 $1.131370830e+01, v5;
	v8 =	vld [tilespmem:s13+$0xA0]  }
.Ltmp5:
0x1f6: {  	[tilespmem:s13+$0x40] =	vst v1;
	v5 =	vmul.f32 $1.131370830e+01, v6;
	v0 =	vld [tilespmem:s13+$0xB0];
	(pc) =	sbr.rel @p0 .LBB2_12-.Ltmp5, $4  }
0x1f7: {  	[tilespmem:s13+$0x50] =	vst v2;
	v3 =	vmul.f32 $1.131370830e+01, v3;
	v1 =	vld [tilespmem:s13+$0xC0]  }
0x1f8: {  	[tilespmem:s13+$0x60] =	vst v5;
	v6 =	vmul.f32 $1.131370830e+01, v4;
	v2 =	vld [tilespmem:s13+$0xD0]  }
0x1f9: {  	[tilespmem:s13+$0x70] =	vst v3;
	v5 =	vmul.f32 $1.131370830e+01, v7;
	v3 =	vld [tilespmem:s13+$0xE0]  }
0x1fa: {  	s13 =	sadd.s32 $0x200, s13;
	v4 =	vld [tilespmem:s7+$0xFFFFFF00];
	[tilespmem:s7+$0x80] =	vst v6;
	v6 =	vmul.f32 $1.131370830e+01, v8  }
0x1fb: {  	[tilespmem:s7+$0x90] =	vst v5;
	v0 =	vmul.f32 $1.131370830e+01, v0  }
0x1fc: {  	[tilespmem:s7+$0xA0] =	vst v6;
	v1 =	vmul.f32 $1.131370830e+01, v1  }
0x1fd: {  	[tilespmem:s7+$0xB0] =	vst v0;
	v61 =	vmul.f32 $1.131370830e+01, v2  }
0x1fe: {  	[tilespmem:s7+$0xC0] =	vst v1;
	v62 =	vmul.f32 $1.131370830e+01, v3  }
0x1ff: {  	v63 =	vmul.f32 $1.131370830e+01, v4;
	[tilespmem:s7+$0xD0] =	vst v61  }
0x200: {  	[tilespmem:s7+$0xE0] =	vst v62  }
0x201: {  	[tilespmem:s7+$0xFFFFFF00] =	vst v63  }
0x202: {  	s21 =	simm.s32 $0x1;
	s7 =	rddreg [dreg:$0xa]  }
0x203: {  	[hbm4b:s7+s4] =	stream.linear.scatter [tilespmem:s8], [sflag:$0xC], $0x4000, $0x38;
	[tilespmem:$0x1E400] =	vst v63  }
.LBB2_14:
0x204: {  	_ =	swait.ge [sflag:s31], $0x4000  }
0x205: {  	s24 =	smul.u32 $0x6, s21;
	[sflag:s31] =	ssyncset.done $0x0  }
0x206: {  	[sflag:s31] =	ssyncadd.s32 $0xFFFFC000  }
0x207: {  	s22 =	sadd.s32 $0x3, s24;
	_ =	swait.ge [sflag:s17], $0x4000  }
0x208: {  	s7 =	sshll.u32 s22, $0x7;
	[sflag:s17] =	ssyncset.done $0x0  }
0x209: {  	s7 =	sand.u32 $0x3FFFFF80, s7;
	[sflag:s17] =	ssyncadd.s32 $0xFFFFC000  }
0x20a: {  	[tilespmem:s0], [sflag:$0x4] =	stream.indirect.gather [hbm4b:s1+s25], $0x80, s7, s25, $0xb8;
	[tilespmem:$0x1E400] =	vst v63  }
0x20b: {  	s7 =	simm.s32 $0x6500  }
0x20c: {  	v0 =	vld [tilespmem:s7+$0xF0]  }
0x20d: {  	v1 =	vld [tilespmem:s7+$0xFFFFFF10]  }
0x20e: {  	v2 =	vld [tilespmem:s7+$0xFFFFFF20]  }
0x20f: {  	v3 =	vld [tilespmem:s7+$0xFFFFFF30]  }
0x210: {  	v6 =	vld [tilespmem:s7+$0xFFFFFF60]  }
0x211: {  	v4 =	vld [tilespmem:s7+$0xFFFFFF40]  }
0x212: {  	v5 =	vld [tilespmem:s7+$0xFFFFFF50];
	v0 =	vmul.f32 $1.131370830e+01, v0  }
0x213: {  	v8 =	vld [tilespmem:s7+$0xFFFFFF80];
	v1 =	vmul.f32 $1.131370830e+01, v1  }
0x214: {  	v7 =	vld [tilespmem:s7+$0xFFFFFF70];
	v2 =	vmul.f32 $1.131370830e+01, v2;
	[tilespmem:s7+$0xF0] =	vst v0  }
0x215: {  	v6 =	vmul.f32 $1.131370830e+01, v6;
	v0 =	vld [tilespmem:s7+$0xFFFFFF90];
	[tilespmem:s7+$0xFFFFFF10] =	vst v1  }
0x216: {  	v1 =	vmul.f32 $1.131370830e+01, v3;
	v3 =	vld [tilespmem:s7+$0xFFFFFFA0];
	[tilespmem:s7+$0xFFFFFF20] =	vst v2;
	v2 =	vmul.f32 $1.131370830e+01, v4  }
0x217: {  	[tilespmem:s7+$0xFFFFFF60] =	vst v6;
	v6 =	vld [tilespmem:s7+$0xFFFFFFF0]  }
0x218: {  	v4 =	vld [tilespmem:s7+$0xFFFFFFB0];
	[tilespmem:s7+$0xFFFFFF40] =	vst v2;
	v2 =	vmul.f32 $1.131370830e+01, v8  }
0x219: {  	[tilespmem:s7+$0xFFFFFF30] =	vst v1;
	v1 =	vmul.f32 $1.131370830e+01, v5;
	v5 =	vld [tilespmem:s7+$0xFFFFFFC0]  }
0x21a: {  	v8 =	vld [tilespmem:s7+$0xFFFFFFD0];
	[tilespmem:s7+$0xFFFFFF80] =	vst v2;
	v2 =	vmul.f32 $1.131370830e+01, v7  }
0x21b: {  	[tilespmem:s7+$0xFFFFFF50] =	vst v1;
	v1 =	vld [tilespmem:s7+$0xFFFFFFE0];
	v0 =	vmul.f32 $1.131370830e+01, v0  }
0x21c: {  	v7 =	vld [tilespmem:s7+$0x30];
	v6 =	vmul.f32 $1.131370830e+01, v6;
	[tilespmem:s7+$0xFFFFFF70] =	vst v2  }
0x21d: {  	v2 =	vmul.f32 $1.131370830e+01, v3;
	v3 =	vld [tilespmem:s7+$0x0];
	[tilespmem:s7+$0xFFFFFF90] =	vst v0  }
0x21e: {  	v0 =	vmul.f32 $1.131370830e+01, v4;
	v4 =	vld [tilespmem:s7+$0x10];
	[tilespmem:s7+$0xFFFFFFF0] =	vst v6  }
0x21f: {  	[tilespmem:s7+$0xFFFFFFA0] =	vst v2;
	v2 =	vmul.f32 $1.131370830e+01, v5;
	v5 =	vld [tilespmem:s7+$0x20]  }
0x220: {  	v6 =	vld [tilespmem:s7+$0x80];
	[tilespmem:s7+$0xFFFFFFB0] =	vst v0;
	v0 =	vmul.f32 $1.131370830e+01, v8  }
0x221: {  	v1 =	vmul.f32 $1.131370830e+01, v1;
	[tilespmem:s7+$0xFFFFFFC0] =	vst v2;
	v2 =	vld [tilespmem:s7+$0x40]  }
0x222: {  	[tilespmem:s7+$0xFFFFFFD0] =	vst v0;
	v0 =	vmul.f32 $1.131370830e+01, v3  }
0x223: {  	v3 =	vld [tilespmem:s7+$0x50];
	[tilespmem:s7+$0xFFFFFFE0] =	vst v1;
	v4 =	vmul.f32 $1.131370830e+01, v4  }
0x224: {  	v1 =	vld [tilespmem:s7+$0x60];
	[tilespmem:s7+$0x0] =	vst v0;
	v0 =	vmul.f32 $1.131370830e+01, v5  }
0x225: {  	v6 =	vmul.f32 $1.131370830e+01, v6;
	v5 =	vld [tilespmem:s7+$0x70];
	[tilespmem:s7+$0x10] =	vst v4  }
0x226: {  	v4 =	vmul.f32 $1.131370830e+01, v7;
	v7 =	vld [tilespmem:s7+$0x90];
	[tilespmem:s7+$0x20] =	vst v0;
	v0 =	vmul.f32 $1.131370830e+01, v2  }
0x227: {  	v8 =	vld [tilespmem:s7+$0xA0];
	[tilespmem:s7+$0x80] =	vst v6  }
0x228: {  	v2 =	vmul.f32 $1.131370830e+01, v3;
	[tilespmem:s7+$0x40] =	vst v0;
	v0 =	vld [tilespmem:s7+$0xB0]  }
0x229: {  	[tilespmem:s7+$0x30] =	vst v4;
	v3 =	vmul.f32 $1.131370830e+01, v1;
	v1 =	vld [tilespmem:s7+$0xC0]  }
0x22a: {  	[tilespmem:s7+$0x50] =	vst v2;
	v4 =	vmul.f32 $1.131370830e+01, v5;
	v2 =	vld [tilespmem:s7+$0xD0]  }
0x22b: {  	[tilespmem:s7+$0x60] =	vst v3;
	v3 =	vld [tilespmem:s7+$0xE0];
	v5 =	vmul.f32 $1.131370830e+01, v7  }
0x22c: {  	s20 =	simm.s32 $0x0;
	s13 =	simm.s32 $0x6700;
	v6 =	vmul.f32 $1.131370830e+01, v8;
	[tilespmem:s7+$0x70] =	vst v4;
	v4 =	vld [tilespmem:s7+$0xFFFFFF00]  }
.LBB2_15:
0x22d: {  	v7 =	vld [tilespmem:s13+$0xF0];
	s20 =	sadd.s32 $0x4, s20;
	[tilespmem:s7+$0x90] =	vst v5;
	v0 =	vmul.f32 $1.131370830e+01, v0  }
0x22e: {  	v5 =	vld [tilespmem:s13+$0xFFFFFF10];
	p0 =	slt.u32 s20, $0x7C;
	[tilespmem:s7+$0xA0] =	vst v6;
	v1 =	vmul.f32 $1.131370830e+01, v1  }
0x22f: {  	v6 =	vld [tilespmem:s13+$0xFFFFFF20];
	[tilespmem:s7+$0xB0] =	vst v0;
	v0 =	vmul.f32 $1.131370830e+01, v2  }
0x230: {  	v2 =	vld [tilespmem:s13+$0xFFFFFF30];
	[tilespmem:s7+$0xC0] =	vst v1;
	v1 =	vmul.f32 $1.131370830e+01, v3  }
0x231: {  	v3 =	vld [tilespmem:s13+$0xFFFFFF40];
	v4 =	vmul.f32 $1.131370830e+01, v4;
	[tilespmem:s7+$0xD0] =	vst v0  }
0x232: {  	v0 =	vld [tilespmem:s13+$0xFFFFFF50];
	v7 =	vmul.f32 $1.131370830e+01, v7;
	[tilespmem:s7+$0xE0] =	vst v1  }
0x233: {  	v1 =	vmul.f32 $1.131370830e+01, v5;
	v5 =	vld [tilespmem:s13+$0xFFFFFF60];
	[tilespmem:s7+$0xFFFFFF00] =	vst v4;
	s7 =	smov.u32 s13  }
0x234: {  	v4 =	vmul.f32 $1.131370830e+01, v6;
	v6 =	vld [tilespmem:s13+$0xFFFFFF70];
	[tilespmem:s13+$0xF0] =	vst v7  }
0x235: {  	[tilespmem:s13+$0xFFFFFF10] =	vst v1;
	v1 =	vmul.f32 $1.131370830e+01, v2;
	v2 =	vld [tilespmem:s13+$0xFFFFFF80]  }
0x236: {  	[tilespmem:s13+$0xFFFFFF20] =	vst v4;
	v3 =	vmul.f32 $1.131370830e+01, v3;
	v4 =	vld [tilespmem:s13+$0xFFFFFF90]  }
0x237: {  	[tilespmem:s13+$0xFFFFFF30] =	vst v1;
	v0 =	vmul.f32 $1.131370830e+01, v0;
	v1 =	vld [tilespmem:s13+$0xFFFFFFA0]  }
0x238: {  	[tilespmem:s13+$0xFFFFFF40] =	vst v3;
	v3 =	vmul.f32 $1.131370830e+01, v5;
	v5 =	vld [tilespmem:s13+$0xFFFFFFB0]  }
0x239: {  	[tilespmem:s13+$0xFFFFFF50] =	vst v0;
	v0 =	vmul.f32 $1.131370830e+01, v6;
	v6 =	vld [tilespmem:s13+$0xFFFFFFC0]  }
0x23a: {  	[tilespmem:s13+$0xFFFFFF60] =	vst v3;
	v2 =	vmul.f32 $1.131370830e+01, v2;
	v3 =	vld [tilespmem:s13+$0xFFFFFFD0]  }
0x23b: {  	[tilespmem:s13+$0xFFFFFF70] =	vst v0;
	v0 =	vmul.f32 $1.131370830e+01, v4;
	v4 =	vld [tilespmem:s13+$0xFFFFFFE0]  }
0x23c: {  	[tilespmem:s13+$0xFFFFFF80] =	vst v2;
	v1 =	vmul.f32 $1.131370830e+01, v1;
	v2 =	vld [tilespmem:s13+$0xFFFFFFF0]  }
0x23d: {  	[tilespmem:s13+$0xFFFFFF90] =	vst v0;
	v0 =	vmul.f32 $1.131370830e+01, v5;
	v5 =	vld [tilespmem:s13+$0x0]  }
0x23e: {  	[tilespmem:s13+$0xFFFFFFA0] =	vst v1;
	v1 =	vmul.f32 $1.131370830e+01, v6;
	v6 =	vld [tilespmem:s13+$0x10]  }
0x23f: {  	[tilespmem:s13+$0xFFFFFFB0] =	vst v0;
	v0 =	vmul.f32 $1.131370830e+01, v3;
	v3 =	vld [tilespmem:s13+$0x20]  }
0x240: {  	[tilespmem:s13+$0xFFFFFFC0] =	vst v1;
	v1 =	vmul.f32 $1.131370830e+01, v4;
	v4 =	vld [tilespmem:s13+$0x30]  }
0x241: {  	[tilespmem:s13+$0xFFFFFFD0] =	vst v0;
	v0 =	vmul.f32 $1.131370830e+01, v2;
	v2 =	vld [tilespmem:s13+$0x40]  }
0x242: {  	[tilespmem:s13+$0xFFFFFFE0] =	vst v1;
	v1 =	vmul.f32 $1.131370830e+01, v5;
	v5 =	vld [tilespmem:s13+$0x50]  }
0x243: {  	[tilespmem:s13+$0xFFFFFFF0] =	vst v0;
	v0 =	vmul.f32 $1.131370830e+01, v6;
	v6 =	vld [tilespmem:s13+$0x60]  }
0x244: {  	[tilespmem:s13+$0x0] =	vst v1;
	v1 =	vmul.f32 $1.131370830e+01, v3;
	v3 =	vld [tilespmem:s13+$0x70]  }
0x245: {  	[tilespmem:s13+$0x10] =	vst v0;
	v0 =	vmul.f32 $1.131370830e+01, v4;
	v4 =	vld [tilespmem:s13+$0x80]  }
0x246: {  	[tilespmem:s13+$0x20] =	vst v1;
	v1 =	vmul.f32 $1.131370830e+01, v2;
	v7 =	vld [tilespmem:s13+$0x90]  }
0x247: {  	[tilespmem:s13+$0x30] =	vst v0;
	v2 =	vmul.f32 $1.131370830e+01, v5;
	v8 =	vld [tilespmem:s13+$0xA0]  }
.Ltmp6:
0x248: {  	[tilespmem:s13+$0x40] =	vst v1;
	v5 =	vmul.f32 $1.131370830e+01, v6;
	v0 =	vld [tilespmem:s13+$0xB0];
	(pc) =	sbr.rel @p0 .LBB2_15-.Ltmp6, $4  }
0x249: {  	[tilespmem:s13+$0x50] =	vst v2;
	v3 =	vmul.f32 $1.131370830e+01, v3;
	v1 =	vld [tilespmem:s13+$0xC0]  }
0x24a: {  	[tilespmem:s13+$0x60] =	vst v5;
	v6 =	vmul.f32 $1.131370830e+01, v4;
	v2 =	vld [tilespmem:s13+$0xD0]  }
0x24b: {  	[tilespmem:s13+$0x70] =	vst v3;
	v5 =	vmul.f32 $1.131370830e+01, v7;
	v3 =	vld [tilespmem:s13+$0xE0]  }
0x24c: {  	s13 =	sadd.s32 $0x200, s13;
	v4 =	vld [tilespmem:s7+$0xFFFFFF00];
	[tilespmem:s7+$0x80] =	vst v6;
	v6 =	vmul.f32 $1.131370830e+01, v8  }
0x24d: {  	[tilespmem:s7+$0x90] =	vst v5;
	v0 =	vmul.f32 $1.131370830e+01, v0  }
0x24e: {  	[tilespmem:s7+$0xA0] =	vst v6;
	v1 =	vmul.f32 $1.131370830e+01, v1  }
0x24f: {  	[tilespmem:s7+$0xB0] =	vst v0;
	v0 =	vmul.f32 $1.131370830e+01, v2  }
0x250: {  	s13 =	sadd.s32 s5, s24;
	[tilespmem:s7+$0xC0] =	vst v1;
	v1 =	vmul.f32 $1.131370830e+01, v3  }
0x251: {  	s13 =	sshll.u32 s13, $0xB;
	v2 =	vmul.f32 $1.131370830e+01, v4;
	[tilespmem:s7+$0xD0] =	vst v0  }
0x252: {  	s13 =	sand.u32 $0x1FFFF000, s13;
	[tilespmem:s7+$0xE0] =	vst v1  }
0x253: {  	s14 =	sadd.s32 s3, s13;
	[tilespmem:s7+$0xFFFFFF00] =	vst v2  }
0x254: {  	[hbm4b:s14+s4] =	stream.linear.scatter [tilespmem:s26], [sflag:$0x7], $0x4000, $0x38;
	[tilespmem:$0x1E400] =	vst v63  }
0x255: {  	_ =	swait.ge [sflag:s29], $0x4000  }
0x256: {  	[sflag:s29] =	ssyncset.done $0x0  }
0x257: {  	[sflag:s29] =	ssyncadd.s32 $0xFFFFC000  }
0x258: {  	s23 =	sadd.s32 $0x4, s24;
	_ =	swait.ge [sflag:s18], $0x4000  }
0x259: {  	s20 =	sshll.u32 s23, $0x7;
	[sflag:s18] =	ssyncset.done $0x0  }
0x25a: {  	s7 =	sand.u32 $0x3FFFFF80, s20;
	[sflag:s18] =	ssyncadd.s32 $0xFFFFC000  }
0x25b: {  	[tilespmem:s2], [sflag:$0x5] =	stream.indirect.gather [hbm4b:s1+s25], $0x80, s7, s25, $0xb8;
	[tilespmem:$0x1E400] =	vst v63  }
0x25c: {  	s7 =	simm.s32 $0xA500  }
0x25d: {  	v0 =	vld [tilespmem:s7+$0xF0]  }
0x25e: {  	v1 =	vld [tilespmem:s7+$0xFFFFFF10]  }
0x25f: {  	v2 =	vld [tilespmem:s7+$0xFFFFFF20]  }
0x260: {  	v3 =	vld [tilespmem:s7+$0xFFFFFF30]  }
0x261: {  	v6 =	vld [tilespmem:s7+$0xFFFFFF60]  }
0x262: {  	v4 =	vld [tilespmem:s7+$0xFFFFFF40]  }
0x263: {  	v5 =	vld [tilespmem:s7+$0xFFFFFF50];
	v0 =	vmul.f32 $1.131370830e+01, v0  }
0x264: {  	v8 =	vld [tilespmem:s7+$0xFFFFFF80];
	v1 =	vmul.f32 $1.131370830e+01, v1  }
0x265: {  	v7 =	vld [tilespmem:s7+$0xFFFFFF70];
	v2 =	vmul.f32 $1.131370830e+01, v2;
	[tilespmem:s7+$0xF0] =	vst v0  }
0x266: {  	v6 =	vmul.f32 $1.131370830e+01, v6;
	v0 =	vld [tilespmem:s7+$0xFFFFFF90];
	[tilespmem:s7+$0xFFFFFF10] =	vst v1  }
0x267: {  	v1 =	vmul.f32 $1.131370830e+01, v3;
	v3 =	vld [tilespmem:s7+$0xFFFFFFA0];
	[tilespmem:s7+$0xFFFFFF20] =	vst v2;
	v2 =	vmul.f32 $1.131370830e+01, v4  }
0x268: {  	[tilespmem:s7+$0xFFFFFF60] =	vst v6;
	v6 =	vld [tilespmem:s7+$0xFFFFFFF0]  }
0x269: {  	v4 =	vld [tilespmem:s7+$0xFFFFFFB0];
	[tilespmem:s7+$0xFFFFFF40] =	vst v2;
	v2 =	vmul.f32 $1.131370830e+01, v8  }
0x26a: {  	[tilespmem:s7+$0xFFFFFF30] =	vst v1;
	v1 =	vmul.f32 $1.131370830e+01, v5;
	v5 =	vld [tilespmem:s7+$0xFFFFFFC0]  }
0x26b: {  	v8 =	vld [tilespmem:s7+$0xFFFFFFD0];
	[tilespmem:s7+$0xFFFFFF80] =	vst v2;
	v2 =	vmul.f32 $1.131370830e+01, v7  }
0x26c: {  	[tilespmem:s7+$0xFFFFFF50] =	vst v1;
	v1 =	vld [tilespmem:s7+$0xFFFFFFE0];
	v0 =	vmul.f32 $1.131370830e+01, v0  }
0x26d: {  	v7 =	vld [tilespmem:s7+$0x30];
	v6 =	vmul.f32 $1.131370830e+01, v6;
	[tilespmem:s7+$0xFFFFFF70] =	vst v2  }
0x26e: {  	v2 =	vmul.f32 $1.131370830e+01, v3;
	v3 =	vld [tilespmem:s7+$0x0];
	[tilespmem:s7+$0xFFFFFF90] =	vst v0  }
0x26f: {  	v0 =	vmul.f32 $1.131370830e+01, v4;
	v4 =	vld [tilespmem:s7+$0x10];
	[tilespmem:s7+$0xFFFFFFF0] =	vst v6  }
0x270: {  	[tilespmem:s7+$0xFFFFFFA0] =	vst v2;
	v2 =	vmul.f32 $1.131370830e+01, v5;
	v5 =	vld [tilespmem:s7+$0x20]  }
0x271: {  	v6 =	vld [tilespmem:s7+$0x80];
	[tilespmem:s7+$0xFFFFFFB0] =	vst v0;
	v0 =	vmul.f32 $1.131370830e+01, v8  }
0x272: {  	v1 =	vmul.f32 $1.131370830e+01, v1;
	[tilespmem:s7+$0xFFFFFFC0] =	vst v2;
	v2 =	vld [tilespmem:s7+$0x40]  }
0x273: {  	[tilespmem:s7+$0xFFFFFFD0] =	vst v0;
	v0 =	vmul.f32 $1.131370830e+01, v3  }
0x274: {  	v3 =	vld [tilespmem:s7+$0x50];
	[tilespmem:s7+$0xFFFFFFE0] =	vst v1;
	v4 =	vmul.f32 $1.131370830e+01, v4  }
0x275: {  	v1 =	vld [tilespmem:s7+$0x60];
	[tilespmem:s7+$0x0] =	vst v0;
	v0 =	vmul.f32 $1.131370830e+01, v5  }
0x276: {  	v6 =	vmul.f32 $1.131370830e+01, v6;
	v5 =	vld [tilespmem:s7+$0x70];
	[tilespmem:s7+$0x10] =	vst v4  }
0x277: {  	v4 =	vmul.f32 $1.131370830e+01, v7;
	v7 =	vld [tilespmem:s7+$0x90];
	[tilespmem:s7+$0x20] =	vst v0;
	v0 =	vmul.f32 $1.131370830e+01, v2  }
0x278: {  	v8 =	vld [tilespmem:s7+$0xA0];
	[tilespmem:s7+$0x80] =	vst v6  }
0x279: {  	v2 =	vmul.f32 $1.131370830e+01, v3;
	[tilespmem:s7+$0x40] =	vst v0;
	v0 =	vld [tilespmem:s7+$0xB0]  }
0x27a: {  	[tilespmem:s7+$0x30] =	vst v4;
	v3 =	vmul.f32 $1.131370830e+01, v1;
	v1 =	vld [tilespmem:s7+$0xC0]  }
0x27b: {  	[tilespmem:s7+$0x50] =	vst v2;
	v4 =	vmul.f32 $1.131370830e+01, v5;
	v2 =	vld [tilespmem:s7+$0xD0]  }
0x27c: {  	[tilespmem:s7+$0x60] =	vst v3;
	v3 =	vld [tilespmem:s7+$0xE0];
	v5 =	vmul.f32 $1.131370830e+01, v7  }
0x27d: {  	s13 =	simm.s32 $0xA700;
	s20 =	simm.s32 $0x0;
	v6 =	vmul.f32 $1.131370830e+01, v8;
	[tilespmem:s7+$0x70] =	vst v4;
	v4 =	vld [tilespmem:s7+$0xFFFFFF00]  }
.LBB2_17:
0x27e: {  	v7 =	vld [tilespmem:s13+$0xF0];
	s20 =	sadd.s32 $0x4, s20;
	[tilespmem:s7+$0x90] =	vst v5;
	v0 =	vmul.f32 $1.131370830e+01, v0  }
0x27f: {  	v5 =	vld [tilespmem:s13+$0xFFFFFF10];
	p0 =	slt.u32 s20, $0x7C;
	[tilespmem:s7+$0xA0] =	vst v6;
	v1 =	vmul.f32 $1.131370830e+01, v1  }
0x280: {  	v6 =	vld [tilespmem:s13+$0xFFFFFF20];
	[tilespmem:s7+$0xB0] =	vst v0;
	v0 =	vmul.f32 $1.131370830e+01, v2  }
0x281: {  	v2 =	vld [tilespmem:s13+$0xFFFFFF30];
	[tilespmem:s7+$0xC0] =	vst v1;
	v1 =	vmul.f32 $1.131370830e+01, v3  }
0x282: {  	v3 =	vld [tilespmem:s13+$0xFFFFFF40];
	v4 =	vmul.f32 $1.131370830e+01, v4;
	[tilespmem:s7+$0xD0] =	vst v0  }
0x283: {  	v0 =	vld [tilespmem:s13+$0xFFFFFF50];
	v7 =	vmul.f32 $1.131370830e+01, v7;
	[tilespmem:s7+$0xE0] =	vst v1  }
0x284: {  	v1 =	vmul.f32 $1.131370830e+01, v5;
	v5 =	vld [tilespmem:s13+$0xFFFFFF60];
	[tilespmem:s7+$0xFFFFFF00] =	vst v4;
	s7 =	smov.u32 s13  }
0x285: {  	v4 =	vmul.f32 $1.131370830e+01, v6;
	v6 =	vld [tilespmem:s13+$0xFFFFFF70];
	[tilespmem:s13+$0xF0] =	vst v7  }
0x286: {  	[tilespmem:s13+$0xFFFFFF10] =	vst v1;
	v1 =	vmul.f32 $1.131370830e+01, v2;
	v2 =	vld [tilespmem:s13+$0xFFFFFF80]  }
0x287: {  	[tilespmem:s13+$0xFFFFFF20] =	vst v4;
	v3 =	vmul.f32 $1.131370830e+01, v3;
	v4 =	vld [tilespmem:s13+$0xFFFFFF90]  }
0x288: {  	[tilespmem:s13+$0xFFFFFF30] =	vst v1;
	v0 =	vmul.f32 $1.131370830e+01, v0;
	v1 =	vld [tilespmem:s13+$0xFFFFFFA0]  }
0x289: {  	[tilespmem:s13+$0xFFFFFF40] =	vst v3;
	v3 =	vmul.f32 $1.131370830e+01, v5;
	v5 =	vld [tilespmem:s13+$0xFFFFFFB0]  }
0x28a: {  	[tilespmem:s13+$0xFFFFFF50] =	vst v0;
	v0 =	vmul.f32 $1.131370830e+01, v6;
	v6 =	vld [tilespmem:s13+$0xFFFFFFC0]  }
0x28b: {  	[tilespmem:s13+$0xFFFFFF60] =	vst v3;
	v2 =	vmul.f32 $1.131370830e+01, v2;
	v3 =	vld [tilespmem:s13+$0xFFFFFFD0]  }
0x28c: {  	[tilespmem:s13+$0xFFFFFF70] =	vst v0;
	v0 =	vmul.f32 $1.131370830e+01, v4;
	v4 =	vld [tilespmem:s13+$0xFFFFFFE0]  }
0x28d: {  	[tilespmem:s13+$0xFFFFFF80] =	vst v2;
	v1 =	vmul.f32 $1.131370830e+01, v1;
	v2 =	vld [tilespmem:s13+$0xFFFFFFF0]  }
0x28e: {  	[tilespmem:s13+$0xFFFFFF90] =	vst v0;
	v0 =	vmul.f32 $1.131370830e+01, v5;
	v5 =	vld [tilespmem:s13+$0x0]  }
0x28f: {  	[tilespmem:s13+$0xFFFFFFA0] =	vst v1;
	v1 =	vmul.f32 $1.131370830e+01, v6;
	v6 =	vld [tilespmem:s13+$0x10]  }
0x290: {  	[tilespmem:s13+$0xFFFFFFB0] =	vst v0;
	v0 =	vmul.f32 $1.131370830e+01, v3;
	v3 =	vld [tilespmem:s13+$0x20]  }
0x291: {  	[tilespmem:s13+$0xFFFFFFC0] =	vst v1;
	v1 =	vmul.f32 $1.131370830e+01, v4;
	v4 =	vld [tilespmem:s13+$0x30]  }
0x292: {  	[tilespmem:s13+$0xFFFFFFD0] =	vst v0;
	v0 =	vmul.f32 $1.131370830e+01, v2;
	v2 =	vld [tilespmem:s13+$0x40]  }
0x293: {  	[tilespmem:s13+$0xFFFFFFE0] =	vst v1;
	v1 =	vmul.f32 $1.131370830e+01, v5;
	v5 =	vld [tilespmem:s13+$0x50]  }
0x294: {  	[tilespmem:s13+$0xFFFFFFF0] =	vst v0;
	v0 =	vmul.f32 $1.131370830e+01, v6;
	v6 =	vld [tilespmem:s13+$0x60]  }
0x295: {  	[tilespmem:s13+$0x0] =	vst v1;
	v1 =	vmul.f32 $1.131370830e+01, v3;
	v3 =	vld [tilespmem:s13+$0x70]  }
0x296: {  	[tilespmem:s13+$0x10] =	vst v0;
	v0 =	vmul.f32 $1.131370830e+01, v4;
	v4 =	vld [tilespmem:s13+$0x80]  }
0x297: {  	[tilespmem:s13+$0x20] =	vst v1;
	v1 =	vmul.f32 $1.131370830e+01, v2;
	v7 =	vld [tilespmem:s13+$0x90]  }
0x298: {  	[tilespmem:s13+$0x30] =	vst v0;
	v2 =	vmul.f32 $1.131370830e+01, v5;
	v8 =	vld [tilespmem:s13+$0xA0]  }
.Ltmp7:
0x299: {  	[tilespmem:s13+$0x40] =	vst v1;
	v5 =	vmul.f32 $1.131370830e+01, v6;
	v0 =	vld [tilespmem:s13+$0xB0];
	(pc) =	sbr.rel @p0 .LBB2_17-.Ltmp7, $4  }
0x29a: {  	[tilespmem:s13+$0x50] =	vst v2;
	v3 =	vmul.f32 $1.131370830e+01, v3;
	v1 =	vld [tilespmem:s13+$0xC0]  }
0x29b: {  	[tilespmem:s13+$0x60] =	vst v5;
	v6 =	vmul.f32 $1.131370830e+01, v4;
	v2 =	vld [tilespmem:s13+$0xD0]  }
0x29c: {  	[tilespmem:s13+$0x70] =	vst v3;
	v5 =	vmul.f32 $1.131370830e+01, v7;
	v3 =	vld [tilespmem:s13+$0xE0]  }
0x29d: {  	s13 =	sadd.s32 $0x200, s13;
	v4 =	vld [tilespmem:s7+$0xFFFFFF00];
	[tilespmem:s7+$0x80] =	vst v6;
	v6 =	vmul.f32 $1.131370830e+01, v8  }
0x29e: {  	[tilespmem:s7+$0x90] =	vst v5;
	v0 =	vmul.f32 $1.131370830e+01, v0  }
0x29f: {  	[tilespmem:s7+$0xA0] =	vst v6;
	v1 =	vmul.f32 $1.131370830e+01, v1  }
0x2a0: {  	[tilespmem:s7+$0xB0] =	vst v0  }
0x2a1: {  	[tilespmem:s7+$0xC0] =	vst v1  }
0x2a2: {  	v0 =	vmul.f32 $1.131370830e+01, v2;
	s13 =	rddreg [dreg:$0xb]  }
0x2a3: {  	v1 =	vmul.f32 $1.131370830e+01, v3;
	s13 =	sadd.s32 s24, s13  }
0x2a4: {  	v2 =	vmul.f32 $1.131370830e+01, v4;
	[tilespmem:s7+$0xD0] =	vst v0;
	s13 =	sshll.u32 s13, $0xB  }
0x2a5: {  	[tilespmem:s7+$0xE0] =	vst v1;
	s13 =	sand.u32 $0x1FFFF800, s13  }
0x2a6: {  	[tilespmem:s7+$0xFFFFFF00] =	vst v2;
	s14 =	sadd.s32 s3, s13  }
0x2a7: {  	[hbm4b:s14+s4] =	stream.linear.scatter [tilespmem:s28], [sflag:$0x8], $0x4000, $0x38;
	[tilespmem:$0x1E400] =	vst v63  }
0x2a8: {  	_ =	swait.ge [sflag:s6], $0x4000  }
0x2a9: {  	[sflag:s6] =	ssyncset.done $0x0  }
0x2aa: {  	[sflag:s6] =	ssyncadd.s32 $0xFFFFC000  }
0x2ab: {  	s7 =	sadd.s32 $0x5, s24;
	_ =	swait.ge [sflag:s19], $0x4000  }
0x2ac: {  	s20 =	sshll.u32 s7, $0x7;
	[sflag:s19] =	ssyncset.done $0x0  }
0x2ad: {  	s13 =	sand.u32 $0x3FFFFF80, s20;
	s20 =	simm.s32 $0xE500;
	[sflag:s19] =	ssyncadd.s32 $0xFFFFC000  }
0x2ae: {  	[tilespmem:s8], [sflag:$0x6] =	stream.indirect.gather [hbm4b:s1+s25], $0x80, s13, s25, $0xb8;
	[tilespmem:$0x1E400] =	vst v63  }
0x2af: {  	v0 =	vld [tilespmem:s20+$0xF0]  }
0x2b0: {  	v1 =	vld [tilespmem:s20+$0xFFFFFF10]  }
0x2b1: {  	v2 =	vld [tilespmem:s20+$0xFFFFFF20]  }
0x2b2: {  	v3 =	vld [tilespmem:s20+$0xFFFFFF30]  }
0x2b3: {  	v6 =	vld [tilespmem:s20+$0xFFFFFF60]  }
0x2b4: {  	v4 =	vld [tilespmem:s20+$0xFFFFFF40]  }
0x2b5: {  	v5 =	vld [tilespmem:s20+$0xFFFFFF50];
	v0 =	vmul.f32 $1.131370830e+01, v0  }
0x2b6: {  	v8 =	vld [tilespmem:s20+$0xFFFFFF80];
	v1 =	vmul.f32 $1.131370830e+01, v1  }
0x2b7: {  	v7 =	vld [tilespmem:s20+$0xFFFFFF70];
	v2 =	vmul.f32 $1.131370830e+01, v2;
	[tilespmem:s20+$0xF0] =	vst v0  }
0x2b8: {  	v6 =	vmul.f32 $1.131370830e+01, v6;
	v0 =	vld [tilespmem:s20+$0xFFFFFF90];
	[tilespmem:s20+$0xFFFFFF10] =	vst v1  }
0x2b9: {  	v1 =	vmul.f32 $1.131370830e+01, v3;
	v3 =	vld [tilespmem:s20+$0xFFFFFFA0];
	[tilespmem:s20+$0xFFFFFF20] =	vst v2;
	v2 =	vmul.f32 $1.131370830e+01, v4  }
0x2ba: {  	[tilespmem:s20+$0xFFFFFF60] =	vst v6;
	v6 =	vld [tilespmem:s20+$0xFFFFFFF0]  }
0x2bb: {  	v4 =	vld [tilespmem:s20+$0xFFFFFFB0];
	[tilespmem:s20+$0xFFFFFF40] =	vst v2;
	v2 =	vmul.f32 $1.131370830e+01, v8  }
0x2bc: {  	[tilespmem:s20+$0xFFFFFF30] =	vst v1;
	v1 =	vmul.f32 $1.131370830e+01, v5;
	v5 =	vld [tilespmem:s20+$0xFFFFFFC0]  }
0x2bd: {  	v8 =	vld [tilespmem:s20+$0xFFFFFFD0];
	[tilespmem:s20+$0xFFFFFF80] =	vst v2;
	v2 =	vmul.f32 $1.131370830e+01, v7  }
0x2be: {  	[tilespmem:s20+$0xFFFFFF50] =	vst v1;
	v1 =	vld [tilespmem:s20+$0xFFFFFFE0];
	v0 =	vmul.f32 $1.131370830e+01, v0  }
0x2bf: {  	v7 =	vld [tilespmem:s20+$0x30];
	v6 =	vmul.f32 $1.131370830e+01, v6;
	[tilespmem:s20+$0xFFFFFF70] =	vst v2  }
0x2c0: {  	v2 =	vmul.f32 $1.131370830e+01, v3;
	v3 =	vld [tilespmem:s20+$0x0];
	[tilespmem:s20+$0xFFFFFF90] =	vst v0  }
0x2c1: {  	v0 =	vmul.f32 $1.131370830e+01, v4;
	v4 =	vld [tilespmem:s20+$0x10];
	[tilespmem:s20+$0xFFFFFFF0] =	vst v6  }
0x2c2: {  	[tilespmem:s20+$0xFFFFFFA0] =	vst v2;
	v2 =	vmul.f32 $1.131370830e+01, v5;
	v5 =	vld [tilespmem:s20+$0x20]  }
0x2c3: {  	v6 =	vld [tilespmem:s20+$0x80];
	[tilespmem:s20+$0xFFFFFFB0] =	vst v0;
	v0 =	vmul.f32 $1.131370830e+01, v8  }
0x2c4: {  	v1 =	vmul.f32 $1.131370830e+01, v1;
	[tilespmem:s20+$0xFFFFFFC0] =	vst v2;
	v2 =	vld [tilespmem:s20+$0x40]  }
0x2c5: {  	[tilespmem:s20+$0xFFFFFFD0] =	vst v0;
	v0 =	vmul.f32 $1.131370830e+01, v3  }
0x2c6: {  	v3 =	vld [tilespmem:s20+$0x50];
	[tilespmem:s20+$0xFFFFFFE0] =	vst v1;
	v4 =	vmul.f32 $1.131370830e+01, v4  }
0x2c7: {  	v1 =	vld [tilespmem:s20+$0x60];
	[tilespmem:s20+$0x0] =	vst v0;
	v0 =	vmul.f32 $1.131370830e+01, v5  }
0x2c8: {  	v6 =	vmul.f32 $1.131370830e+01, v6;
	v5 =	vld [tilespmem:s20+$0x70];
	[tilespmem:s20+$0x10] =	vst v4  }
0x2c9: {  	v4 =	vmul.f32 $1.131370830e+01, v7;
	v7 =	vld [tilespmem:s20+$0x90];
	[tilespmem:s20+$0x20] =	vst v0;
	v0 =	vmul.f32 $1.131370830e+01, v2  }
0x2ca: {  	v8 =	vld [tilespmem:s20+$0xA0];
	[tilespmem:s20+$0x80] =	vst v6  }
0x2cb: {  	v2 =	vmul.f32 $1.131370830e+01, v3;
	[tilespmem:s20+$0x40] =	vst v0;
	v0 =	vld [tilespmem:s20+$0xB0]  }
0x2cc: {  	[tilespmem:s20+$0x30] =	vst v4;
	v3 =	vmul.f32 $1.131370830e+01, v1;
	v1 =	vld [tilespmem:s20+$0xC0]  }
0x2cd: {  	[tilespmem:s20+$0x50] =	vst v2;
	v4 =	vmul.f32 $1.131370830e+01, v5;
	v2 =	vld [tilespmem:s20+$0xD0]  }
0x2ce: {  	[tilespmem:s20+$0x60] =	vst v3;
	v3 =	vld [tilespmem:s20+$0xE0];
	v5 =	vmul.f32 $1.131370830e+01, v7  }
0x2cf: {  	s14 =	simm.s32 $0xE700;
	s13 =	simm.s32 $0x0;
	v6 =	vmul.f32 $1.131370830e+01, v8;
	[tilespmem:s20+$0x70] =	vst v4;
	v4 =	vld [tilespmem:s20+$0xFFFFFF00]  }
.LBB2_19:
0x2d0: {  	v7 =	vld [tilespmem:s14+$0xF0];
	s13 =	sadd.s32 $0x4, s13;
	[tilespmem:s20+$0x90] =	vst v5;
	v0 =	vmul.f32 $1.131370830e+01, v0  }
0x2d1: {  	v5 =	vld [tilespmem:s14+$0xFFFFFF10];
	p0 =	slt.u32 s13, $0x7C;
	[tilespmem:s20+$0xA0] =	vst v6;
	v1 =	vmul.f32 $1.131370830e+01, v1  }
0x2d2: {  	v6 =	vld [tilespmem:s14+$0xFFFFFF20];
	[tilespmem:s20+$0xB0] =	vst v0;
	v0 =	vmul.f32 $1.131370830e+01, v2  }
0x2d3: {  	v2 =	vld [tilespmem:s14+$0xFFFFFF30];
	[tilespmem:s20+$0xC0] =	vst v1;
	v1 =	vmul.f32 $1.131370830e+01, v3  }
0x2d4: {  	v3 =	vld [tilespmem:s14+$0xFFFFFF40];
	v4 =	vmul.f32 $1.131370830e+01, v4;
	[tilespmem:s20+$0xD0] =	vst v0  }
0x2d5: {  	v0 =	vld [tilespmem:s14+$0xFFFFFF50];
	v7 =	vmul.f32 $1.131370830e+01, v7;
	[tilespmem:s20+$0xE0] =	vst v1  }
0x2d6: {  	v1 =	vmul.f32 $1.131370830e+01, v5;
	v5 =	vld [tilespmem:s14+$0xFFFFFF60];
	[tilespmem:s20+$0xFFFFFF00] =	vst v4;
	s20 =	smov.u32 s14  }
0x2d7: {  	v4 =	vmul.f32 $1.131370830e+01, v6;
	v6 =	vld [tilespmem:s14+$0xFFFFFF70];
	[tilespmem:s14+$0xF0] =	vst v7  }
0x2d8: {  	[tilespmem:s14+$0xFFFFFF10] =	vst v1;
	v1 =	vmul.f32 $1.131370830e+01, v2;
	v2 =	vld [tilespmem:s14+$0xFFFFFF80]  }
0x2d9: {  	[tilespmem:s14+$0xFFFFFF20] =	vst v4;
	v3 =	vmul.f32 $1.131370830e+01, v3;
	v4 =	vld [tilespmem:s14+$0xFFFFFF90]  }
0x2da: {  	[tilespmem:s14+$0xFFFFFF30] =	vst v1;
	v0 =	vmul.f32 $1.131370830e+01, v0;
	v1 =	vld [tilespmem:s14+$0xFFFFFFA0]  }
0x2db: {  	[tilespmem:s14+$0xFFFFFF40] =	vst v3;
	v3 =	vmul.f32 $1.131370830e+01, v5;
	v5 =	vld [tilespmem:s14+$0xFFFFFFB0]  }
0x2dc: {  	[tilespmem:s14+$0xFFFFFF50] =	vst v0;
	v0 =	vmul.f32 $1.131370830e+01, v6;
	v6 =	vld [tilespmem:s14+$0xFFFFFFC0]  }
0x2dd: {  	[tilespmem:s14+$0xFFFFFF60] =	vst v3;
	v2 =	vmul.f32 $1.131370830e+01, v2;
	v3 =	vld [tilespmem:s14+$0xFFFFFFD0]  }
0x2de: {  	[tilespmem:s14+$0xFFFFFF70] =	vst v0;
	v0 =	vmul.f32 $1.131370830e+01, v4;
	v4 =	vld [tilespmem:s14+$0xFFFFFFE0]  }
0x2df: {  	[tilespmem:s14+$0xFFFFFF80] =	vst v2;
	v1 =	vmul.f32 $1.131370830e+01, v1;
	v2 =	vld [tilespmem:s14+$0xFFFFFFF0]  }
0x2e0: {  	[tilespmem:s14+$0xFFFFFF90] =	vst v0;
	v0 =	vmul.f32 $1.131370830e+01, v5;
	v5 =	vld [tilespmem:s14+$0x0]  }
0x2e1: {  	[tilespmem:s14+$0xFFFFFFA0] =	vst v1;
	v1 =	vmul.f32 $1.131370830e+01, v6;
	v6 =	vld [tilespmem:s14+$0x10]  }
0x2e2: {  	[tilespmem:s14+$0xFFFFFFB0] =	vst v0;
	v0 =	vmul.f32 $1.131370830e+01, v3;
	v3 =	vld [tilespmem:s14+$0x20]  }
0x2e3: {  	[tilespmem:s14+$0xFFFFFFC0] =	vst v1;
	v1 =	vmul.f32 $1.131370830e+01, v4;
	v4 =	vld [tilespmem:s14+$0x30]  }
0x2e4: {  	[tilespmem:s14+$0xFFFFFFD0] =	vst v0;
	v0 =	vmul.f32 $1.131370830e+01, v2;
	v2 =	vld [tilespmem:s14+$0x40]  }
0x2e5: {  	[tilespmem:s14+$0xFFFFFFE0] =	vst v1;
	v1 =	vmul.f32 $1.131370830e+01, v5;
	v5 =	vld [tilespmem:s14+$0x50]  }
0x2e6: {  	[tilespmem:s14+$0xFFFFFFF0] =	vst v0;
	v0 =	vmul.f32 $1.131370830e+01, v6;
	v6 =	vld [tilespmem:s14+$0x60]  }
0x2e7: {  	[tilespmem:s14+$0x0] =	vst v1;
	v1 =	vmul.f32 $1.131370830e+01, v3;
	v3 =	vld [tilespmem:s14+$0x70]  }
0x2e8: {  	[tilespmem:s14+$0x10] =	vst v0;
	v0 =	vmul.f32 $1.131370830e+01, v4;
	v4 =	vld [tilespmem:s14+$0x80]  }
0x2e9: {  	[tilespmem:s14+$0x20] =	vst v1;
	v1 =	vmul.f32 $1.131370830e+01, v2;
	v7 =	vld [tilespmem:s14+$0x90]  }
0x2ea: {  	[tilespmem:s14+$0x30] =	vst v0;
	v2 =	vmul.f32 $1.131370830e+01, v5;
	v8 =	vld [tilespmem:s14+$0xA0]  }
.Ltmp8:
0x2eb: {  	[tilespmem:s14+$0x40] =	vst v1;
	v5 =	vmul.f32 $1.131370830e+01, v6;
	v0 =	vld [tilespmem:s14+$0xB0];
	(pc) =	sbr.rel @p0 .LBB2_19-.Ltmp8, $4  }
0x2ec: {  	[tilespmem:s14+$0x50] =	vst v2;
	v3 =	vmul.f32 $1.131370830e+01, v3;
	v1 =	vld [tilespmem:s14+$0xC0]  }
0x2ed: {  	[tilespmem:s14+$0x60] =	vst v5;
	v6 =	vmul.f32 $1.131370830e+01, v4;
	v2 =	vld [tilespmem:s14+$0xD0]  }
0x2ee: {  	[tilespmem:s14+$0x70] =	vst v3;
	v5 =	vmul.f32 $1.131370830e+01, v7;
	v3 =	vld [tilespmem:s14+$0xE0]  }
0x2ef: {  	s14 =	sadd.s32 $0x200, s14;
	v4 =	vld [tilespmem:s20+$0xFFFFFF00];
	[tilespmem:s20+$0x80] =	vst v6;
	v6 =	vmul.f32 $1.131370830e+01, v8  }
0x2f0: {  	[tilespmem:s20+$0x90] =	vst v5;
	v0 =	vmul.f32 $1.131370830e+01, v0  }
0x2f1: {  	[tilespmem:s20+$0xA0] =	vst v6;
	v1 =	vmul.f32 $1.131370830e+01, v1  }
0x2f2: {  	[tilespmem:s20+$0xB0] =	vst v0  }
0x2f3: {  	[tilespmem:s20+$0xC0] =	vst v1  }
0x2f4: {  	v0 =	vmul.f32 $1.131370830e+01, v2;
	s13 =	rddreg [dreg:$0xc]  }
0x2f5: {  	v1 =	vmul.f32 $1.131370830e+01, v3;
	s13 =	sadd.s32 s24, s13  }
0x2f6: {  	v2 =	vmul.f32 $1.131370830e+01, v4;
	[tilespmem:s20+$0xD0] =	vst v0;
	s13 =	sshll.u32 s13, $0xB  }
0x2f7: {  	[tilespmem:s20+$0xE0] =	vst v1;
	s13 =	sand.u32 $0x1FFFF000, s13  }
0x2f8: {  	[tilespmem:s20+$0xFFFFFF00] =	vst v2;
	s13 =	sadd.s32 s3, s13  }
0x2f9: {  	[hbm4b:s13+s4] =	stream.linear.scatter [tilespmem:s30], [sflag:$0x9], $0x4000, $0x38;
	[tilespmem:$0x1E400] =	vst v63  }
0x2fa: {  	_ =	swait.ge [sflag:s9], $0x4000  }
0x2fb: {  	[sflag:s9] =	ssyncset.done $0x0  }
0x2fc: {  	s24 =	smul.u32 $0xC00, s21;
	[sflag:s9] =	ssyncadd.s32 $0xFFFFC000  }
0x2fd: {  	_ =	swait.ge [sflag:s10], $0x4000  }
0x2fe: {  	s24 =	sshra.s32 s24, $0x2;
	[sflag:s10] =	ssyncset.done $0x0  }
0x2ff: {  	s20 =	simm.s32 $0x12500;
	s13 =	sadd.s32 $0x300, s24;
	[sflag:s10] =	ssyncadd.s32 $0xFFFFC000  }
0x300: {  	[tilespmem:s26], [sflag:$0x1] =	stream.indirect.gather [hbm4b:s1+s25], $0x80, s13, s25, $0xb8;
	[tilespmem:$0x1E400] =	vst v63  }
0x301: {  	v0 =	vld [tilespmem:s20+$0xF0]  }
0x302: {  	v1 =	vld [tilespmem:s20+$0xFFFFFF10]  }
0x303: {  	v2 =	vld [tilespmem:s20+$0xFFFFFF20]  }
0x304: {  	v3 =	vld [tilespmem:s20+$0xFFFFFF30]  }
0x305: {  	v6 =	vld [tilespmem:s20+$0xFFFFFF60]  }
0x306: {  	v4 =	vld [tilespmem:s20+$0xFFFFFF40]  }
0x307: {  	v5 =	vld [tilespmem:s20+$0xFFFFFF50];
	v0 =	vmul.f32 $1.131370830e+01, v0  }
0x308: {  	v8 =	vld [tilespmem:s20+$0xFFFFFF80];
	v1 =	vmul.f32 $1.131370830e+01, v1  }
0x309: {  	v7 =	vld [tilespmem:s20+$0xFFFFFF70];
	v2 =	vmul.f32 $1.131370830e+01, v2;
	[tilespmem:s20+$0xF0] =	vst v0  }
0x30a: {  	v6 =	vmul.f32 $1.131370830e+01, v6;
	v0 =	vld [tilespmem:s20+$0xFFFFFF90];
	[tilespmem:s20+$0xFFFFFF10] =	vst v1  }
0x30b: {  	v1 =	vmul.f32 $1.131370830e+01, v3;
	v3 =	vld [tilespmem:s20+$0xFFFFFFA0];
	[tilespmem:s20+$0xFFFFFF20] =	vst v2;
	v2 =	vmul.f32 $1.131370830e+01, v4  }
0x30c: {  	[tilespmem:s20+$0xFFFFFF60] =	vst v6;
	v6 =	vld [tilespmem:s20+$0xFFFFFFF0]  }
0x30d: {  	v4 =	vld [tilespmem:s20+$0xFFFFFFB0];
	[tilespmem:s20+$0xFFFFFF40] =	vst v2;
	v2 =	vmul.f32 $1.131370830e+01, v8  }
0x30e: {  	[tilespmem:s20+$0xFFFFFF30] =	vst v1;
	v1 =	vmul.f32 $1.131370830e+01, v5;
	v5 =	vld [tilespmem:s20+$0xFFFFFFC0]  }
0x30f: {  	v8 =	vld [tilespmem:s20+$0xFFFFFFD0];
	[tilespmem:s20+$0xFFFFFF80] =	vst v2;
	v2 =	vmul.f32 $1.131370830e+01, v7  }
0x310: {  	[tilespmem:s20+$0xFFFFFF50] =	vst v1;
	v1 =	vld [tilespmem:s20+$0xFFFFFFE0];
	v0 =	vmul.f32 $1.131370830e+01, v0  }
0x311: {  	v7 =	vld [tilespmem:s20+$0x30];
	v6 =	vmul.f32 $1.131370830e+01, v6;
	[tilespmem:s20+$0xFFFFFF70] =	vst v2  }
0x312: {  	v2 =	vmul.f32 $1.131370830e+01, v3;
	v3 =	vld [tilespmem:s20+$0x0];
	[tilespmem:s20+$0xFFFFFF90] =	vst v0  }
0x313: {  	v0 =	vmul.f32 $1.131370830e+01, v4;
	v4 =	vld [tilespmem:s20+$0x10];
	[tilespmem:s20+$0xFFFFFFF0] =	vst v6  }
0x314: {  	[tilespmem:s20+$0xFFFFFFA0] =	vst v2;
	v2 =	vmul.f32 $1.131370830e+01, v5;
	v5 =	vld [tilespmem:s20+$0x20]  }
0x315: {  	v6 =	vld [tilespmem:s20+$0x80];
	[tilespmem:s20+$0xFFFFFFB0] =	vst v0;
	v0 =	vmul.f32 $1.131370830e+01, v8  }
0x316: {  	v1 =	vmul.f32 $1.131370830e+01, v1;
	[tilespmem:s20+$0xFFFFFFC0] =	vst v2;
	v2 =	vld [tilespmem:s20+$0x40]  }
0x317: {  	[tilespmem:s20+$0xFFFFFFD0] =	vst v0;
	v0 =	vmul.f32 $1.131370830e+01, v3  }
0x318: {  	v3 =	vld [tilespmem:s20+$0x50];
	[tilespmem:s20+$0xFFFFFFE0] =	vst v1;
	v4 =	vmul.f32 $1.131370830e+01, v4  }
0x319: {  	v1 =	vld [tilespmem:s20+$0x60];
	[tilespmem:s20+$0x0] =	vst v0;
	v0 =	vmul.f32 $1.131370830e+01, v5  }
0x31a: {  	v6 =	vmul.f32 $1.131370830e+01, v6;
	v5 =	vld [tilespmem:s20+$0x70];
	[tilespmem:s20+$0x10] =	vst v4  }
0x31b: {  	v4 =	vmul.f32 $1.131370830e+01, v7;
	v7 =	vld [tilespmem:s20+$0x90];
	[tilespmem:s20+$0x20] =	vst v0;
	v0 =	vmul.f32 $1.131370830e+01, v2  }
0x31c: {  	v8 =	vld [tilespmem:s20+$0xA0];
	[tilespmem:s20+$0x80] =	vst v6  }
0x31d: {  	v2 =	vmul.f32 $1.131370830e+01, v3;
	[tilespmem:s20+$0x40] =	vst v0;
	v0 =	vld [tilespmem:s20+$0xB0]  }
0x31e: {  	[tilespmem:s20+$0x30] =	vst v4;
	v3 =	vmul.f32 $1.131370830e+01, v1;
	v1 =	vld [tilespmem:s20+$0xC0]  }
0x31f: {  	[tilespmem:s20+$0x50] =	vst v2;
	v4 =	vmul.f32 $1.131370830e+01, v5;
	v2 =	vld [tilespmem:s20+$0xD0]  }
0x320: {  	[tilespmem:s20+$0x60] =	vst v3;
	v3 =	vld [tilespmem:s20+$0xE0];
	v5 =	vmul.f32 $1.131370830e+01, v7  }
0x321: {  	s14 =	simm.s32 $0x12700;
	s13 =	simm.s32 $0x0;
	v6 =	vmul.f32 $1.131370830e+01, v8;
	[tilespmem:s20+$0x70] =	vst v4;
	v4 =	vld [tilespmem:s20+$0xFFFFFF00]  }
.LBB2_21:
0x322: {  	v7 =	vld [tilespmem:s14+$0xF0];
	s13 =	sadd.s32 $0x4, s13;
	[tilespmem:s20+$0x90] =	vst v5;
	v0 =	vmul.f32 $1.131370830e+01, v0  }
0x323: {  	v5 =	vld [tilespmem:s14+$0xFFFFFF10];
	p0 =	slt.u32 s13, $0x7C;
	[tilespmem:s20+$0xA0] =	vst v6;
	v1 =	vmul.f32 $1.131370830e+01, v1  }
0x324: {  	v6 =	vld [tilespmem:s14+$0xFFFFFF20];
	[tilespmem:s20+$0xB0] =	vst v0;
	v0 =	vmul.f32 $1.131370830e+01, v2  }
0x325: {  	v2 =	vld [tilespmem:s14+$0xFFFFFF30];
	[tilespmem:s20+$0xC0] =	vst v1;
	v1 =	vmul.f32 $1.131370830e+01, v3  }
0x326: {  	v3 =	vld [tilespmem:s14+$0xFFFFFF40];
	v4 =	vmul.f32 $1.131370830e+01, v4;
	[tilespmem:s20+$0xD0] =	vst v0  }
0x327: {  	v0 =	vld [tilespmem:s14+$0xFFFFFF50];
	v7 =	vmul.f32 $1.131370830e+01, v7;
	[tilespmem:s20+$0xE0] =	vst v1  }
0x328: {  	v1 =	vmul.f32 $1.131370830e+01, v5;
	v5 =	vld [tilespmem:s14+$0xFFFFFF60];
	[tilespmem:s20+$0xFFFFFF00] =	vst v4;
	s20 =	smov.u32 s14  }
0x329: {  	v4 =	vmul.f32 $1.131370830e+01, v6;
	v6 =	vld [tilespmem:s14+$0xFFFFFF70];
	[tilespmem:s14+$0xF0] =	vst v7  }
0x32a: {  	[tilespmem:s14+$0xFFFFFF10] =	vst v1;
	v1 =	vmul.f32 $1.131370830e+01, v2;
	v2 =	vld [tilespmem:s14+$0xFFFFFF80]  }
0x32b: {  	[tilespmem:s14+$0xFFFFFF20] =	vst v4;
	v3 =	vmul.f32 $1.131370830e+01, v3;
	v4 =	vld [tilespmem:s14+$0xFFFFFF90]  }
0x32c: {  	[tilespmem:s14+$0xFFFFFF30] =	vst v1;
	v0 =	vmul.f32 $1.131370830e+01, v0;
	v1 =	vld [tilespmem:s14+$0xFFFFFFA0]  }
0x32d: {  	[tilespmem:s14+$0xFFFFFF40] =	vst v3;
	v3 =	vmul.f32 $1.131370830e+01, v5;
	v5 =	vld [tilespmem:s14+$0xFFFFFFB0]  }
0x32e: {  	[tilespmem:s14+$0xFFFFFF50] =	vst v0;
	v0 =	vmul.f32 $1.131370830e+01, v6;
	v6 =	vld [tilespmem:s14+$0xFFFFFFC0]  }
0x32f: {  	[tilespmem:s14+$0xFFFFFF60] =	vst v3;
	v2 =	vmul.f32 $1.131370830e+01, v2;
	v3 =	vld [tilespmem:s14+$0xFFFFFFD0]  }
0x330: {  	[tilespmem:s14+$0xFFFFFF70] =	vst v0;
	v0 =	vmul.f32 $1.131370830e+01, v4;
	v4 =	vld [tilespmem:s14+$0xFFFFFFE0]  }
0x331: {  	[tilespmem:s14+$0xFFFFFF80] =	vst v2;
	v1 =	vmul.f32 $1.131370830e+01, v1;
	v2 =	vld [tilespmem:s14+$0xFFFFFFF0]  }
0x332: {  	[tilespmem:s14+$0xFFFFFF90] =	vst v0;
	v0 =	vmul.f32 $1.131370830e+01, v5;
	v5 =	vld [tilespmem:s14+$0x0]  }
0x333: {  	[tilespmem:s14+$0xFFFFFFA0] =	vst v1;
	v1 =	vmul.f32 $1.131370830e+01, v6;
	v6 =	vld [tilespmem:s14+$0x10]  }
0x334: {  	[tilespmem:s14+$0xFFFFFFB0] =	vst v0;
	v0 =	vmul.f32 $1.131370830e+01, v3;
	v3 =	vld [tilespmem:s14+$0x20]  }
0x335: {  	[tilespmem:s14+$0xFFFFFFC0] =	vst v1;
	v1 =	vmul.f32 $1.131370830e+01, v4;
	v4 =	vld [tilespmem:s14+$0x30]  }
0x336: {  	[tilespmem:s14+$0xFFFFFFD0] =	vst v0;
	v0 =	vmul.f32 $1.131370830e+01, v2;
	v2 =	vld [tilespmem:s14+$0x40]  }
0x337: {  	[tilespmem:s14+$0xFFFFFFE0] =	vst v1;
	v1 =	vmul.f32 $1.131370830e+01, v5;
	v5 =	vld [tilespmem:s14+$0x50]  }
0x338: {  	[tilespmem:s14+$0xFFFFFFF0] =	vst v0;
	v0 =	vmul.f32 $1.131370830e+01, v6;
	v6 =	vld [tilespmem:s14+$0x60]  }
0x339: {  	[tilespmem:s14+$0x0] =	vst v1;
	v1 =	vmul.f32 $1.131370830e+01, v3;
	v3 =	vld [tilespmem:s14+$0x70]  }
0x33a: {  	[tilespmem:s14+$0x10] =	vst v0;
	v0 =	vmul.f32 $1.131370830e+01, v4;
	v4 =	vld [tilespmem:s14+$0x80]  }
0x33b: {  	[tilespmem:s14+$0x20] =	vst v1;
	v1 =	vmul.f32 $1.131370830e+01, v2;
	v7 =	vld [tilespmem:s14+$0x90]  }
0x33c: {  	[tilespmem:s14+$0x30] =	vst v0;
	v2 =	vmul.f32 $1.131370830e+01, v5;
	v8 =	vld [tilespmem:s14+$0xA0]  }
.Ltmp9:
0x33d: {  	[tilespmem:s14+$0x40] =	vst v1;
	v5 =	vmul.f32 $1.131370830e+01, v6;
	v0 =	vld [tilespmem:s14+$0xB0];
	(pc) =	sbr.rel @p0 .LBB2_21-.Ltmp9, $4  }
0x33e: {  	[tilespmem:s14+$0x50] =	vst v2;
	v3 =	vmul.f32 $1.131370830e+01, v3;
	v1 =	vld [tilespmem:s14+$0xC0]  }
0x33f: {  	[tilespmem:s14+$0x60] =	vst v5;
	v6 =	vmul.f32 $1.131370830e+01, v4;
	v2 =	vld [tilespmem:s14+$0xD0]  }
0x340: {  	[tilespmem:s14+$0x70] =	vst v3;
	v5 =	vmul.f32 $1.131370830e+01, v7;
	v3 =	vld [tilespmem:s14+$0xE0]  }
0x341: {  	s14 =	sadd.s32 $0x200, s14;
	v4 =	vld [tilespmem:s20+$0xFFFFFF00];
	[tilespmem:s20+$0x80] =	vst v6;
	v6 =	vmul.f32 $1.131370830e+01, v8  }
0x342: {  	[tilespmem:s20+$0x90] =	vst v5;
	v0 =	vmul.f32 $1.131370830e+01, v0  }
0x343: {  	[tilespmem:s20+$0xA0] =	vst v6;
	v1 =	vmul.f32 $1.131370830e+01, v1  }
0x344: {  	[tilespmem:s20+$0xB0] =	vst v0;
	v0 =	vmul.f32 $1.131370830e+01, v2  }
0x345: {  	s13 =	sadd.s32 s5, s22;
	[tilespmem:s20+$0xC0] =	vst v1;
	v1 =	vmul.f32 $1.131370830e+01, v3  }
0x346: {  	s13 =	sshll.u32 s13, $0xB;
	v2 =	vmul.f32 $1.131370830e+01, v4;
	[tilespmem:s20+$0xD0] =	vst v0  }
0x347: {  	s13 =	sand.u32 $0x1FFFF800, s13;
	[tilespmem:s20+$0xE0] =	vst v1  }
0x348: {  	s13 =	sadd.s32 s3, s13;
	[tilespmem:s20+$0xFFFFFF00] =	vst v2  }
0x349: {  	[hbm4b:s13+s4] =	stream.linear.scatter [tilespmem:s0], [sflag:$0xA], $0x4000, $0x38;
	[tilespmem:$0x1E400] =	vst v63  }
0x34a: {  	_ =	swait.ge [sflag:s11], $0x4000  }
0x34b: {  	[sflag:s11] =	ssyncset.done $0x0  }
0x34c: {  	[sflag:s11] =	ssyncadd.s32 $0xFFFFC000  }
0x34d: {  	_ =	swait.ge [sflag:s12], $0x4000  }
0x34e: {  	[sflag:s12] =	ssyncset.done $0x0  }
0x34f: {  	s22 =	sadd.s32 $0x380, s24;
	s20 =	simm.s32 $0x16500;
	[sflag:s12] =	ssyncadd.s32 $0xFFFFC000  }
0x350: {  	[tilespmem:s28], [sflag:$0x2] =	stream.indirect.gather [hbm4b:s1+s25], $0x80, s22, s25, $0xb8;
	[tilespmem:$0x1E400] =	vst v63  }
0x351: {  	v0 =	vld [tilespmem:s20+$0xF0]  }
0x352: {  	v1 =	vld [tilespmem:s20+$0xFFFFFF10]  }
0x353: {  	v2 =	vld [tilespmem:s20+$0xFFFFFF20]  }
0x354: {  	v3 =	vld [tilespmem:s20+$0xFFFFFF30]  }
0x355: {  	v6 =	vld [tilespmem:s20+$0xFFFFFF60]  }
0x356: {  	v4 =	vld [tilespmem:s20+$0xFFFFFF40]  }
0x357: {  	v5 =	vld [tilespmem:s20+$0xFFFFFF50];
	v0 =	vmul.f32 $1.131370830e+01, v0  }
0x358: {  	v8 =	vld [tilespmem:s20+$0xFFFFFF80];
	v1 =	vmul.f32 $1.131370830e+01, v1  }
0x359: {  	v7 =	vld [tilespmem:s20+$0xFFFFFF70];
	v2 =	vmul.f32 $1.131370830e+01, v2;
	[tilespmem:s20+$0xF0] =	vst v0  }
0x35a: {  	v6 =	vmul.f32 $1.131370830e+01, v6;
	v0 =	vld [tilespmem:s20+$0xFFFFFF90];
	[tilespmem:s20+$0xFFFFFF10] =	vst v1  }
0x35b: {  	v1 =	vmul.f32 $1.131370830e+01, v3;
	v3 =	vld [tilespmem:s20+$0xFFFFFFA0];
	[tilespmem:s20+$0xFFFFFF20] =	vst v2;
	v2 =	vmul.f32 $1.131370830e+01, v4  }
0x35c: {  	[tilespmem:s20+$0xFFFFFF60] =	vst v6;
	v6 =	vld [tilespmem:s20+$0xFFFFFFF0]  }
0x35d: {  	v4 =	vld [tilespmem:s20+$0xFFFFFFB0];
	[tilespmem:s20+$0xFFFFFF40] =	vst v2;
	v2 =	vmul.f32 $1.131370830e+01, v8  }
0x35e: {  	[tilespmem:s20+$0xFFFFFF30] =	vst v1;
	v1 =	vmul.f32 $1.131370830e+01, v5;
	v5 =	vld [tilespmem:s20+$0xFFFFFFC0]  }
0x35f: {  	v8 =	vld [tilespmem:s20+$0xFFFFFFD0];
	[tilespmem:s20+$0xFFFFFF80] =	vst v2;
	v2 =	vmul.f32 $1.131370830e+01, v7  }
0x360: {  	[tilespmem:s20+$0xFFFFFF50] =	vst v1;
	v1 =	vld [tilespmem:s20+$0xFFFFFFE0];
	v0 =	vmul.f32 $1.131370830e+01, v0  }
0x361: {  	v7 =	vld [tilespmem:s20+$0x30];
	v6 =	vmul.f32 $1.131370830e+01, v6;
	[tilespmem:s20+$0xFFFFFF70] =	vst v2  }
0x362: {  	v2 =	vmul.f32 $1.131370830e+01, v3;
	v3 =	vld [tilespmem:s20+$0x0];
	[tilespmem:s20+$0xFFFFFF90] =	vst v0  }
0x363: {  	v0 =	vmul.f32 $1.131370830e+01, v4;
	v4 =	vld [tilespmem:s20+$0x10];
	[tilespmem:s20+$0xFFFFFFF0] =	vst v6  }
0x364: {  	[tilespmem:s20+$0xFFFFFFA0] =	vst v2;
	v2 =	vmul.f32 $1.131370830e+01, v5;
	v5 =	vld [tilespmem:s20+$0x20]  }
0x365: {  	v6 =	vld [tilespmem:s20+$0x80];
	[tilespmem:s20+$0xFFFFFFB0] =	vst v0;
	v0 =	vmul.f32 $1.131370830e+01, v8  }
0x366: {  	v1 =	vmul.f32 $1.131370830e+01, v1;
	[tilespmem:s20+$0xFFFFFFC0] =	vst v2;
	v2 =	vld [tilespmem:s20+$0x40]  }
0x367: {  	[tilespmem:s20+$0xFFFFFFD0] =	vst v0;
	v0 =	vmul.f32 $1.131370830e+01, v3  }
0x368: {  	v3 =	vld [tilespmem:s20+$0x50];
	[tilespmem:s20+$0xFFFFFFE0] =	vst v1;
	v4 =	vmul.f32 $1.131370830e+01, v4  }
0x369: {  	v1 =	vld [tilespmem:s20+$0x60];
	[tilespmem:s20+$0x0] =	vst v0;
	v0 =	vmul.f32 $1.131370830e+01, v5  }
0x36a: {  	v6 =	vmul.f32 $1.131370830e+01, v6;
	v5 =	vld [tilespmem:s20+$0x70];
	[tilespmem:s20+$0x10] =	vst v4  }
0x36b: {  	v4 =	vmul.f32 $1.131370830e+01, v7;
	v7 =	vld [tilespmem:s20+$0x90];
	[tilespmem:s20+$0x20] =	vst v0;
	v0 =	vmul.f32 $1.131370830e+01, v2  }
0x36c: {  	v8 =	vld [tilespmem:s20+$0xA0];
	[tilespmem:s20+$0x80] =	vst v6  }
0x36d: {  	v2 =	vmul.f32 $1.131370830e+01, v3;
	[tilespmem:s20+$0x40] =	vst v0;
	v0 =	vld [tilespmem:s20+$0xB0]  }
0x36e: {  	[tilespmem:s20+$0x30] =	vst v4;
	v3 =	vmul.f32 $1.131370830e+01, v1;
	v1 =	vld [tilespmem:s20+$0xC0]  }
0x36f: {  	[tilespmem:s20+$0x50] =	vst v2;
	v4 =	vmul.f32 $1.131370830e+01, v5;
	v2 =	vld [tilespmem:s20+$0xD0]  }
0x370: {  	[tilespmem:s20+$0x60] =	vst v3;
	v3 =	vld [tilespmem:s20+$0xE0];
	v5 =	vmul.f32 $1.131370830e+01, v7  }
0x371: {  	s14 =	simm.s32 $0x16700;
	s13 =	simm.s32 $0x0;
	v6 =	vmul.f32 $1.131370830e+01, v8;
	[tilespmem:s20+$0x70] =	vst v4;
	v4 =	vld [tilespmem:s20+$0xFFFFFF00]  }
.LBB2_23:
0x372: {  	v7 =	vld [tilespmem:s14+$0xF0];
	s13 =	sadd.s32 $0x4, s13;
	[tilespmem:s20+$0x90] =	vst v5;
	v0 =	vmul.f32 $1.131370830e+01, v0  }
0x373: {  	v5 =	vld [tilespmem:s14+$0xFFFFFF10];
	p0 =	slt.u32 s13, $0x7C;
	[tilespmem:s20+$0xA0] =	vst v6;
	v1 =	vmul.f32 $1.131370830e+01, v1  }
0x374: {  	v6 =	vld [tilespmem:s14+$0xFFFFFF20];
	[tilespmem:s20+$0xB0] =	vst v0;
	v0 =	vmul.f32 $1.131370830e+01, v2  }
0x375: {  	v2 =	vld [tilespmem:s14+$0xFFFFFF30];
	[tilespmem:s20+$0xC0] =	vst v1;
	v1 =	vmul.f32 $1.131370830e+01, v3  }
0x376: {  	v3 =	vld [tilespmem:s14+$0xFFFFFF40];
	v4 =	vmul.f32 $1.131370830e+01, v4;
	[tilespmem:s20+$0xD0] =	vst v0  }
0x377: {  	v0 =	vld [tilespmem:s14+$0xFFFFFF50];
	v7 =	vmul.f32 $1.131370830e+01, v7;
	[tilespmem:s20+$0xE0] =	vst v1  }
0x378: {  	v1 =	vmul.f32 $1.131370830e+01, v5;
	v5 =	vld [tilespmem:s14+$0xFFFFFF60];
	[tilespmem:s20+$0xFFFFFF00] =	vst v4;
	s20 =	smov.u32 s14  }
0x379: {  	v4 =	vmul.f32 $1.131370830e+01, v6;
	v6 =	vld [tilespmem:s14+$0xFFFFFF70];
	[tilespmem:s14+$0xF0] =	vst v7  }
0x37a: {  	[tilespmem:s14+$0xFFFFFF10] =	vst v1;
	v1 =	vmul.f32 $1.131370830e+01, v2;
	v2 =	vld [tilespmem:s14+$0xFFFFFF80]  }
0x37b: {  	[tilespmem:s14+$0xFFFFFF20] =	vst v4;
	v3 =	vmul.f32 $1.131370830e+01, v3;
	v4 =	vld [tilespmem:s14+$0xFFFFFF90]  }
0x37c: {  	[tilespmem:s14+$0xFFFFFF30] =	vst v1;
	v0 =	vmul.f32 $1.131370830e+01, v0;
	v1 =	vld [tilespmem:s14+$0xFFFFFFA0]  }
0x37d: {  	[tilespmem:s14+$0xFFFFFF40] =	vst v3;
	v3 =	vmul.f32 $1.131370830e+01, v5;
	v5 =	vld [tilespmem:s14+$0xFFFFFFB0]  }
0x37e: {  	[tilespmem:s14+$0xFFFFFF50] =	vst v0;
	v0 =	vmul.f32 $1.131370830e+01, v6;
	v6 =	vld [tilespmem:s14+$0xFFFFFFC0]  }
0x37f: {  	[tilespmem:s14+$0xFFFFFF60] =	vst v3;
	v2 =	vmul.f32 $1.131370830e+01, v2;
	v3 =	vld [tilespmem:s14+$0xFFFFFFD0]  }
0x380: {  	[tilespmem:s14+$0xFFFFFF70] =	vst v0;
	v0 =	vmul.f32 $1.131370830e+01, v4;
	v4 =	vld [tilespmem:s14+$0xFFFFFFE0]  }
0x381: {  	[tilespmem:s14+$0xFFFFFF80] =	vst v2;
	v1 =	vmul.f32 $1.131370830e+01, v1;
	v2 =	vld [tilespmem:s14+$0xFFFFFFF0]  }
0x382: {  	[tilespmem:s14+$0xFFFFFF90] =	vst v0;
	v0 =	vmul.f32 $1.131370830e+01, v5;
	v5 =	vld [tilespmem:s14+$0x0]  }
0x383: {  	[tilespmem:s14+$0xFFFFFFA0] =	vst v1;
	v1 =	vmul.f32 $1.131370830e+01, v6;
	v6 =	vld [tilespmem:s14+$0x10]  }
0x384: {  	[tilespmem:s14+$0xFFFFFFB0] =	vst v0;
	v0 =	vmul.f32 $1.131370830e+01, v3;
	v3 =	vld [tilespmem:s14+$0x20]  }
0x385: {  	[tilespmem:s14+$0xFFFFFFC0] =	vst v1;
	v1 =	vmul.f32 $1.131370830e+01, v4;
	v4 =	vld [tilespmem:s14+$0x30]  }
0x386: {  	[tilespmem:s14+$0xFFFFFFD0] =	vst v0;
	v0 =	vmul.f32 $1.131370830e+01, v2;
	v2 =	vld [tilespmem:s14+$0x40]  }
0x387: {  	[tilespmem:s14+$0xFFFFFFE0] =	vst v1;
	v1 =	vmul.f32 $1.131370830e+01, v5;
	v5 =	vld [tilespmem:s14+$0x50]  }
0x388: {  	[tilespmem:s14+$0xFFFFFFF0] =	vst v0;
	v0 =	vmul.f32 $1.131370830e+01, v6;
	v6 =	vld [tilespmem:s14+$0x60]  }
0x389: {  	[tilespmem:s14+$0x0] =	vst v1;
	v1 =	vmul.f32 $1.131370830e+01, v3;
	v3 =	vld [tilespmem:s14+$0x70]  }
0x38a: {  	[tilespmem:s14+$0x10] =	vst v0;
	v0 =	vmul.f32 $1.131370830e+01, v4;
	v4 =	vld [tilespmem:s14+$0x80]  }
0x38b: {  	[tilespmem:s14+$0x20] =	vst v1;
	v1 =	vmul.f32 $1.131370830e+01, v2;
	v7 =	vld [tilespmem:s14+$0x90]  }
0x38c: {  	[tilespmem:s14+$0x30] =	vst v0;
	v2 =	vmul.f32 $1.131370830e+01, v5;
	v8 =	vld [tilespmem:s14+$0xA0]  }
.Ltmp10:
0x38d: {  	[tilespmem:s14+$0x40] =	vst v1;
	v5 =	vmul.f32 $1.131370830e+01, v6;
	v0 =	vld [tilespmem:s14+$0xB0];
	(pc) =	sbr.rel @p0 .LBB2_23-.Ltmp10, $4  }
0x38e: {  	[tilespmem:s14+$0x50] =	vst v2;
	v3 =	vmul.f32 $1.131370830e+01, v3;
	v1 =	vld [tilespmem:s14+$0xC0]  }
0x38f: {  	[tilespmem:s14+$0x60] =	vst v5;
	v6 =	vmul.f32 $1.131370830e+01, v4;
	v2 =	vld [tilespmem:s14+$0xD0]  }
0x390: {  	[tilespmem:s14+$0x70] =	vst v3;
	v5 =	vmul.f32 $1.131370830e+01, v7;
	v3 =	vld [tilespmem:s14+$0xE0]  }
0x391: {  	s14 =	sadd.s32 $0x200, s14;
	v4 =	vld [tilespmem:s20+$0xFFFFFF00];
	[tilespmem:s20+$0x80] =	vst v6;
	v6 =	vmul.f32 $1.131370830e+01, v8  }
0x392: {  	[tilespmem:s20+$0x90] =	vst v5;
	v0 =	vmul.f32 $1.131370830e+01, v0  }
0x393: {  	[tilespmem:s20+$0xA0] =	vst v6;
	v1 =	vmul.f32 $1.131370830e+01, v1  }
0x394: {  	[tilespmem:s20+$0xB0] =	vst v0;
	v0 =	vmul.f32 $1.131370830e+01, v2  }
0x395: {  	s13 =	sadd.s32 s5, s23;
	[tilespmem:s20+$0xC0] =	vst v1;
	v1 =	vmul.f32 $1.131370830e+01, v3  }
0x396: {  	s13 =	sshll.u32 s13, $0xB;
	v2 =	vmul.f32 $1.131370830e+01, v4;
	[tilespmem:s20+$0xD0] =	vst v0  }
0x397: {  	s13 =	sand.u32 $0x1FFFF000, s13;
	[tilespmem:s20+$0xE0] =	vst v1  }
0x398: {  	s13 =	sadd.s32 s3, s13;
	[tilespmem:s20+$0xFFFFFF00] =	vst v2  }
0x399: {  	[hbm4b:s13+s4] =	stream.linear.scatter [tilespmem:s2], [sflag:$0xB], $0x4000, $0x38;
	[tilespmem:$0x1E400] =	vst v63  }
0x39a: {  	_ =	swait.ge [sflag:s15], $0x4000  }
0x39b: {  	[sflag:s15] =	ssyncset.done $0x0  }
0x39c: {  	[sflag:s15] =	ssyncadd.s32 $0xFFFFC000  }
0x39d: {  	_ =	swait.ge [sflag:s16], $0x4000  }
0x39e: {  	[sflag:s16] =	ssyncset.done $0x0  }
0x39f: {  	s24 =	sadd.s32 $0x400, s24;
	s20 =	simm.s32 $0x1A500;
	[sflag:s16] =	ssyncadd.s32 $0xFFFFC000  }
0x3a0: {  	[tilespmem:s30], [sflag:$0x3] =	stream.indirect.gather [hbm4b:s1+s25], $0x80, s24, s25, $0xb8;
	[tilespmem:$0x1E400] =	vst v63  }
0x3a1: {  	v0 =	vld [tilespmem:s20+$0xF0]  }
0x3a2: {  	v1 =	vld [tilespmem:s20+$0xFFFFFF10]  }
0x3a3: {  	v2 =	vld [tilespmem:s20+$0xFFFFFF20]  }
0x3a4: {  	v3 =	vld [tilespmem:s20+$0xFFFFFF30]  }
0x3a5: {  	v6 =	vld [tilespmem:s20+$0xFFFFFF60]  }
0x3a6: {  	v4 =	vld [tilespmem:s20+$0xFFFFFF40]  }
0x3a7: {  	v5 =	vld [tilespmem:s20+$0xFFFFFF50];
	v0 =	vmul.f32 $1.131370830e+01, v0  }
0x3a8: {  	v8 =	vld [tilespmem:s20+$0xFFFFFF80];
	v1 =	vmul.f32 $1.131370830e+01, v1  }
0x3a9: {  	v7 =	vld [tilespmem:s20+$0xFFFFFF70];
	v2 =	vmul.f32 $1.131370830e+01, v2;
	[tilespmem:s20+$0xF0] =	vst v0  }
0x3aa: {  	v6 =	vmul.f32 $1.131370830e+01, v6;
	v0 =	vld [tilespmem:s20+$0xFFFFFF90];
	[tilespmem:s20+$0xFFFFFF10] =	vst v1  }
0x3ab: {  	v1 =	vmul.f32 $1.131370830e+01, v3;
	v3 =	vld [tilespmem:s20+$0xFFFFFFA0];
	[tilespmem:s20+$0xFFFFFF20] =	vst v2;
	v2 =	vmul.f32 $1.131370830e+01, v4  }
0x3ac: {  	[tilespmem:s20+$0xFFFFFF60] =	vst v6;
	v6 =	vld [tilespmem:s20+$0xFFFFFFF0]  }
0x3ad: {  	v4 =	vld [tilespmem:s20+$0xFFFFFFB0];
	[tilespmem:s20+$0xFFFFFF40] =	vst v2;
	v2 =	vmul.f32 $1.131370830e+01, v8  }
0x3ae: {  	[tilespmem:s20+$0xFFFFFF30] =	vst v1;
	v1 =	vmul.f32 $1.131370830e+01, v5;
	v5 =	vld [tilespmem:s20+$0xFFFFFFC0]  }
0x3af: {  	v8 =	vld [tilespmem:s20+$0xFFFFFFD0];
	[tilespmem:s20+$0xFFFFFF80] =	vst v2;
	v2 =	vmul.f32 $1.131370830e+01, v7  }
0x3b0: {  	[tilespmem:s20+$0xFFFFFF50] =	vst v1;
	v1 =	vld [tilespmem:s20+$0xFFFFFFE0];
	v0 =	vmul.f32 $1.131370830e+01, v0  }
0x3b1: {  	v7 =	vld [tilespmem:s20+$0x30];
	v6 =	vmul.f32 $1.131370830e+01, v6;
	[tilespmem:s20+$0xFFFFFF70] =	vst v2  }
0x3b2: {  	v2 =	vmul.f32 $1.131370830e+01, v3;
	v3 =	vld [tilespmem:s20+$0x0];
	[tilespmem:s20+$0xFFFFFF90] =	vst v0  }
0x3b3: {  	v0 =	vmul.f32 $1.131370830e+01, v4;
	v4 =	vld [tilespmem:s20+$0x10];
	[tilespmem:s20+$0xFFFFFFF0] =	vst v6  }
0x3b4: {  	[tilespmem:s20+$0xFFFFFFA0] =	vst v2;
	v2 =	vmul.f32 $1.131370830e+01, v5;
	v5 =	vld [tilespmem:s20+$0x20]  }
0x3b5: {  	v6 =	vld [tilespmem:s20+$0x80];
	[tilespmem:s20+$0xFFFFFFB0] =	vst v0;
	v0 =	vmul.f32 $1.131370830e+01, v8  }
0x3b6: {  	v1 =	vmul.f32 $1.131370830e+01, v1;
	[tilespmem:s20+$0xFFFFFFC0] =	vst v2;
	v2 =	vld [tilespmem:s20+$0x40]  }
0x3b7: {  	[tilespmem:s20+$0xFFFFFFD0] =	vst v0;
	v0 =	vmul.f32 $1.131370830e+01, v3  }
0x3b8: {  	v3 =	vld [tilespmem:s20+$0x50];
	[tilespmem:s20+$0xFFFFFFE0] =	vst v1;
	v4 =	vmul.f32 $1.131370830e+01, v4  }
0x3b9: {  	v1 =	vld [tilespmem:s20+$0x60];
	[tilespmem:s20+$0x0] =	vst v0;
	v0 =	vmul.f32 $1.131370830e+01, v5  }
0x3ba: {  	v6 =	vmul.f32 $1.131370830e+01, v6;
	v5 =	vld [tilespmem:s20+$0x70];
	[tilespmem:s20+$0x10] =	vst v4  }
0x3bb: {  	v4 =	vmul.f32 $1.131370830e+01, v7;
	v7 =	vld [tilespmem:s20+$0x90];
	[tilespmem:s20+$0x20] =	vst v0;
	v0 =	vmul.f32 $1.131370830e+01, v2  }
0x3bc: {  	v8 =	vld [tilespmem:s20+$0xA0];
	[tilespmem:s20+$0x80] =	vst v6  }
0x3bd: {  	v2 =	vmul.f32 $1.131370830e+01, v3;
	[tilespmem:s20+$0x40] =	vst v0;
	v0 =	vld [tilespmem:s20+$0xB0]  }
0x3be: {  	[tilespmem:s20+$0x30] =	vst v4;
	v3 =	vmul.f32 $1.131370830e+01, v1;
	v1 =	vld [tilespmem:s20+$0xC0]  }
0x3bf: {  	[tilespmem:s20+$0x50] =	vst v2;
	v4 =	vmul.f32 $1.131370830e+01, v5;
	v2 =	vld [tilespmem:s20+$0xD0]  }
0x3c0: {  	[tilespmem:s20+$0x60] =	vst v3;
	v3 =	vld [tilespmem:s20+$0xE0];
	v5 =	vmul.f32 $1.131370830e+01, v7  }
0x3c1: {  	s14 =	simm.s32 $0x1A700;
	s13 =	simm.s32 $0x0;
	v6 =	vmul.f32 $1.131370830e+01, v8;
	[tilespmem:s20+$0x70] =	vst v4;
	v4 =	vld [tilespmem:s20+$0xFFFFFF00]  }
.LBB2_25:
0x3c2: {  	v7 =	vld [tilespmem:s14+$0xF0];
	s13 =	sadd.s32 $0x4, s13;
	[tilespmem:s20+$0x90] =	vst v5;
	v0 =	vmul.f32 $1.131370830e+01, v0  }
0x3c3: {  	v5 =	vld [tilespmem:s14+$0xFFFFFF10];
	p0 =	slt.u32 s13, $0x7C;
	[tilespmem:s20+$0xA0] =	vst v6;
	v1 =	vmul.f32 $1.131370830e+01, v1  }
0x3c4: {  	v6 =	vld [tilespmem:s14+$0xFFFFFF20];
	[tilespmem:s20+$0xB0] =	vst v0;
	v0 =	vmul.f32 $1.131370830e+01, v2  }
0x3c5: {  	v2 =	vld [tilespmem:s14+$0xFFFFFF30];
	[tilespmem:s20+$0xC0] =	vst v1;
	v1 =	vmul.f32 $1.131370830e+01, v3  }
0x3c6: {  	v3 =	vld [tilespmem:s14+$0xFFFFFF40];
	v4 =	vmul.f32 $1.131370830e+01, v4;
	[tilespmem:s20+$0xD0] =	vst v0  }
0x3c7: {  	v0 =	vld [tilespmem:s14+$0xFFFFFF50];
	v7 =	vmul.f32 $1.131370830e+01, v7;
	[tilespmem:s20+$0xE0] =	vst v1  }
0x3c8: {  	v1 =	vmul.f32 $1.131370830e+01, v5;
	v5 =	vld [tilespmem:s14+$0xFFFFFF60];
	[tilespmem:s20+$0xFFFFFF00] =	vst v4;
	s20 =	smov.u32 s14  }
0x3c9: {  	v4 =	vmul.f32 $1.131370830e+01, v6;
	v6 =	vld [tilespmem:s14+$0xFFFFFF70];
	[tilespmem:s14+$0xF0] =	vst v7  }
0x3ca: {  	[tilespmem:s14+$0xFFFFFF10] =	vst v1;
	v1 =	vmul.f32 $1.131370830e+01, v2;
	v2 =	vld [tilespmem:s14+$0xFFFFFF80]  }
0x3cb: {  	[tilespmem:s14+$0xFFFFFF20] =	vst v4;
	v3 =	vmul.f32 $1.131370830e+01, v3;
	v4 =	vld [tilespmem:s14+$0xFFFFFF90]  }
0x3cc: {  	[tilespmem:s14+$0xFFFFFF30] =	vst v1;
	v0 =	vmul.f32 $1.131370830e+01, v0;
	v1 =	vld [tilespmem:s14+$0xFFFFFFA0]  }
0x3cd: {  	[tilespmem:s14+$0xFFFFFF40] =	vst v3;
	v3 =	vmul.f32 $1.131370830e+01, v5;
	v5 =	vld [tilespmem:s14+$0xFFFFFFB0]  }
0x3ce: {  	[tilespmem:s14+$0xFFFFFF50] =	vst v0;
	v0 =	vmul.f32 $1.131370830e+01, v6;
	v6 =	vld [tilespmem:s14+$0xFFFFFFC0]  }
0x3cf: {  	[tilespmem:s14+$0xFFFFFF60] =	vst v3;
	v2 =	vmul.f32 $1.131370830e+01, v2;
	v3 =	vld [tilespmem:s14+$0xFFFFFFD0]  }
0x3d0: {  	[tilespmem:s14+$0xFFFFFF70] =	vst v0;
	v0 =	vmul.f32 $1.131370830e+01, v4;
	v4 =	vld [tilespmem:s14+$0xFFFFFFE0]  }
0x3d1: {  	[tilespmem:s14+$0xFFFFFF80] =	vst v2;
	v1 =	vmul.f32 $1.131370830e+01, v1;
	v2 =	vld [tilespmem:s14+$0xFFFFFFF0]  }
0x3d2: {  	[tilespmem:s14+$0xFFFFFF90] =	vst v0;
	v0 =	vmul.f32 $1.131370830e+01, v5;
	v5 =	vld [tilespmem:s14+$0x0]  }
0x3d3: {  	[tilespmem:s14+$0xFFFFFFA0] =	vst v1;
	v1 =	vmul.f32 $1.131370830e+01, v6;
	v6 =	vld [tilespmem:s14+$0x10]  }
0x3d4: {  	[tilespmem:s14+$0xFFFFFFB0] =	vst v0;
	v0 =	vmul.f32 $1.131370830e+01, v3;
	v3 =	vld [tilespmem:s14+$0x20]  }
0x3d5: {  	[tilespmem:s14+$0xFFFFFFC0] =	vst v1;
	v1 =	vmul.f32 $1.131370830e+01, v4;
	v4 =	vld [tilespmem:s14+$0x30]  }
0x3d6: {  	[tilespmem:s14+$0xFFFFFFD0] =	vst v0;
	v0 =	vmul.f32 $1.131370830e+01, v2;
	v2 =	vld [tilespmem:s14+$0x40]  }
0x3d7: {  	[tilespmem:s14+$0xFFFFFFE0] =	vst v1;
	v1 =	vmul.f32 $1.131370830e+01, v5;
	v5 =	vld [tilespmem:s14+$0x50]  }
0x3d8: {  	[tilespmem:s14+$0xFFFFFFF0] =	vst v0;
	v0 =	vmul.f32 $1.131370830e+01, v6;
	v6 =	vld [tilespmem:s14+$0x60]  }
0x3d9: {  	[tilespmem:s14+$0x0] =	vst v1;
	v1 =	vmul.f32 $1.131370830e+01, v3;
	v3 =	vld [tilespmem:s14+$0x70]  }
0x3da: {  	[tilespmem:s14+$0x10] =	vst v0;
	v0 =	vmul.f32 $1.131370830e+01, v4;
	v4 =	vld [tilespmem:s14+$0x80]  }
0x3db: {  	[tilespmem:s14+$0x20] =	vst v1;
	v1 =	vmul.f32 $1.131370830e+01, v2;
	v7 =	vld [tilespmem:s14+$0x90]  }
0x3dc: {  	[tilespmem:s14+$0x30] =	vst v0;
	v2 =	vmul.f32 $1.131370830e+01, v5;
	v8 =	vld [tilespmem:s14+$0xA0]  }
.Ltmp11:
0x3dd: {  	[tilespmem:s14+$0x40] =	vst v1;
	v5 =	vmul.f32 $1.131370830e+01, v6;
	v0 =	vld [tilespmem:s14+$0xB0];
	(pc) =	sbr.rel @p0 .LBB2_25-.Ltmp11, $4  }
0x3de: {  	[tilespmem:s14+$0x50] =	vst v2;
	v3 =	vmul.f32 $1.131370830e+01, v3;
	v1 =	vld [tilespmem:s14+$0xC0]  }
0x3df: {  	[tilespmem:s14+$0x60] =	vst v5;
	v6 =	vmul.f32 $1.131370830e+01, v4;
	v2 =	vld [tilespmem:s14+$0xD0]  }
0x3e0: {  	[tilespmem:s14+$0x70] =	vst v3;
	v5 =	vmul.f32 $1.131370830e+01, v7;
	v3 =	vld [tilespmem:s14+$0xE0]  }
0x3e1: {  	s14 =	sadd.s32 $0x200, s14;
	v4 =	vld [tilespmem:s20+$0xFFFFFF00];
	[tilespmem:s20+$0x80] =	vst v6;
	v6 =	vmul.f32 $1.131370830e+01, v8  }
0x3e2: {  	[tilespmem:s20+$0x90] =	vst v5;
	v0 =	vmul.f32 $1.131370830e+01, v0  }
0x3e3: {  	s21 =	sadd.s32 $0x1, s21;
	[tilespmem:s20+$0xA0] =	vst v6;
	v1 =	vmul.f32 $1.131370830e+01, v1  }
0x3e4: {  	p0 =	sne.s32 s21, $0x20;
	[tilespmem:s20+$0xB0] =	vst v0;
	v61 =	vmul.f32 $1.131370830e+01, v2  }
.Ltmp12:
0x3e5: {  	s7 =	sadd.s32 s5, s7;
	[tilespmem:s20+$0xC0] =	vst v1;
	v62 =	vmul.f32 $1.131370830e+01, v3;
	(pc) =	sbr.rel @p0 .LBB2_14-.Ltmp12, $4  }
0x3e6: {  	s7 =	sshll.u32 s7, $0xB;
	v63 =	vmul.f32 $1.131370830e+01, v4;
	[tilespmem:s20+$0xD0] =	vst v61  }
0x3e7: {  	s7 =	sand.u32 $0x1FFFF800, s7;
	[tilespmem:s20+$0xE0] =	vst v62  }
0x3e8: {  	s7 =	sadd.s32 s3, s7;
	[tilespmem:s20+$0xFFFFFF00] =	vst v63  }
0x3e9: {  	[hbm4b:s7+s4] =	stream.linear.scatter [tilespmem:s8], [sflag:$0xC], $0x4000, $0x38;
	[tilespmem:$0x1E400] =	vst v63  }
0x3ea: {  	_ =	swait.ge [sflag:s31], $0x4000  }
0x3eb: {  	[sflag:s31] =	ssyncset.done $0x0  }
0x3ec: {  	[sflag:s31] =	ssyncadd.s32 $0xFFFFC000  }
0x3ed: {  	_ =	swait.ge [sflag:s17], $0x4000  }
0x3ee: {  	[sflag:s17] =	ssyncset.done $0x0  }
0x3ef: {  	s7 =	simm.s32 $0x6180;
	[sflag:s17] =	ssyncadd.s32 $0xFFFFC000  }
0x3f0: {  	[tilespmem:s0], [sflag:$0x4] =	stream.indirect.gather [hbm4b:s1+s25], $0x80, s7, s25, $0xb8;
	[tilespmem:$0x1E400] =	vst v63  }
0x3f1: {  	s7 =	simm.s32 $0x6500  }
0x3f2: {  	v0 =	vld [tilespmem:s7+$0xF0]  }
0x3f3: {  	v1 =	vld [tilespmem:s7+$0xFFFFFF10]  }
0x3f4: {  	v2 =	vld [tilespmem:s7+$0xFFFFFF20]  }
0x3f5: {  	v3 =	vld [tilespmem:s7+$0xFFFFFF30]  }
0x3f6: {  	v6 =	vld [tilespmem:s7+$0xFFFFFF60]  }
0x3f7: {  	v4 =	vld [tilespmem:s7+$0xFFFFFF40]  }
0x3f8: {  	v5 =	vld [tilespmem:s7+$0xFFFFFF50];
	v0 =	vmul.f32 $1.131370830e+01, v0  }
0x3f9: {  	v8 =	vld [tilespmem:s7+$0xFFFFFF80];
	v1 =	vmul.f32 $1.131370830e+01, v1  }
0x3fa: {  	v7 =	vld [tilespmem:s7+$0xFFFFFF70];
	v2 =	vmul.f32 $1.131370830e+01, v2;
	[tilespmem:s7+$0xF0] =	vst v0  }
0x3fb: {  	v6 =	vmul.f32 $1.131370830e+01, v6;
	v0 =	vld [tilespmem:s7+$0xFFFFFF90];
	[tilespmem:s7+$0xFFFFFF10] =	vst v1  }
0x3fc: {  	v1 =	vmul.f32 $1.131370830e+01, v3;
	v3 =	vld [tilespmem:s7+$0xFFFFFFA0];
	[tilespmem:s7+$0xFFFFFF20] =	vst v2;
	v2 =	vmul.f32 $1.131370830e+01, v4  }
0x3fd: {  	[tilespmem:s7+$0xFFFFFF60] =	vst v6;
	v6 =	vld [tilespmem:s7+$0xFFFFFFF0]  }
0x3fe: {  	v4 =	vld [tilespmem:s7+$0xFFFFFFB0];
	[tilespmem:s7+$0xFFFFFF40] =	vst v2;
	v2 =	vmul.f32 $1.131370830e+01, v8  }
0x3ff: {  	[tilespmem:s7+$0xFFFFFF30] =	vst v1;
	v1 =	vmul.f32 $1.131370830e+01, v5;
	v5 =	vld [tilespmem:s7+$0xFFFFFFC0]  }
0x400: {  	v8 =	vld [tilespmem:s7+$0xFFFFFFD0];
	[tilespmem:s7+$0xFFFFFF80] =	vst v2;
	v2 =	vmul.f32 $1.131370830e+01, v7  }
0x401: {  	[tilespmem:s7+$0xFFFFFF50] =	vst v1;
	v1 =	vld [tilespmem:s7+$0xFFFFFFE0];
	v0 =	vmul.f32 $1.131370830e+01, v0  }
0x402: {  	v7 =	vld [tilespmem:s7+$0x30];
	v6 =	vmul.f32 $1.131370830e+01, v6;
	[tilespmem:s7+$0xFFFFFF70] =	vst v2  }
0x403: {  	v2 =	vmul.f32 $1.131370830e+01, v3;
	v3 =	vld [tilespmem:s7+$0x0];
	[tilespmem:s7+$0xFFFFFF90] =	vst v0  }
0x404: {  	v0 =	vmul.f32 $1.131370830e+01, v4;
	v4 =	vld [tilespmem:s7+$0x10];
	[tilespmem:s7+$0xFFFFFFF0] =	vst v6  }
0x405: {  	[tilespmem:s7+$0xFFFFFFA0] =	vst v2;
	v2 =	vmul.f32 $1.131370830e+01, v5;
	v5 =	vld [tilespmem:s7+$0x20]  }
0x406: {  	v6 =	vld [tilespmem:s7+$0x80];
	[tilespmem:s7+$0xFFFFFFB0] =	vst v0;
	v0 =	vmul.f32 $1.131370830e+01, v8  }
0x407: {  	v1 =	vmul.f32 $1.131370830e+01, v1;
	[tilespmem:s7+$0xFFFFFFC0] =	vst v2;
	v2 =	vld [tilespmem:s7+$0x40]  }
0x408: {  	[tilespmem:s7+$0xFFFFFFD0] =	vst v0;
	v0 =	vmul.f32 $1.131370830e+01, v3  }
0x409: {  	v3 =	vld [tilespmem:s7+$0x50];
	[tilespmem:s7+$0xFFFFFFE0] =	vst v1;
	v4 =	vmul.f32 $1.131370830e+01, v4  }
0x40a: {  	v1 =	vld [tilespmem:s7+$0x60];
	[tilespmem:s7+$0x0] =	vst v0;
	v0 =	vmul.f32 $1.131370830e+01, v5  }
0x40b: {  	v6 =	vmul.f32 $1.131370830e+01, v6;
	v5 =	vld [tilespmem:s7+$0x70];
	[tilespmem:s7+$0x10] =	vst v4  }
0x40c: {  	v4 =	vmul.f32 $1.131370830e+01, v7;
	v7 =	vld [tilespmem:s7+$0x90];
	[tilespmem:s7+$0x20] =	vst v0;
	v0 =	vmul.f32 $1.131370830e+01, v2  }
0x40d: {  	v8 =	vld [tilespmem:s7+$0xA0];
	[tilespmem:s7+$0x80] =	vst v6  }
0x40e: {  	v2 =	vmul.f32 $1.131370830e+01, v3;
	[tilespmem:s7+$0x40] =	vst v0;
	v0 =	vld [tilespmem:s7+$0xB0]  }
0x40f: {  	[tilespmem:s7+$0x30] =	vst v4;
	v3 =	vmul.f32 $1.131370830e+01, v1;
	v1 =	vld [tilespmem:s7+$0xC0]  }
0x410: {  	[tilespmem:s7+$0x50] =	vst v2;
	v4 =	vmul.f32 $1.131370830e+01, v5;
	v2 =	vld [tilespmem:s7+$0xD0]  }
0x411: {  	[tilespmem:s7+$0x60] =	vst v3;
	v3 =	vld [tilespmem:s7+$0xE0];
	v5 =	vmul.f32 $1.131370830e+01, v7  }
0x412: {  	s13 =	simm.s32 $0x0;
	s14 =	simm.s32 $0x6700;
	v6 =	vmul.f32 $1.131370830e+01, v8;
	[tilespmem:s7+$0x70] =	vst v4;
	v4 =	vld [tilespmem:s7+$0xFFFFFF00]  }
.LBB2_28:
0x413: {  	v7 =	vld [tilespmem:s14+$0xF0];
	s13 =	sadd.s32 $0x4, s13;
	[tilespmem:s7+$0x90] =	vst v5;
	v0 =	vmul.f32 $1.131370830e+01, v0  }
0x414: {  	v5 =	vld [tilespmem:s14+$0xFFFFFF10];
	p0 =	slt.u32 s13, $0x7C;
	[tilespmem:s7+$0xA0] =	vst v6;
	v1 =	vmul.f32 $1.131370830e+01, v1  }
0x415: {  	v6 =	vld [tilespmem:s14+$0xFFFFFF20];
	[tilespmem:s7+$0xB0] =	vst v0;
	v0 =	vmul.f32 $1.131370830e+01, v2  }
0x416: {  	v2 =	vld [tilespmem:s14+$0xFFFFFF30];
	[tilespmem:s7+$0xC0] =	vst v1;
	v1 =	vmul.f32 $1.131370830e+01, v3  }
0x417: {  	v3 =	vld [tilespmem:s14+$0xFFFFFF40];
	v4 =	vmul.f32 $1.131370830e+01, v4;
	[tilespmem:s7+$0xD0] =	vst v0  }
0x418: {  	v0 =	vld [tilespmem:s14+$0xFFFFFF50];
	v7 =	vmul.f32 $1.131370830e+01, v7;
	[tilespmem:s7+$0xE0] =	vst v1  }
0x419: {  	v1 =	vmul.f32 $1.131370830e+01, v5;
	v5 =	vld [tilespmem:s14+$0xFFFFFF60];
	[tilespmem:s7+$0xFFFFFF00] =	vst v4;
	s7 =	smov.u32 s14  }
0x41a: {  	v4 =	vmul.f32 $1.131370830e+01, v6;
	v6 =	vld [tilespmem:s14+$0xFFFFFF70];
	[tilespmem:s14+$0xF0] =	vst v7  }
0x41b: {  	[tilespmem:s14+$0xFFFFFF10] =	vst v1;
	v1 =	vmul.f32 $1.131370830e+01, v2;
	v2 =	vld [tilespmem:s14+$0xFFFFFF80]  }
0x41c: {  	[tilespmem:s14+$0xFFFFFF20] =	vst v4;
	v3 =	vmul.f32 $1.131370830e+01, v3;
	v4 =	vld [tilespmem:s14+$0xFFFFFF90]  }
0x41d: {  	[tilespmem:s14+$0xFFFFFF30] =	vst v1;
	v0 =	vmul.f32 $1.131370830e+01, v0;
	v1 =	vld [tilespmem:s14+$0xFFFFFFA0]  }
0x41e: {  	[tilespmem:s14+$0xFFFFFF40] =	vst v3;
	v3 =	vmul.f32 $1.131370830e+01, v5;
	v5 =	vld [tilespmem:s14+$0xFFFFFFB0]  }
0x41f: {  	[tilespmem:s14+$0xFFFFFF50] =	vst v0;
	v0 =	vmul.f32 $1.131370830e+01, v6;
	v6 =	vld [tilespmem:s14+$0xFFFFFFC0]  }
0x420: {  	[tilespmem:s14+$0xFFFFFF60] =	vst v3;
	v2 =	vmul.f32 $1.131370830e+01, v2;
	v3 =	vld [tilespmem:s14+$0xFFFFFFD0]  }
0x421: {  	[tilespmem:s14+$0xFFFFFF70] =	vst v0;
	v0 =	vmul.f32 $1.131370830e+01, v4;
	v4 =	vld [tilespmem:s14+$0xFFFFFFE0]  }
0x422: {  	[tilespmem:s14+$0xFFFFFF80] =	vst v2;
	v1 =	vmul.f32 $1.131370830e+01, v1;
	v2 =	vld [tilespmem:s14+$0xFFFFFFF0]  }
0x423: {  	[tilespmem:s14+$0xFFFFFF90] =	vst v0;
	v0 =	vmul.f32 $1.131370830e+01, v5;
	v5 =	vld [tilespmem:s14+$0x0]  }
0x424: {  	[tilespmem:s14+$0xFFFFFFA0] =	vst v1;
	v1 =	vmul.f32 $1.131370830e+01, v6;
	v6 =	vld [tilespmem:s14+$0x10]  }
0x425: {  	[tilespmem:s14+$0xFFFFFFB0] =	vst v0;
	v0 =	vmul.f32 $1.131370830e+01, v3;
	v3 =	vld [tilespmem:s14+$0x20]  }
0x426: {  	[tilespmem:s14+$0xFFFFFFC0] =	vst v1;
	v1 =	vmul.f32 $1.131370830e+01, v4;
	v4 =	vld [tilespmem:s14+$0x30]  }
0x427: {  	[tilespmem:s14+$0xFFFFFFD0] =	vst v0;
	v0 =	vmul.f32 $1.131370830e+01, v2;
	v2 =	vld [tilespmem:s14+$0x40]  }
0x428: {  	[tilespmem:s14+$0xFFFFFFE0] =	vst v1;
	v1 =	vmul.f32 $1.131370830e+01, v5;
	v5 =	vld [tilespmem:s14+$0x50]  }
0x429: {  	[tilespmem:s14+$0xFFFFFFF0] =	vst v0;
	v0 =	vmul.f32 $1.131370830e+01, v6;
	v6 =	vld [tilespmem:s14+$0x60]  }
0x42a: {  	[tilespmem:s14+$0x0] =	vst v1;
	v1 =	vmul.f32 $1.131370830e+01, v3;
	v3 =	vld [tilespmem:s14+$0x70]  }
0x42b: {  	[tilespmem:s14+$0x10] =	vst v0;
	v0 =	vmul.f32 $1.131370830e+01, v4;
	v4 =	vld [tilespmem:s14+$0x80]  }
0x42c: {  	[tilespmem:s14+$0x20] =	vst v1;
	v1 =	vmul.f32 $1.131370830e+01, v2;
	v7 =	vld [tilespmem:s14+$0x90]  }
0x42d: {  	[tilespmem:s14+$0x30] =	vst v0;
	v2 =	vmul.f32 $1.131370830e+01, v5;
	v8 =	vld [tilespmem:s14+$0xA0]  }
.Ltmp13:
0x42e: {  	[tilespmem:s14+$0x40] =	vst v1;
	v5 =	vmul.f32 $1.131370830e+01, v6;
	v0 =	vld [tilespmem:s14+$0xB0];
	(pc) =	sbr.rel @p0 .LBB2_28-.Ltmp13, $4  }
0x42f: {  	[tilespmem:s14+$0x50] =	vst v2;
	v3 =	vmul.f32 $1.131370830e+01, v3;
	v1 =	vld [tilespmem:s14+$0xC0]  }
0x430: {  	[tilespmem:s14+$0x60] =	vst v5;
	v6 =	vmul.f32 $1.131370830e+01, v4;
	v2 =	vld [tilespmem:s14+$0xD0]  }
0x431: {  	[tilespmem:s14+$0x70] =	vst v3;
	v5 =	vmul.f32 $1.131370830e+01, v7;
	v3 =	vld [tilespmem:s14+$0xE0]  }
0x432: {  	s14 =	sadd.s32 $0x200, s14;
	v4 =	vld [tilespmem:s7+$0xFFFFFF00];
	[tilespmem:s7+$0x80] =	vst v6;
	v6 =	vmul.f32 $1.131370830e+01, v8  }
0x433: {  	[tilespmem:s7+$0x90] =	vst v5;
	v0 =	vmul.f32 $1.131370830e+01, v0  }
0x434: {  	[tilespmem:s7+$0xA0] =	vst v6;
	v1 =	vmul.f32 $1.131370830e+01, v1  }
0x435: {  	[tilespmem:s7+$0xB0] =	vst v0;
	v0 =	vmul.f32 $1.131370830e+01, v2  }
0x436: {  	[tilespmem:s7+$0xC0] =	vst v1;
	v1 =	vmul.f32 $1.131370830e+01, v3  }
0x437: {  	v2 =	vmul.f32 $1.131370830e+01, v4;
	[tilespmem:s7+$0xD0] =	vst v0  }
0x438: {  	[tilespmem:s7+$0xE0] =	vst v1  }
0x439: {  	[tilespmem:s7+$0xFFFFFF00] =	vst v2  }
0x43a: {  	s7 =	rddreg [dreg:$0xd]  }
0x43b: {  	[hbm4b:s7+s4] =	stream.linear.scatter [tilespmem:s26], [sflag:$0x7], $0x4000, $0x38;
	[tilespmem:$0x1E400] =	vst v63  }
0x43c: {  	_ =	swait.ge [sflag:s29], $0x4000  }
0x43d: {  	[sflag:s29] =	ssyncset.done $0x0  }
0x43e: {  	[sflag:s29] =	ssyncadd.s32 $0xFFFFC000  }
0x43f: {  	_ =	swait.ge [sflag:s18], $0x4000  }
0x440: {  	[sflag:s18] =	ssyncset.done $0x0  }
0x441: {  	s24 =	simm.s32 $0x6200;
	s7 =	simm.s32 $0xA500;
	[sflag:s18] =	ssyncadd.s32 $0xFFFFC000  }
0x442: {  	[tilespmem:s2], [sflag:$0x5] =	stream.indirect.gather [hbm4b:s1+s25], $0x80, s24, s25, $0xb8;
	[tilespmem:$0x1E400] =	vst v63  }
0x443: {  	v0 =	vld [tilespmem:s7+$0xF0]  }
0x444: {  	v1 =	vld [tilespmem:s7+$0xFFFFFF10]  }
0x445: {  	v2 =	vld [tilespmem:s7+$0xFFFFFF20]  }
0x446: {  	v3 =	vld [tilespmem:s7+$0xFFFFFF30]  }
0x447: {  	v6 =	vld [tilespmem:s7+$0xFFFFFF60]  }
0x448: {  	v4 =	vld [tilespmem:s7+$0xFFFFFF40]  }
0x449: {  	v5 =	vld [tilespmem:s7+$0xFFFFFF50];
	v0 =	vmul.f32 $1.131370830e+01, v0  }
0x44a: {  	v8 =	vld [tilespmem:s7+$0xFFFFFF80];
	v1 =	vmul.f32 $1.131370830e+01, v1  }
0x44b: {  	v7 =	vld [tilespmem:s7+$0xFFFFFF70];
	v2 =	vmul.f32 $1.131370830e+01, v2;
	[tilespmem:s7+$0xF0] =	vst v0  }
0x44c: {  	v6 =	vmul.f32 $1.131370830e+01, v6;
	v0 =	vld [tilespmem:s7+$0xFFFFFF90];
	[tilespmem:s7+$0xFFFFFF10] =	vst v1  }
0x44d: {  	v1 =	vmul.f32 $1.131370830e+01, v3;
	v3 =	vld [tilespmem:s7+$0xFFFFFFA0];
	[tilespmem:s7+$0xFFFFFF20] =	vst v2;
	v2 =	vmul.f32 $1.131370830e+01, v4  }
0x44e: {  	[tilespmem:s7+$0xFFFFFF60] =	vst v6;
	v6 =	vld [tilespmem:s7+$0xFFFFFFF0]  }
0x44f: {  	v4 =	vld [tilespmem:s7+$0xFFFFFFB0];
	[tilespmem:s7+$0xFFFFFF40] =	vst v2;
	v2 =	vmul.f32 $1.131370830e+01, v8  }
0x450: {  	[tilespmem:s7+$0xFFFFFF30] =	vst v1;
	v1 =	vmul.f32 $1.131370830e+01, v5;
	v5 =	vld [tilespmem:s7+$0xFFFFFFC0]  }
0x451: {  	v8 =	vld [tilespmem:s7+$0xFFFFFFD0];
	[tilespmem:s7+$0xFFFFFF80] =	vst v2;
	v2 =	vmul.f32 $1.131370830e+01, v7  }
0x452: {  	[tilespmem:s7+$0xFFFFFF50] =	vst v1;
	v1 =	vld [tilespmem:s7+$0xFFFFFFE0];
	v0 =	vmul.f32 $1.131370830e+01, v0  }
0x453: {  	v7 =	vld [tilespmem:s7+$0x30];
	v6 =	vmul.f32 $1.131370830e+01, v6;
	[tilespmem:s7+$0xFFFFFF70] =	vst v2  }
0x454: {  	v2 =	vmul.f32 $1.131370830e+01, v3;
	v3 =	vld [tilespmem:s7+$0x0];
	[tilespmem:s7+$0xFFFFFF90] =	vst v0  }
0x455: {  	v0 =	vmul.f32 $1.131370830e+01, v4;
	v4 =	vld [tilespmem:s7+$0x10];
	[tilespmem:s7+$0xFFFFFFF0] =	vst v6  }
0x456: {  	[tilespmem:s7+$0xFFFFFFA0] =	vst v2;
	v2 =	vmul.f32 $1.131370830e+01, v5;
	v5 =	vld [tilespmem:s7+$0x20]  }
0x457: {  	v6 =	vld [tilespmem:s7+$0x80];
	[tilespmem:s7+$0xFFFFFFB0] =	vst v0;
	v0 =	vmul.f32 $1.131370830e+01, v8  }
0x458: {  	v1 =	vmul.f32 $1.131370830e+01, v1;
	[tilespmem:s7+$0xFFFFFFC0] =	vst v2;
	v2 =	vld [tilespmem:s7+$0x40]  }
0x459: {  	[tilespmem:s7+$0xFFFFFFD0] =	vst v0;
	v0 =	vmul.f32 $1.131370830e+01, v3  }
0x45a: {  	v3 =	vld [tilespmem:s7+$0x50];
	[tilespmem:s7+$0xFFFFFFE0] =	vst v1;
	v4 =	vmul.f32 $1.131370830e+01, v4  }
0x45b: {  	v1 =	vld [tilespmem:s7+$0x60];
	[tilespmem:s7+$0x0] =	vst v0;
	v0 =	vmul.f32 $1.131370830e+01, v5  }
0x45c: {  	v6 =	vmul.f32 $1.131370830e+01, v6;
	v5 =	vld [tilespmem:s7+$0x70];
	[tilespmem:s7+$0x10] =	vst v4  }
0x45d: {  	v4 =	vmul.f32 $1.131370830e+01, v7;
	v7 =	vld [tilespmem:s7+$0x90];
	[tilespmem:s7+$0x20] =	vst v0;
	v0 =	vmul.f32 $1.131370830e+01, v2  }
0x45e: {  	v8 =	vld [tilespmem:s7+$0xA0];
	[tilespmem:s7+$0x80] =	vst v6  }
0x45f: {  	v2 =	vmul.f32 $1.131370830e+01, v3;
	[tilespmem:s7+$0x40] =	vst v0;
	v0 =	vld [tilespmem:s7+$0xB0]  }
0x460: {  	[tilespmem:s7+$0x30] =	vst v4;
	v3 =	vmul.f32 $1.131370830e+01, v1;
	v1 =	vld [tilespmem:s7+$0xC0]  }
0x461: {  	[tilespmem:s7+$0x50] =	vst v2;
	v4 =	vmul.f32 $1.131370830e+01, v5;
	v2 =	vld [tilespmem:s7+$0xD0]  }
0x462: {  	[tilespmem:s7+$0x60] =	vst v3;
	v3 =	vld [tilespmem:s7+$0xE0];
	v5 =	vmul.f32 $1.131370830e+01, v7  }
0x463: {  	s13 =	simm.s32 $0x0;
	s14 =	simm.s32 $0xA700;
	v6 =	vmul.f32 $1.131370830e+01, v8;
	[tilespmem:s7+$0x70] =	vst v4;
	v4 =	vld [tilespmem:s7+$0xFFFFFF00]  }
.LBB2_30:
0x464: {  	v7 =	vld [tilespmem:s14+$0xF0];
	s13 =	sadd.s32 $0x4, s13;
	[tilespmem:s7+$0x90] =	vst v5;
	v0 =	vmul.f32 $1.131370830e+01, v0  }
0x465: {  	v5 =	vld [tilespmem:s14+$0xFFFFFF10];
	p0 =	slt.u32 s13, $0x7C;
	[tilespmem:s7+$0xA0] =	vst v6;
	v1 =	vmul.f32 $1.131370830e+01, v1  }
0x466: {  	v6 =	vld [tilespmem:s14+$0xFFFFFF20];
	[tilespmem:s7+$0xB0] =	vst v0;
	v0 =	vmul.f32 $1.131370830e+01, v2  }
0x467: {  	v2 =	vld [tilespmem:s14+$0xFFFFFF30];
	[tilespmem:s7+$0xC0] =	vst v1;
	v1 =	vmul.f32 $1.131370830e+01, v3  }
0x468: {  	v3 =	vld [tilespmem:s14+$0xFFFFFF40];
	v4 =	vmul.f32 $1.131370830e+01, v4;
	[tilespmem:s7+$0xD0] =	vst v0  }
0x469: {  	v0 =	vld [tilespmem:s14+$0xFFFFFF50];
	v7 =	vmul.f32 $1.131370830e+01, v7;
	[tilespmem:s7+$0xE0] =	vst v1  }
0x46a: {  	v1 =	vmul.f32 $1.131370830e+01, v5;
	v5 =	vld [tilespmem:s14+$0xFFFFFF60];
	[tilespmem:s7+$0xFFFFFF00] =	vst v4;
	s7 =	smov.u32 s14  }
0x46b: {  	v4 =	vmul.f32 $1.131370830e+01, v6;
	v6 =	vld [tilespmem:s14+$0xFFFFFF70];
	[tilespmem:s14+$0xF0] =	vst v7  }
0x46c: {  	[tilespmem:s14+$0xFFFFFF10] =	vst v1;
	v1 =	vmul.f32 $1.131370830e+01, v2;
	v2 =	vld [tilespmem:s14+$0xFFFFFF80]  }
0x46d: {  	[tilespmem:s14+$0xFFFFFF20] =	vst v4;
	v3 =	vmul.f32 $1.131370830e+01, v3;
	v4 =	vld [tilespmem:s14+$0xFFFFFF90]  }
0x46e: {  	[tilespmem:s14+$0xFFFFFF30] =	vst v1;
	v0 =	vmul.f32 $1.131370830e+01, v0;
	v1 =	vld [tilespmem:s14+$0xFFFFFFA0]  }
0x46f: {  	[tilespmem:s14+$0xFFFFFF40] =	vst v3;
	v3 =	vmul.f32 $1.131370830e+01, v5;
	v5 =	vld [tilespmem:s14+$0xFFFFFFB0]  }
0x470: {  	[tilespmem:s14+$0xFFFFFF50] =	vst v0;
	v0 =	vmul.f32 $1.131370830e+01, v6;
	v6 =	vld [tilespmem:s14+$0xFFFFFFC0]  }
0x471: {  	[tilespmem:s14+$0xFFFFFF60] =	vst v3;
	v2 =	vmul.f32 $1.131370830e+01, v2;
	v3 =	vld [tilespmem:s14+$0xFFFFFFD0]  }
0x472: {  	[tilespmem:s14+$0xFFFFFF70] =	vst v0;
	v0 =	vmul.f32 $1.131370830e+01, v4;
	v4 =	vld [tilespmem:s14+$0xFFFFFFE0]  }
0x473: {  	[tilespmem:s14+$0xFFFFFF80] =	vst v2;
	v1 =	vmul.f32 $1.131370830e+01, v1;
	v2 =	vld [tilespmem:s14+$0xFFFFFFF0]  }
0x474: {  	[tilespmem:s14+$0xFFFFFF90] =	vst v0;
	v0 =	vmul.f32 $1.131370830e+01, v5;
	v5 =	vld [tilespmem:s14+$0x0]  }
0x475: {  	[tilespmem:s14+$0xFFFFFFA0] =	vst v1;
	v1 =	vmul.f32 $1.131370830e+01, v6;
	v6 =	vld [tilespmem:s14+$0x10]  }
0x476: {  	[tilespmem:s14+$0xFFFFFFB0] =	vst v0;
	v0 =	vmul.f32 $1.131370830e+01, v3;
	v3 =	vld [tilespmem:s14+$0x20]  }
0x477: {  	[tilespmem:s14+$0xFFFFFFC0] =	vst v1;
	v1 =	vmul.f32 $1.131370830e+01, v4;
	v4 =	vld [tilespmem:s14+$0x30]  }
0x478: {  	[tilespmem:s14+$0xFFFFFFD0] =	vst v0;
	v0 =	vmul.f32 $1.131370830e+01, v2;
	v2 =	vld [tilespmem:s14+$0x40]  }
0x479: {  	[tilespmem:s14+$0xFFFFFFE0] =	vst v1;
	v1 =	vmul.f32 $1.131370830e+01, v5;
	v5 =	vld [tilespmem:s14+$0x50]  }
0x47a: {  	[tilespmem:s14+$0xFFFFFFF0] =	vst v0;
	v0 =	vmul.f32 $1.131370830e+01, v6;
	v6 =	vld [tilespmem:s14+$0x60]  }
0x47b: {  	[tilespmem:s14+$0x0] =	vst v1;
	v1 =	vmul.f32 $1.131370830e+01, v3;
	v3 =	vld [tilespmem:s14+$0x70]  }
0x47c: {  	[tilespmem:s14+$0x10] =	vst v0;
	v0 =	vmul.f32 $1.131370830e+01, v4;
	v4 =	vld [tilespmem:s14+$0x80]  }
0x47d: {  	[tilespmem:s14+$0x20] =	vst v1;
	v1 =	vmul.f32 $1.131370830e+01, v2;
	v7 =	vld [tilespmem:s14+$0x90]  }
0x47e: {  	[tilespmem:s14+$0x30] =	vst v0;
	v2 =	vmul.f32 $1.131370830e+01, v5;
	v8 =	vld [tilespmem:s14+$0xA0]  }
.Ltmp14:
0x47f: {  	[tilespmem:s14+$0x40] =	vst v1;
	v5 =	vmul.f32 $1.131370830e+01, v6;
	v0 =	vld [tilespmem:s14+$0xB0];
	(pc) =	sbr.rel @p0 .LBB2_30-.Ltmp14, $4  }
0x480: {  	[tilespmem:s14+$0x50] =	vst v2;
	v3 =	vmul.f32 $1.131370830e+01, v3;
	v1 =	vld [tilespmem:s14+$0xC0]  }
0x481: {  	[tilespmem:s14+$0x60] =	vst v5;
	v6 =	vmul.f32 $1.131370830e+01, v4;
	v2 =	vld [tilespmem:s14+$0xD0]  }
0x482: {  	[tilespmem:s14+$0x70] =	vst v3;
	v5 =	vmul.f32 $1.131370830e+01, v7;
	v3 =	vld [tilespmem:s14+$0xE0]  }
0x483: {  	s14 =	sadd.s32 $0x200, s14;
	v4 =	vld [tilespmem:s7+$0xFFFFFF00];
	[tilespmem:s7+$0x80] =	vst v6;
	v6 =	vmul.f32 $1.131370830e+01, v8  }
0x484: {  	[tilespmem:s7+$0x90] =	vst v5;
	v0 =	vmul.f32 $1.131370830e+01, v0  }
0x485: {  	[tilespmem:s7+$0xA0] =	vst v6;
	v1 =	vmul.f32 $1.131370830e+01, v1  }
0x486: {  	[tilespmem:s7+$0xB0] =	vst v0;
	v0 =	vmul.f32 $1.131370830e+01, v2  }
0x487: {  	[tilespmem:s7+$0xC0] =	vst v1;
	v1 =	vmul.f32 $1.131370830e+01, v3  }
0x488: {  	v2 =	vmul.f32 $1.131370830e+01, v4;
	[tilespmem:s7+$0xD0] =	vst v0  }
0x489: {  	[tilespmem:s7+$0xE0] =	vst v1  }
0x48a: {  	[tilespmem:s7+$0xFFFFFF00] =	vst v2  }
0x48b: {  	s7 =	rddreg [dreg:$0xe]  }
0x48c: {  	[hbm4b:s7+s4] =	stream.linear.scatter [tilespmem:s28], [sflag:$0x8], $0x4000, $0x38;
	[tilespmem:$0x1E400] =	vst v63  }
0x48d: {  	_ =	swait.ge [sflag:s6], $0x4000  }
0x48e: {  	[sflag:s6] =	ssyncset.done $0x0  }
0x48f: {  	[sflag:s6] =	ssyncadd.s32 $0xFFFFC000  }
0x490: {  	_ =	swait.ge [sflag:s19], $0x4000  }
0x491: {  	[sflag:s19] =	ssyncset.done $0x0  }
0x492: {  	s24 =	simm.s32 $0x6280;
	s7 =	simm.s32 $0xE500;
	[sflag:s19] =	ssyncadd.s32 $0xFFFFC000  }
0x493: {  	[tilespmem:s8], [sflag:$0x6] =	stream.indirect.gather [hbm4b:s1+s25], $0x80, s24, s25, $0xb8;
	[tilespmem:$0x1E400] =	vst v63  }
0x494: {  	v0 =	vld [tilespmem:s7+$0xF0]  }
0x495: {  	v1 =	vld [tilespmem:s7+$0xFFFFFF10]  }
0x496: {  	v2 =	vld [tilespmem:s7+$0xFFFFFF20]  }
0x497: {  	v3 =	vld [tilespmem:s7+$0xFFFFFF30]  }
0x498: {  	v6 =	vld [tilespmem:s7+$0xFFFFFF60]  }
0x499: {  	v4 =	vld [tilespmem:s7+$0xFFFFFF40]  }
0x49a: {  	v5 =	vld [tilespmem:s7+$0xFFFFFF50];
	v0 =	vmul.f32 $1.131370830e+01, v0  }
0x49b: {  	v8 =	vld [tilespmem:s7+$0xFFFFFF80];
	v1 =	vmul.f32 $1.131370830e+01, v1  }
0x49c: {  	v7 =	vld [tilespmem:s7+$0xFFFFFF70];
	v2 =	vmul.f32 $1.131370830e+01, v2;
	[tilespmem:s7+$0xF0] =	vst v0  }
0x49d: {  	v6 =	vmul.f32 $1.131370830e+01, v6;
	v0 =	vld [tilespmem:s7+$0xFFFFFF90];
	[tilespmem:s7+$0xFFFFFF10] =	vst v1  }
0x49e: {  	v1 =	vmul.f32 $1.131370830e+01, v3;
	v3 =	vld [tilespmem:s7+$0xFFFFFFA0];
	[tilespmem:s7+$0xFFFFFF20] =	vst v2;
	v2 =	vmul.f32 $1.131370830e+01, v4  }
0x49f: {  	[tilespmem:s7+$0xFFFFFF60] =	vst v6;
	v6 =	vld [tilespmem:s7+$0xFFFFFFF0]  }
0x4a0: {  	v4 =	vld [tilespmem:s7+$0xFFFFFFB0];
	[tilespmem:s7+$0xFFFFFF40] =	vst v2;
	v2 =	vmul.f32 $1.131370830e+01, v8  }
0x4a1: {  	[tilespmem:s7+$0xFFFFFF30] =	vst v1;
	v1 =	vmul.f32 $1.131370830e+01, v5;
	v5 =	vld [tilespmem:s7+$0xFFFFFFC0]  }
0x4a2: {  	v8 =	vld [tilespmem:s7+$0xFFFFFFD0];
	[tilespmem:s7+$0xFFFFFF80] =	vst v2;
	v2 =	vmul.f32 $1.131370830e+01, v7  }
0x4a3: {  	[tilespmem:s7+$0xFFFFFF50] =	vst v1;
	v1 =	vld [tilespmem:s7+$0xFFFFFFE0];
	v0 =	vmul.f32 $1.131370830e+01, v0  }
0x4a4: {  	v7 =	vld [tilespmem:s7+$0x30];
	v6 =	vmul.f32 $1.131370830e+01, v6;
	[tilespmem:s7+$0xFFFFFF70] =	vst v2  }
0x4a5: {  	v2 =	vmul.f32 $1.131370830e+01, v3;
	v3 =	vld [tilespmem:s7+$0x0];
	[tilespmem:s7+$0xFFFFFF90] =	vst v0  }
0x4a6: {  	v0 =	vmul.f32 $1.131370830e+01, v4;
	v4 =	vld [tilespmem:s7+$0x10];
	[tilespmem:s7+$0xFFFFFFF0] =	vst v6  }
0x4a7: {  	[tilespmem:s7+$0xFFFFFFA0] =	vst v2;
	v2 =	vmul.f32 $1.131370830e+01, v5;
	v5 =	vld [tilespmem:s7+$0x20]  }
0x4a8: {  	v6 =	vld [tilespmem:s7+$0x80];
	[tilespmem:s7+$0xFFFFFFB0] =	vst v0;
	v0 =	vmul.f32 $1.131370830e+01, v8  }
0x4a9: {  	v1 =	vmul.f32 $1.131370830e+01, v1;
	[tilespmem:s7+$0xFFFFFFC0] =	vst v2;
	v2 =	vld [tilespmem:s7+$0x40]  }
0x4aa: {  	[tilespmem:s7+$0xFFFFFFD0] =	vst v0;
	v0 =	vmul.f32 $1.131370830e+01, v3  }
0x4ab: {  	v3 =	vld [tilespmem:s7+$0x50];
	[tilespmem:s7+$0xFFFFFFE0] =	vst v1;
	v4 =	vmul.f32 $1.131370830e+01, v4  }
0x4ac: {  	v1 =	vld [tilespmem:s7+$0x60];
	[tilespmem:s7+$0x0] =	vst v0;
	v0 =	vmul.f32 $1.131370830e+01, v5  }
0x4ad: {  	v6 =	vmul.f32 $1.131370830e+01, v6;
	v5 =	vld [tilespmem:s7+$0x70];
	[tilespmem:s7+$0x10] =	vst v4  }
0x4ae: {  	v4 =	vmul.f32 $1.131370830e+01, v7;
	v7 =	vld [tilespmem:s7+$0x90];
	[tilespmem:s7+$0x20] =	vst v0;
	v0 =	vmul.f32 $1.131370830e+01, v2  }
0x4af: {  	v8 =	vld [tilespmem:s7+$0xA0];
	[tilespmem:s7+$0x80] =	vst v6  }
0x4b0: {  	v2 =	vmul.f32 $1.131370830e+01, v3;
	[tilespmem:s7+$0x40] =	vst v0;
	v0 =	vld [tilespmem:s7+$0xB0]  }
0x4b1: {  	[tilespmem:s7+$0x30] =	vst v4;
	v3 =	vmul.f32 $1.131370830e+01, v1;
	v1 =	vld [tilespmem:s7+$0xC0]  }
0x4b2: {  	[tilespmem:s7+$0x50] =	vst v2;
	v4 =	vmul.f32 $1.131370830e+01, v5;
	v2 =	vld [tilespmem:s7+$0xD0]  }
0x4b3: {  	[tilespmem:s7+$0x60] =	vst v3;
	v3 =	vld [tilespmem:s7+$0xE0];
	v5 =	vmul.f32 $1.131370830e+01, v7  }
0x4b4: {  	s13 =	simm.s32 $0x0;
	s14 =	simm.s32 $0xE700;
	v6 =	vmul.f32 $1.131370830e+01, v8;
	[tilespmem:s7+$0x70] =	vst v4;
	v4 =	vld [tilespmem:s7+$0xFFFFFF00]  }
.LBB2_32:
0x4b5: {  	v7 =	vld [tilespmem:s14+$0xF0];
	s13 =	sadd.s32 $0x4, s13;
	[tilespmem:s7+$0x90] =	vst v5;
	v0 =	vmul.f32 $1.131370830e+01, v0  }
0x4b6: {  	v5 =	vld [tilespmem:s14+$0xFFFFFF10];
	p0 =	slt.u32 s13, $0x7C;
	[tilespmem:s7+$0xA0] =	vst v6;
	v1 =	vmul.f32 $1.131370830e+01, v1  }
0x4b7: {  	v6 =	vld [tilespmem:s14+$0xFFFFFF20];
	[tilespmem:s7+$0xB0] =	vst v0;
	v0 =	vmul.f32 $1.131370830e+01, v2  }
0x4b8: {  	v2 =	vld [tilespmem:s14+$0xFFFFFF30];
	[tilespmem:s7+$0xC0] =	vst v1;
	v1 =	vmul.f32 $1.131370830e+01, v3  }
0x4b9: {  	v3 =	vld [tilespmem:s14+$0xFFFFFF40];
	v4 =	vmul.f32 $1.131370830e+01, v4;
	[tilespmem:s7+$0xD0] =	vst v0  }
0x4ba: {  	v0 =	vld [tilespmem:s14+$0xFFFFFF50];
	v7 =	vmul.f32 $1.131370830e+01, v7;
	[tilespmem:s7+$0xE0] =	vst v1  }
0x4bb: {  	v1 =	vmul.f32 $1.131370830e+01, v5;
	v5 =	vld [tilespmem:s14+$0xFFFFFF60];
	[tilespmem:s7+$0xFFFFFF00] =	vst v4;
	s7 =	smov.u32 s14  }
0x4bc: {  	v4 =	vmul.f32 $1.131370830e+01, v6;
	v6 =	vld [tilespmem:s14+$0xFFFFFF70];
	[tilespmem:s14+$0xF0] =	vst v7  }
0x4bd: {  	[tilespmem:s14+$0xFFFFFF10] =	vst v1;
	v1 =	vmul.f32 $1.131370830e+01, v2;
	v2 =	vld [tilespmem:s14+$0xFFFFFF80]  }
0x4be: {  	[tilespmem:s14+$0xFFFFFF20] =	vst v4;
	v3 =	vmul.f32 $1.131370830e+01, v3;
	v4 =	vld [tilespmem:s14+$0xFFFFFF90]  }
0x4bf: {  	[tilespmem:s14+$0xFFFFFF30] =	vst v1;
	v0 =	vmul.f32 $1.131370830e+01, v0;
	v1 =	vld [tilespmem:s14+$0xFFFFFFA0]  }
0x4c0: {  	[tilespmem:s14+$0xFFFFFF40] =	vst v3;
	v3 =	vmul.f32 $1.131370830e+01, v5;
	v5 =	vld [tilespmem:s14+$0xFFFFFFB0]  }
0x4c1: {  	[tilespmem:s14+$0xFFFFFF50] =	vst v0;
	v0 =	vmul.f32 $1.131370830e+01, v6;
	v6 =	vld [tilespmem:s14+$0xFFFFFFC0]  }
0x4c2: {  	[tilespmem:s14+$0xFFFFFF60] =	vst v3;
	v2 =	vmul.f32 $1.131370830e+01, v2;
	v3 =	vld [tilespmem:s14+$0xFFFFFFD0]  }
0x4c3: {  	[tilespmem:s14+$0xFFFFFF70] =	vst v0;
	v0 =	vmul.f32 $1.131370830e+01, v4;
	v4 =	vld [tilespmem:s14+$0xFFFFFFE0]  }
0x4c4: {  	[tilespmem:s14+$0xFFFFFF80] =	vst v2;
	v1 =	vmul.f32 $1.131370830e+01, v1;
	v2 =	vld [tilespmem:s14+$0xFFFFFFF0]  }
0x4c5: {  	[tilespmem:s14+$0xFFFFFF90] =	vst v0;
	v0 =	vmul.f32 $1.131370830e+01, v5;
	v5 =	vld [tilespmem:s14+$0x0]  }
0x4c6: {  	[tilespmem:s14+$0xFFFFFFA0] =	vst v1;
	v1 =	vmul.f32 $1.131370830e+01, v6;
	v6 =	vld [tilespmem:s14+$0x10]  }
0x4c7: {  	[tilespmem:s14+$0xFFFFFFB0] =	vst v0;
	v0 =	vmul.f32 $1.131370830e+01, v3;
	v3 =	vld [tilespmem:s14+$0x20]  }
0x4c8: {  	[tilespmem:s14+$0xFFFFFFC0] =	vst v1;
	v1 =	vmul.f32 $1.131370830e+01, v4;
	v4 =	vld [tilespmem:s14+$0x30]  }
0x4c9: {  	[tilespmem:s14+$0xFFFFFFD0] =	vst v0;
	v0 =	vmul.f32 $1.131370830e+01, v2;
	v2 =	vld [tilespmem:s14+$0x40]  }
0x4ca: {  	[tilespmem:s14+$0xFFFFFFE0] =	vst v1;
	v1 =	vmul.f32 $1.131370830e+01, v5;
	v5 =	vld [tilespmem:s14+$0x50]  }
0x4cb: {  	[tilespmem:s14+$0xFFFFFFF0] =	vst v0;
	v0 =	vmul.f32 $1.131370830e+01, v6;
	v6 =	vld [tilespmem:s14+$0x60]  }
0x4cc: {  	[tilespmem:s14+$0x0] =	vst v1;
	v1 =	vmul.f32 $1.131370830e+01, v3;
	v3 =	vld [tilespmem:s14+$0x70]  }
0x4cd: {  	[tilespmem:s14+$0x10] =	vst v0;
	v0 =	vmul.f32 $1.131370830e+01, v4;
	v4 =	vld [tilespmem:s14+$0x80]  }
0x4ce: {  	[tilespmem:s14+$0x20] =	vst v1;
	v1 =	vmul.f32 $1.131370830e+01, v2;
	v7 =	vld [tilespmem:s14+$0x90]  }
0x4cf: {  	[tilespmem:s14+$0x30] =	vst v0;
	v2 =	vmul.f32 $1.131370830e+01, v5;
	v8 =	vld [tilespmem:s14+$0xA0]  }
.Ltmp15:
0x4d0: {  	[tilespmem:s14+$0x40] =	vst v1;
	v5 =	vmul.f32 $1.131370830e+01, v6;
	v0 =	vld [tilespmem:s14+$0xB0];
	(pc) =	sbr.rel @p0 .LBB2_32-.Ltmp15, $4  }
0x4d1: {  	[tilespmem:s14+$0x50] =	vst v2;
	v3 =	vmul.f32 $1.131370830e+01, v3;
	v1 =	vld [tilespmem:s14+$0xC0]  }
0x4d2: {  	[tilespmem:s14+$0x60] =	vst v5;
	v6 =	vmul.f32 $1.131370830e+01, v4;
	v2 =	vld [tilespmem:s14+$0xD0]  }
0x4d3: {  	[tilespmem:s14+$0x70] =	vst v3;
	v5 =	vmul.f32 $1.131370830e+01, v7;
	v3 =	vld [tilespmem:s14+$0xE0]  }
0x4d4: {  	s14 =	sadd.s32 $0x200, s14;
	v4 =	vld [tilespmem:s7+$0xFFFFFF00];
	[tilespmem:s7+$0x80] =	vst v6;
	v6 =	vmul.f32 $1.131370830e+01, v8  }
0x4d5: {  	[tilespmem:s7+$0x90] =	vst v5;
	v0 =	vmul.f32 $1.131370830e+01, v0  }
0x4d6: {  	[tilespmem:s7+$0xA0] =	vst v6;
	v1 =	vmul.f32 $1.131370830e+01, v1  }
0x4d7: {  	[tilespmem:s7+$0xB0] =	vst v0;
	v0 =	vmul.f32 $1.131370830e+01, v2  }
0x4d8: {  	[tilespmem:s7+$0xC0] =	vst v1;
	v1 =	vmul.f32 $1.131370830e+01, v3  }
0x4d9: {  	v2 =	vmul.f32 $1.131370830e+01, v4;
	[tilespmem:s7+$0xD0] =	vst v0  }
0x4da: {  	[tilespmem:s7+$0xE0] =	vst v1  }
0x4db: {  	[tilespmem:s7+$0xFFFFFF00] =	vst v2  }
0x4dc: {  	s7 =	rddreg [dreg:$0xf]  }
0x4dd: {  	[hbm4b:s7+s4] =	stream.linear.scatter [tilespmem:s30], [sflag:$0x9], $0x4000, $0x38;
	[tilespmem:$0x1E400] =	vst v63  }
0x4de: {  	_ =	swait.ge [sflag:s9], $0x4000  }
0x4df: {  	[sflag:s9] =	ssyncset.done $0x0  }
0x4e0: {  	[sflag:s9] =	ssyncadd.s32 $0xFFFFC000  }
0x4e1: {  	_ =	swait.ge [sflag:s10], $0x4000  }
0x4e2: {  	[sflag:s10] =	ssyncset.done $0x0  }
0x4e3: {  	s24 =	simm.s32 $0x6300;
	s7 =	simm.s32 $0x12500;
	[sflag:s10] =	ssyncadd.s32 $0xFFFFC000  }
0x4e4: {  	[tilespmem:s26], [sflag:$0x1] =	stream.indirect.gather [hbm4b:s1+s25], $0x80, s24, s25, $0xb8;
	[tilespmem:$0x1E400] =	vst v63  }
0x4e5: {  	v0 =	vld [tilespmem:s7+$0xF0]  }
0x4e6: {  	v1 =	vld [tilespmem:s7+$0xFFFFFF10]  }
0x4e7: {  	v2 =	vld [tilespmem:s7+$0xFFFFFF20]  }
0x4e8: {  	v3 =	vld [tilespmem:s7+$0xFFFFFF30]  }
0x4e9: {  	v6 =	vld [tilespmem:s7+$0xFFFFFF60]  }
0x4ea: {  	v4 =	vld [tilespmem:s7+$0xFFFFFF40]  }
0x4eb: {  	v5 =	vld [tilespmem:s7+$0xFFFFFF50];
	v0 =	vmul.f32 $1.131370830e+01, v0  }
0x4ec: {  	v8 =	vld [tilespmem:s7+$0xFFFFFF80];
	v1 =	vmul.f32 $1.131370830e+01, v1  }
0x4ed: {  	v7 =	vld [tilespmem:s7+$0xFFFFFF70];
	v2 =	vmul.f32 $1.131370830e+01, v2;
	[tilespmem:s7+$0xF0] =	vst v0  }
0x4ee: {  	v6 =	vmul.f32 $1.131370830e+01, v6;
	v0 =	vld [tilespmem:s7+$0xFFFFFF90];
	[tilespmem:s7+$0xFFFFFF10] =	vst v1  }
0x4ef: {  	v1 =	vmul.f32 $1.131370830e+01, v3;
	v3 =	vld [tilespmem:s7+$0xFFFFFFA0];
	[tilespmem:s7+$0xFFFFFF20] =	vst v2;
	v2 =	vmul.f32 $1.131370830e+01, v4  }
0x4f0: {  	[tilespmem:s7+$0xFFFFFF60] =	vst v6;
	v6 =	vld [tilespmem:s7+$0xFFFFFFF0]  }
0x4f1: {  	v4 =	vld [tilespmem:s7+$0xFFFFFFB0];
	[tilespmem:s7+$0xFFFFFF40] =	vst v2;
	v2 =	vmul.f32 $1.131370830e+01, v8  }
0x4f2: {  	[tilespmem:s7+$0xFFFFFF30] =	vst v1;
	v1 =	vmul.f32 $1.131370830e+01, v5;
	v5 =	vld [tilespmem:s7+$0xFFFFFFC0]  }
0x4f3: {  	v8 =	vld [tilespmem:s7+$0xFFFFFFD0];
	[tilespmem:s7+$0xFFFFFF80] =	vst v2;
	v2 =	vmul.f32 $1.131370830e+01, v7  }
0x4f4: {  	[tilespmem:s7+$0xFFFFFF50] =	vst v1;
	v1 =	vld [tilespmem:s7+$0xFFFFFFE0];
	v0 =	vmul.f32 $1.131370830e+01, v0  }
0x4f5: {  	v7 =	vld [tilespmem:s7+$0x30];
	v6 =	vmul.f32 $1.131370830e+01, v6;
	[tilespmem:s7+$0xFFFFFF70] =	vst v2  }
0x4f6: {  	v2 =	vmul.f32 $1.131370830e+01, v3;
	v3 =	vld [tilespmem:s7+$0x0];
	[tilespmem:s7+$0xFFFFFF90] =	vst v0  }
0x4f7: {  	v0 =	vmul.f32 $1.131370830e+01, v4;
	v4 =	vld [tilespmem:s7+$0x10];
	[tilespmem:s7+$0xFFFFFFF0] =	vst v6  }
0x4f8: {  	[tilespmem:s7+$0xFFFFFFA0] =	vst v2;
	v2 =	vmul.f32 $1.131370830e+01, v5;
	v5 =	vld [tilespmem:s7+$0x20]  }
0x4f9: {  	v6 =	vld [tilespmem:s7+$0x80];
	[tilespmem:s7+$0xFFFFFFB0] =	vst v0;
	v0 =	vmul.f32 $1.131370830e+01, v8  }
0x4fa: {  	v1 =	vmul.f32 $1.131370830e+01, v1;
	[tilespmem:s7+$0xFFFFFFC0] =	vst v2;
	v2 =	vld [tilespmem:s7+$0x40]  }
0x4fb: {  	[tilespmem:s7+$0xFFFFFFD0] =	vst v0;
	v0 =	vmul.f32 $1.131370830e+01, v3  }
0x4fc: {  	v3 =	vld [tilespmem:s7+$0x50];
	[tilespmem:s7+$0xFFFFFFE0] =	vst v1;
	v4 =	vmul.f32 $1.131370830e+01, v4  }
0x4fd: {  	v1 =	vld [tilespmem:s7+$0x60];
	[tilespmem:s7+$0x0] =	vst v0;
	v0 =	vmul.f32 $1.131370830e+01, v5  }
0x4fe: {  	v6 =	vmul.f32 $1.131370830e+01, v6;
	v5 =	vld [tilespmem:s7+$0x70];
	[tilespmem:s7+$0x10] =	vst v4  }
0x4ff: {  	v4 =	vmul.f32 $1.131370830e+01, v7;
	v7 =	vld [tilespmem:s7+$0x90];
	[tilespmem:s7+$0x20] =	vst v0;
	v0 =	vmul.f32 $1.131370830e+01, v2  }
0x500: {  	v8 =	vld [tilespmem:s7+$0xA0];
	[tilespmem:s7+$0x80] =	vst v6  }
0x501: {  	v2 =	vmul.f32 $1.131370830e+01, v3;
	[tilespmem:s7+$0x40] =	vst v0;
	v0 =	vld [tilespmem:s7+$0xB0]  }
0x502: {  	[tilespmem:s7+$0x30] =	vst v4;
	v3 =	vmul.f32 $1.131370830e+01, v1;
	v1 =	vld [tilespmem:s7+$0xC0]  }
0x503: {  	[tilespmem:s7+$0x50] =	vst v2;
	v4 =	vmul.f32 $1.131370830e+01, v5;
	v2 =	vld [tilespmem:s7+$0xD0]  }
0x504: {  	[tilespmem:s7+$0x60] =	vst v3;
	v3 =	vld [tilespmem:s7+$0xE0];
	v5 =	vmul.f32 $1.131370830e+01, v7  }
0x505: {  	s13 =	simm.s32 $0x0;
	s14 =	simm.s32 $0x12700;
	v6 =	vmul.f32 $1.131370830e+01, v8;
	[tilespmem:s7+$0x70] =	vst v4;
	v4 =	vld [tilespmem:s7+$0xFFFFFF00]  }
.LBB2_34:
0x506: {  	v7 =	vld [tilespmem:s14+$0xF0];
	s13 =	sadd.s32 $0x4, s13;
	[tilespmem:s7+$0x90] =	vst v5;
	v0 =	vmul.f32 $1.131370830e+01, v0  }
0x507: {  	v5 =	vld [tilespmem:s14+$0xFFFFFF10];
	p0 =	slt.u32 s13, $0x7C;
	[tilespmem:s7+$0xA0] =	vst v6;
	v1 =	vmul.f32 $1.131370830e+01, v1  }
0x508: {  	v6 =	vld [tilespmem:s14+$0xFFFFFF20];
	[tilespmem:s7+$0xB0] =	vst v0;
	v0 =	vmul.f32 $1.131370830e+01, v2  }
0x509: {  	v2 =	vld [tilespmem:s14+$0xFFFFFF30];
	[tilespmem:s7+$0xC0] =	vst v1;
	v1 =	vmul.f32 $1.131370830e+01, v3  }
0x50a: {  	v3 =	vld [tilespmem:s14+$0xFFFFFF40];
	v4 =	vmul.f32 $1.131370830e+01, v4;
	[tilespmem:s7+$0xD0] =	vst v0  }
0x50b: {  	v0 =	vld [tilespmem:s14+$0xFFFFFF50];
	v7 =	vmul.f32 $1.131370830e+01, v7;
	[tilespmem:s7+$0xE0] =	vst v1  }
0x50c: {  	v1 =	vmul.f32 $1.131370830e+01, v5;
	v5 =	vld [tilespmem:s14+$0xFFFFFF60];
	[tilespmem:s7+$0xFFFFFF00] =	vst v4;
	s7 =	smov.u32 s14  }
0x50d: {  	v4 =	vmul.f32 $1.131370830e+01, v6;
	v6 =	vld [tilespmem:s14+$0xFFFFFF70];
	[tilespmem:s14+$0xF0] =	vst v7  }
0x50e: {  	[tilespmem:s14+$0xFFFFFF10] =	vst v1;
	v1 =	vmul.f32 $1.131370830e+01, v2;
	v2 =	vld [tilespmem:s14+$0xFFFFFF80]  }
0x50f: {  	[tilespmem:s14+$0xFFFFFF20] =	vst v4;
	v3 =	vmul.f32 $1.131370830e+01, v3;
	v4 =	vld [tilespmem:s14+$0xFFFFFF90]  }
0x510: {  	[tilespmem:s14+$0xFFFFFF30] =	vst v1;
	v0 =	vmul.f32 $1.131370830e+01, v0;
	v1 =	vld [tilespmem:s14+$0xFFFFFFA0]  }
0x511: {  	[tilespmem:s14+$0xFFFFFF40] =	vst v3;
	v3 =	vmul.f32 $1.131370830e+01, v5;
	v5 =	vld [tilespmem:s14+$0xFFFFFFB0]  }
0x512: {  	[tilespmem:s14+$0xFFFFFF50] =	vst v0;
	v0 =	vmul.f32 $1.131370830e+01, v6;
	v6 =	vld [tilespmem:s14+$0xFFFFFFC0]  }
0x513: {  	[tilespmem:s14+$0xFFFFFF60] =	vst v3;
	v2 =	vmul.f32 $1.131370830e+01, v2;
	v3 =	vld [tilespmem:s14+$0xFFFFFFD0]  }
0x514: {  	[tilespmem:s14+$0xFFFFFF70] =	vst v0;
	v0 =	vmul.f32 $1.131370830e+01, v4;
	v4 =	vld [tilespmem:s14+$0xFFFFFFE0]  }
0x515: {  	[tilespmem:s14+$0xFFFFFF80] =	vst v2;
	v1 =	vmul.f32 $1.131370830e+01, v1;
	v2 =	vld [tilespmem:s14+$0xFFFFFFF0]  }
0x516: {  	[tilespmem:s14+$0xFFFFFF90] =	vst v0;
	v0 =	vmul.f32 $1.131370830e+01, v5;
	v5 =	vld [tilespmem:s14+$0x0]  }
0x517: {  	[tilespmem:s14+$0xFFFFFFA0] =	vst v1;
	v1 =	vmul.f32 $1.131370830e+01, v6;
	v6 =	vld [tilespmem:s14+$0x10]  }
0x518: {  	[tilespmem:s14+$0xFFFFFFB0] =	vst v0;
	v0 =	vmul.f32 $1.131370830e+01, v3;
	v3 =	vld [tilespmem:s14+$0x20]  }
0x519: {  	[tilespmem:s14+$0xFFFFFFC0] =	vst v1;
	v1 =	vmul.f32 $1.131370830e+01, v4;
	v4 =	vld [tilespmem:s14+$0x30]  }
0x51a: {  	[tilespmem:s14+$0xFFFFFFD0] =	vst v0;
	v0 =	vmul.f32 $1.131370830e+01, v2;
	v2 =	vld [tilespmem:s14+$0x40]  }
0x51b: {  	[tilespmem:s14+$0xFFFFFFE0] =	vst v1;
	v1 =	vmul.f32 $1.131370830e+01, v5;
	v5 =	vld [tilespmem:s14+$0x50]  }
0x51c: {  	[tilespmem:s14+$0xFFFFFFF0] =	vst v0;
	v0 =	vmul.f32 $1.131370830e+01, v6;
	v6 =	vld [tilespmem:s14+$0x60]  }
0x51d: {  	[tilespmem:s14+$0x0] =	vst v1;
	v1 =	vmul.f32 $1.131370830e+01, v3;
	v3 =	vld [tilespmem:s14+$0x70]  }
0x51e: {  	[tilespmem:s14+$0x10] =	vst v0;
	v0 =	vmul.f32 $1.131370830e+01, v4;
	v4 =	vld [tilespmem:s14+$0x80]  }
0x51f: {  	[tilespmem:s14+$0x20] =	vst v1;
	v1 =	vmul.f32 $1.131370830e+01, v2;
	v7 =	vld [tilespmem:s14+$0x90]  }
0x520: {  	[tilespmem:s14+$0x30] =	vst v0;
	v2 =	vmul.f32 $1.131370830e+01, v5;
	v8 =	vld [tilespmem:s14+$0xA0]  }
.Ltmp16:
0x521: {  	[tilespmem:s14+$0x40] =	vst v1;
	v5 =	vmul.f32 $1.131370830e+01, v6;
	v0 =	vld [tilespmem:s14+$0xB0];
	(pc) =	sbr.rel @p0 .LBB2_34-.Ltmp16, $4  }
0x522: {  	[tilespmem:s14+$0x50] =	vst v2;
	v3 =	vmul.f32 $1.131370830e+01, v3;
	v1 =	vld [tilespmem:s14+$0xC0]  }
0x523: {  	[tilespmem:s14+$0x60] =	vst v5;
	v6 =	vmul.f32 $1.131370830e+01, v4;
	v2 =	vld [tilespmem:s14+$0xD0]  }
0x524: {  	[tilespmem:s14+$0x70] =	vst v3;
	v5 =	vmul.f32 $1.131370830e+01, v7;
	v3 =	vld [tilespmem:s14+$0xE0]  }
0x525: {  	s14 =	sadd.s32 $0x200, s14;
	v4 =	vld [tilespmem:s7+$0xFFFFFF00];
	[tilespmem:s7+$0x80] =	vst v6;
	v6 =	vmul.f32 $1.131370830e+01, v8  }
0x526: {  	[tilespmem:s7+$0x90] =	vst v5;
	v0 =	vmul.f32 $1.131370830e+01, v0  }
0x527: {  	[tilespmem:s7+$0xA0] =	vst v6;
	v1 =	vmul.f32 $1.131370830e+01, v1  }
0x528: {  	[tilespmem:s7+$0xB0] =	vst v0;
	v0 =	vmul.f32 $1.131370830e+01, v2  }
0x529: {  	[tilespmem:s7+$0xC0] =	vst v1;
	v1 =	vmul.f32 $1.131370830e+01, v3  }
0x52a: {  	v2 =	vmul.f32 $1.131370830e+01, v4;
	[tilespmem:s7+$0xD0] =	vst v0  }
0x52b: {  	[tilespmem:s7+$0xE0] =	vst v1  }
0x52c: {  	[tilespmem:s7+$0xFFFFFF00] =	vst v2  }
0x52d: {  	s7 =	rddreg [dreg:$0x10]  }
0x52e: {  	[hbm4b:s7+s4] =	stream.linear.scatter [tilespmem:s0], [sflag:$0xA], $0x4000, $0x38;
	[tilespmem:$0x1E400] =	vst v63  }
0x52f: {  	_ =	swait.ge [sflag:s11], $0x4000  }
0x530: {  	[sflag:s11] =	ssyncset.done $0x0  }
0x531: {  	[sflag:s11] =	ssyncadd.s32 $0xFFFFC000  }
0x532: {  	_ =	swait.ge [sflag:s12], $0x4000  }
0x533: {  	[sflag:s12] =	ssyncset.done $0x0  }
0x534: {  	s24 =	simm.s32 $0x6380;
	s7 =	simm.s32 $0x16500;
	[sflag:s12] =	ssyncadd.s32 $0xFFFFC000  }
0x535: {  	[tilespmem:s28], [sflag:$0x2] =	stream.indirect.gather [hbm4b:s1+s25], $0x80, s24, s25, $0xb8;
	[tilespmem:$0x1E400] =	vst v63  }
0x536: {  	v0 =	vld [tilespmem:s7+$0xF0]  }
0x537: {  	v1 =	vld [tilespmem:s7+$0xFFFFFF10]  }
0x538: {  	v2 =	vld [tilespmem:s7+$0xFFFFFF20]  }
0x539: {  	v3 =	vld [tilespmem:s7+$0xFFFFFF30]  }
0x53a: {  	v6 =	vld [tilespmem:s7+$0xFFFFFF60]  }
0x53b: {  	v4 =	vld [tilespmem:s7+$0xFFFFFF40]  }
0x53c: {  	v5 =	vld [tilespmem:s7+$0xFFFFFF50];
	v0 =	vmul.f32 $1.131370830e+01, v0  }
0x53d: {  	v8 =	vld [tilespmem:s7+$0xFFFFFF80];
	v1 =	vmul.f32 $1.131370830e+01, v1  }
0x53e: {  	v7 =	vld [tilespmem:s7+$0xFFFFFF70];
	v2 =	vmul.f32 $1.131370830e+01, v2;
	[tilespmem:s7+$0xF0] =	vst v0  }
0x53f: {  	v6 =	vmul.f32 $1.131370830e+01, v6;
	v0 =	vld [tilespmem:s7+$0xFFFFFF90];
	[tilespmem:s7+$0xFFFFFF10] =	vst v1  }
0x540: {  	v1 =	vmul.f32 $1.131370830e+01, v3;
	v3 =	vld [tilespmem:s7+$0xFFFFFFA0];
	[tilespmem:s7+$0xFFFFFF20] =	vst v2;
	v2 =	vmul.f32 $1.131370830e+01, v4  }
0x541: {  	[tilespmem:s7+$0xFFFFFF60] =	vst v6;
	v6 =	vld [tilespmem:s7+$0xFFFFFFF0]  }
0x542: {  	v4 =	vld [tilespmem:s7+$0xFFFFFFB0];
	[tilespmem:s7+$0xFFFFFF40] =	vst v2;
	v2 =	vmul.f32 $1.131370830e+01, v8  }
0x543: {  	[tilespmem:s7+$0xFFFFFF30] =	vst v1;
	v1 =	vmul.f32 $1.131370830e+01, v5;
	v5 =	vld [tilespmem:s7+$0xFFFFFFC0]  }
0x544: {  	v8 =	vld [tilespmem:s7+$0xFFFFFFD0];
	[tilespmem:s7+$0xFFFFFF80] =	vst v2;
	v2 =	vmul.f32 $1.131370830e+01, v7  }
0x545: {  	[tilespmem:s7+$0xFFFFFF50] =	vst v1;
	v1 =	vld [tilespmem:s7+$0xFFFFFFE0];
	v0 =	vmul.f32 $1.131370830e+01, v0  }
0x546: {  	v7 =	vld [tilespmem:s7+$0x30];
	v6 =	vmul.f32 $1.131370830e+01, v6;
	[tilespmem:s7+$0xFFFFFF70] =	vst v2  }
0x547: {  	v2 =	vmul.f32 $1.131370830e+01, v3;
	v3 =	vld [tilespmem:s7+$0x0];
	[tilespmem:s7+$0xFFFFFF90] =	vst v0  }
0x548: {  	v0 =	vmul.f32 $1.131370830e+01, v4;
	v4 =	vld [tilespmem:s7+$0x10];
	[tilespmem:s7+$0xFFFFFFF0] =	vst v6  }
0x549: {  	[tilespmem:s7+$0xFFFFFFA0] =	vst v2;
	v2 =	vmul.f32 $1.131370830e+01, v5;
	v5 =	vld [tilespmem:s7+$0x20]  }
0x54a: {  	v6 =	vld [tilespmem:s7+$0x80];
	[tilespmem:s7+$0xFFFFFFB0] =	vst v0;
	v0 =	vmul.f32 $1.131370830e+01, v8  }
0x54b: {  	v1 =	vmul.f32 $1.131370830e+01, v1;
	[tilespmem:s7+$0xFFFFFFC0] =	vst v2;
	v2 =	vld [tilespmem:s7+$0x40]  }
0x54c: {  	[tilespmem:s7+$0xFFFFFFD0] =	vst v0;
	v0 =	vmul.f32 $1.131370830e+01, v3  }
0x54d: {  	v3 =	vld [tilespmem:s7+$0x50];
	[tilespmem:s7+$0xFFFFFFE0] =	vst v1;
	v4 =	vmul.f32 $1.131370830e+01, v4  }
0x54e: {  	v1 =	vld [tilespmem:s7+$0x60];
	[tilespmem:s7+$0x0] =	vst v0;
	v0 =	vmul.f32 $1.131370830e+01, v5  }
0x54f: {  	v6 =	vmul.f32 $1.131370830e+01, v6;
	v5 =	vld [tilespmem:s7+$0x70];
	[tilespmem:s7+$0x10] =	vst v4  }
0x550: {  	v4 =	vmul.f32 $1.131370830e+01, v7;
	v7 =	vld [tilespmem:s7+$0x90];
	[tilespmem:s7+$0x20] =	vst v0;
	v0 =	vmul.f32 $1.131370830e+01, v2  }
0x551: {  	v8 =	vld [tilespmem:s7+$0xA0];
	[tilespmem:s7+$0x80] =	vst v6  }
0x552: {  	v2 =	vmul.f32 $1.131370830e+01, v3;
	[tilespmem:s7+$0x40] =	vst v0;
	v0 =	vld [tilespmem:s7+$0xB0]  }
0x553: {  	[tilespmem:s7+$0x30] =	vst v4;
	v3 =	vmul.f32 $1.131370830e+01, v1;
	v1 =	vld [tilespmem:s7+$0xC0]  }
0x554: {  	[tilespmem:s7+$0x50] =	vst v2;
	v4 =	vmul.f32 $1.131370830e+01, v5;
	v2 =	vld [tilespmem:s7+$0xD0]  }
0x555: {  	[tilespmem:s7+$0x60] =	vst v3;
	v3 =	vld [tilespmem:s7+$0xE0];
	v5 =	vmul.f32 $1.131370830e+01, v7  }
0x556: {  	s13 =	simm.s32 $0x0;
	s14 =	simm.s32 $0x16700;
	v6 =	vmul.f32 $1.131370830e+01, v8;
	[tilespmem:s7+$0x70] =	vst v4;
	v4 =	vld [tilespmem:s7+$0xFFFFFF00]  }
.LBB2_36:
0x557: {  	v7 =	vld [tilespmem:s14+$0xF0];
	s13 =	sadd.s32 $0x4, s13;
	[tilespmem:s7+$0x90] =	vst v5;
	v0 =	vmul.f32 $1.131370830e+01, v0  }
0x558: {  	v5 =	vld [tilespmem:s14+$0xFFFFFF10];
	p0 =	slt.u32 s13, $0x7C;
	[tilespmem:s7+$0xA0] =	vst v6;
	v1 =	vmul.f32 $1.131370830e+01, v1  }
0x559: {  	v6 =	vld [tilespmem:s14+$0xFFFFFF20];
	[tilespmem:s7+$0xB0] =	vst v0;
	v0 =	vmul.f32 $1.131370830e+01, v2  }
0x55a: {  	v2 =	vld [tilespmem:s14+$0xFFFFFF30];
	[tilespmem:s7+$0xC0] =	vst v1;
	v1 =	vmul.f32 $1.131370830e+01, v3  }
0x55b: {  	v3 =	vld [tilespmem:s14+$0xFFFFFF40];
	v4 =	vmul.f32 $1.131370830e+01, v4;
	[tilespmem:s7+$0xD0] =	vst v0  }
0x55c: {  	v0 =	vld [tilespmem:s14+$0xFFFFFF50];
	v7 =	vmul.f32 $1.131370830e+01, v7;
	[tilespmem:s7+$0xE0] =	vst v1  }
0x55d: {  	v1 =	vmul.f32 $1.131370830e+01, v5;
	v5 =	vld [tilespmem:s14+$0xFFFFFF60];
	[tilespmem:s7+$0xFFFFFF00] =	vst v4;
	s7 =	smov.u32 s14  }
0x55e: {  	v4 =	vmul.f32 $1.131370830e+01, v6;
	v6 =	vld [tilespmem:s14+$0xFFFFFF70];
	[tilespmem:s14+$0xF0] =	vst v7  }
0x55f: {  	[tilespmem:s14+$0xFFFFFF10] =	vst v1;
	v1 =	vmul.f32 $1.131370830e+01, v2;
	v2 =	vld [tilespmem:s14+$0xFFFFFF80]  }
0x560: {  	[tilespmem:s14+$0xFFFFFF20] =	vst v4;
	v3 =	vmul.f32 $1.131370830e+01, v3;
	v4 =	vld [tilespmem:s14+$0xFFFFFF90]  }
0x561: {  	[tilespmem:s14+$0xFFFFFF30] =	vst v1;
	v0 =	vmul.f32 $1.131370830e+01, v0;
	v1 =	vld [tilespmem:s14+$0xFFFFFFA0]  }
0x562: {  	[tilespmem:s14+$0xFFFFFF40] =	vst v3;
	v3 =	vmul.f32 $1.131370830e+01, v5;
	v5 =	vld [tilespmem:s14+$0xFFFFFFB0]  }
0x563: {  	[tilespmem:s14+$0xFFFFFF50] =	vst v0;
	v0 =	vmul.f32 $1.131370830e+01, v6;
	v6 =	vld [tilespmem:s14+$0xFFFFFFC0]  }
0x564: {  	[tilespmem:s14+$0xFFFFFF60] =	vst v3;
	v2 =	vmul.f32 $1.131370830e+01, v2;
	v3 =	vld [tilespmem:s14+$0xFFFFFFD0]  }
0x565: {  	[tilespmem:s14+$0xFFFFFF70] =	vst v0;
	v0 =	vmul.f32 $1.131370830e+01, v4;
	v4 =	vld [tilespmem:s14+$0xFFFFFFE0]  }
0x566: {  	[tilespmem:s14+$0xFFFFFF80] =	vst v2;
	v1 =	vmul.f32 $1.131370830e+01, v1;
	v2 =	vld [tilespmem:s14+$0xFFFFFFF0]  }
0x567: {  	[tilespmem:s14+$0xFFFFFF90] =	vst v0;
	v0 =	vmul.f32 $1.131370830e+01, v5;
	v5 =	vld [tilespmem:s14+$0x0]  }
0x568: {  	[tilespmem:s14+$0xFFFFFFA0] =	vst v1;
	v1 =	vmul.f32 $1.131370830e+01, v6;
	v6 =	vld [tilespmem:s14+$0x10]  }
0x569: {  	[tilespmem:s14+$0xFFFFFFB0] =	vst v0;
	v0 =	vmul.f32 $1.131370830e+01, v3;
	v3 =	vld [tilespmem:s14+$0x20]  }
0x56a: {  	[tilespmem:s14+$0xFFFFFFC0] =	vst v1;
	v1 =	vmul.f32 $1.131370830e+01, v4;
	v4 =	vld [tilespmem:s14+$0x30]  }
0x56b: {  	[tilespmem:s14+$0xFFFFFFD0] =	vst v0;
	v0 =	vmul.f32 $1.131370830e+01, v2;
	v2 =	vld [tilespmem:s14+$0x40]  }
0x56c: {  	[tilespmem:s14+$0xFFFFFFE0] =	vst v1;
	v1 =	vmul.f32 $1.131370830e+01, v5;
	v5 =	vld [tilespmem:s14+$0x50]  }
0x56d: {  	[tilespmem:s14+$0xFFFFFFF0] =	vst v0;
	v0 =	vmul.f32 $1.131370830e+01, v6;
	v6 =	vld [tilespmem:s14+$0x60]  }
0x56e: {  	[tilespmem:s14+$0x0] =	vst v1;
	v1 =	vmul.f32 $1.131370830e+01, v3;
	v3 =	vld [tilespmem:s14+$0x70]  }
0x56f: {  	[tilespmem:s14+$0x10] =	vst v0;
	v0 =	vmul.f32 $1.131370830e+01, v4;
	v4 =	vld [tilespmem:s14+$0x80]  }
0x570: {  	[tilespmem:s14+$0x20] =	vst v1;
	v1 =	vmul.f32 $1.131370830e+01, v2;
	v7 =	vld [tilespmem:s14+$0x90]  }
0x571: {  	[tilespmem:s14+$0x30] =	vst v0;
	v2 =	vmul.f32 $1.131370830e+01, v5;
	v8 =	vld [tilespmem:s14+$0xA0]  }
.Ltmp17:
0x572: {  	[tilespmem:s14+$0x40] =	vst v1;
	v5 =	vmul.f32 $1.131370830e+01, v6;
	v0 =	vld [tilespmem:s14+$0xB0];
	(pc) =	sbr.rel @p0 .LBB2_36-.Ltmp17, $4  }
0x573: {  	[tilespmem:s14+$0x50] =	vst v2;
	v3 =	vmul.f32 $1.131370830e+01, v3;
	v1 =	vld [tilespmem:s14+$0xC0]  }
0x574: {  	[tilespmem:s14+$0x60] =	vst v5;
	v6 =	vmul.f32 $1.131370830e+01, v4;
	v2 =	vld [tilespmem:s14+$0xD0]  }
0x575: {  	[tilespmem:s14+$0x70] =	vst v3;
	v5 =	vmul.f32 $1.131370830e+01, v7;
	v3 =	vld [tilespmem:s14+$0xE0]  }
0x576: {  	s14 =	sadd.s32 $0x200, s14;
	v4 =	vld [tilespmem:s7+$0xFFFFFF00];
	[tilespmem:s7+$0x80] =	vst v6;
	v6 =	vmul.f32 $1.131370830e+01, v8  }
0x577: {  	[tilespmem:s7+$0x90] =	vst v5;
	v0 =	vmul.f32 $1.131370830e+01, v0  }
0x578: {  	[tilespmem:s7+$0xA0] =	vst v6;
	v1 =	vmul.f32 $1.131370830e+01, v1  }
0x579: {  	[tilespmem:s7+$0xB0] =	vst v0;
	v0 =	vmul.f32 $1.131370830e+01, v2  }
0x57a: {  	[tilespmem:s7+$0xC0] =	vst v1;
	v1 =	vmul.f32 $1.131370830e+01, v3  }
0x57b: {  	v2 =	vmul.f32 $1.131370830e+01, v4;
	[tilespmem:s7+$0xD0] =	vst v0  }
0x57c: {  	[tilespmem:s7+$0xE0] =	vst v1  }
0x57d: {  	[tilespmem:s7+$0xFFFFFF00] =	vst v2  }
0x57e: {  	s7 =	rddreg [dreg:$0x11]  }
0x57f: {  	[hbm4b:s7+s4] =	stream.linear.scatter [tilespmem:s2], [sflag:$0xB], $0x4000, $0x38;
	[tilespmem:$0x1E400] =	vst v63  }
0x580: {  	_ =	swait.ge [sflag:s15], $0x4000  }
0x581: {  	[sflag:s15] =	ssyncset.done $0x0  }
0x582: {  	s7 =	simm.s32 $0x1A500;
	[sflag:s15] =	ssyncadd.s32 $0xFFFFC000  }
0x583: {  	v0 =	vld [tilespmem:s7+$0xF0]  }
0x584: {  	v1 =	vld [tilespmem:s7+$0xFFFFFF10]  }
0x585: {  	v2 =	vld [tilespmem:s7+$0xFFFFFF20]  }
0x586: {  	v3 =	vld [tilespmem:s7+$0xFFFFFF30]  }
0x587: {  	v6 =	vld [tilespmem:s7+$0xFFFFFF60]  }
0x588: {  	v4 =	vld [tilespmem:s7+$0xFFFFFF40]  }
0x589: {  	v5 =	vld [tilespmem:s7+$0xFFFFFF50];
	v0 =	vmul.f32 $1.131370830e+01, v0  }
0x58a: {  	v8 =	vld [tilespmem:s7+$0xFFFFFF80];
	v1 =	vmul.f32 $1.131370830e+01, v1  }
0x58b: {  	v7 =	vld [tilespmem:s7+$0xFFFFFF70];
	v2 =	vmul.f32 $1.131370830e+01, v2;
	[tilespmem:s7+$0xF0] =	vst v0  }
0x58c: {  	v6 =	vmul.f32 $1.131370830e+01, v6;
	v0 =	vld [tilespmem:s7+$0xFFFFFF90];
	[tilespmem:s7+$0xFFFFFF10] =	vst v1  }
0x58d: {  	v1 =	vmul.f32 $1.131370830e+01, v3;
	v3 =	vld [tilespmem:s7+$0xFFFFFFA0];
	[tilespmem:s7+$0xFFFFFF20] =	vst v2;
	v2 =	vmul.f32 $1.131370830e+01, v4  }
0x58e: {  	[tilespmem:s7+$0xFFFFFF60] =	vst v6;
	v6 =	vld [tilespmem:s7+$0xFFFFFFF0]  }
0x58f: {  	v4 =	vld [tilespmem:s7+$0xFFFFFFB0];
	[tilespmem:s7+$0xFFFFFF40] =	vst v2;
	v2 =	vmul.f32 $1.131370830e+01, v8  }
0x590: {  	[tilespmem:s7+$0xFFFFFF30] =	vst v1;
	v1 =	vmul.f32 $1.131370830e+01, v5;
	v5 =	vld [tilespmem:s7+$0xFFFFFFC0]  }
0x591: {  	v8 =	vld [tilespmem:s7+$0xFFFFFFD0];
	[tilespmem:s7+$0xFFFFFF80] =	vst v2;
	v2 =	vmul.f32 $1.131370830e+01, v7  }
0x592: {  	[tilespmem:s7+$0xFFFFFF50] =	vst v1;
	v1 =	vld [tilespmem:s7+$0xFFFFFFE0];
	v0 =	vmul.f32 $1.131370830e+01, v0  }
0x593: {  	v7 =	vld [tilespmem:s7+$0x30];
	v6 =	vmul.f32 $1.131370830e+01, v6;
	[tilespmem:s7+$0xFFFFFF70] =	vst v2  }
0x594: {  	v2 =	vmul.f32 $1.131370830e+01, v3;
	v3 =	vld [tilespmem:s7+$0x0];
	[tilespmem:s7+$0xFFFFFF90] =	vst v0  }
0x595: {  	v0 =	vmul.f32 $1.131370830e+01, v4;
	v4 =	vld [tilespmem:s7+$0x10];
	[tilespmem:s7+$0xFFFFFFF0] =	vst v6  }
0x596: {  	[tilespmem:s7+$0xFFFFFFA0] =	vst v2;
	v2 =	vmul.f32 $1.131370830e+01, v5;
	v5 =	vld [tilespmem:s7+$0x20]  }
0x597: {  	v6 =	vld [tilespmem:s7+$0x80];
	[tilespmem:s7+$0xFFFFFFB0] =	vst v0;
	v0 =	vmul.f32 $1.131370830e+01, v8  }
0x598: {  	v1 =	vmul.f32 $1.131370830e+01, v1;
	[tilespmem:s7+$0xFFFFFFC0] =	vst v2;
	v2 =	vld [tilespmem:s7+$0x40]  }
0x599: {  	[tilespmem:s7+$0xFFFFFFD0] =	vst v0;
	v0 =	vmul.f32 $1.131370830e+01, v3  }
0x59a: {  	v3 =	vld [tilespmem:s7+$0x50];
	[tilespmem:s7+$0xFFFFFFE0] =	vst v1;
	v4 =	vmul.f32 $1.131370830e+01, v4  }
0x59b: {  	v1 =	vld [tilespmem:s7+$0x60];
	[tilespmem:s7+$0x0] =	vst v0;
	v0 =	vmul.f32 $1.131370830e+01, v5  }
0x59c: {  	v6 =	vmul.f32 $1.131370830e+01, v6;
	v5 =	vld [tilespmem:s7+$0x70];
	[tilespmem:s7+$0x10] =	vst v4  }
0x59d: {  	v4 =	vmul.f32 $1.131370830e+01, v7;
	v7 =	vld [tilespmem:s7+$0x90];
	[tilespmem:s7+$0x20] =	vst v0;
	v0 =	vmul.f32 $1.131370830e+01, v2  }
0x59e: {  	v8 =	vld [tilespmem:s7+$0xA0];
	[tilespmem:s7+$0x80] =	vst v6  }
0x59f: {  	v2 =	vmul.f32 $1.131370830e+01, v3;
	[tilespmem:s7+$0x40] =	vst v0;
	v0 =	vld [tilespmem:s7+$0xB0]  }
0x5a0: {  	[tilespmem:s7+$0x30] =	vst v4;
	v3 =	vmul.f32 $1.131370830e+01, v1;
	v1 =	vld [tilespmem:s7+$0xC0]  }
0x5a1: {  	[tilespmem:s7+$0x50] =	vst v2;
	v4 =	vmul.f32 $1.131370830e+01, v5;
	v2 =	vld [tilespmem:s7+$0xD0]  }
0x5a2: {  	[tilespmem:s7+$0x60] =	vst v3;
	v3 =	vld [tilespmem:s7+$0xE0];
	v5 =	vmul.f32 $1.131370830e+01, v7  }
0x5a3: {  	s13 =	simm.s32 $0x0;
	s14 =	simm.s32 $0x1A700;
	v6 =	vmul.f32 $1.131370830e+01, v8;
	[tilespmem:s7+$0x70] =	vst v4;
	v4 =	vld [tilespmem:s7+$0xFFFFFF00]  }
.LBB2_38:
0x5a4: {  	v7 =	vld [tilespmem:s14+$0xF0];
	s13 =	sadd.s32 $0x4, s13;
	[tilespmem:s7+$0x90] =	vst v5;
	v0 =	vmul.f32 $1.131370830e+01, v0  }
0x5a5: {  	v5 =	vld [tilespmem:s14+$0xFFFFFF10];
	p0 =	slt.u32 s13, $0x7C;
	[tilespmem:s7+$0xA0] =	vst v6;
	v1 =	vmul.f32 $1.131370830e+01, v1  }
0x5a6: {  	v6 =	vld [tilespmem:s14+$0xFFFFFF20];
	[tilespmem:s7+$0xB0] =	vst v0;
	v0 =	vmul.f32 $1.131370830e+01, v2  }
0x5a7: {  	v2 =	vld [tilespmem:s14+$0xFFFFFF30];
	[tilespmem:s7+$0xC0] =	vst v1;
	v1 =	vmul.f32 $1.131370830e+01, v3  }
0x5a8: {  	v3 =	vld [tilespmem:s14+$0xFFFFFF40];
	v4 =	vmul.f32 $1.131370830e+01, v4;
	[tilespmem:s7+$0xD0] =	vst v0  }
0x5a9: {  	v0 =	vld [tilespmem:s14+$0xFFFFFF50];
	v7 =	vmul.f32 $1.131370830e+01, v7;
	[tilespmem:s7+$0xE0] =	vst v1  }
0x5aa: {  	v1 =	vmul.f32 $1.131370830e+01, v5;
	v5 =	vld [tilespmem:s14+$0xFFFFFF60];
	[tilespmem:s7+$0xFFFFFF00] =	vst v4;
	s7 =	smov.u32 s14  }
0x5ab: {  	v4 =	vmul.f32 $1.131370830e+01, v6;
	v6 =	vld [tilespmem:s14+$0xFFFFFF70];
	[tilespmem:s14+$0xF0] =	vst v7  }
0x5ac: {  	[tilespmem:s14+$0xFFFFFF10] =	vst v1;
	v1 =	vmul.f32 $1.131370830e+01, v2;
	v2 =	vld [tilespmem:s14+$0xFFFFFF80]  }
0x5ad: {  	[tilespmem:s14+$0xFFFFFF20] =	vst v4;
	v3 =	vmul.f32 $1.131370830e+01, v3;
	v4 =	vld [tilespmem:s14+$0xFFFFFF90]  }
0x5ae: {  	[tilespmem:s14+$0xFFFFFF30] =	vst v1;
	v0 =	vmul.f32 $1.131370830e+01, v0;
	v1 =	vld [tilespmem:s14+$0xFFFFFFA0]  }
0x5af: {  	[tilespmem:s14+$0xFFFFFF40] =	vst v3;
	v3 =	vmul.f32 $1.131370830e+01, v5;
	v5 =	vld [tilespmem:s14+$0xFFFFFFB0]  }
0x5b0: {  	[tilespmem:s14+$0xFFFFFF50] =	vst v0;
	v0 =	vmul.f32 $1.131370830e+01, v6;
	v6 =	vld [tilespmem:s14+$0xFFFFFFC0]  }
0x5b1: {  	[tilespmem:s14+$0xFFFFFF60] =	vst v3;
	v2 =	vmul.f32 $1.131370830e+01, v2;
	v3 =	vld [tilespmem:s14+$0xFFFFFFD0]  }
0x5b2: {  	[tilespmem:s14+$0xFFFFFF70] =	vst v0;
	v0 =	vmul.f32 $1.131370830e+01, v4;
	v4 =	vld [tilespmem:s14+$0xFFFFFFE0]  }
0x5b3: {  	[tilespmem:s14+$0xFFFFFF80] =	vst v2;
	v1 =	vmul.f32 $1.131370830e+01, v1;
	v2 =	vld [tilespmem:s14+$0xFFFFFFF0]  }
0x5b4: {  	[tilespmem:s14+$0xFFFFFF90] =	vst v0;
	v0 =	vmul.f32 $1.131370830e+01, v5;
	v5 =	vld [tilespmem:s14+$0x0]  }
0x5b5: {  	[tilespmem:s14+$0xFFFFFFA0] =	vst v1;
	v1 =	vmul.f32 $1.131370830e+01, v6;
	v6 =	vld [tilespmem:s14+$0x10]  }
0x5b6: {  	[tilespmem:s14+$0xFFFFFFB0] =	vst v0;
	v0 =	vmul.f32 $1.131370830e+01, v3;
	v3 =	vld [tilespmem:s14+$0x20]  }
0x5b7: {  	[tilespmem:s14+$0xFFFFFFC0] =	vst v1;
	v1 =	vmul.f32 $1.131370830e+01, v4;
	v4 =	vld [tilespmem:s14+$0x30]  }
0x5b8: {  	[tilespmem:s14+$0xFFFFFFD0] =	vst v0;
	v0 =	vmul.f32 $1.131370830e+01, v2;
	v2 =	vld [tilespmem:s14+$0x40]  }
0x5b9: {  	[tilespmem:s14+$0xFFFFFFE0] =	vst v1;
	v1 =	vmul.f32 $1.131370830e+01, v5;
	v5 =	vld [tilespmem:s14+$0x50]  }
0x5ba: {  	[tilespmem:s14+$0xFFFFFFF0] =	vst v0;
	v0 =	vmul.f32 $1.131370830e+01, v6;
	v6 =	vld [tilespmem:s14+$0x60]  }
0x5bb: {  	[tilespmem:s14+$0x0] =	vst v1;
	v1 =	vmul.f32 $1.131370830e+01, v3;
	v3 =	vld [tilespmem:s14+$0x70]  }
0x5bc: {  	[tilespmem:s14+$0x10] =	vst v0;
	v0 =	vmul.f32 $1.131370830e+01, v4;
	v4 =	vld [tilespmem:s14+$0x80]  }
0x5bd: {  	[tilespmem:s14+$0x20] =	vst v1;
	v1 =	vmul.f32 $1.131370830e+01, v2;
	v7 =	vld [tilespmem:s14+$0x90]  }
0x5be: {  	[tilespmem:s14+$0x30] =	vst v0;
	v2 =	vmul.f32 $1.131370830e+01, v5;
	v8 =	vld [tilespmem:s14+$0xA0]  }
.Ltmp18:
0x5bf: {  	[tilespmem:s14+$0x40] =	vst v1;
	v5 =	vmul.f32 $1.131370830e+01, v6;
	v0 =	vld [tilespmem:s14+$0xB0];
	(pc) =	sbr.rel @p0 .LBB2_38-.Ltmp18, $4  }
0x5c0: {  	[tilespmem:s14+$0x50] =	vst v2;
	v3 =	vmul.f32 $1.131370830e+01, v3;
	v1 =	vld [tilespmem:s14+$0xC0]  }
0x5c1: {  	[tilespmem:s14+$0x60] =	vst v5;
	v6 =	vmul.f32 $1.131370830e+01, v4;
	v2 =	vld [tilespmem:s14+$0xD0]  }
0x5c2: {  	[tilespmem:s14+$0x70] =	vst v3;
	v5 =	vmul.f32 $1.131370830e+01, v7;
	v3 =	vld [tilespmem:s14+$0xE0]  }
0x5c3: {  	s14 =	sadd.s32 $0x200, s14;
	v4 =	vld [tilespmem:s7+$0xFFFFFF00];
	[tilespmem:s7+$0x80] =	vst v6;
	v6 =	vmul.f32 $1.131370830e+01, v8  }
0x5c4: {  	[tilespmem:s7+$0x90] =	vst v5;
	v0 =	vmul.f32 $1.131370830e+01, v0  }
0x5c5: {  	[tilespmem:s7+$0xA0] =	vst v6;
	v1 =	vmul.f32 $1.131370830e+01, v1  }
0x5c6: {  	[tilespmem:s7+$0xB0] =	vst v0;
	v0 =	vmul.f32 $1.131370830e+01, v2  }
0x5c7: {  	[tilespmem:s7+$0xC0] =	vst v1;
	v1 =	vmul.f32 $1.131370830e+01, v3  }
0x5c8: {  	v2 =	vmul.f32 $1.131370830e+01, v4;
	[tilespmem:s7+$0xD0] =	vst v0  }
0x5c9: {  	[tilespmem:s7+$0xE0] =	vst v1  }
0x5ca: {  	[tilespmem:s7+$0xFFFFFF00] =	vst v2  }
0x5cb: {  	s7 =	rddreg [dreg:$0x12]  }
0x5cc: {  	[hbm4b:s7+s4] =	stream.linear.scatter [tilespmem:s8], [sflag:$0xC], $0x4000, $0x38;
	[tilespmem:$0x1E400] =	vst v63  }
0x5cd: {  	_ =	swait.ge [sflag:s31], $0x4000  }
0x5ce: {  	[sflag:s31] =	ssyncset.done $0x0  }
0x5cf: {  	s7 =	simm.s32 $0x6500;
	[sflag:s31] =	ssyncadd.s32 $0xFFFFC000  }
0x5d0: {  	v0 =	vld [tilespmem:s7+$0xF0]  }
0x5d1: {  	v1 =	vld [tilespmem:s7+$0xFFFFFF10]  }
0x5d2: {  	v2 =	vld [tilespmem:s7+$0xFFFFFF20]  }
0x5d3: {  	v3 =	vld [tilespmem:s7+$0xFFFFFF30]  }
0x5d4: {  	v6 =	vld [tilespmem:s7+$0xFFFFFF60]  }
0x5d5: {  	v4 =	vld [tilespmem:s7+$0xFFFFFF40]  }
0x5d6: {  	v5 =	vld [tilespmem:s7+$0xFFFFFF50];
	v0 =	vmul.f32 $1.131370830e+01, v0  }
0x5d7: {  	v8 =	vld [tilespmem:s7+$0xFFFFFF80];
	v1 =	vmul.f32 $1.131370830e+01, v1  }
0x5d8: {  	v7 =	vld [tilespmem:s7+$0xFFFFFF70];
	v2 =	vmul.f32 $1.131370830e+01, v2;
	[tilespmem:s7+$0xF0] =	vst v0  }
0x5d9: {  	v6 =	vmul.f32 $1.131370830e+01, v6;
	v0 =	vld [tilespmem:s7+$0xFFFFFF90];
	[tilespmem:s7+$0xFFFFFF10] =	vst v1  }
0x5da: {  	v1 =	vmul.f32 $1.131370830e+01, v3;
	v3 =	vld [tilespmem:s7+$0xFFFFFFA0];
	[tilespmem:s7+$0xFFFFFF20] =	vst v2;
	v2 =	vmul.f32 $1.131370830e+01, v4  }
0x5db: {  	[tilespmem:s7+$0xFFFFFF60] =	vst v6;
	v6 =	vld [tilespmem:s7+$0xFFFFFFF0]  }
0x5dc: {  	v4 =	vld [tilespmem:s7+$0xFFFFFFB0];
	[tilespmem:s7+$0xFFFFFF40] =	vst v2;
	v2 =	vmul.f32 $1.131370830e+01, v8  }
0x5dd: {  	[tilespmem:s7+$0xFFFFFF30] =	vst v1;
	v1 =	vmul.f32 $1.131370830e+01, v5;
	v5 =	vld [tilespmem:s7+$0xFFFFFFC0]  }
0x5de: {  	v8 =	vld [tilespmem:s7+$0xFFFFFFD0];
	[tilespmem:s7+$0xFFFFFF80] =	vst v2;
	v2 =	vmul.f32 $1.131370830e+01, v7  }
0x5df: {  	[tilespmem:s7+$0xFFFFFF50] =	vst v1;
	v1 =	vld [tilespmem:s7+$0xFFFFFFE0];
	v0 =	vmul.f32 $1.131370830e+01, v0  }
0x5e0: {  	v7 =	vld [tilespmem:s7+$0x30];
	v6 =	vmul.f32 $1.131370830e+01, v6;
	[tilespmem:s7+$0xFFFFFF70] =	vst v2  }
0x5e1: {  	v2 =	vmul.f32 $1.131370830e+01, v3;
	v3 =	vld [tilespmem:s7+$0x0];
	[tilespmem:s7+$0xFFFFFF90] =	vst v0  }
0x5e2: {  	v0 =	vmul.f32 $1.131370830e+01, v4;
	v4 =	vld [tilespmem:s7+$0x10];
	[tilespmem:s7+$0xFFFFFFF0] =	vst v6  }
0x5e3: {  	[tilespmem:s7+$0xFFFFFFA0] =	vst v2;
	v2 =	vmul.f32 $1.131370830e+01, v5;
	v5 =	vld [tilespmem:s7+$0x20]  }
0x5e4: {  	v6 =	vld [tilespmem:s7+$0x80];
	[tilespmem:s7+$0xFFFFFFB0] =	vst v0;
	v0 =	vmul.f32 $1.131370830e+01, v8  }
0x5e5: {  	v1 =	vmul.f32 $1.131370830e+01, v1;
	[tilespmem:s7+$0xFFFFFFC0] =	vst v2;
	v2 =	vld [tilespmem:s7+$0x40]  }
0x5e6: {  	[tilespmem:s7+$0xFFFFFFD0] =	vst v0;
	v0 =	vmul.f32 $1.131370830e+01, v3  }
0x5e7: {  	v3 =	vld [tilespmem:s7+$0x50];
	[tilespmem:s7+$0xFFFFFFE0] =	vst v1;
	v4 =	vmul.f32 $1.131370830e+01, v4  }
0x5e8: {  	v1 =	vld [tilespmem:s7+$0x60];
	[tilespmem:s7+$0x0] =	vst v0;
	v0 =	vmul.f32 $1.131370830e+01, v5  }
0x5e9: {  	v6 =	vmul.f32 $1.131370830e+01, v6;
	v5 =	vld [tilespmem:s7+$0x70];
	[tilespmem:s7+$0x10] =	vst v4  }
0x5ea: {  	v4 =	vmul.f32 $1.131370830e+01, v7;
	v7 =	vld [tilespmem:s7+$0x90];
	[tilespmem:s7+$0x20] =	vst v0;
	v0 =	vmul.f32 $1.131370830e+01, v2  }
0x5eb: {  	v8 =	vld [tilespmem:s7+$0xA0];
	[tilespmem:s7+$0x80] =	vst v6  }
0x5ec: {  	v2 =	vmul.f32 $1.131370830e+01, v3;
	[tilespmem:s7+$0x40] =	vst v0;
	v0 =	vld [tilespmem:s7+$0xB0]  }
0x5ed: {  	[tilespmem:s7+$0x30] =	vst v4;
	v3 =	vmul.f32 $1.131370830e+01, v1;
	v1 =	vld [tilespmem:s7+$0xC0]  }
0x5ee: {  	[tilespmem:s7+$0x50] =	vst v2;
	v4 =	vmul.f32 $1.131370830e+01, v5;
	v2 =	vld [tilespmem:s7+$0xD0]  }
0x5ef: {  	[tilespmem:s7+$0x60] =	vst v3;
	v3 =	vld [tilespmem:s7+$0xE0];
	v5 =	vmul.f32 $1.131370830e+01, v7  }
0x5f0: {  	s13 =	simm.s32 $0x0;
	s14 =	simm.s32 $0x6700;
	v6 =	vmul.f32 $1.131370830e+01, v8;
	[tilespmem:s7+$0x70] =	vst v4;
	v4 =	vld [tilespmem:s7+$0xFFFFFF00]  }
.LBB2_40:
0x5f1: {  	v7 =	vld [tilespmem:s14+$0xF0];
	s13 =	sadd.s32 $0x4, s13;
	[tilespmem:s7+$0x90] =	vst v5;
	v0 =	vmul.f32 $1.131370830e+01, v0  }
0x5f2: {  	v5 =	vld [tilespmem:s14+$0xFFFFFF10];
	p0 =	slt.u32 s13, $0x7C;
	[tilespmem:s7+$0xA0] =	vst v6;
	v1 =	vmul.f32 $1.131370830e+01, v1  }
0x5f3: {  	v6 =	vld [tilespmem:s14+$0xFFFFFF20];
	[tilespmem:s7+$0xB0] =	vst v0;
	v0 =	vmul.f32 $1.131370830e+01, v2  }
0x5f4: {  	v2 =	vld [tilespmem:s14+$0xFFFFFF30];
	[tilespmem:s7+$0xC0] =	vst v1;
	v1 =	vmul.f32 $1.131370830e+01, v3  }
0x5f5: {  	v3 =	vld [tilespmem:s14+$0xFFFFFF40];
	v4 =	vmul.f32 $1.131370830e+01, v4;
	[tilespmem:s7+$0xD0] =	vst v0  }
0x5f6: {  	v0 =	vld [tilespmem:s14+$0xFFFFFF50];
	v7 =	vmul.f32 $1.131370830e+01, v7;
	[tilespmem:s7+$0xE0] =	vst v1  }
0x5f7: {  	v1 =	vmul.f32 $1.131370830e+01, v5;
	v5 =	vld [tilespmem:s14+$0xFFFFFF60];
	[tilespmem:s7+$0xFFFFFF00] =	vst v4;
	s7 =	smov.u32 s14  }
0x5f8: {  	v4 =	vmul.f32 $1.131370830e+01, v6;
	v6 =	vld [tilespmem:s14+$0xFFFFFF70];
	[tilespmem:s14+$0xF0] =	vst v7  }
0x5f9: {  	[tilespmem:s14+$0xFFFFFF10] =	vst v1;
	v1 =	vmul.f32 $1.131370830e+01, v2;
	v2 =	vld [tilespmem:s14+$0xFFFFFF80]  }
0x5fa: {  	[tilespmem:s14+$0xFFFFFF20] =	vst v4;
	v3 =	vmul.f32 $1.131370830e+01, v3;
	v4 =	vld [tilespmem:s14+$0xFFFFFF90]  }
0x5fb: {  	[tilespmem:s14+$0xFFFFFF30] =	vst v1;
	v0 =	vmul.f32 $1.131370830e+01, v0;
	v1 =	vld [tilespmem:s14+$0xFFFFFFA0]  }
0x5fc: {  	[tilespmem:s14+$0xFFFFFF40] =	vst v3;
	v3 =	vmul.f32 $1.131370830e+01, v5;
	v5 =	vld [tilespmem:s14+$0xFFFFFFB0]  }
0x5fd: {  	[tilespmem:s14+$0xFFFFFF50] =	vst v0;
	v0 =	vmul.f32 $1.131370830e+01, v6;
	v6 =	vld [tilespmem:s14+$0xFFFFFFC0]  }
0x5fe: {  	[tilespmem:s14+$0xFFFFFF60] =	vst v3;
	v2 =	vmul.f32 $1.131370830e+01, v2;
	v3 =	vld [tilespmem:s14+$0xFFFFFFD0]  }
0x5ff: {  	[tilespmem:s14+$0xFFFFFF70] =	vst v0;
	v0 =	vmul.f32 $1.131370830e+01, v4;
	v4 =	vld [tilespmem:s14+$0xFFFFFFE0]  }
0x600: {  	[tilespmem:s14+$0xFFFFFF80] =	vst v2;
	v1 =	vmul.f32 $1.131370830e+01, v1;
	v2 =	vld [tilespmem:s14+$0xFFFFFFF0]  }
0x601: {  	[tilespmem:s14+$0xFFFFFF90] =	vst v0;
	v0 =	vmul.f32 $1.131370830e+01, v5;
	v5 =	vld [tilespmem:s14+$0x0]  }
0x602: {  	[tilespmem:s14+$0xFFFFFFA0] =	vst v1;
	v1 =	vmul.f32 $1.131370830e+01, v6;
	v6 =	vld [tilespmem:s14+$0x10]  }
0x603: {  	[tilespmem:s14+$0xFFFFFFB0] =	vst v0;
	v0 =	vmul.f32 $1.131370830e+01, v3;
	v3 =	vld [tilespmem:s14+$0x20]  }
0x604: {  	[tilespmem:s14+$0xFFFFFFC0] =	vst v1;
	v1 =	vmul.f32 $1.131370830e+01, v4;
	v4 =	vld [tilespmem:s14+$0x30]  }
0x605: {  	[tilespmem:s14+$0xFFFFFFD0] =	vst v0;
	v0 =	vmul.f32 $1.131370830e+01, v2;
	v2 =	vld [tilespmem:s14+$0x40]  }
0x606: {  	[tilespmem:s14+$0xFFFFFFE0] =	vst v1;
	v1 =	vmul.f32 $1.131370830e+01, v5;
	v5 =	vld [tilespmem:s14+$0x50]  }
0x607: {  	[tilespmem:s14+$0xFFFFFFF0] =	vst v0;
	v0 =	vmul.f32 $1.131370830e+01, v6;
	v6 =	vld [tilespmem:s14+$0x60]  }
0x608: {  	[tilespmem:s14+$0x0] =	vst v1;
	v1 =	vmul.f32 $1.131370830e+01, v3;
	v3 =	vld [tilespmem:s14+$0x70]  }
0x609: {  	[tilespmem:s14+$0x10] =	vst v0;
	v0 =	vmul.f32 $1.131370830e+01, v4;
	v4 =	vld [tilespmem:s14+$0x80]  }
0x60a: {  	[tilespmem:s14+$0x20] =	vst v1;
	v1 =	vmul.f32 $1.131370830e+01, v2;
	v7 =	vld [tilespmem:s14+$0x90]  }
0x60b: {  	[tilespmem:s14+$0x30] =	vst v0;
	v2 =	vmul.f32 $1.131370830e+01, v5;
	v8 =	vld [tilespmem:s14+$0xA0]  }
.Ltmp19:
0x60c: {  	[tilespmem:s14+$0x40] =	vst v1;
	v5 =	vmul.f32 $1.131370830e+01, v6;
	v0 =	vld [tilespmem:s14+$0xB0];
	(pc) =	sbr.rel @p0 .LBB2_40-.Ltmp19, $4  }
0x60d: {  	[tilespmem:s14+$0x50] =	vst v2;
	v3 =	vmul.f32 $1.131370830e+01, v3;
	v1 =	vld [tilespmem:s14+$0xC0]  }
0x60e: {  	[tilespmem:s14+$0x60] =	vst v5;
	v6 =	vmul.f32 $1.131370830e+01, v4;
	v2 =	vld [tilespmem:s14+$0xD0]  }
0x60f: {  	[tilespmem:s14+$0x70] =	vst v3;
	v5 =	vmul.f32 $1.131370830e+01, v7;
	v3 =	vld [tilespmem:s14+$0xE0]  }
0x610: {  	s14 =	sadd.s32 $0x200, s14;
	v4 =	vld [tilespmem:s7+$0xFFFFFF00];
	[tilespmem:s7+$0x80] =	vst v6;
	v6 =	vmul.f32 $1.131370830e+01, v8  }
0x611: {  	[tilespmem:s7+$0x90] =	vst v5;
	v0 =	vmul.f32 $1.131370830e+01, v0  }
0x612: {  	[tilespmem:s7+$0xA0] =	vst v6;
	v1 =	vmul.f32 $1.131370830e+01, v1  }
0x613: {  	[tilespmem:s7+$0xB0] =	vst v0;
	v0 =	vmul.f32 $1.131370830e+01, v2  }
0x614: {  	[tilespmem:s7+$0xC0] =	vst v1;
	v1 =	vmul.f32 $1.131370830e+01, v3  }
0x615: {  	v2 =	vmul.f32 $1.131370830e+01, v4;
	[tilespmem:s7+$0xD0] =	vst v0  }
0x616: {  	[tilespmem:s7+$0xE0] =	vst v1  }
0x617: {  	[tilespmem:s7+$0xFFFFFF00] =	vst v2  }
0x618: {  	s7 =	rddreg [dreg:$0x13]  }
0x619: {  	[hbm4b:s7+s4] =	stream.linear.scatter [tilespmem:s26], [sflag:$0x7], $0x4000, $0x38;
	[tilespmem:$0x1E400] =	vst v63  }
0x61a: {  	_ =	swait.ge [sflag:s29], $0x4000  }
0x61b: {  	[sflag:s29] =	ssyncset.done $0x0  }
0x61c: {  	s7 =	simm.s32 $0xA500;
	[sflag:s29] =	ssyncadd.s32 $0xFFFFC000  }
0x61d: {  	v0 =	vld [tilespmem:s7+$0xF0]  }
0x61e: {  	v1 =	vld [tilespmem:s7+$0xFFFFFF10]  }
0x61f: {  	v2 =	vld [tilespmem:s7+$0xFFFFFF20]  }
0x620: {  	v3 =	vld [tilespmem:s7+$0xFFFFFF30]  }
0x621: {  	v6 =	vld [tilespmem:s7+$0xFFFFFF60]  }
0x622: {  	v4 =	vld [tilespmem:s7+$0xFFFFFF40]  }
0x623: {  	v5 =	vld [tilespmem:s7+$0xFFFFFF50];
	v0 =	vmul.f32 $1.131370830e+01, v0  }
0x624: {  	v8 =	vld [tilespmem:s7+$0xFFFFFF80];
	v1 =	vmul.f32 $1.131370830e+01, v1  }
0x625: {  	v7 =	vld [tilespmem:s7+$0xFFFFFF70];
	v2 =	vmul.f32 $1.131370830e+01, v2;
	[tilespmem:s7+$0xF0] =	vst v0  }
0x626: {  	v6 =	vmul.f32 $1.131370830e+01, v6;
	v0 =	vld [tilespmem:s7+$0xFFFFFF90];
	[tilespmem:s7+$0xFFFFFF10] =	vst v1  }
0x627: {  	v1 =	vmul.f32 $1.131370830e+01, v3;
	v3 =	vld [tilespmem:s7+$0xFFFFFFA0];
	[tilespmem:s7+$0xFFFFFF20] =	vst v2;
	v2 =	vmul.f32 $1.131370830e+01, v4  }
0x628: {  	[tilespmem:s7+$0xFFFFFF60] =	vst v6;
	v6 =	vld [tilespmem:s7+$0xFFFFFFF0]  }
0x629: {  	v4 =	vld [tilespmem:s7+$0xFFFFFFB0];
	[tilespmem:s7+$0xFFFFFF40] =	vst v2;
	v2 =	vmul.f32 $1.131370830e+01, v8  }
0x62a: {  	[tilespmem:s7+$0xFFFFFF30] =	vst v1;
	v1 =	vmul.f32 $1.131370830e+01, v5;
	v5 =	vld [tilespmem:s7+$0xFFFFFFC0]  }
0x62b: {  	v8 =	vld [tilespmem:s7+$0xFFFFFFD0];
	[tilespmem:s7+$0xFFFFFF80] =	vst v2;
	v2 =	vmul.f32 $1.131370830e+01, v7  }
0x62c: {  	[tilespmem:s7+$0xFFFFFF50] =	vst v1;
	v1 =	vld [tilespmem:s7+$0xFFFFFFE0];
	v0 =	vmul.f32 $1.131370830e+01, v0  }
0x62d: {  	v7 =	vld [tilespmem:s7+$0x30];
	v6 =	vmul.f32 $1.131370830e+01, v6;
	[tilespmem:s7+$0xFFFFFF70] =	vst v2  }
0x62e: {  	v2 =	vmul.f32 $1.131370830e+01, v3;
	v3 =	vld [tilespmem:s7+$0x0];
	[tilespmem:s7+$0xFFFFFF90] =	vst v0  }
0x62f: {  	v0 =	vmul.f32 $1.131370830e+01, v4;
	v4 =	vld [tilespmem:s7+$0x10];
	[tilespmem:s7+$0xFFFFFFF0] =	vst v6  }
0x630: {  	[tilespmem:s7+$0xFFFFFFA0] =	vst v2;
	v2 =	vmul.f32 $1.131370830e+01, v5;
	v5 =	vld [tilespmem:s7+$0x20]  }
0x631: {  	v6 =	vld [tilespmem:s7+$0x80];
	[tilespmem:s7+$0xFFFFFFB0] =	vst v0;
	v0 =	vmul.f32 $1.131370830e+01, v8  }
0x632: {  	v1 =	vmul.f32 $1.131370830e+01, v1;
	[tilespmem:s7+$0xFFFFFFC0] =	vst v2;
	v2 =	vld [tilespmem:s7+$0x40]  }
0x633: {  	[tilespmem:s7+$0xFFFFFFD0] =	vst v0;
	v0 =	vmul.f32 $1.131370830e+01, v3  }
0x634: {  	v3 =	vld [tilespmem:s7+$0x50];
	[tilespmem:s7+$0xFFFFFFE0] =	vst v1;
	v4 =	vmul.f32 $1.131370830e+01, v4  }
0x635: {  	v1 =	vld [tilespmem:s7+$0x60];
	[tilespmem:s7+$0x0] =	vst v0;
	v0 =	vmul.f32 $1.131370830e+01, v5  }
0x636: {  	v6 =	vmul.f32 $1.131370830e+01, v6;
	v5 =	vld [tilespmem:s7+$0x70];
	[tilespmem:s7+$0x10] =	vst v4  }
0x637: {  	v4 =	vmul.f32 $1.131370830e+01, v7;
	v7 =	vld [tilespmem:s7+$0x90];
	[tilespmem:s7+$0x20] =	vst v0;
	v0 =	vmul.f32 $1.131370830e+01, v2  }
0x638: {  	v8 =	vld [tilespmem:s7+$0xA0];
	[tilespmem:s7+$0x80] =	vst v6  }
0x639: {  	v2 =	vmul.f32 $1.131370830e+01, v3;
	[tilespmem:s7+$0x40] =	vst v0;
	v0 =	vld [tilespmem:s7+$0xB0]  }
0x63a: {  	[tilespmem:s7+$0x30] =	vst v4;
	v3 =	vmul.f32 $1.131370830e+01, v1;
	v1 =	vld [tilespmem:s7+$0xC0]  }
0x63b: {  	[tilespmem:s7+$0x50] =	vst v2;
	v4 =	vmul.f32 $1.131370830e+01, v5;
	v2 =	vld [tilespmem:s7+$0xD0]  }
0x63c: {  	[tilespmem:s7+$0x60] =	vst v3;
	v3 =	vld [tilespmem:s7+$0xE0];
	v5 =	vmul.f32 $1.131370830e+01, v7  }
0x63d: {  	s13 =	simm.s32 $0x0;
	s14 =	simm.s32 $0xA700;
	v6 =	vmul.f32 $1.131370830e+01, v8;
	[tilespmem:s7+$0x70] =	vst v4;
	v4 =	vld [tilespmem:s7+$0xFFFFFF00]  }
.LBB2_42:
0x63e: {  	v7 =	vld [tilespmem:s14+$0xF0];
	s13 =	sadd.s32 $0x4, s13;
	[tilespmem:s7+$0x90] =	vst v5;
	v0 =	vmul.f32 $1.131370830e+01, v0  }
0x63f: {  	v5 =	vld [tilespmem:s14+$0xFFFFFF10];
	p0 =	slt.u32 s13, $0x7C;
	[tilespmem:s7+$0xA0] =	vst v6;
	v1 =	vmul.f32 $1.131370830e+01, v1  }
0x640: {  	v6 =	vld [tilespmem:s14+$0xFFFFFF20];
	[tilespmem:s7+$0xB0] =	vst v0;
	v0 =	vmul.f32 $1.131370830e+01, v2  }
0x641: {  	v2 =	vld [tilespmem:s14+$0xFFFFFF30];
	[tilespmem:s7+$0xC0] =	vst v1;
	v1 =	vmul.f32 $1.131370830e+01, v3  }
0x642: {  	v3 =	vld [tilespmem:s14+$0xFFFFFF40];
	v4 =	vmul.f32 $1.131370830e+01, v4;
	[tilespmem:s7+$0xD0] =	vst v0  }
0x643: {  	v0 =	vld [tilespmem:s14+$0xFFFFFF50];
	v7 =	vmul.f32 $1.131370830e+01, v7;
	[tilespmem:s7+$0xE0] =	vst v1  }
0x644: {  	v1 =	vmul.f32 $1.131370830e+01, v5;
	v5 =	vld [tilespmem:s14+$0xFFFFFF60];
	[tilespmem:s7+$0xFFFFFF00] =	vst v4;
	s7 =	smov.u32 s14  }
0x645: {  	v4 =	vmul.f32 $1.131370830e+01, v6;
	v6 =	vld [tilespmem:s14+$0xFFFFFF70];
	[tilespmem:s14+$0xF0] =	vst v7  }
0x646: {  	[tilespmem:s14+$0xFFFFFF10] =	vst v1;
	v1 =	vmul.f32 $1.131370830e+01, v2;
	v2 =	vld [tilespmem:s14+$0xFFFFFF80]  }
0x647: {  	[tilespmem:s14+$0xFFFFFF20] =	vst v4;
	v3 =	vmul.f32 $1.131370830e+01, v3;
	v4 =	vld [tilespmem:s14+$0xFFFFFF90]  }
0x648: {  	[tilespmem:s14+$0xFFFFFF30] =	vst v1;
	v0 =	vmul.f32 $1.131370830e+01, v0;
	v1 =	vld [tilespmem:s14+$0xFFFFFFA0]  }
0x649: {  	[tilespmem:s14+$0xFFFFFF40] =	vst v3;
	v3 =	vmul.f32 $1.131370830e+01, v5;
	v5 =	vld [tilespmem:s14+$0xFFFFFFB0]  }
0x64a: {  	[tilespmem:s14+$0xFFFFFF50] =	vst v0;
	v0 =	vmul.f32 $1.131370830e+01, v6;
	v6 =	vld [tilespmem:s14+$0xFFFFFFC0]  }
0x64b: {  	[tilespmem:s14+$0xFFFFFF60] =	vst v3;
	v2 =	vmul.f32 $1.131370830e+01, v2;
	v3 =	vld [tilespmem:s14+$0xFFFFFFD0]  }
0x64c: {  	[tilespmem:s14+$0xFFFFFF70] =	vst v0;
	v0 =	vmul.f32 $1.131370830e+01, v4;
	v4 =	vld [tilespmem:s14+$0xFFFFFFE0]  }
0x64d: {  	[tilespmem:s14+$0xFFFFFF80] =	vst v2;
	v1 =	vmul.f32 $1.131370830e+01, v1;
	v2 =	vld [tilespmem:s14+$0xFFFFFFF0]  }
0x64e: {  	[tilespmem:s14+$0xFFFFFF90] =	vst v0;
	v0 =	vmul.f32 $1.131370830e+01, v5;
	v5 =	vld [tilespmem:s14+$0x0]  }
0x64f: {  	[tilespmem:s14+$0xFFFFFFA0] =	vst v1;
	v1 =	vmul.f32 $1.131370830e+01, v6;
	v6 =	vld [tilespmem:s14+$0x10]  }
0x650: {  	[tilespmem:s14+$0xFFFFFFB0] =	vst v0;
	v0 =	vmul.f32 $1.131370830e+01, v3;
	v3 =	vld [tilespmem:s14+$0x20]  }
0x651: {  	[tilespmem:s14+$0xFFFFFFC0] =	vst v1;
	v1 =	vmul.f32 $1.131370830e+01, v4;
	v4 =	vld [tilespmem:s14+$0x30]  }
0x652: {  	[tilespmem:s14+$0xFFFFFFD0] =	vst v0;
	v0 =	vmul.f32 $1.131370830e+01, v2;
	v2 =	vld [tilespmem:s14+$0x40]  }
0x653: {  	[tilespmem:s14+$0xFFFFFFE0] =	vst v1;
	v1 =	vmul.f32 $1.131370830e+01, v5;
	v5 =	vld [tilespmem:s14+$0x50]  }
0x654: {  	[tilespmem:s14+$0xFFFFFFF0] =	vst v0;
	v0 =	vmul.f32 $1.131370830e+01, v6;
	v6 =	vld [tilespmem:s14+$0x60]  }
0x655: {  	[tilespmem:s14+$0x0] =	vst v1;
	v1 =	vmul.f32 $1.131370830e+01, v3;
	v3 =	vld [tilespmem:s14+$0x70]  }
0x656: {  	[tilespmem:s14+$0x10] =	vst v0;
	v0 =	vmul.f32 $1.131370830e+01, v4;
	v4 =	vld [tilespmem:s14+$0x80]  }
0x657: {  	[tilespmem:s14+$0x20] =	vst v1;
	v1 =	vmul.f32 $1.131370830e+01, v2;
	v7 =	vld [tilespmem:s14+$0x90]  }
0x658: {  	[tilespmem:s14+$0x30] =	vst v0;
	v2 =	vmul.f32 $1.131370830e+01, v5;
	v8 =	vld [tilespmem:s14+$0xA0]  }
.Ltmp20:
0x659: {  	[tilespmem:s14+$0x40] =	vst v1;
	v5 =	vmul.f32 $1.131370830e+01, v6;
	v0 =	vld [tilespmem:s14+$0xB0];
	(pc) =	sbr.rel @p0 .LBB2_42-.Ltmp20, $4  }
0x65a: {  	[tilespmem:s14+$0x50] =	vst v2;
	v3 =	vmul.f32 $1.131370830e+01, v3;
	v1 =	vld [tilespmem:s14+$0xC0]  }
0x65b: {  	[tilespmem:s14+$0x60] =	vst v5;
	v6 =	vmul.f32 $1.131370830e+01, v4;
	v2 =	vld [tilespmem:s14+$0xD0]  }
0x65c: {  	[tilespmem:s14+$0x70] =	vst v3;
	v5 =	vmul.f32 $1.131370830e+01, v7;
	v3 =	vld [tilespmem:s14+$0xE0]  }
0x65d: {  	s14 =	sadd.s32 $0x200, s14;
	v4 =	vld [tilespmem:s7+$0xFFFFFF00];
	[tilespmem:s7+$0x80] =	vst v6;
	v6 =	vmul.f32 $1.131370830e+01, v8  }
0x65e: {  	[tilespmem:s7+$0x90] =	vst v5;
	v0 =	vmul.f32 $1.131370830e+01, v0  }
0x65f: {  	[tilespmem:s7+$0xA0] =	vst v6;
	v1 =	vmul.f32 $1.131370830e+01, v1  }
0x660: {  	[tilespmem:s7+$0xB0] =	vst v0;
	v61 =	vmul.f32 $1.131370830e+01, v2  }
0x661: {  	[tilespmem:s7+$0xC0] =	vst v1;
	v62 =	vmul.f32 $1.131370830e+01, v3  }
0x662: {  	v63 =	vmul.f32 $1.131370830e+01, v4;
	[tilespmem:s7+$0xD0] =	vst v61  }
0x663: {  	[tilespmem:s7+$0xE0] =	vst v62  }
0x664: {  	[tilespmem:s7+$0xFFFFFF00] =	vst v63  }
0x665: {  	s7 =	rddreg [dreg:$0x14]  }
0x666: {  	[hbm4b:s7+s4] =	stream.linear.scatter [tilespmem:s28], [sflag:$0x8], $0x4000, $0x38;
	[tilespmem:$0x1E400] =	vst v63  }
0x667: {  	_ =	swait.ge [sflag:s16], $0x4000  }
0x668: {  	[sflag:s16] =	ssyncset.done $0x0  }
0x669: {  	[sflag:s16] =	ssyncadd.s32 $0xFFFFC000  }
0x66a: {  	_ =	swait.ge [sflag:s17], $0x4000  }
0x66b: {  	[sflag:s17] =	ssyncset.done $0x0  }
0x66c: {  	[sflag:s17] =	ssyncadd.s32 $0xFFFFC000  }
0x66d: {  	_ =	swait.ge [sflag:s18], $0x4000  }
0x66e: {  	[sflag:s18] =	ssyncset.done $0x0  }
0x66f: {  	[sflag:s18] =	ssyncadd.s32 $0xFFFFC000  }
0x670: {  	_ =	swait.ge [sflag:s19], $0x4000  }
0x671: {  	[sflag:s19] =	ssyncset.done $0x0  }
0x672: {  	[sflag:s19] =	ssyncadd.s32 $0xFFFFC000  }
0x673: {  	_ =	swait.ge [sflag:s10], $0x4000  }
0x674: {  	[sflag:s10] =	ssyncset.done $0x0  }
0x675: {  	[sflag:s10] =	ssyncadd.s32 $0xFFFFC000  }
0x676: {  	_ =	swait.ge [sflag:s12], $0x4000  }
0x677: {  	s13 =	rddreg [dreg:$0x16]  }
0x678: {  	s24 =	rddreg [dreg:$0x15];
	s13 =	sadd.s32 $0x1, s13  }
0x679: {  	p0 =	sne.s32 s13, s24  }
.Ltmp21:
0x67a: {  	_ = 	snop;
	(pc) =	sbr.rel @p0 .LBB2_1-.Ltmp21, $3  }
0x67b: {  	_ =	sdelay $0x1  }
0x67c: {  	[sflag:s12] =	ssyncset.done $0x0  }
0x67d: {  	[sflag:s12] =	ssyncadd.s32 $0xFFFFC000  }
0x67e: {  	_ =	sfence.sel $0x180000  }
0x67f: {  	[bflag:$0x0] =	sbarrier.arrive $0xFFFF  }
0x680: {  	_ =	strace $0x90000047  }
0x681: {  	s0 =	stileid.u32;
	[bflag:$0x2] =	sbarrier.arrive $0xFFFF  }
0x682: {  	p0 =	sne.s32 s0, $0x0;
	s0 =	rddreg [dreg:$0x3]  }
0x683: {  	s0 =	sadd.s32 @!p0 $0x100000, s0  }
0x684: {  	[sflag:s0] =	ssyncadd.tile.s32 @!p0 $0x1;
	_ =	shalt  }
.Lfunc_end2:
_tile_overlayer_lowered:
.L_overlay_start_2:
0x685: {  	(tag) =	ssettag $0x2  }
0x686: {  	s0 =	rddreg [dreg:$0x0];
	s2 =	stileid.u32  }
0x687: {  	s1 =	rddreg [dreg:$0x1];
	p0 =	sne.s32 s2, $0x0  }
0x688: {  	s3 =	rddreg [dreg:$0x2];
	[bflag:$0x3] =	sbarrier.arrive $0xFFFF;
	s2 =	simm.s32 @!p0 $0x1C0D  }
0x689: {  	[timem:s3], [sflag:s2] =	dma.local @!p0 [hbm:s0], s1  }
0x68a: {  	s0 =	simm.s32 @!p0 $0xD  }
0x68b: {  	_ =	swait.ge @!p0 [sflag:s0], s1  }
0x68c: {  	s1 =	ssub.s32 @!p0 $0x0, s1;
	[sflag:s0] =	ssyncset.done @!p0 $0x0  }
0x68d: {  	[sflag:s0] =	ssyncadd.s32 @!p0 s1  }
0x68e: {  	[bflag:$0x3] =	sbarrier.arrive $0xFFFF  }
0x68f: {  	_ =	shalt  }

</sc_bundles>
